<compile_context>
chip_gen: v7x
topology: tpu7x:2x2x1
jax: 0.10.2.dev20260603
libtpu: 0.0.44.dev20260713+nightly
codegen_flags: <defaults>
</compile_context>

<pallas_src>
import functools

import jax
import jax.numpy as jnp
from jax import lax
from jax.experimental import pallas as pl
from jax.experimental.pallas import tpu as pltpu
from jax.experimental.pallas import tpu_sc as plsc

N_NODES = 10000
NPAD = 10240
F_IN = 128
C = 128
TILES = 32
EPT = 10496
G = EPT // C
E_PAD = TILES * EPT
RB = 512
RPS = NPAD // 16

_SC_MESH = dict(core_axis_name="c", subcore_axis_name="s",
                num_cores=2, num_subcores=16)
_SC_PARAMS = pltpu.CompilerParams(
    needs_layout_passes=False, use_tc_tiling_on_sc=False)


def _edge_pass(srcv, dstv, att, feat, heads, cols, tblw):
    kv = cols // 16
    span_sh = 3 if cols // heads == 8 else 4
    mesh = plsc.VectorSubcoreMesh(**_SC_MESH)

    @functools.partial(
        pl.kernel,
        out_type=jax.ShapeDtypeStruct((2, NPAD, tblw), jnp.float32),
        mesh=mesh,
        compiler_params=_SC_PARAMS,
        scratch_types=[
            [pltpu.VMEM((C,), jnp.int32)] * 2,
            [pltpu.VMEM((C,), jnp.int32)] * 2,
            [pltpu.VMEM((C, 16), jnp.float32)] * 2,
            [pltpu.VMEM((C, 16), jnp.float32)] * 2,
            [pltpu.VMEM((C, cols), jnp.float32)] * 2,
            [pltpu.VMEM((C, tblw), jnp.float32)] * 2,
            pltpu.VMEM((128, tblw), jnp.float32),
            pltpu.VMEM_SHARED((NPAD, tblw), jnp.float32),
            [pltpu.SemaphoreType.DMA] * 2,
            [pltpu.SemaphoreType.DMA] * 2,
            [pltpu.SemaphoreType.DMA] * 2,
        ],
    )
    def k(src_hbm, dst_hbm, a_hbm, h_hbm, out_hbm,
          v_is, v_id, v_gs, v_gd, v_h, v_cb, v_z, s_tbl,
          sem_i, sem_g, sem_s):
        cid = lax.axis_index("c")
        sid = lax.axis_index("s")
        tile = cid * 16 + sid
        z16 = jnp.zeros((16,), jnp.float32)
        zi16 = jnp.zeros((16,), jnp.int32)
        iot = lax.iota(jnp.int32, 16)
        tmpls = [(k2 * 16 + iot) >> span_sh for k2 in range(kv)]

        def ebase(g):
            return tile * EPT + g * C

        def istart(g, p):
            pltpu.async_copy(src_hbm.at[pl.ds(ebase(g), C)], v_is[p], sem_i[p])
            pltpu.async_copy(dst_hbm.at[pl.ds(ebase(g), C)], v_id[p], sem_i[p])

        def iwait(g, p):
            pltpu.make_async_copy(
                src_hbm.at[pl.ds(ebase(g), C)], v_is[p], sem_i[p]).wait()
            pltpu.make_async_copy(
                dst_hbm.at[pl.ds(ebase(g), C)], v_id[p], sem_i[p]).wait()

        def gstart(p):
            pltpu.async_copy(a_hbm.at[v_is[p]], v_gs[p], sem_g[p])
            pltpu.async_copy(a_hbm.at[v_id[p]], v_gd[p], sem_g[p])
            pltpu.async_copy(h_hbm.at[v_is[p]], v_h[p], sem_g[p])

        def gwait(p):
            pltpu.make_async_copy(a_hbm.at[v_is[p]], v_gs[p], sem_g[p]).wait()
            pltpu.make_async_copy(a_hbm.at[v_id[p]], v_gd[p], sem_g[p]).wait()
            pltpu.make_async_copy(h_hbm.at[v_is[p]], v_h[p], sem_g[p]).wait()

        def sstart(p):
            pltpu.async_copy(v_cb[p], s_tbl.at[v_id[p]], sem_s[p], add=True)

        def swait(p):
            pltpu.make_async_copy(v_cb[p], s_tbl.at[v_id[p]], sem_s[p]).wait()

        def zero_rows(ref, rows):
            def zb(r, _):
                for o in range(tblw // 16):
                    ref[r, pl.ds(o * 16, 16)] = z16
                return 0
            lax.fori_loop(0, rows, zb, 0)

        zero_rows(v_z, 128)
        for p in range(2):
            zero_rows(v_cb[p], C)
            def zid(r, _):
                v_id[p][pl.ds(r * 16, 16)] = zi16
                return 0
            lax.fori_loop(0, C // 16, zid, 0)
        for j in range(RPS // 128):
            pltpu.sync_copy(v_z, s_tbl.at[pl.ds(sid * RPS + j * 128, 128)])
        plsc.subcore_barrier()
        sstart(1)
        istart(0, 0)
        iwait(0, 0)
        gstart(0)

        def compute(p):
            v_gs_p, v_gd_p, v_h_p, v_cb_p = v_gs[p], v_gd[p], v_h[p], v_cb[p]

            def wp(t, _):
                pv = t * 16 + iot
                if heads == 8:
                    row = pv >> 3
                    hd = pv & 7
                else:
                    row = pv
                    hd = iot & 0
                av = plsc.load_gather(v_gs_p, [row, hd])
                bv = plsc.load_gather(v_gd_p, [row, hd + 8])
                e = av + bv
                e = jnp.where(e > 0, e, 0.2 * e)
                plsc.store_scatter(v_cb_p, [row, hd], jnp.exp(e))
                return 0
            lax.fori_loop(0, C * heads // 16, wp, 0, unroll=4)

            def mp(c, _):
                cs = jnp.zeros((16,), jnp.int32) + c
                for k2 in range(kv):
                    wv = plsc.load_gather(v_cb_p, [cs, tmpls[k2]])
                    hv = v_h_p[c, pl.ds(k2 * 16, 16)]
                    v_cb_p[c, pl.ds(8 + k2 * 16, 16)] = wv * hv
                return 0
            lax.fori_loop(0, C, mp, 0, unroll=4)

        def step(g, p, q):
            swait(q)
            gnxt = jnp.minimum(g + 1, G - 1)
            istart(gnxt, q)
            gwait(p)
            iwait(gnxt, q)
            gstart(q)
            compute(p)
            sstart(p)

        def pair(i, _):
            step(2 * i, 0, 1)
            step(2 * i + 1, 1, 0)
            return 0
        lax.fori_loop(0, G // 2, pair, 0)
        swait(1)
        gwait(0)
        plsc.subcore_barrier()
        for j in range(RPS // 128):
            r0 = pl.multiple_of(sid * RPS + j * 128, 128)
            pltpu.sync_copy(s_tbl.at[pl.ds(r0, 128)], v_z)
            pltpu.sync_copy(v_z, out_hbm.at[cid, pl.ds(r0, 128)])

    return k(srcv, dstv, att, feat)


def _edge_pass1bf(srcv, dstv, att, feat_eo, zden, znum):
    mesh = plsc.VectorSubcoreMesh(**_SC_MESH)

    @functools.partial(
        pl.kernel,
        out_type=[jax.ShapeDtypeStruct((2, NPAD, 8), jnp.float32),
                  jax.ShapeDtypeStruct((2, NPAD, 64), jnp.bfloat16)],
        mesh=mesh,
        compiler_params=_SC_PARAMS,
        scratch_types=[
            [pltpu.VMEM((C,), jnp.int32)] * 2,
            [pltpu.VMEM((C,), jnp.int32)] * 2,
            [pltpu.VMEM((C, 16), jnp.float32)] * 2,
            [pltpu.VMEM((C, 16), jnp.float32)] * 2,
            [pltpu.VMEM((C, 64), jnp.float32)] * 2,
            [pltpu.VMEM((C, 8), jnp.float32)] * 2,
            [pltpu.VMEM((C, 64), jnp.bfloat16)] * 2,
            [pltpu.SemaphoreType.DMA] * 2,
            [pltpu.SemaphoreType.DMA] * 2,
            [pltpu.SemaphoreType.DMA] * 2,
            pltpu.VMEM_SHARED((NPAD, 8), jnp.float32),
            pltpu.VMEM_SHARED((NPAD, 64), jnp.bfloat16),
        ],
    )
    def k(src_hbm, dst_hbm, a_hbm, h_hbm, zd_hbm, zn_hbm, oden_hbm, onum_hbm,
          v_is, v_id, v_gs, v_gd, v_h, v_db, v_nb,
          sem_i, sem_g, sem_s, s_dt, s_nt):
        cid = lax.axis_index("c")
        sid = lax.axis_index("s")
        tile = cid * 16 + sid
        z16 = jnp.zeros((16,), jnp.float32)
        zi16 = jnp.zeros((16,), jnp.int32)
        zb32 = jnp.zeros((32,), jnp.bfloat16)
        iot = lax.iota(jnp.int32, 16)

        def ebase(g):
            return tile * EPT + g * C

        def istart(g, p):
            pltpu.async_copy(src_hbm.at[pl.ds(ebase(g), C)], v_is[p], sem_i[p])
            pltpu.async_copy(dst_hbm.at[pl.ds(ebase(g), C)], v_id[p], sem_i[p])

        def iwait(g, p):
            pltpu.make_async_copy(
                src_hbm.at[pl.ds(ebase(g), C)], v_is[p], sem_i[p]).wait()
            pltpu.make_async_copy(
                dst_hbm.at[pl.ds(ebase(g), C)], v_id[p], sem_i[p]).wait()

        def gstart(p):
            pltpu.async_copy(a_hbm.at[v_is[p]], v_gs[p], sem_g[p])
            pltpu.async_copy(a_hbm.at[v_id[p]], v_gd[p], sem_g[p])
            pltpu.async_copy(h_hbm.at[v_is[p]], v_h[p], sem_g[p])

        def gwait(p):
            pltpu.make_async_copy(a_hbm.at[v_is[p]], v_gs[p], sem_g[p]).wait()
            pltpu.make_async_copy(a_hbm.at[v_id[p]], v_gd[p], sem_g[p]).wait()
            pltpu.make_async_copy(h_hbm.at[v_is[p]], v_h[p], sem_g[p]).wait()

        def sstart(p):
            pltpu.async_copy(v_db[p], s_dt.at[v_id[p]], sem_s[p], add=True)
            pltpu.async_copy(v_nb[p], s_nt.at[v_id[p]], sem_s[p], add=True)

        def swait(p):
            pltpu.make_async_copy(v_db[p], s_dt.at[v_id[p]], sem_s[p]).wait()
            pltpu.make_async_copy(v_nb[p], s_nt.at[v_id[p]], sem_s[p]).wait()

        for j in range(RPS // 128):
            r0 = sid * RPS + j * 128
            pltpu.sync_copy(zd_hbm, s_dt.at[pl.ds(r0, 128)])
            pltpu.sync_copy(zn_hbm, s_nt.at[pl.ds(r0, 128)])
        def zb1(t, _):
            pv = t * 16 + iot
            plsc.store_scatter(v_db[1], [pv >> 3, pv & 7], z16)
            return 0
        lax.fori_loop(0, C * 8 // 16, zb1, 0)
        def zb2(r, _):
            v_nb[1][r, pl.ds(0, 32)] = zb32
            v_nb[1][r, pl.ds(32, 32)] = zb32
            return 0
        lax.fori_loop(0, C, zb2, 0)
        def zb3(r, _):
            v_id[1][pl.ds(r * 16, 16)] = zi16
            return 0
        lax.fori_loop(0, C // 16, zb3, 0)
        plsc.subcore_barrier()
        sstart(1)
        istart(0, 0)
        iwait(0, 0)
        gstart(0)

        def compute(p):
            v_gs_p, v_gd_p, v_h_p = v_gs[p], v_gd[p], v_h[p]
            v_db_p, v_nb_p = v_db[p], v_nb[p]

            def wp(t, _):
                pv = t * 16 + iot
                row = pv >> 3
                hd = pv & 7
                av = plsc.load_gather(v_gs_p, [row, hd])
                bv = plsc.load_gather(v_gd_p, [row, hd + 8])
                e = av + bv
                e = jnp.where(e > 0, e, 0.2 * e)
                plsc.store_scatter(v_db_p, [row, hd], jnp.exp(e))
                return 0
            lax.fori_loop(0, C * 8 // 16, wp, 0, unroll=4)

            def mp(c, _):
                cs = jnp.zeros((16,), jnp.int32) + c
                for k2 in range(2):
                    tmpl = (iot >> 2) + 4 * k2
                    wv = plsc.load_gather(v_db_p, [cs, tmpl])
                    av = v_h_p[c, pl.ds(16 * k2, 16)]
                    bv = v_h_p[c, pl.ds(32 + 16 * k2, 16)]
                    ia = plsc.bitcast(wv * av, jnp.int32)
                    ib = plsc.bitcast(wv * bv, jnp.int32)
                    ra = lax.shift_right_logical(ia + 0x8000, 16)
                    rb = (ib + 0x8000) & jnp.int32(-65536)
                    v_nb_p[c, pl.ds(32 * k2, 32)] = plsc.bitcast(
                        ra | rb, jnp.bfloat16)
                return 0
            lax.fori_loop(0, C, mp, 0, unroll=4)

        def step(g, p, q):
            swait(q)
            gnxt = jnp.minimum(g + 1, G - 1)
            istart(gnxt, q)
            gwait(p)
            iwait(gnxt, q)
            gstart(q)
            compute(p)
            sstart(p)

        def pair(i, _):
            step(2 * i, 0, 1)
            step(2 * i + 1, 1, 0)
            return 0
        lax.fori_loop(0, G // 2, pair, 0)
        swait(1)
        gwait(0)
        plsc.subcore_barrier()
        for j in range(RPS // 128):
            r0 = pl.multiple_of(sid * RPS + j * 128, 128)
            pltpu.sync_copy(s_dt.at[pl.ds(r0, 128)], v_db[0])
            pltpu.sync_copy(v_db[0], oden_hbm.at[cid, pl.ds(r0, 128)])
            pltpu.sync_copy(s_nt.at[pl.ds(r0, 128)], v_nb[0])
            pltpu.sync_copy(v_nb[0], onum_hbm.at[cid, pl.ds(r0, 128)])

    return k(srcv, dstv, att, feat_eo, zden, znum)


def _k1_body(x_ref, w_ref, s_ref, h_ref, a_ref):
    h = jnp.dot(x_ref[...], w_ref[...], preferred_element_type=jnp.float32)
    h_ref[...] = h
    a_ref[...] = jnp.dot(h, s_ref[...], preferred_element_type=jnp.float32)


def _k2_body(d_ref, n_ref, er_ref, b_ref, w2_ref, s2_ref, h2_ref, a2_ref):
    num = n_ref[0].astype(jnp.float32) + n_ref[1].astype(jnp.float32)
    den = jnp.dot(d_ref[0] + d_ref[1], er_ref[...],
                  preferred_element_type=jnp.float32)
    out1 = num / (den + 1e-16) + b_ref[...]
    out1 = jnp.where(out1 > 0, out1, 0.2 * out1)
    h2 = jnp.dot(out1, w2_ref[...], preferred_element_type=jnp.float32)
    h2_ref[...] = h2
    a2_ref[...] = jnp.dot(h2, s2_ref[...], preferred_element_type=jnp.float32)


def _k3_body(p_ref, b_ref, o_ref):
    t = p_ref[0] + p_ref[1]
    z = t[:, 8:24] / (t[:, 0:1] + 1e-16) + b_ref[...]
    m = jnp.max(z, axis=1, keepdims=True)
    o_ref[...] = z - m - jnp.log(jnp.sum(jnp.exp(z - m), axis=1, keepdims=True))


def kernel(x, edge_index, W1, as1, ad1, b1, W2, as2, ad2, b2):
    n = x.shape[0]
    loops = jnp.arange(n, dtype=jnp.int32)
    pad = jnp.full((E_PAD - edge_index.shape[1] - n,), N_NODES, jnp.int32)
    src = jnp.concatenate([edge_index[0].astype(jnp.int32), loops, pad])
    dst = jnp.concatenate([edge_index[1].astype(jnp.int32), loops, pad])
    x_pad = jnp.zeros((NPAD, F_IN), jnp.float32).at[:n].set(x)

    perm = jnp.array([2 * i for i in range(32)] + [2 * i + 1 for i in range(32)])
    W1eo = W1[:, perm]
    s1 = jnp.zeros((64, 16), jnp.float32)
    for hd in range(8):
        s1 = s1.at[hd * 8:(hd + 1) * 8, hd].set(as1[hd])
        s1 = s1.at[hd * 8:(hd + 1) * 8, 8 + hd].set(ad1[hd])
    s1eo = s1[perm, :]
    s2 = jnp.zeros((16, 16), jnp.float32).at[:, 0].set(as2[0]).at[:, 8].set(ad2[0])
    erep = jnp.repeat(jnp.eye(8, dtype=jnp.float32), 8, axis=1)
    zden = jnp.zeros((128, 8), jnp.float32)
    znum = jnp.zeros((128, 64), jnp.bfloat16)

    grid = (NPAD // RB,)
    h1, a1 = pl.pallas_call(
        _k1_body,
        grid=grid,
        in_specs=[
            pl.BlockSpec((RB, F_IN), lambda i: (i, 0)),
            pl.BlockSpec((F_IN, 64), lambda i: (0, 0)),
            pl.BlockSpec((64, 16), lambda i: (0, 0)),
        ],
        out_specs=[
            pl.BlockSpec((RB, 64), lambda i: (i, 0)),
            pl.BlockSpec((RB, 16), lambda i: (i, 0)),
        ],
        out_shape=[
            jax.ShapeDtypeStruct((NPAD, 64), jnp.float32),
            jax.ShapeDtypeStruct((NPAD, 16), jnp.float32),
        ],
    )(x_pad, W1eo, s1eo)

    den1, num1 = _edge_pass1bf(src, dst, a1, h1, zden, znum)

    h2, a2 = pl.pallas_call(
        _k2_body,
        grid=grid,
        in_specs=[
            pl.BlockSpec((2, RB, 8), lambda i: (0, i, 0)),
            pl.BlockSpec((2, RB, 64), lambda i: (0, i, 0)),
            pl.BlockSpec((8, 64), lambda i: (0, 0)),
            pl.BlockSpec((1, 64), lambda i: (0, 0)),
            pl.BlockSpec((64, 16), lambda i: (0, 0)),
            pl.BlockSpec((16, 16), lambda i: (0, 0)),
        ],
        out_specs=[
            pl.BlockSpec((RB, 16), lambda i: (i, 0)),
            pl.BlockSpec((RB, 16), lambda i: (i, 0)),
        ],
        out_shape=[
            jax.ShapeDtypeStruct((NPAD, 16), jnp.float32),
            jax.ShapeDtypeStruct((NPAD, 16), jnp.float32),
        ],
    )(den1, num1, erep, b1.reshape(1, 64), W2, s2)

    p2 = _edge_pass(src, dst, a2, h2, heads=1, cols=16, tblw=32)

    out = pl.pallas_call(
        _k3_body,
        grid=grid,
        in_specs=[
            pl.BlockSpec((2, RB, 32), lambda i: (0, i, 0)),
            pl.BlockSpec((1, 16), lambda i: (0, 0)),
        ],
        out_specs=pl.BlockSpec((RB, 16), lambda i: (i, 0)),
        out_shape=jax.ShapeDtypeStruct((NPAD, 16), jnp.float32),
    )(p2, b2.reshape(1, 16))
    return out[:n]

# --- scband reference (transcript-rebuilt; emitter-appended) ---
"""Pipeline reference for scband-net-imp-45148696215617 (READ-ONLY COPY).

The authoritative reference and input builder live on the scoring server;
editing this copy changes nothing except your own understanding.
"""

import jax, jax.numpy as jnp
import numpy as np


def _gat_conv(x, src, dst, W, att_src, att_dst, bias, heads, out_ch):
    N = x.shape[0]
    h = (x @ W).reshape(N, heads, out_ch)
    a_src = jnp.sum(h * att_src[None, :, :], axis=-1)
    a_dst = jnp.sum(h * att_dst[None, :, :], axis=-1)
    e = a_src[src] + a_dst[dst]
    e = jnp.where(e > 0, e, 0.2 * e)
    e_max = jax.ops.segment_max(e, dst, num_segments=N)
    e_max = jnp.where(jnp.isfinite(e_max), e_max, 0.0)
    e_max = jax.lax.stop_gradient(e_max)
    ex = jnp.exp(e - e_max[dst])
    denom = jax.ops.segment_sum(ex, dst, num_segments=N)
    alpha = ex / (denom[dst] + 1e-16)
    out = jax.ops.segment_sum(h[src] * alpha[:, :, None], dst, num_segments=N)
    return out.reshape(N, heads * out_ch) + bias


def _net(x, edge_index, W1, as1, ad1, b1, W2, as2, ad2, b2):
    N = x.shape[0]
    loops = jnp.arange(N, dtype=edge_index.dtype)
    src = jnp.concatenate([edge_index[0], loops])
    dst = jnp.concatenate([edge_index[1], loops])
    h = _gat_conv(x, src, dst, W1, as1, ad1, b1, 8, 8)
    h = jnp.where(h > 0, h, 0.2 * h)
    h = _gat_conv(h, src, dst, W2, as2, ad2, b2, 1, b2.shape[0])
    return jax.nn.log_softmax(h, axis=1)


def setup_inputs(seed: int = 0):
    key = jax.random.key(seed)
    ks = jax.random.split(key, 10)
    x = jax.random.normal(ks[0], (10000, 128), dtype=jnp.float32)
    edge_index = jax.random.randint(ks[1], (2, 320000), 0, 10000, dtype=jnp.int32)
    W1 = jax.random.normal(ks[2], (128, 64), dtype=jnp.float32) * 0.1
    as1 = jax.random.normal(ks[3], (8, 8), dtype=jnp.float32) * 0.1
    ad1 = jax.random.normal(ks[4], (8, 8), dtype=jnp.float32) * 0.1
    b1 = jnp.zeros((64,), dtype=jnp.float32)
    W2 = jax.random.normal(ks[5], (64, 16), dtype=jnp.float32) * 0.1
    as2 = jax.random.normal(ks[6], (1, 16), dtype=jnp.float32) * 0.1
    ad2 = jax.random.normal(ks[7], (1, 16), dtype=jnp.float32) * 0.1
    b2 = jnp.zeros((16,), dtype=jnp.float32)
    return {"x": x, "edge_index": edge_index, "W1": W1, "as1": as1, "ad1": ad1, "b1": b1, "W2": W2, "as2": as2, "ad2": ad2, "b2": b2}


def reference(x, edge_index, W1, as1, ad1, b1, W2, as2, ad2, b2):
    return _net(x, edge_index, W1, as1, ad1, b1, W2, as2, ad2, b2)

if __name__ == "__main__":
    import jax
    _d = setup_inputs()
    print(jax.jit(kernel)(*tuple(_d.values())))

</pallas_src>

<mosaic_0001>
#map = affine_map<(d0, d1) -> (0)>
#map1 = affine_map<(d0, d1) -> (0, 0)>
#map2 = affine_map<(d0, d1) -> (0, 0, 0)>
module attributes {stable_mosaic.version = 14 : i64} {
  func.func @k(%arg0: i32, %arg1: i32, %arg2: memref<335872xi32, #tpu.memory_space<hbm>>, %arg3: memref<335872xi32, #tpu.memory_space<hbm>>, %arg4: memref<10240x16xf32, #tpu.memory_space<hbm>>, %arg5: memref<10240x64xf32, #tpu.memory_space<hbm>>, %arg6: memref<128x8xf32, #tpu.memory_space<hbm>>, %arg7: memref<128x64xbf16, #tpu.memory_space<hbm>>, %arg8: memref<2x10240x8xf32, #tpu.memory_space<hbm>>, %arg9: memref<2x10240x64xbf16, #tpu.memory_space<hbm>>, %arg10: memref<128xi32, #tpu.memory_space<vmem>>, %arg11: memref<128xi32, #tpu.memory_space<vmem>>, %arg12: memref<128xi32, #tpu.memory_space<vmem>>, %arg13: memref<128xi32, #tpu.memory_space<vmem>>, %arg14: memref<128x16xf32, #tpu.memory_space<vmem>>, %arg15: memref<128x16xf32, #tpu.memory_space<vmem>>, %arg16: memref<128x16xf32, #tpu.memory_space<vmem>>, %arg17: memref<128x16xf32, #tpu.memory_space<vmem>>, %arg18: memref<128x64xf32, #tpu.memory_space<vmem>>, %arg19: memref<128x64xf32, #tpu.memory_space<vmem>>, %arg20: memref<128x8xf32, #tpu.memory_space<vmem>>, %arg21: memref<128x8xf32, #tpu.memory_space<vmem>>, %arg22: memref<128x64xbf16, #tpu.memory_space<vmem>>, %arg23: memref<128x64xbf16, #tpu.memory_space<vmem>>, %arg24: memref<!tpu.dma_semaphore, #tpu.memory_space<semaphore_mem>>, %arg25: memref<!tpu.dma_semaphore, #tpu.memory_space<semaphore_mem>>, %arg26: memref<!tpu.dma_semaphore, #tpu.memory_space<semaphore_mem>>, %arg27: memref<!tpu.dma_semaphore, #tpu.memory_space<semaphore_mem>>, %arg28: memref<!tpu.dma_semaphore, #tpu.memory_space<semaphore_mem>>, %arg29: memref<!tpu.dma_semaphore, #tpu.memory_space<semaphore_mem>>, %arg30: memref<10240x8xf32, #tpu.memory_space<vmem_shared>>, %arg31: memref<10240x64xbf16, #tpu.memory_space<vmem_shared>>) attributes {dimension_semantics = [#tpu.dimension_semantics<core_parallel>, #tpu.dimension_semantics<subcore_parallel>], iteration_bounds = array<i64: 2, 16>, scalar_prefetch = 0 : i64, scratch_operands = 22 : i64, tpu.core_type = #tpu.core_type<sc_vector_subcore>, window_params = [{transform_indices = #map}, {transform_indices = #map}, {transform_indices = #map1}, {transform_indices = #map1}, {transform_indices = #map1}, {transform_indices = #map1}, {transform_indices = #map2}, {transform_indices = #map2}]} {
    %mul3A = arith.constant 16 : i32
    %mul3A_0 = arith.muli %arg0, %mul3A : i32
    %add3A = arith.addi %mul3A_0, %arg1 : i32
    %broadcast_in_dim3A = arith.constant 0.000000e+00 : f32
    %broadcast_in_dim3A_1 = vector.broadcast %broadcast_in_dim3A : f32 to vector<16xf32>
    %broadcast_in_dim3A_2 = arith.constant 0 : i32
    %broadcast_in_dim3A_3 = vector.broadcast %broadcast_in_dim3A_2 : i32 to vector<16xi32>
    %broadcast_in_dim3A_4 = arith.constant 0.000000e+00 : bf16
    %broadcast_in_dim3A_5 = vector.broadcast %broadcast_in_dim3A_4 : bf16 to vector<32xbf16>
    %iota3A = tpu.iota {dimensions = array<i32: 0>} : vector<16xi32>
    %mul3A_6 = arith.constant 640 : i32
    %mul3A_7 = arith.muli %arg1, %mul3A_6 : i32
    %add3A_8 = arith.constant 0 : i32
    %add3A_9 = arith.addi %mul3A_7, %add3A_8 : i32
    "tpu.region"() ({
      %run_scoped3A = tpu.sem_alloc : memref<!tpu.dma_semaphore, #tpu.memory_space<semaphore_mem>>
      %dma_start3A_130 = arith.constant 0 : i32
      %dma_start3A_131 = tpu.memref_slice %arg30[%add3A_9, %dma_start3A_130] : memref<10240x8xf32, #tpu.memory_space<vmem_shared>> -> memref<128x8xf32, #tpu.memory_space<vmem_shared>>
      tpu.enqueue_dma source(%arg6 : memref<128x8xf32, #tpu.memory_space<hbm>>) target(%dma_start3A_131 : memref<128x8xf32, #tpu.memory_space<vmem_shared>>) target_semaphore(%run_scoped3A : memref<!tpu.dma_semaphore, #tpu.memory_space<semaphore_mem>>)
      %dma_wait3A_132 = arith.constant 0 : i32
      %dma_wait3A_133 = tpu.memref_slice %arg30[%add3A_9, %dma_wait3A_132] : memref<10240x8xf32, #tpu.memory_space<vmem_shared>> -> memref<128x8xf32, #tpu.memory_space<vmem_shared>>
      tpu.wait_dma2 semaphore(%run_scoped3A : memref<!tpu.dma_semaphore, #tpu.memory_space<semaphore_mem>>) src(%arg6 : memref<128x8xf32, #tpu.memory_space<hbm>>) dst(%dma_wait3A_133 : memref<128x8xf32, #tpu.memory_space<vmem_shared>>)
      tpu.yield
    }) : () -> ()
    "tpu.region"() ({
      %run_scoped3A = tpu.sem_alloc : memref<!tpu.dma_semaphore, #tpu.memory_space<semaphore_mem>>
      %dma_start3A_130 = arith.constant 0 : i32
      %dma_start3A_131 = tpu.memref_slice %arg31[%add3A_9, %dma_start3A_130] : memref<10240x64xbf16, #tpu.memory_space<vmem_shared>> -> memref<128x64xbf16, #tpu.memory_space<vmem_shared>>
      tpu.enqueue_dma source(%arg7 : memref<128x64xbf16, #tpu.memory_space<hbm>>) target(%dma_start3A_131 : memref<128x64xbf16, #tpu.memory_space<vmem_shared>>) target_semaphore(%run_scoped3A : memref<!tpu.dma_semaphore, #tpu.memory_space<semaphore_mem>>)
      %dma_wait3A_132 = arith.constant 0 : i32
      %dma_wait3A_133 = tpu.memref_slice %arg31[%add3A_9, %dma_wait3A_132] : memref<10240x64xbf16, #tpu.memory_space<vmem_shared>> -> memref<128x64xbf16, #tpu.memory_space<vmem_shared>>
      tpu.wait_dma2 semaphore(%run_scoped3A : memref<!tpu.dma_semaphore, #tpu.memory_space<semaphore_mem>>) src(%arg7 : memref<128x64xbf16, #tpu.memory_space<hbm>>) dst(%dma_wait3A_133 : memref<128x64xbf16, #tpu.memory_space<vmem_shared>>)
      tpu.yield
    }) : () -> ()
    %mul3A_10 = arith.constant 640 : i32
    %mul3A_11 = arith.muli %arg1, %mul3A_10 : i32
    %add3A_12 = arith.constant 128 : i32
    %add3A_13 = arith.addi %mul3A_11, %add3A_12 : i32
    "tpu.region"() ({
      %run_scoped3A = tpu.sem_alloc : memref<!tpu.dma_semaphore, #tpu.memory_space<semaphore_mem>>
      %dma_start3A_130 = arith.constant 0 : i32
      %dma_start3A_131 = tpu.memref_slice %arg30[%add3A_13, %dma_start3A_130] : memref<10240x8xf32, #tpu.memory_space<vmem_shared>> -> memref<128x8xf32, #tpu.memory_space<vmem_shared>>
      tpu.enqueue_dma source(%arg6 : memref<128x8xf32, #tpu.memory_space<hbm>>) target(%dma_start3A_131 : memref<128x8xf32, #tpu.memory_space<vmem_shared>>) target_semaphore(%run_scoped3A : memref<!tpu.dma_semaphore, #tpu.memory_space<semaphore_mem>>)
      %dma_wait3A_132 = arith.constant 0 : i32
      %dma_wait3A_133 = tpu.memref_slice %arg30[%add3A_13, %dma_wait3A_132] : memref<10240x8xf32, #tpu.memory_space<vmem_shared>> -> memref<128x8xf32, #tpu.memory_space<vmem_shared>>
      tpu.wait_dma2 semaphore(%run_scoped3A : memref<!tpu.dma_semaphore, #tpu.memory_space<semaphore_mem>>) src(%arg6 : memref<128x8xf32, #tpu.memory_space<hbm>>) dst(%dma_wait3A_133 : memref<128x8xf32, #tpu.memory_space<vmem_shared>>)
      tpu.yield
    }) : () -> ()
    "tpu.region"() ({
      %run_scoped3A = tpu.sem_alloc : memref<!tpu.dma_semaphore, #tpu.memory_space<semaphore_mem>>
      %dma_start3A_130 = arith.constant 0 : i32
      %dma_start3A_131 = tpu.memref_slice %arg31[%add3A_13, %dma_start3A_130] : memref<10240x64xbf16, #tpu.memory_space<vmem_shared>> -> memref<128x64xbf16, #tpu.memory_space<vmem_shared>>
      tpu.enqueue_dma source(%arg7 : memref<128x64xbf16, #tpu.memory_space<hbm>>) target(%dma_start3A_131 : memref<128x64xbf16, #tpu.memory_space<vmem_shared>>) target_semaphore(%run_scoped3A : memref<!tpu.dma_semaphore, #tpu.memory_space<semaphore_mem>>)
      %dma_wait3A_132 = arith.constant 0 : i32
      %dma_wait3A_133 = tpu.memref_slice %arg31[%add3A_13, %dma_wait3A_132] : memref<10240x64xbf16, #tpu.memory_space<vmem_shared>> -> memref<128x64xbf16, #tpu.memory_space<vmem_shared>>
      tpu.wait_dma2 semaphore(%run_scoped3A : memref<!tpu.dma_semaphore, #tpu.memory_space<semaphore_mem>>) src(%arg7 : memref<128x64xbf16, #tpu.memory_space<hbm>>) dst(%dma_wait3A_133 : memref<128x64xbf16, #tpu.memory_space<vmem_shared>>)
      tpu.yield
    }) : () -> ()
    %mul3A_14 = arith.constant 640 : i32
    %mul3A_15 = arith.muli %arg1, %mul3A_14 : i32
    %add3A_16 = arith.constant 256 : i32
    %add3A_17 = arith.addi %mul3A_15, %add3A_16 : i32
    "tpu.region"() ({
      %run_scoped3A = tpu.sem_alloc : memref<!tpu.dma_semaphore, #tpu.memory_space<semaphore_mem>>
      %dma_start3A_130 = arith.constant 0 : i32
      %dma_start3A_131 = tpu.memref_slice %arg30[%add3A_17, %dma_start3A_130] : memref<10240x8xf32, #tpu.memory_space<vmem_shared>> -> memref<128x8xf32, #tpu.memory_space<vmem_shared>>
      tpu.enqueue_dma source(%arg6 : memref<128x8xf32, #tpu.memory_space<hbm>>) target(%dma_start3A_131 : memref<128x8xf32, #tpu.memory_space<vmem_shared>>) target_semaphore(%run_scoped3A : memref<!tpu.dma_semaphore, #tpu.memory_space<semaphore_mem>>)
      %dma_wait3A_132 = arith.constant 0 : i32
      %dma_wait3A_133 = tpu.memref_slice %arg30[%add3A_17, %dma_wait3A_132] : memref<10240x8xf32, #tpu.memory_space<vmem_shared>> -> memref<128x8xf32, #tpu.memory_space<vmem_shared>>
      tpu.wait_dma2 semaphore(%run_scoped3A : memref<!tpu.dma_semaphore, #tpu.memory_space<semaphore_mem>>) src(%arg6 : memref<128x8xf32, #tpu.memory_space<hbm>>) dst(%dma_wait3A_133 : memref<128x8xf32, #tpu.memory_space<vmem_shared>>)
      tpu.yield
    }) : () -> ()
    "tpu.region"() ({
      %run_scoped3A = tpu.sem_alloc : memref<!tpu.dma_semaphore, #tpu.memory_space<semaphore_mem>>
      %dma_start3A_130 = arith.constant 0 : i32
      %dma_start3A_131 = tpu.memref_slice %arg31[%add3A_17, %dma_start3A_130] : memref<10240x64xbf16, #tpu.memory_space<vmem_shared>> -> memref<128x64xbf16, #tpu.memory_space<vmem_shared>>
      tpu.enqueue_dma source(%arg7 : memref<128x64xbf16, #tpu.memory_space<hbm>>) target(%dma_start3A_131 : memref<128x64xbf16, #tpu.memory_space<vmem_shared>>) target_semaphore(%run_scoped3A : memref<!tpu.dma_semaphore, #tpu.memory_space<semaphore_mem>>)
      %dma_wait3A_132 = arith.constant 0 : i32
      %dma_wait3A_133 = tpu.memref_slice %arg31[%add3A_17, %dma_wait3A_132] : memref<10240x64xbf16, #tpu.memory_space<vmem_shared>> -> memref<128x64xbf16, #tpu.memory_space<vmem_shared>>
      tpu.wait_dma2 semaphore(%run_scoped3A : memref<!tpu.dma_semaphore, #tpu.memory_space<semaphore_mem>>) src(%arg7 : memref<128x64xbf16, #tpu.memory_space<hbm>>) dst(%dma_wait3A_133 : memref<128x64xbf16, #tpu.memory_space<vmem_shared>>)
      tpu.yield
    }) : () -> ()
    %mul3A_18 = arith.constant 640 : i32
    %mul3A_19 = arith.muli %arg1, %mul3A_18 : i32
    %add3A_20 = arith.constant 384 : i32
    %add3A_21 = arith.addi %mul3A_19, %add3A_20 : i32
    "tpu.region"() ({
      %run_scoped3A = tpu.sem_alloc : memref<!tpu.dma_semaphore, #tpu.memory_space<semaphore_mem>>
      %dma_start3A_130 = arith.constant 0 : i32
      %dma_start3A_131 = tpu.memref_slice %arg30[%add3A_21, %dma_start3A_130] : memref<10240x8xf32, #tpu.memory_space<vmem_shared>> -> memref<128x8xf32, #tpu.memory_space<vmem_shared>>
      tpu.enqueue_dma source(%arg6 : memref<128x8xf32, #tpu.memory_space<hbm>>) target(%dma_start3A_131 : memref<128x8xf32, #tpu.memory_space<vmem_shared>>) target_semaphore(%run_scoped3A : memref<!tpu.dma_semaphore, #tpu.memory_space<semaphore_mem>>)
      %dma_wait3A_132 = arith.constant 0 : i32
      %dma_wait3A_133 = tpu.memref_slice %arg30[%add3A_21, %dma_wait3A_132] : memref<10240x8xf32, #tpu.memory_space<vmem_shared>> -> memref<128x8xf32, #tpu.memory_space<vmem_shared>>
      tpu.wait_dma2 semaphore(%run_scoped3A : memref<!tpu.dma_semaphore, #tpu.memory_space<semaphore_mem>>) src(%arg6 : memref<128x8xf32, #tpu.memory_space<hbm>>) dst(%dma_wait3A_133 : memref<128x8xf32, #tpu.memory_space<vmem_shared>>)
      tpu.yield
    }) : () -> ()
    "tpu.region"() ({
      %run_scoped3A = tpu.sem_alloc : memref<!tpu.dma_semaphore, #tpu.memory_space<semaphore_mem>>
      %dma_start3A_130 = arith.constant 0 : i32
      %dma_start3A_131 = tpu.memref_slice %arg31[%add3A_21, %dma_start3A_130] : memref<10240x64xbf16, #tpu.memory_space<vmem_shared>> -> memref<128x64xbf16, #tpu.memory_space<vmem_shared>>
      tpu.enqueue_dma source(%arg7 : memref<128x64xbf16, #tpu.memory_space<hbm>>) target(%dma_start3A_131 : memref<128x64xbf16, #tpu.memory_space<vmem_shared>>) target_semaphore(%run_scoped3A : memref<!tpu.dma_semaphore, #tpu.memory_space<semaphore_mem>>)
      %dma_wait3A_132 = arith.constant 0 : i32
      %dma_wait3A_133 = tpu.memref_slice %arg31[%add3A_21, %dma_wait3A_132] : memref<10240x64xbf16, #tpu.memory_space<vmem_shared>> -> memref<128x64xbf16, #tpu.memory_space<vmem_shared>>
      tpu.wait_dma2 semaphore(%run_scoped3A : memref<!tpu.dma_semaphore, #tpu.memory_space<semaphore_mem>>) src(%arg7 : memref<128x64xbf16, #tpu.memory_space<hbm>>) dst(%dma_wait3A_133 : memref<128x64xbf16, #tpu.memory_space<vmem_shared>>)
      tpu.yield
    }) : () -> ()
    %mul3A_22 = arith.constant 640 : i32
    %mul3A_23 = arith.muli %arg1, %mul3A_22 : i32
    %add3A_24 = arith.constant 512 : i32
    %add3A_25 = arith.addi %mul3A_23, %add3A_24 : i32
    "tpu.region"() ({
      %run_scoped3A = tpu.sem_alloc : memref<!tpu.dma_semaphore, #tpu.memory_space<semaphore_mem>>
      %dma_start3A_130 = arith.constant 0 : i32
      %dma_start3A_131 = tpu.memref_slice %arg30[%add3A_25, %dma_start3A_130] : memref<10240x8xf32, #tpu.memory_space<vmem_shared>> -> memref<128x8xf32, #tpu.memory_space<vmem_shared>>
      tpu.enqueue_dma source(%arg6 : memref<128x8xf32, #tpu.memory_space<hbm>>) target(%dma_start3A_131 : memref<128x8xf32, #tpu.memory_space<vmem_shared>>) target_semaphore(%run_scoped3A : memref<!tpu.dma_semaphore, #tpu.memory_space<semaphore_mem>>)
      %dma_wait3A_132 = arith.constant 0 : i32
      %dma_wait3A_133 = tpu.memref_slice %arg30[%add3A_25, %dma_wait3A_132] : memref<10240x8xf32, #tpu.memory_space<vmem_shared>> -> memref<128x8xf32, #tpu.memory_space<vmem_shared>>
      tpu.wait_dma2 semaphore(%run_scoped3A : memref<!tpu.dma_semaphore, #tpu.memory_space<semaphore_mem>>) src(%arg6 : memref<128x8xf32, #tpu.memory_space<hbm>>) dst(%dma_wait3A_133 : memref<128x8xf32, #tpu.memory_space<vmem_shared>>)
      tpu.yield
    }) : () -> ()
    "tpu.region"() ({
      %run_scoped3A = tpu.sem_alloc : memref<!tpu.dma_semaphore, #tpu.memory_space<semaphore_mem>>
      %dma_start3A_130 = arith.constant 0 : i32
      %dma_start3A_131 = tpu.memref_slice %arg31[%add3A_25, %dma_start3A_130] : memref<10240x64xbf16, #tpu.memory_space<vmem_shared>> -> memref<128x64xbf16, #tpu.memory_space<vmem_shared>>
      tpu.enqueue_dma source(%arg7 : memref<128x64xbf16, #tpu.memory_space<hbm>>) target(%dma_start3A_131 : memref<128x64xbf16, #tpu.memory_space<vmem_shared>>) target_semaphore(%run_scoped3A : memref<!tpu.dma_semaphore, #tpu.memory_space<semaphore_mem>>)
      %dma_wait3A_132 = arith.constant 0 : i32
      %dma_wait3A_133 = tpu.memref_slice %arg31[%add3A_25, %dma_wait3A_132] : memref<10240x64xbf16, #tpu.memory_space<vmem_shared>> -> memref<128x64xbf16, #tpu.memory_space<vmem_shared>>
      tpu.wait_dma2 semaphore(%run_scoped3A : memref<!tpu.dma_semaphore, #tpu.memory_space<semaphore_mem>>) src(%arg7 : memref<128x64xbf16, #tpu.memory_space<hbm>>) dst(%dma_wait3A_133 : memref<128x64xbf16, #tpu.memory_space<vmem_shared>>)
      tpu.yield
    }) : () -> ()
    %scan3A = arith.constant 0 : i32
    %scan3A_26 = arith.constant 0 : i32
    %scan3A_27 = arith.constant 64 : i32
    %scan3A_28 = arith.addi %scan3A_26, %scan3A_27 : i32
    %scan3A_29 = arith.constant 1 : i32
    %scan3A_30 = scf.for %scan3A_130 = %scan3A_26 to %scan3A_28 step %scan3A_29 iter_args(%scan3A_131 = %scan3A) -> (i32)  : i32 {
      %mul3A_132 = arith.constant 16 : i32
      %mul3A_133 = arith.muli %scan3A_130, %mul3A_132 : i32
      %add3A_134 = vector.broadcast %mul3A_133 : i32 to vector<16xi32>
      %add3A_135 = arith.addi %add3A_134, %iota3A : vector<16xi32>
      %shift_right_arithmetic3A = arith.constant 3 : i32
      %shift_right_arithmetic3A_136 = vector.broadcast %shift_right_arithmetic3A : i32 to vector<16xi32>
      %shift_right_arithmetic3A_137 = arith.shrsi %add3A_135, %shift_right_arithmetic3A_136 : vector<16xi32>
      %and3A = arith.constant 7 : i32
      %and3A_138 = vector.broadcast %and3A : i32 to vector<16xi32>
      %and3A_139 = arith.andi %add3A_135, %and3A_138 : vector<16xi32>
      tpu.vector_store_idx %arg21[%shift_right_arithmetic3A_137, %and3A_139], %broadcast_in_dim3A_1 : memref<128x8xf32, #tpu.memory_space<vmem>>[vector<16xi32>, vector<16xi32>], vector<16xf32>,
      %scan3A_140 = arith.constant 0 : i32
      scf.yield %scan3A_140 : i32
    }
    %scan3A_31 = arith.constant 64 : i32
    %scan3A_32 = arith.constant 0 : i32
    %scan3A_33 = arith.constant 0 : i32
    %scan3A_34 = arith.constant 128 : i32
    %scan3A_35 = arith.addi %scan3A_33, %scan3A_34 : i32
    %scan3A_36 = arith.constant 1 : i32
    %scan3A_37 = scf.for %scan3A_130 = %scan3A_33 to %scan3A_35 step %scan3A_36 iter_args(%scan3A_131 = %scan3A_32) -> (i32)  : i32 {
      %swap3A = arith.index_cast %scan3A_130 : i32 to index
      %swap3A_132 = arith.constant 0 : index
      %swap3A_133 = tpu.vector_load %arg23[%swap3A, %swap3A_132] {strides = array<i32>} : memref<128x64xbf16, #tpu.memory_space<vmem>>, vector<32xbf16>,
      tpu.vector_store %arg23[%swap3A, %swap3A_132], %broadcast_in_dim3A_5 {strides = array<i32>} : memref<128x64xbf16, #tpu.memory_space<vmem>>, vector<32xbf16>,
      %swap3A_134 = arith.index_cast %scan3A_130 : i32 to index
      %swap3A_135 = arith.constant 32 : index
      %swap3A_136 = tpu.vector_load %arg23[%swap3A_134, %swap3A_135] {strides = array<i32>} : memref<128x64xbf16, #tpu.memory_space<vmem>>, vector<32xbf16>,
      tpu.vector_store %arg23[%swap3A_134, %swap3A_135], %broadcast_in_dim3A_5 {strides = array<i32>} : memref<128x64xbf16, #tpu.memory_space<vmem>>, vector<32xbf16>,
      %scan3A_137 = arith.constant 0 : i32
      scf.yield %scan3A_137 : i32
    }
    %scan3A_38 = arith.constant 128 : i32
    %scan3A_39 = arith.constant 0 : i32
    %scan3A_40 = arith.constant 0 : i32
    %scan3A_41 = arith.constant 8 : i32
    %scan3A_42 = arith.addi %scan3A_40, %scan3A_41 : i32
    %scan3A_43 = arith.constant 1 : i32
    %scan3A_44 = scf.for %scan3A_130 = %scan3A_40 to %scan3A_42 step %scan3A_43 iter_args(%scan3A_131 = %scan3A_39) -> (i32)  : i32 {
      %mul3A_132 = arith.constant 16 : i32
      %mul3A_133 = arith.muli %scan3A_130, %mul3A_132 : i32
      %swap3A = arith.index_cast %mul3A_133 : i32 to index
      %swap3A_134 = tpu.vector_load %arg13[%swap3A] {strides = array<i32>} : memref<128xi32, #tpu.memory_space<vmem>>, vector<16xi32>,
      tpu.vector_store %arg13[%swap3A], %broadcast_in_dim3A_3 {strides = array<i32>} : memref<128xi32, #tpu.memory_space<vmem>>, vector<16xi32>,
      %scan3A_135 = arith.constant 0 : i32
      scf.yield %scan3A_135 : i32
    }
    %scan3A_45 = arith.constant 8 : i32
    %barrier3A = arith.constant 0 : index
    tpu.barrier barrier_id(%barrier3A)
    %dma_start3A = arith.constant 0 : i32
    %dma_start3A_46 = arith.constant 0 : i32
    %dma_start3A_47 = tpu.memref_slice %arg30[%dma_start3A, %dma_start3A_46] : memref<10240x8xf32, #tpu.memory_space<vmem_shared>> -> memref<10240x8xf32, #tpu.memory_space<vmem_shared>>
    tpu.enqueue_indirect_dma source(%arg21 : memref<128x8xf32, #tpu.memory_space<vmem>>) target(%dma_start3A_47 : memref<10240x8xf32, #tpu.memory_space<vmem_shared>>) offsets(%arg13 : memref<128xi32, #tpu.memory_space<vmem>>) semaphore(%arg29 : memref<!tpu.dma_semaphore, #tpu.memory_space<semaphore_mem>>) {add = true}
    %dma_start3A_48 = arith.constant 0 : i32
    %dma_start3A_49 = arith.constant 0 : i32
    %dma_start3A_50 = tpu.memref_slice %arg31[%dma_start3A_48, %dma_start3A_49] : memref<10240x64xbf16, #tpu.memory_space<vmem_shared>> -> memref<10240x64xbf16, #tpu.memory_space<vmem_shared>>
    tpu.enqueue_indirect_dma source(%arg23 : memref<128x64xbf16, #tpu.memory_space<vmem>>) target(%dma_start3A_50 : memref<10240x64xbf16, #tpu.memory_space<vmem_shared>>) offsets(%arg13 : memref<128xi32, #tpu.memory_space<vmem>>) semaphore(%arg29 : memref<!tpu.dma_semaphore, #tpu.memory_space<semaphore_mem>>) {add = true}
    %mul3A_51 = arith.constant 10496 : i32
    %mul3A_52 = arith.muli %add3A, %mul3A_51 : i32
    %add3A_53 = arith.constant 0 : i32
    %add3A_54 = arith.addi %mul3A_52, %add3A_53 : i32
    %dma_start3A_55 = tpu.memref_slice %arg2[%add3A_54] : memref<335872xi32, #tpu.memory_space<hbm>> -> memref<128xi32, #tpu.memory_space<hbm>>
    %dma_start3A_56 = tpu.memref_slice %arg2[%add3A_54] : memref<335872xi32, #tpu.memory_space<hbm>> -> memref<128xi32, #tpu.memory_space<hbm>>
    tpu.enqueue_dma source(%dma_start3A_56 : memref<128xi32, #tpu.memory_space<hbm>>) target(%arg10 : memref<128xi32, #tpu.memory_space<vmem>>) target_semaphore(%arg24 : memref<!tpu.dma_semaphore, #tpu.memory_space<semaphore_mem>>)
    %mul3A_57 = arith.constant 10496 : i32
    %mul3A_58 = arith.muli %add3A, %mul3A_57 : i32
    %add3A_59 = arith.constant 0 : i32
    %add3A_60 = arith.addi %mul3A_58, %add3A_59 : i32
    %dma_start3A_61 = tpu.memref_slice %arg3[%add3A_60] : memref<335872xi32, #tpu.memory_space<hbm>> -> memref<128xi32, #tpu.memory_space<hbm>>
    %dma_start3A_62 = tpu.memref_slice %arg3[%add3A_60] : memref<335872xi32, #tpu.memory_space<hbm>> -> memref<128xi32, #tpu.memory_space<hbm>>
    tpu.enqueue_dma source(%dma_start3A_62 : memref<128xi32, #tpu.memory_space<hbm>>) target(%arg12 : memref<128xi32, #tpu.memory_space<vmem>>) target_semaphore(%arg24 : memref<!tpu.dma_semaphore, #tpu.memory_space<semaphore_mem>>)
    %mul3A_63 = arith.constant 10496 : i32
    %mul3A_64 = arith.muli %add3A, %mul3A_63 : i32
    %add3A_65 = arith.constant 0 : i32
    %add3A_66 = arith.addi %mul3A_64, %add3A_65 : i32
    %dma_wait3A = tpu.memref_slice %arg2[%add3A_66] : memref<335872xi32, #tpu.memory_space<hbm>> -> memref<128xi32, #tpu.memory_space<hbm>>
    %dma_wait3A_67 = tpu.memref_slice %arg2[%add3A_66] : memref<335872xi32, #tpu.memory_space<hbm>> -> memref<128xi32, #tpu.memory_space<hbm>>
    tpu.wait_dma2 semaphore(%arg24 : memref<!tpu.dma_semaphore, #tpu.memory_space<semaphore_mem>>) src(%dma_wait3A_67 : memref<128xi32, #tpu.memory_space<hbm>>) dst(%arg10 : memref<128xi32, #tpu.memory_space<vmem>>)
    %mul3A_68 = arith.constant 10496 : i32
    %mul3A_69 = arith.muli %add3A, %mul3A_68 : i32
    %add3A_70 = arith.constant 0 : i32
    %add3A_71 = arith.addi %mul3A_69, %add3A_70 : i32
    %dma_wait3A_72 = tpu.memref_slice %arg3[%add3A_71] : memref<335872xi32, #tpu.memory_space<hbm>> -> memref<128xi32, #tpu.memory_space<hbm>>
    %dma_wait3A_73 = tpu.memref_slice %arg3[%add3A_71] : memref<335872xi32, #tpu.memory_space<hbm>> -> memref<128xi32, #tpu.memory_space<hbm>>
    tpu.wait_dma2 semaphore(%arg24 : memref<!tpu.dma_semaphore, #tpu.memory_space<semaphore_mem>>) src(%dma_wait3A_73 : memref<128xi32, #tpu.memory_space<hbm>>) dst(%arg12 : memref<128xi32, #tpu.memory_space<vmem>>)
    %dma_start3A_74 = arith.constant 0 : i32
    %dma_start3A_75 = arith.constant 0 : i32
    %dma_start3A_76 = tpu.memref_slice %arg4[%dma_start3A_74, %dma_start3A_75] : memref<10240x16xf32, #tpu.memory_space<hbm>> -> memref<10240x16xf32, #tpu.memory_space<hbm>>
    tpu.enqueue_indirect_dma source(%dma_start3A_76 : memref<10240x16xf32, #tpu.memory_space<hbm>>) target(%arg14 : memref<128x16xf32, #tpu.memory_space<vmem>>) offsets(%arg10 : memref<128xi32, #tpu.memory_space<vmem>>) semaphore(%arg26 : memref<!tpu.dma_semaphore, #tpu.memory_space<semaphore_mem>>)
    %dma_start3A_77 = arith.constant 0 : i32
    %dma_start3A_78 = arith.constant 0 : i32
    %dma_start3A_79 = tpu.memref_slice %arg4[%dma_start3A_77, %dma_start3A_78] : memref<10240x16xf32, #tpu.memory_space<hbm>> -> memref<10240x16xf32, #tpu.memory_space<hbm>>
    tpu.enqueue_indirect_dma source(%dma_start3A_79 : memref<10240x16xf32, #tpu.memory_space<hbm>>) target(%arg16 : memref<128x16xf32, #tpu.memory_space<vmem>>) offsets(%arg12 : memref<128xi32, #tpu.memory_space<vmem>>) semaphore(%arg26 : memref<!tpu.dma_semaphore, #tpu.memory_space<semaphore_mem>>)
    %dma_start3A_80 = arith.constant 0 : i32
    %dma_start3A_81 = arith.constant 0 : i32
    %dma_start3A_82 = tpu.memref_slice %arg5[%dma_start3A_80, %dma_start3A_81] : memref<10240x64xf32, #tpu.memory_space<hbm>> -> memref<10240x64xf32, #tpu.memory_space<hbm>>
    tpu.enqueue_indirect_dma source(%dma_start3A_82 : memref<10240x64xf32, #tpu.memory_space<hbm>>) target(%arg18 : memref<128x64xf32, #tpu.memory_space<vmem>>) offsets(%arg10 : memref<128xi32, #tpu.memory_space<vmem>>) semaphore(%arg26 : memref<!tpu.dma_semaphore, #tpu.memory_space<semaphore_mem>>)
    %scan3A_83 = arith.constant 0 : i32
    %scan3A_84 = arith.constant 0 : i32
    %scan3A_85 = arith.constant 41 : i32
    %scan3A_86 = arith.addi %scan3A_84, %scan3A_85 : i32
    %scan3A_87 = arith.constant 1 : i32
    %scan3A_88 = scf.for %scan3A_130 = %scan3A_84 to %scan3A_86 step %scan3A_87 iter_args(%scan3A_131 = %scan3A_83) -> (i32)  : i32 {
      %mul3A_132 = arith.constant 2 : i32
      %mul3A_133 = arith.muli %mul3A_132, %scan3A_130 : i32
      %dma_wait3A_134 = arith.constant 0 : i32
      %dma_wait3A_135 = arith.constant 0 : i32
      %dma_wait3A_136 = tpu.memref_slice %arg30[%dma_wait3A_134, %dma_wait3A_135] : memref<10240x8xf32, #tpu.memory_space<vmem_shared>> -> memref<10240x8xf32, #tpu.memory_space<vmem_shared>>
      tpu.wait_indirect_dma semaphore(%arg29 : memref<!tpu.dma_semaphore, #tpu.memory_space<semaphore_mem>>) src(%arg21 : memref<128x8xf32, #tpu.memory_space<vmem>>) dst(%dma_wait3A_136 : memref<10240x8xf32, #tpu.memory_space<vmem_shared>>)
      %dma_wait3A_137 = arith.constant 0 : i32
      %dma_wait3A_138 = arith.constant 0 : i32
      %dma_wait3A_139 = tpu.memref_slice %arg31[%dma_wait3A_137, %dma_wait3A_138] : memref<10240x64xbf16, #tpu.memory_space<vmem_shared>> -> memref<10240x64xbf16, #tpu.memory_space<vmem_shared>>
      tpu.wait_indirect_dma semaphore(%arg29 : memref<!tpu.dma_semaphore, #tpu.memory_space<semaphore_mem>>) src(%arg23 : memref<128x64xbf16, #tpu.memory_space<vmem>>) dst(%dma_wait3A_139 : memref<10240x64xbf16, #tpu.memory_space<vmem_shared>>)
      %add3A_140 = arith.constant 1 : i32
      %add3A_141 = arith.addi %mul3A_133, %add3A_140 : i32
      %min3A = arith.constant 81 : i32
      %min3A_142 = arith.minsi %add3A_141, %min3A : i32
      %mul3A_143 = arith.constant 10496 : i32
      %mul3A_144 = arith.muli %add3A, %mul3A_143 : i32
      %mul3A_145 = arith.constant 128 : i32
      %mul3A_146 = arith.muli %min3A_142, %mul3A_145 : i32
      %add3A_147 = arith.addi %mul3A_144, %mul3A_146 : i32
      %dma_start3A_148 = tpu.memref_slice %arg2[%add3A_147] : memref<335872xi32, #tpu.memory_space<hbm>> -> memref<128xi32, #tpu.memory_space<hbm>>
      %dma_start3A_149 = tpu.memref_slice %arg2[%add3A_147] : memref<335872xi32, #tpu.memory_space<hbm>> -> memref<128xi32, #tpu.memory_space<hbm>>
      tpu.enqueue_dma source(%dma_start3A_149 : memref<128xi32, #tpu.memory_space<hbm>>) target(%arg11 : memref<128xi32, #tpu.memory_space<vmem>>) target_semaphore(%arg25 : memref<!tpu.dma_semaphore, #tpu.memory_space<semaphore_mem>>)
      %mul3A_150 = arith.constant 10496 : i32
      %mul3A_151 = arith.muli %add3A, %mul3A_150 : i32
      %mul3A_152 = arith.constant 128 : i32
      %mul3A_153 = arith.muli %min3A_142, %mul3A_152 : i32
      %add3A_154 = arith.addi %mul3A_151, %mul3A_153 : i32
      %dma_start3A_155 = tpu.memref_slice %arg3[%add3A_154] : memref<335872xi32, #tpu.memory_space<hbm>> -> memref<128xi32, #tpu.memory_space<hbm>>
      %dma_start3A_156 = tpu.memref_slice %arg3[%add3A_154] : memref<335872xi32, #tpu.memory_space<hbm>> -> memref<128xi32, #tpu.memory_space<hbm>>
      tpu.enqueue_dma source(%dma_start3A_156 : memref<128xi32, #tpu.memory_space<hbm>>) target(%arg13 : memref<128xi32, #tpu.memory_space<vmem>>) target_semaphore(%arg25 : memref<!tpu.dma_semaphore, #tpu.memory_space<semaphore_mem>>)
      %dma_wait3A_157 = arith.constant 0 : i32
      %dma_wait3A_158 = arith.constant 0 : i32
      %dma_wait3A_159 = tpu.memref_slice %arg4[%dma_wait3A_157, %dma_wait3A_158] : memref<10240x16xf32, #tpu.memory_space<hbm>> -> memref<10240x16xf32, #tpu.memory_space<hbm>>
      tpu.wait_indirect_dma semaphore(%arg26 : memref<!tpu.dma_semaphore, #tpu.memory_space<semaphore_mem>>) src(%dma_wait3A_159 : memref<10240x16xf32, #tpu.memory_space<hbm>>) dst(%arg14 : memref<128x16xf32, #tpu.memory_space<vmem>>)
      %dma_wait3A_160 = arith.constant 0 : i32
      %dma_wait3A_161 = arith.constant 0 : i32
      %dma_wait3A_162 = tpu.memref_slice %arg4[%dma_wait3A_160, %dma_wait3A_161] : memref<10240x16xf32, #tpu.memory_space<hbm>> -> memref<10240x16xf32, #tpu.memory_space<hbm>>
      tpu.wait_indirect_dma semaphore(%arg26 : memref<!tpu.dma_semaphore, #tpu.memory_space<semaphore_mem>>) src(%dma_wait3A_162 : memref<10240x16xf32, #tpu.memory_space<hbm>>) dst(%arg16 : memref<128x16xf32, #tpu.memory_space<vmem>>)
      %dma_wait3A_163 = arith.constant 0 : i32
      %dma_wait3A_164 = arith.constant 0 : i32
      %dma_wait3A_165 = tpu.memref_slice %arg5[%dma_wait3A_163, %dma_wait3A_164] : memref<10240x64xf32, #tpu.memory_space<hbm>> -> memref<10240x64xf32, #tpu.memory_space<hbm>>
      tpu.wait_indirect_dma semaphore(%arg26 : memref<!tpu.dma_semaphore, #tpu.memory_space<semaphore_mem>>) src(%dma_wait3A_165 : memref<10240x64xf32, #tpu.memory_space<hbm>>) dst(%arg18 : memref<128x64xf32, #tpu.memory_space<vmem>>)
      %mul3A_166 = arith.constant 10496 : i32
      %mul3A_167 = arith.muli %add3A, %mul3A_166 : i32
      %mul3A_168 = arith.constant 128 : i32
      %mul3A_169 = arith.muli %min3A_142, %mul3A_168 : i32
      %add3A_170 = arith.addi %mul3A_167, %mul3A_169 : i32
      %dma_wait3A_171 = tpu.memref_slice %arg2[%add3A_170] : memref<335872xi32, #tpu.memory_space<hbm>> -> memref<128xi32, #tpu.memory_space<hbm>>
      %dma_wait3A_172 = tpu.memref_slice %arg2[%add3A_170] : memref<335872xi32, #tpu.memory_space<hbm>> -> memref<128xi32, #tpu.memory_space<hbm>>
      tpu.wait_dma2 semaphore(%arg25 : memref<!tpu.dma_semaphore, #tpu.memory_space<semaphore_mem>>) src(%dma_wait3A_172 : memref<128xi32, #tpu.memory_space<hbm>>) dst(%arg11 : memref<128xi32, #tpu.memory_space<vmem>>)
      %mul3A_173 = arith.constant 10496 : i32
      %mul3A_174 = arith.muli %add3A, %mul3A_173 : i32
      %mul3A_175 = arith.constant 128 : i32
      %mul3A_176 = arith.muli %min3A_142, %mul3A_175 : i32
      %add3A_177 = arith.addi %mul3A_174, %mul3A_176 : i32
      %dma_wait3A_178 = tpu.memref_slice %arg3[%add3A_177] : memref<335872xi32, #tpu.memory_space<hbm>> -> memref<128xi32, #tpu.memory_space<hbm>>
      %dma_wait3A_179 = tpu.memref_slice %arg3[%add3A_177] : memref<335872xi32, #tpu.memory_space<hbm>> -> memref<128xi32, #tpu.memory_space<hbm>>
      tpu.wait_dma2 semaphore(%arg25 : memref<!tpu.dma_semaphore, #tpu.memory_space<semaphore_mem>>) src(%dma_wait3A_179 : memref<128xi32, #tpu.memory_space<hbm>>) dst(%arg13 : memref<128xi32, #tpu.memory_space<vmem>>)
      %dma_start3A_180 = arith.constant 0 : i32
      %dma_start3A_181 = arith.constant 0 : i32
      %dma_start3A_182 = tpu.memref_slice %arg4[%dma_start3A_180, %dma_start3A_181] : memref<10240x16xf32, #tpu.memory_space<hbm>> -> memref<10240x16xf32, #tpu.memory_space<hbm>>
      tpu.enqueue_indirect_dma source(%dma_start3A_182 : memref<10240x16xf32, #tpu.memory_space<hbm>>) target(%arg15 : memref<128x16xf32, #tpu.memory_space<vmem>>) offsets(%arg11 : memref<128xi32, #tpu.memory_space<vmem>>) semaphore(%arg27 : memref<!tpu.dma_semaphore, #tpu.memory_space<semaphore_mem>>)
      %dma_start3A_183 = arith.constant 0 : i32
      %dma_start3A_184 = arith.constant 0 : i32
      %dma_start3A_185 = tpu.memref_slice %arg4[%dma_start3A_183, %dma_start3A_184] : memref<10240x16xf32, #tpu.memory_space<hbm>> -> memref<10240x16xf32, #tpu.memory_space<hbm>>
      tpu.enqueue_indirect_dma source(%dma_start3A_185 : memref<10240x16xf32, #tpu.memory_space<hbm>>) target(%arg17 : memref<128x16xf32, #tpu.memory_space<vmem>>) offsets(%arg13 : memref<128xi32, #tpu.memory_space<vmem>>) semaphore(%arg27 : memref<!tpu.dma_semaphore, #tpu.memory_space<semaphore_mem>>)
      %dma_start3A_186 = arith.constant 0 : i32
      %dma_start3A_187 = arith.constant 0 : i32
      %dma_start3A_188 = tpu.memref_slice %arg5[%dma_start3A_186, %dma_start3A_187] : memref<10240x64xf32, #tpu.memory_space<hbm>> -> memref<10240x64xf32, #tpu.memory_space<hbm>>
      tpu.enqueue_indirect_dma source(%dma_start3A_188 : memref<10240x64xf32, #tpu.memory_space<hbm>>) target(%arg19 : memref<128x64xf32, #tpu.memory_space<vmem>>) offsets(%arg11 : memref<128xi32, #tpu.memory_space<vmem>>) semaphore(%arg27 : memref<!tpu.dma_semaphore, #tpu.memory_space<semaphore_mem>>)
      %scan3A_189 = arith.constant 0 : i32
      %scan3A_190 = arith.constant 0 : i32
      %scan3A_191 = arith.constant 64 : i32
      %scan3A_192 = arith.addi %scan3A_190, %scan3A_191 : i32
      %scan3A_193 = arith.constant 4 : i32
      %scan3A_194 = scf.for %scan3A_290 = %scan3A_190 to %scan3A_192 step %scan3A_193 iter_args(%scan3A_291 = %scan3A_189) -> (i32)  : i32 {
        %mul3A_292 = arith.constant 16 : i32
        %mul3A_293 = arith.muli %scan3A_290, %mul3A_292 : i32
        %add3A_294 = vector.broadcast %mul3A_293 : i32 to vector<16xi32>
        %add3A_295 = arith.addi %add3A_294, %iota3A : vector<16xi32>
        %shift_right_arithmetic3A = arith.constant 3 : i32
        %shift_right_arithmetic3A_296 = vector.broadcast %shift_right_arithmetic3A : i32 to vector<16xi32>
        %shift_right_arithmetic3A_297 = arith.shrsi %add3A_295, %shift_right_arithmetic3A_296 : vector<16xi32>
        %and3A = arith.constant 7 : i32
        %and3A_298 = vector.broadcast %and3A : i32 to vector<16xi32>
        %and3A_299 = arith.andi %add3A_295, %and3A_298 : vector<16xi32>
        %gather3A = tpu.vector_load_idx %arg14[%shift_right_arithmetic3A_297, %and3A_299] : memref<128x16xf32, #tpu.memory_space<vmem>>[vector<16xi32>, vector<16xi32>], vector<16xf32>,
        %add3A_300 = arith.constant 8 : i32
        %add3A_301 = vector.broadcast %add3A_300 : i32 to vector<16xi32>
        %add3A_302 = arith.addi %and3A_299, %add3A_301 : vector<16xi32>
        %gather3A_303 = tpu.vector_load_idx %arg16[%shift_right_arithmetic3A_297, %add3A_302] : memref<128x16xf32, #tpu.memory_space<vmem>>[vector<16xi32>, vector<16xi32>], vector<16xf32>,
        %add3A_304 = arith.addf %gather3A, %gather3A_303 : vector<16xf32>
        %gt3A = arith.constant 0.000000e+00 : f32
        %gt3A_305 = vector.broadcast %gt3A : f32 to vector<16xf32>
        %gt3A_306 = arith.cmpf ogt, %add3A_304, %gt3A_305 : vector<16xf32>
        %mul3A_307 = arith.constant 2.000000e-01 : f32
        %mul3A_308 = vector.broadcast %mul3A_307 : f32 to vector<16xf32>
        %mul3A_309 = arith.mulf %mul3A_308, %add3A_304 : vector<16xf32>
        %select_n3A = arith.select %gt3A_306, %add3A_304, %mul3A_309 : vector<16xi1>, vector<16xf32>
        %exp3A = math.exp %select_n3A : vector<16xf32>
        tpu.vector_store_idx %arg20[%shift_right_arithmetic3A_297, %and3A_299], %exp3A : memref<128x8xf32, #tpu.memory_space<vmem>>[vector<16xi32>, vector<16xi32>], vector<16xf32>,
        %scan3A_310 = arith.constant 0 : i32
        %scan3A_311 = arith.constant 1 : i32
        %scan3A_312 = arith.addi %scan3A_290, %scan3A_311 : i32
        %mul3A_313 = arith.constant 16 : i32
        %mul3A_314 = arith.muli %scan3A_312, %mul3A_313 : i32
        %add3A_315 = vector.broadcast %mul3A_314 : i32 to vector<16xi32>
        %add3A_316 = arith.addi %add3A_315, %iota3A : vector<16xi32>
        %shift_right_arithmetic3A_317 = arith.constant 3 : i32
        %shift_right_arithmetic3A_318 = vector.broadcast %shift_right_arithmetic3A_317 : i32 to vector<16xi32>
        %shift_right_arithmetic3A_319 = arith.shrsi %add3A_316, %shift_right_arithmetic3A_318 : vector<16xi32>
        %and3A_320 = arith.constant 7 : i32
        %and3A_321 = vector.broadcast %and3A_320 : i32 to vector<16xi32>
        %and3A_322 = arith.andi %add3A_316, %and3A_321 : vector<16xi32>
        %gather3A_323 = tpu.vector_load_idx %arg14[%shift_right_arithmetic3A_319, %and3A_322] : memref<128x16xf32, #tpu.memory_space<vmem>>[vector<16xi32>, vector<16xi32>], vector<16xf32>,
        %add3A_324 = arith.constant 8 : i32
        %add3A_325 = vector.broadcast %add3A_324 : i32 to vector<16xi32>
        %add3A_326 = arith.addi %and3A_322, %add3A_325 : vector<16xi32>
        %gather3A_327 = tpu.vector_load_idx %arg16[%shift_right_arithmetic3A_319, %add3A_326] : memref<128x16xf32, #tpu.memory_space<vmem>>[vector<16xi32>, vector<16xi32>], vector<16xf32>,
        %add3A_328 = arith.addf %gather3A_323, %gather3A_327 : vector<16xf32>
        %gt3A_329 = arith.constant 0.000000e+00 : f32
        %gt3A_330 = vector.broadcast %gt3A_329 : f32 to vector<16xf32>
        %gt3A_331 = arith.cmpf ogt, %add3A_328, %gt3A_330 : vector<16xf32>
        %mul3A_332 = arith.constant 2.000000e-01 : f32
        %mul3A_333 = vector.broadcast %mul3A_332 : f32 to vector<16xf32>
        %mul3A_334 = arith.mulf %mul3A_333, %add3A_328 : vector<16xf32>
        %select_n3A_335 = arith.select %gt3A_331, %add3A_328, %mul3A_334 : vector<16xi1>, vector<16xf32>
        %exp3A_336 = math.exp %select_n3A_335 : vector<16xf32>
        tpu.vector_store_idx %arg20[%shift_right_arithmetic3A_319, %and3A_322], %exp3A_336 : memref<128x8xf32, #tpu.memory_space<vmem>>[vector<16xi32>, vector<16xi32>], vector<16xf32>,
        %scan3A_337 = arith.constant 0 : i32
        %scan3A_338 = arith.constant 2 : i32
        %scan3A_339 = arith.addi %scan3A_290, %scan3A_338 : i32
        %mul3A_340 = arith.constant 16 : i32
        %mul3A_341 = arith.muli %scan3A_339, %mul3A_340 : i32
        %add3A_342 = vector.broadcast %mul3A_341 : i32 to vector<16xi32>
        %add3A_343 = arith.addi %add3A_342, %iota3A : vector<16xi32>
        %shift_right_arithmetic3A_344 = arith.constant 3 : i32
        %shift_right_arithmetic3A_345 = vector.broadcast %shift_right_arithmetic3A_344 : i32 to vector<16xi32>
        %shift_right_arithmetic3A_346 = arith.shrsi %add3A_343, %shift_right_arithmetic3A_345 : vector<16xi32>
        %and3A_347 = arith.constant 7 : i32
        %and3A_348 = vector.broadcast %and3A_347 : i32 to vector<16xi32>
        %and3A_349 = arith.andi %add3A_343, %and3A_348 : vector<16xi32>
        %gather3A_350 = tpu.vector_load_idx %arg14[%shift_right_arithmetic3A_346, %and3A_349] : memref<128x16xf32, #tpu.memory_space<vmem>>[vector<16xi32>, vector<16xi32>], vector<16xf32>,
        %add3A_351 = arith.constant 8 : i32
        %add3A_352 = vector.broadcast %add3A_351 : i32 to vector<16xi32>
        %add3A_353 = arith.addi %and3A_349, %add3A_352 : vector<16xi32>
        %gather3A_354 = tpu.vector_load_idx %arg16[%shift_right_arithmetic3A_346, %add3A_353] : memref<128x16xf32, #tpu.memory_space<vmem>>[vector<16xi32>, vector<16xi32>], vector<16xf32>,
        %add3A_355 = arith.addf %gather3A_350, %gather3A_354 : vector<16xf32>
        %gt3A_356 = arith.constant 0.000000e+00 : f32
        %gt3A_357 = vector.broadcast %gt3A_356 : f32 to vector<16xf32>
        %gt3A_358 = arith.cmpf ogt, %add3A_355, %gt3A_357 : vector<16xf32>
        %mul3A_359 = arith.constant 2.000000e-01 : f32
        %mul3A_360 = vector.broadcast %mul3A_359 : f32 to vector<16xf32>
        %mul3A_361 = arith.mulf %mul3A_360, %add3A_355 : vector<16xf32>
        %select_n3A_362 = arith.select %gt3A_358, %add3A_355, %mul3A_361 : vector<16xi1>, vector<16xf32>
        %exp3A_363 = math.exp %select_n3A_362 : vector<16xf32>
        tpu.vector_store_idx %arg20[%shift_right_arithmetic3A_346, %and3A_349], %exp3A_363 : memref<128x8xf32, #tpu.memory_space<vmem>>[vector<16xi32>, vector<16xi32>], vector<16xf32>,
        %scan3A_364 = arith.constant 0 : i32
        %scan3A_365 = arith.constant 3 : i32
        %scan3A_366 = arith.addi %scan3A_290, %scan3A_365 : i32
        %mul3A_367 = arith.constant 16 : i32
        %mul3A_368 = arith.muli %scan3A_366, %mul3A_367 : i32
        %add3A_369 = vector.broadcast %mul3A_368 : i32 to vector<16xi32>
        %add3A_370 = arith.addi %add3A_369, %iota3A : vector<16xi32>
        %shift_right_arithmetic3A_371 = arith.constant 3 : i32
        %shift_right_arithmetic3A_372 = vector.broadcast %shift_right_arithmetic3A_371 : i32 to vector<16xi32>
        %shift_right_arithmetic3A_373 = arith.shrsi %add3A_370, %shift_right_arithmetic3A_372 : vector<16xi32>
        %and3A_374 = arith.constant 7 : i32
        %and3A_375 = vector.broadcast %and3A_374 : i32 to vector<16xi32>
        %and3A_376 = arith.andi %add3A_370, %and3A_375 : vector<16xi32>
        %gather3A_377 = tpu.vector_load_idx %arg14[%shift_right_arithmetic3A_373, %and3A_376] : memref<128x16xf32, #tpu.memory_space<vmem>>[vector<16xi32>, vector<16xi32>], vector<16xf32>,
        %add3A_378 = arith.constant 8 : i32
        %add3A_379 = vector.broadcast %add3A_378 : i32 to vector<16xi32>
        %add3A_380 = arith.addi %and3A_376, %add3A_379 : vector<16xi32>
        %gather3A_381 = tpu.vector_load_idx %arg16[%shift_right_arithmetic3A_373, %add3A_380] : memref<128x16xf32, #tpu.memory_space<vmem>>[vector<16xi32>, vector<16xi32>], vector<16xf32>,
        %add3A_382 = arith.addf %gather3A_377, %gather3A_381 : vector<16xf32>
        %gt3A_383 = arith.constant 0.000000e+00 : f32
        %gt3A_384 = vector.broadcast %gt3A_383 : f32 to vector<16xf32>
        %gt3A_385 = arith.cmpf ogt, %add3A_382, %gt3A_384 : vector<16xf32>
        %mul3A_386 = arith.constant 2.000000e-01 : f32
        %mul3A_387 = vector.broadcast %mul3A_386 : f32 to vector<16xf32>
        %mul3A_388 = arith.mulf %mul3A_387, %add3A_382 : vector<16xf32>
        %select_n3A_389 = arith.select %gt3A_385, %add3A_382, %mul3A_388 : vector<16xi1>, vector<16xf32>
        %exp3A_390 = math.exp %select_n3A_389 : vector<16xf32>
        tpu.vector_store_idx %arg20[%shift_right_arithmetic3A_373, %and3A_376], %exp3A_390 : memref<128x8xf32, #tpu.memory_space<vmem>>[vector<16xi32>, vector<16xi32>], vector<16xf32>,
        %scan3A_391 = arith.constant 0 : i32
        scf.yield %scan3A_391 : i32
      }
      %scan3A_195 = arith.constant 64 : i32
      %scan3A_196 = arith.constant 0 : i32
      %scan3A_197 = arith.constant 0 : i32
      %scan3A_198 = arith.constant 128 : i32
      %scan3A_199 = arith.addi %scan3A_197, %scan3A_198 : i32
      %scan3A_200 = arith.constant 4 : i32
      %scan3A_201 = scf.for %scan3A_290 = %scan3A_197 to %scan3A_199 step %scan3A_200 iter_args(%scan3A_291 = %scan3A_196) -> (i32)  : i32 {
        %broadcast_in_dim3A_292 = arith.constant 0 : i32
        %broadcast_in_dim3A_293 = vector.broadcast %broadcast_in_dim3A_292 : i32 to vector<16xi32>
        %add3A_294 = vector.broadcast %scan3A_290 : i32 to vector<16xi32>
        %add3A_295 = arith.addi %broadcast_in_dim3A_293, %add3A_294 : vector<16xi32>
        %shift_right_arithmetic3A = arith.constant 2 : i32
        %shift_right_arithmetic3A_296 = vector.broadcast %shift_right_arithmetic3A : i32 to vector<16xi32>
        %shift_right_arithmetic3A_297 = arith.shrsi %iota3A, %shift_right_arithmetic3A_296 : vector<16xi32>
        %add3A_298 = arith.constant 0 : i32
        %add3A_299 = vector.broadcast %add3A_298 : i32 to vector<16xi32>
        %add3A_300 = arith.addi %shift_right_arithmetic3A_297, %add3A_299 : vector<16xi32>
        %gather3A = tpu.vector_load_idx %arg20[%add3A_295, %add3A_300] : memref<128x8xf32, #tpu.memory_space<vmem>>[vector<16xi32>, vector<16xi32>], vector<16xf32>,
        %get3A = arith.index_cast %scan3A_290 : i32 to index
        %get3A_301 = arith.constant 0 : index
        %get3A_302 = tpu.vector_load %arg18[%get3A, %get3A_301] {strides = array<i32>} : memref<128x64xf32, #tpu.memory_space<vmem>>, vector<16xf32>,
        %get3A_303 = arith.index_cast %scan3A_290 : i32 to index
        %get3A_304 = arith.constant 32 : index
        %get3A_305 = tpu.vector_load %arg18[%get3A_303, %get3A_304] {strides = array<i32>} : memref<128x64xf32, #tpu.memory_space<vmem>>, vector<16xf32>,
        %mul3A_306 = arith.mulf %gather3A, %get3A_302 : vector<16xf32>
        %bitcast3A = vector.bitcast %mul3A_306 : vector<16xf32> to vector<16xi32>
        %mul3A_307 = arith.mulf %gather3A, %get3A_305 : vector<16xf32>
        %bitcast3A_308 = vector.bitcast %mul3A_307 : vector<16xf32> to vector<16xi32>
        %add3A_309 = arith.constant 32768 : i32
        %add3A_310 = vector.broadcast %add3A_309 : i32 to vector<16xi32>
        %add3A_311 = arith.addi %bitcast3A, %add3A_310 : vector<16xi32>
        %shift_right_logical3A = arith.constant 16 : i32
        %shift_right_logical3A_312 = vector.broadcast %shift_right_logical3A : i32 to vector<16xi32>
        %shift_right_logical3A_313 = arith.shrui %add3A_311, %shift_right_logical3A_312 : vector<16xi32>
        %add3A_314 = arith.constant 32768 : i32
        %add3A_315 = vector.broadcast %add3A_314 : i32 to vector<16xi32>
        %add3A_316 = arith.addi %bitcast3A_308, %add3A_315 : vector<16xi32>
        %and3A = arith.constant -65536 : i32
        %and3A_317 = vector.broadcast %and3A : i32 to vector<16xi32>
        %and3A_318 = arith.andi %add3A_316, %and3A_317 : vector<16xi32>
        %or3A = arith.ori %shift_right_logical3A_313, %and3A_318 : vector<16xi32>
        %bitcast3A_319 = vector.bitcast %or3A : vector<16xi32> to vector<32xbf16>
        %swap3A = arith.index_cast %scan3A_290 : i32 to index
        %swap3A_320 = arith.constant 0 : index
        %swap3A_321 = tpu.vector_load %arg22[%swap3A, %swap3A_320] {strides = array<i32>} : memref<128x64xbf16, #tpu.memory_space<vmem>>, vector<32xbf16>,
        tpu.vector_store %arg22[%swap3A, %swap3A_320], %bitcast3A_319 {strides = array<i32>} : memref<128x64xbf16, #tpu.memory_space<vmem>>, vector<32xbf16>,
        %shift_right_arithmetic3A_322 = arith.constant 2 : i32
        %shift_right_arithmetic3A_323 = vector.broadcast %shift_right_arithmetic3A_322 : i32 to vector<16xi32>
        %shift_right_arithmetic3A_324 = arith.shrsi %iota3A, %shift_right_arithmetic3A_323 : vector<16xi32>
        %add3A_325 = arith.constant 4 : i32
        %add3A_326 = vector.broadcast %add3A_325 : i32 to vector<16xi32>
        %add3A_327 = arith.addi %shift_right_arithmetic3A_324, %add3A_326 : vector<16xi32>
        %gather3A_328 = tpu.vector_load_idx %arg20[%add3A_295, %add3A_327] : memref<128x8xf32, #tpu.memory_space<vmem>>[vector<16xi32>, vector<16xi32>], vector<16xf32>,
        %get3A_329 = arith.index_cast %scan3A_290 : i32 to index
        %get3A_330 = arith.constant 16 : index
        %get3A_331 = tpu.vector_load %arg18[%get3A_329, %get3A_330] {strides = array<i32>} : memref<128x64xf32, #tpu.memory_space<vmem>>, vector<16xf32>,
        %get3A_332 = arith.index_cast %scan3A_290 : i32 to index
        %get3A_333 = arith.constant 48 : index
        %get3A_334 = tpu.vector_load %arg18[%get3A_332, %get3A_333] {strides = array<i32>} : memref<128x64xf32, #tpu.memory_space<vmem>>, vector<16xf32>,
        %mul3A_335 = arith.mulf %gather3A_328, %get3A_331 : vector<16xf32>
        %bitcast3A_336 = vector.bitcast %mul3A_335 : vector<16xf32> to vector<16xi32>
        %mul3A_337 = arith.mulf %gather3A_328, %get3A_334 : vector<16xf32>
        %bitcast3A_338 = vector.bitcast %mul3A_337 : vector<16xf32> to vector<16xi32>
        %add3A_339 = arith.constant 32768 : i32
        %add3A_340 = vector.broadcast %add3A_339 : i32 to vector<16xi32>
        %add3A_341 = arith.addi %bitcast3A_336, %add3A_340 : vector<16xi32>
        %shift_right_logical3A_342 = arith.constant 16 : i32
        %shift_right_logical3A_343 = vector.broadcast %shift_right_logical3A_342 : i32 to vector<16xi32>
        %shift_right_logical3A_344 = arith.shrui %add3A_341, %shift_right_logical3A_343 : vector<16xi32>
        %add3A_345 = arith.constant 32768 : i32
        %add3A_346 = vector.broadcast %add3A_345 : i32 to vector<16xi32>
        %add3A_347 = arith.addi %bitcast3A_338, %add3A_346 : vector<16xi32>
        %and3A_348 = arith.constant -65536 : i32
        %and3A_349 = vector.broadcast %and3A_348 : i32 to vector<16xi32>
        %and3A_350 = arith.andi %add3A_347, %and3A_349 : vector<16xi32>
        %or3A_351 = arith.ori %shift_right_logical3A_344, %and3A_350 : vector<16xi32>
        %bitcast3A_352 = vector.bitcast %or3A_351 : vector<16xi32> to vector<32xbf16>
        %swap3A_353 = arith.index_cast %scan3A_290 : i32 to index
        %swap3A_354 = arith.constant 32 : index
        %swap3A_355 = tpu.vector_load %arg22[%swap3A_353, %swap3A_354] {strides = array<i32>} : memref<128x64xbf16, #tpu.memory_space<vmem>>, vector<32xbf16>,
        tpu.vector_store %arg22[%swap3A_353, %swap3A_354], %bitcast3A_352 {strides = array<i32>} : memref<128x64xbf16, #tpu.memory_space<vmem>>, vector<32xbf16>,
        %scan3A_356 = arith.constant 0 : i32
        %scan3A_357 = arith.constant 1 : i32
        %scan3A_358 = arith.addi %scan3A_290, %scan3A_357 : i32
        %broadcast_in_dim3A_359 = arith.constant 0 : i32
        %broadcast_in_dim3A_360 = vector.broadcast %broadcast_in_dim3A_359 : i32 to vector<16xi32>
        %add3A_361 = vector.broadcast %scan3A_358 : i32 to vector<16xi32>
        %add3A_362 = arith.addi %broadcast_in_dim3A_360, %add3A_361 : vector<16xi32>
        %shift_right_arithmetic3A_363 = arith.constant 2 : i32
        %shift_right_arithmetic3A_364 = vector.broadcast %shift_right_arithmetic3A_363 : i32 to vector<16xi32>
        %shift_right_arithmetic3A_365 = arith.shrsi %iota3A, %shift_right_arithmetic3A_364 : vector<16xi32>
        %add3A_366 = arith.constant 0 : i32
        %add3A_367 = vector.broadcast %add3A_366 : i32 to vector<16xi32>
        %add3A_368 = arith.addi %shift_right_arithmetic3A_365, %add3A_367 : vector<16xi32>
        %gather3A_369 = tpu.vector_load_idx %arg20[%add3A_362, %add3A_368] : memref<128x8xf32, #tpu.memory_space<vmem>>[vector<16xi32>, vector<16xi32>], vector<16xf32>,
        %get3A_370 = arith.index_cast %scan3A_358 : i32 to index
        %get3A_371 = arith.constant 0 : index
        %get3A_372 = tpu.vector_load %arg18[%get3A_370, %get3A_371] {strides = array<i32>} : memref<128x64xf32, #tpu.memory_space<vmem>>, vector<16xf32>,
        %get3A_373 = arith.index_cast %scan3A_358 : i32 to index
        %get3A_374 = arith.constant 32 : index
        %get3A_375 = tpu.vector_load %arg18[%get3A_373, %get3A_374] {strides = array<i32>} : memref<128x64xf32, #tpu.memory_space<vmem>>, vector<16xf32>,
        %mul3A_376 = arith.mulf %gather3A_369, %get3A_372 : vector<16xf32>
        %bitcast3A_377 = vector.bitcast %mul3A_376 : vector<16xf32> to vector<16xi32>
        %mul3A_378 = arith.mulf %gather3A_369, %get3A_375 : vector<16xf32>
        %bitcast3A_379 = vector.bitcast %mul3A_378 : vector<16xf32> to vector<16xi32>
        %add3A_380 = arith.constant 32768 : i32
        %add3A_381 = vector.broadcast %add3A_380 : i32 to vector<16xi32>
        %add3A_382 = arith.addi %bitcast3A_377, %add3A_381 : vector<16xi32>
        %shift_right_logical3A_383 = arith.constant 16 : i32
        %shift_right_logical3A_384 = vector.broadcast %shift_right_logical3A_383 : i32 to vector<16xi32>
        %shift_right_logical3A_385 = arith.shrui %add3A_382, %shift_right_logical3A_384 : vector<16xi32>
        %add3A_386 = arith.constant 32768 : i32
        %add3A_387 = vector.broadcast %add3A_386 : i32 to vector<16xi32>
        %add3A_388 = arith.addi %bitcast3A_379, %add3A_387 : vector<16xi32>
        %and3A_389 = arith.constant -65536 : i32
        %and3A_390 = vector.broadcast %and3A_389 : i32 to vector<16xi32>
        %and3A_391 = arith.andi %add3A_388, %and3A_390 : vector<16xi32>
        %or3A_392 = arith.ori %shift_right_logical3A_385, %and3A_391 : vector<16xi32>
        %bitcast3A_393 = vector.bitcast %or3A_392 : vector<16xi32> to vector<32xbf16>
        %swap3A_394 = arith.index_cast %scan3A_358 : i32 to index
        %swap3A_395 = arith.constant 0 : index
        %swap3A_396 = tpu.vector_load %arg22[%swap3A_394, %swap3A_395] {strides = array<i32>} : memref<128x64xbf16, #tpu.memory_space<vmem>>, vector<32xbf16>,
        tpu.vector_store %arg22[%swap3A_394, %swap3A_395], %bitcast3A_393 {strides = array<i32>} : memref<128x64xbf16, #tpu.memory_space<vmem>>, vector<32xbf16>,
        %shift_right_arithmetic3A_397 = arith.constant 2 : i32
        %shift_right_arithmetic3A_398 = vector.broadcast %shift_right_arithmetic3A_397 : i32 to vector<16xi32>
        %shift_right_arithmetic3A_399 = arith.shrsi %iota3A, %shift_right_arithmetic3A_398 : vector<16xi32>
        %add3A_400 = arith.constant 4 : i32
        %add3A_401 = vector.broadcast %add3A_400 : i32 to vector<16xi32>
        %add3A_402 = arith.addi %shift_right_arithmetic3A_399, %add3A_401 : vector<16xi32>
        %gather3A_403 = tpu.vector_load_idx %arg20[%add3A_362, %add3A_402] : memref<128x8xf32, #tpu.memory_space<vmem>>[vector<16xi32>, vector<16xi32>], vector<16xf32>,
        %get3A_404 = arith.index_cast %scan3A_358 : i32 to index
        %get3A_405 = arith.constant 16 : index
        %get3A_406 = tpu.vector_load %arg18[%get3A_404, %get3A_405] {strides = array<i32>} : memref<128x64xf32, #tpu.memory_space<vmem>>, vector<16xf32>,
        %get3A_407 = arith.index_cast %scan3A_358 : i32 to index
        %get3A_408 = arith.constant 48 : index
        %get3A_409 = tpu.vector_load %arg18[%get3A_407, %get3A_408] {strides = array<i32>} : memref<128x64xf32, #tpu.memory_space<vmem>>, vector<16xf32>,
        %mul3A_410 = arith.mulf %gather3A_403, %get3A_406 : vector<16xf32>
        %bitcast3A_411 = vector.bitcast %mul3A_410 : vector<16xf32> to vector<16xi32>
        %mul3A_412 = arith.mulf %gather3A_403, %get3A_409 : vector<16xf32>
        %bitcast3A_413 = vector.bitcast %mul3A_412 : vector<16xf32> to vector<16xi32>
        %add3A_414 = arith.constant 32768 : i32
        %add3A_415 = vector.broadcast %add3A_414 : i32 to vector<16xi32>
        %add3A_416 = arith.addi %bitcast3A_411, %add3A_415 : vector<16xi32>
        %shift_right_logical3A_417 = arith.constant 16 : i32
        %shift_right_logical3A_418 = vector.broadcast %shift_right_logical3A_417 : i32 to vector<16xi32>
        %shift_right_logical3A_419 = arith.shrui %add3A_416, %shift_right_logical3A_418 : vector<16xi32>
        %add3A_420 = arith.constant 32768 : i32
        %add3A_421 = vector.broadcast %add3A_420 : i32 to vector<16xi32>
        %add3A_422 = arith.addi %bitcast3A_413, %add3A_421 : vector<16xi32>
        %and3A_423 = arith.constant -65536 : i32
        %and3A_424 = vector.broadcast %and3A_423 : i32 to vector<16xi32>
        %and3A_425 = arith.andi %add3A_422, %and3A_424 : vector<16xi32>
        %or3A_426 = arith.ori %shift_right_logical3A_419, %and3A_425 : vector<16xi32>
        %bitcast3A_427 = vector.bitcast %or3A_426 : vector<16xi32> to vector<32xbf16>
        %swap3A_428 = arith.index_cast %scan3A_358 : i32 to index
        %swap3A_429 = arith.constant 32 : index
        %swap3A_430 = tpu.vector_load %arg22[%swap3A_428, %swap3A_429] {strides = array<i32>} : memref<128x64xbf16, #tpu.memory_space<vmem>>, vector<32xbf16>,
        tpu.vector_store %arg22[%swap3A_428, %swap3A_429], %bitcast3A_427 {strides = array<i32>} : memref<128x64xbf16, #tpu.memory_space<vmem>>, vector<32xbf16>,
        %scan3A_431 = arith.constant 0 : i32
        %scan3A_432 = arith.constant 2 : i32
        %scan3A_433 = arith.addi %scan3A_290, %scan3A_432 : i32
        %broadcast_in_dim3A_434 = arith.constant 0 : i32
        %broadcast_in_dim3A_435 = vector.broadcast %broadcast_in_dim3A_434 : i32 to vector<16xi32>
        %add3A_436 = vector.broadcast %scan3A_433 : i32 to vector<16xi32>
        %add3A_437 = arith.addi %broadcast_in_dim3A_435, %add3A_436 : vector<16xi32>
        %shift_right_arithmetic3A_438 = arith.constant 2 : i32
        %shift_right_arithmetic3A_439 = vector.broadcast %shift_right_arithmetic3A_438 : i32 to vector<16xi32>
        %shift_right_arithmetic3A_440 = arith.shrsi %iota3A, %shift_right_arithmetic3A_439 : vector<16xi32>
        %add3A_441 = arith.constant 0 : i32
        %add3A_442 = vector.broadcast %add3A_441 : i32 to vector<16xi32>
        %add3A_443 = arith.addi %shift_right_arithmetic3A_440, %add3A_442 : vector<16xi32>
        %gather3A_444 = tpu.vector_load_idx %arg20[%add3A_437, %add3A_443] : memref<128x8xf32, #tpu.memory_space<vmem>>[vector<16xi32>, vector<16xi32>], vector<16xf32>,
        %get3A_445 = arith.index_cast %scan3A_433 : i32 to index
        %get3A_446 = arith.constant 0 : index
        %get3A_447 = tpu.vector_load %arg18[%get3A_445, %get3A_446] {strides = array<i32>} : memref<128x64xf32, #tpu.memory_space<vmem>>, vector<16xf32>,
        %get3A_448 = arith.index_cast %scan3A_433 : i32 to index
        %get3A_449 = arith.constant 32 : index
        %get3A_450 = tpu.vector_load %arg18[%get3A_448, %get3A_449] {strides = array<i32>} : memref<128x64xf32, #tpu.memory_space<vmem>>, vector<16xf32>,
        %mul3A_451 = arith.mulf %gather3A_444, %get3A_447 : vector<16xf32>
        %bitcast3A_452 = vector.bitcast %mul3A_451 : vector<16xf32> to vector<16xi32>
        %mul3A_453 = arith.mulf %gather3A_444, %get3A_450 : vector<16xf32>
        %bitcast3A_454 = vector.bitcast %mul3A_453 : vector<16xf32> to vector<16xi32>
        %add3A_455 = arith.constant 32768 : i32
        %add3A_456 = vector.broadcast %add3A_455 : i32 to vector<16xi32>
        %add3A_457 = arith.addi %bitcast3A_452, %add3A_456 : vector<16xi32>
        %shift_right_logical3A_458 = arith.constant 16 : i32
        %shift_right_logical3A_459 = vector.broadcast %shift_right_logical3A_458 : i32 to vector<16xi32>
        %shift_right_logical3A_460 = arith.shrui %add3A_457, %shift_right_logical3A_459 : vector<16xi32>
        %add3A_461 = arith.constant 32768 : i32
        %add3A_462 = vector.broadcast %add3A_461 : i32 to vector<16xi32>
        %add3A_463 = arith.addi %bitcast3A_454, %add3A_462 : vector<16xi32>
        %and3A_464 = arith.constant -65536 : i32
        %and3A_465 = vector.broadcast %and3A_464 : i32 to vector<16xi32>
        %and3A_466 = arith.andi %add3A_463, %and3A_465 : vector<16xi32>
        %or3A_467 = arith.ori %shift_right_logical3A_460, %and3A_466 : vector<16xi32>
        %bitcast3A_468 = vector.bitcast %or3A_467 : vector<16xi32> to vector<32xbf16>
        %swap3A_469 = arith.index_cast %scan3A_433 : i32 to index
        %swap3A_470 = arith.constant 0 : index
        %swap3A_471 = tpu.vector_load %arg22[%swap3A_469, %swap3A_470] {strides = array<i32>} : memref<128x64xbf16, #tpu.memory_space<vmem>>, vector<32xbf16>,
        tpu.vector_store %arg22[%swap3A_469, %swap3A_470], %bitcast3A_468 {strides = array<i32>} : memref<128x64xbf16, #tpu.memory_space<vmem>>, vector<32xbf16>,
        %shift_right_arithmetic3A_472 = arith.constant 2 : i32
        %shift_right_arithmetic3A_473 = vector.broadcast %shift_right_arithmetic3A_472 : i32 to vector<16xi32>
        %shift_right_arithmetic3A_474 = arith.shrsi %iota3A, %shift_right_arithmetic3A_473 : vector<16xi32>
        %add3A_475 = arith.constant 4 : i32
        %add3A_476 = vector.broadcast %add3A_475 : i32 to vector<16xi32>
        %add3A_477 = arith.addi %shift_right_arithmetic3A_474, %add3A_476 : vector<16xi32>
        %gather3A_478 = tpu.vector_load_idx %arg20[%add3A_437, %add3A_477] : memref<128x8xf32, #tpu.memory_space<vmem>>[vector<16xi32>, vector<16xi32>], vector<16xf32>,
        %get3A_479 = arith.index_cast %scan3A_433 : i32 to index
        %get3A_480 = arith.constant 16 : index
        %get3A_481 = tpu.vector_load %arg18[%get3A_479, %get3A_480] {strides = array<i32>} : memref<128x64xf32, #tpu.memory_space<vmem>>, vector<16xf32>,
        %get3A_482 = arith.index_cast %scan3A_433 : i32 to index
        %get3A_483 = arith.constant 48 : index
        %get3A_484 = tpu.vector_load %arg18[%get3A_482, %get3A_483] {strides = array<i32>} : memref<128x64xf32, #tpu.memory_space<vmem>>, vector<16xf32>,
        %mul3A_485 = arith.mulf %gather3A_478, %get3A_481 : vector<16xf32>
        %bitcast3A_486 = vector.bitcast %mul3A_485 : vector<16xf32> to vector<16xi32>
        %mul3A_487 = arith.mulf %gather3A_478, %get3A_484 : vector<16xf32>
        %bitcast3A_488 = vector.bitcast %mul3A_487 : vector<16xf32> to vector<16xi32>
        %add3A_489 = arith.constant 32768 : i32
        %add3A_490 = vector.broadcast %add3A_489 : i32 to vector<16xi32>
        %add3A_491 = arith.addi %bitcast3A_486, %add3A_490 : vector<16xi32>
        %shift_right_logical3A_492 = arith.constant 16 : i32
        %shift_right_logical3A_493 = vector.broadcast %shift_right_logical3A_492 : i32 to vector<16xi32>
        %shift_right_logical3A_494 = arith.shrui %add3A_491, %shift_right_logical3A_493 : vector<16xi32>
        %add3A_495 = arith.constant 32768 : i32
        %add3A_496 = vector.broadcast %add3A_495 : i32 to vector<16xi32>
        %add3A_497 = arith.addi %bitcast3A_488, %add3A_496 : vector<16xi32>
        %and3A_498 = arith.constant -65536 : i32
        %and3A_499 = vector.broadcast %and3A_498 : i32 to vector<16xi32>
        %and3A_500 = arith.andi %add3A_497, %and3A_499 : vector<16xi32>
        %or3A_501 = arith.ori %shift_right_logical3A_494, %and3A_500 : vector<16xi32>
        %bitcast3A_502 = vector.bitcast %or3A_501 : vector<16xi32> to vector<32xbf16>
        %swap3A_503 = arith.index_cast %scan3A_433 : i32 to index
        %swap3A_504 = arith.constant 32 : index
        %swap3A_505 = tpu.vector_load %arg22[%swap3A_503, %swap3A_504] {strides = array<i32>} : memref<128x64xbf16, #tpu.memory_space<vmem>>, vector<32xbf16>,
        tpu.vector_store %arg22[%swap3A_503, %swap3A_504], %bitcast3A_502 {strides = array<i32>} : memref<128x64xbf16, #tpu.memory_space<vmem>>, vector<32xbf16>,
        %scan3A_506 = arith.constant 0 : i32
        %scan3A_507 = arith.constant 3 : i32
        %scan3A_508 = arith.addi %scan3A_290, %scan3A_507 : i32
        %broadcast_in_dim3A_509 = arith.constant 0 : i32
        %broadcast_in_dim3A_510 = vector.broadcast %broadcast_in_dim3A_509 : i32 to vector<16xi32>
        %add3A_511 = vector.broadcast %scan3A_508 : i32 to vector<16xi32>
        %add3A_512 = arith.addi %broadcast_in_dim3A_510, %add3A_511 : vector<16xi32>
        %shift_right_arithmetic3A_513 = arith.constant 2 : i32
        %shift_right_arithmetic3A_514 = vector.broadcast %shift_right_arithmetic3A_513 : i32 to vector<16xi32>
        %shift_right_arithmetic3A_515 = arith.shrsi %iota3A, %shift_right_arithmetic3A_514 : vector<16xi32>
        %add3A_516 = arith.constant 0 : i32
        %add3A_517 = vector.broadcast %add3A_516 : i32 to vector<16xi32>
        %add3A_518 = arith.addi %shift_right_arithmetic3A_515, %add3A_517 : vector<16xi32>
        %gather3A_519 = tpu.vector_load_idx %arg20[%add3A_512, %add3A_518] : memref<128x8xf32, #tpu.memory_space<vmem>>[vector<16xi32>, vector<16xi32>], vector<16xf32>,
        %get3A_520 = arith.index_cast %scan3A_508 : i32 to index
        %get3A_521 = arith.constant 0 : index
        %get3A_522 = tpu.vector_load %arg18[%get3A_520, %get3A_521] {strides = array<i32>} : memref<128x64xf32, #tpu.memory_space<vmem>>, vector<16xf32>,
        %get3A_523 = arith.index_cast %scan3A_508 : i32 to index
        %get3A_524 = arith.constant 32 : index
        %get3A_525 = tpu.vector_load %arg18[%get3A_523, %get3A_524] {strides = array<i32>} : memref<128x64xf32, #tpu.memory_space<vmem>>, vector<16xf32>,
        %mul3A_526 = arith.mulf %gather3A_519, %get3A_522 : vector<16xf32>
        %bitcast3A_527 = vector.bitcast %mul3A_526 : vector<16xf32> to vector<16xi32>
        %mul3A_528 = arith.mulf %gather3A_519, %get3A_525 : vector<16xf32>
        %bitcast3A_529 = vector.bitcast %mul3A_528 : vector<16xf32> to vector<16xi32>
        %add3A_530 = arith.constant 32768 : i32
        %add3A_531 = vector.broadcast %add3A_530 : i32 to vector<16xi32>
        %add3A_532 = arith.addi %bitcast3A_527, %add3A_531 : vector<16xi32>
        %shift_right_logical3A_533 = arith.constant 16 : i32
        %shift_right_logical3A_534 = vector.broadcast %shift_right_logical3A_533 : i32 to vector<16xi32>
        %shift_right_logical3A_535 = arith.shrui %add3A_532, %shift_right_logical3A_534 : vector<16xi32>
        %add3A_536 = arith.constant 32768 : i32
        %add3A_537 = vector.broadcast %add3A_536 : i32 to vector<16xi32>
        %add3A_538 = arith.addi %bitcast3A_529, %add3A_537 : vector<16xi32>
        %and3A_539 = arith.constant -65536 : i32
        %and3A_540 = vector.broadcast %and3A_539 : i32 to vector<16xi32>
        %and3A_541 = arith.andi %add3A_538, %and3A_540 : vector<16xi32>
        %or3A_542 = arith.ori %shift_right_logical3A_535, %and3A_541 : vector<16xi32>
        %bitcast3A_543 = vector.bitcast %or3A_542 : vector<16xi32> to vector<32xbf16>
        %swap3A_544 = arith.index_cast %scan3A_508 : i32 to index
        %swap3A_545 = arith.constant 0 : index
        %swap3A_546 = tpu.vector_load %arg22[%swap3A_544, %swap3A_545] {strides = array<i32>} : memref<128x64xbf16, #tpu.memory_space<vmem>>, vector<32xbf16>,
        tpu.vector_store %arg22[%swap3A_544, %swap3A_545], %bitcast3A_543 {strides = array<i32>} : memref<128x64xbf16, #tpu.memory_space<vmem>>, vector<32xbf16>,
        %shift_right_arithmetic3A_547 = arith.constant 2 : i32
        %shift_right_arithmetic3A_548 = vector.broadcast %shift_right_arithmetic3A_547 : i32 to vector<16xi32>
        %shift_right_arithmetic3A_549 = arith.shrsi %iota3A, %shift_right_arithmetic3A_548 : vector<16xi32>
        %add3A_550 = arith.constant 4 : i32
        %add3A_551 = vector.broadcast %add3A_550 : i32 to vector<16xi32>
        %add3A_552 = arith.addi %shift_right_arithmetic3A_549, %add3A_551 : vector<16xi32>
        %gather3A_553 = tpu.vector_load_idx %arg20[%add3A_512, %add3A_552] : memref<128x8xf32, #tpu.memory_space<vmem>>[vector<16xi32>, vector<16xi32>], vector<16xf32>,
        %get3A_554 = arith.index_cast %scan3A_508 : i32 to index
        %get3A_555 = arith.constant 16 : index
        %get3A_556 = tpu.vector_load %arg18[%get3A_554, %get3A_555] {strides = array<i32>} : memref<128x64xf32, #tpu.memory_space<vmem>>, vector<16xf32>,
        %get3A_557 = arith.index_cast %scan3A_508 : i32 to index
        %get3A_558 = arith.constant 48 : index
        %get3A_559 = tpu.vector_load %arg18[%get3A_557, %get3A_558] {strides = array<i32>} : memref<128x64xf32, #tpu.memory_space<vmem>>, vector<16xf32>,
        %mul3A_560 = arith.mulf %gather3A_553, %get3A_556 : vector<16xf32>
        %bitcast3A_561 = vector.bitcast %mul3A_560 : vector<16xf32> to vector<16xi32>
        %mul3A_562 = arith.mulf %gather3A_553, %get3A_559 : vector<16xf32>
        %bitcast3A_563 = vector.bitcast %mul3A_562 : vector<16xf32> to vector<16xi32>
        %add3A_564 = arith.constant 32768 : i32
        %add3A_565 = vector.broadcast %add3A_564 : i32 to vector<16xi32>
        %add3A_566 = arith.addi %bitcast3A_561, %add3A_565 : vector<16xi32>
        %shift_right_logical3A_567 = arith.constant 16 : i32
        %shift_right_logical3A_568 = vector.broadcast %shift_right_logical3A_567 : i32 to vector<16xi32>
        %shift_right_logical3A_569 = arith.shrui %add3A_566, %shift_right_logical3A_568 : vector<16xi32>
        %add3A_570 = arith.constant 32768 : i32
        %add3A_571 = vector.broadcast %add3A_570 : i32 to vector<16xi32>
        %add3A_572 = arith.addi %bitcast3A_563, %add3A_571 : vector<16xi32>
        %and3A_573 = arith.constant -65536 : i32
        %and3A_574 = vector.broadcast %and3A_573 : i32 to vector<16xi32>
        %and3A_575 = arith.andi %add3A_572, %and3A_574 : vector<16xi32>
        %or3A_576 = arith.ori %shift_right_logical3A_569, %and3A_575 : vector<16xi32>
        %bitcast3A_577 = vector.bitcast %or3A_576 : vector<16xi32> to vector<32xbf16>
        %swap3A_578 = arith.index_cast %scan3A_508 : i32 to index
        %swap3A_579 = arith.constant 32 : index
        %swap3A_580 = tpu.vector_load %arg22[%swap3A_578, %swap3A_579] {strides = array<i32>} : memref<128x64xbf16, #tpu.memory_space<vmem>>, vector<32xbf16>,
        tpu.vector_store %arg22[%swap3A_578, %swap3A_579], %bitcast3A_577 {strides = array<i32>} : memref<128x64xbf16, #tpu.memory_space<vmem>>, vector<32xbf16>,
        %scan3A_581 = arith.constant 0 : i32
        scf.yield %scan3A_581 : i32
      }
      %scan3A_202 = arith.constant 128 : i32
      %dma_start3A_203 = arith.constant 0 : i32
      %dma_start3A_204 = arith.constant 0 : i32
      %dma_start3A_205 = tpu.memref_slice %arg30[%dma_start3A_203, %dma_start3A_204] : memref<10240x8xf32, #tpu.memory_space<vmem_shared>> -> memref<10240x8xf32, #tpu.memory_space<vmem_shared>>
      tpu.enqueue_indirect_dma source(%arg20 : memref<128x8xf32, #tpu.memory_space<vmem>>) target(%dma_start3A_205 : memref<10240x8xf32, #tpu.memory_space<vmem_shared>>) offsets(%arg12 : memref<128xi32, #tpu.memory_space<vmem>>) semaphore(%arg28 : memref<!tpu.dma_semaphore, #tpu.memory_space<semaphore_mem>>) {add = true}
      %dma_start3A_206 = arith.constant 0 : i32
      %dma_start3A_207 = arith.constant 0 : i32
      %dma_start3A_208 = tpu.memref_slice %arg31[%dma_start3A_206, %dma_start3A_207] : memref<10240x64xbf16, #tpu.memory_space<vmem_shared>> -> memref<10240x64xbf16, #tpu.memory_space<vmem_shared>>
      tpu.enqueue_indirect_dma source(%arg22 : memref<128x64xbf16, #tpu.memory_space<vmem>>) target(%dma_start3A_208 : memref<10240x64xbf16, #tpu.memory_space<vmem_shared>>) offsets(%arg12 : memref<128xi32, #tpu.memory_space<vmem>>) semaphore(%arg28 : memref<!tpu.dma_semaphore, #tpu.memory_space<semaphore_mem>>) {add = true}
      %mul3A_209 = arith.constant 2 : i32
      %mul3A_210 = arith.muli %mul3A_209, %scan3A_130 : i32
      %add3A_211 = arith.constant 1 : i32
      %add3A_212 = arith.addi %mul3A_210, %add3A_211 : i32
      %dma_wait3A_213 = arith.constant 0 : i32
      %dma_wait3A_214 = arith.constant 0 : i32
      %dma_wait3A_215 = tpu.memref_slice %arg30[%dma_wait3A_213, %dma_wait3A_214] : memref<10240x8xf32, #tpu.memory_space<vmem_shared>> -> memref<10240x8xf32, #tpu.memory_space<vmem_shared>>
      tpu.wait_indirect_dma semaphore(%arg28 : memref<!tpu.dma_semaphore, #tpu.memory_space<semaphore_mem>>) src(%arg20 : memref<128x8xf32, #tpu.memory_space<vmem>>) dst(%dma_wait3A_215 : memref<10240x8xf32, #tpu.memory_space<vmem_shared>>)
      %dma_wait3A_216 = arith.constant 0 : i32
      %dma_wait3A_217 = arith.constant 0 : i32
      %dma_wait3A_218 = tpu.memref_slice %arg31[%dma_wait3A_216, %dma_wait3A_217] : memref<10240x64xbf16, #tpu.memory_space<vmem_shared>> -> memref<10240x64xbf16, #tpu.memory_space<vmem_shared>>
      tpu.wait_indirect_dma semaphore(%arg28 : memref<!tpu.dma_semaphore, #tpu.memory_space<semaphore_mem>>) src(%arg22 : memref<128x64xbf16, #tpu.memory_space<vmem>>) dst(%dma_wait3A_218 : memref<10240x64xbf16, #tpu.memory_space<vmem_shared>>)
      %add3A_219 = arith.constant 1 : i32
      %add3A_220 = arith.addi %add3A_212, %add3A_219 : i32
      %min3A_221 = arith.constant 81 : i32
      %min3A_222 = arith.minsi %add3A_220, %min3A_221 : i32
      %mul3A_223 = arith.constant 10496 : i32
      %mul3A_224 = arith.muli %add3A, %mul3A_223 : i32
      %mul3A_225 = arith.constant 128 : i32
      %mul3A_226 = arith.muli %min3A_222, %mul3A_225 : i32
      %add3A_227 = arith.addi %mul3A_224, %mul3A_226 : i32
      %dma_start3A_228 = tpu.memref_slice %arg2[%add3A_227] : memref<335872xi32, #tpu.memory_space<hbm>> -> memref<128xi32, #tpu.memory_space<hbm>>
      %dma_start3A_229 = tpu.memref_slice %arg2[%add3A_227] : memref<335872xi32, #tpu.memory_space<hbm>> -> memref<128xi32, #tpu.memory_space<hbm>>
      tpu.enqueue_dma source(%dma_start3A_229 : memref<128xi32, #tpu.memory_space<hbm>>) target(%arg10 : memref<128xi32, #tpu.memory_space<vmem>>) target_semaphore(%arg24 : memref<!tpu.dma_semaphore, #tpu.memory_space<semaphore_mem>>)
      %mul3A_230 = arith.constant 10496 : i32
      %mul3A_231 = arith.muli %add3A, %mul3A_230 : i32
      %mul3A_232 = arith.constant 128 : i32
      %mul3A_233 = arith.muli %min3A_222, %mul3A_232 : i32
      %add3A_234 = arith.addi %mul3A_231, %mul3A_233 : i32
      %dma_start3A_235 = tpu.memref_slice %arg3[%add3A_234] : memref<335872xi32, #tpu.memory_space<hbm>> -> memref<128xi32, #tpu.memory_space<hbm>>
      %dma_start3A_236 = tpu.memref_slice %arg3[%add3A_234] : memref<335872xi32, #tpu.memory_space<hbm>> -> memref<128xi32, #tpu.memory_space<hbm>>
      tpu.enqueue_dma source(%dma_start3A_236 : memref<128xi32, #tpu.memory_space<hbm>>) target(%arg12 : memref<128xi32, #tpu.memory_space<vmem>>) target_semaphore(%arg24 : memref<!tpu.dma_semaphore, #tpu.memory_space<semaphore_mem>>)
      %dma_wait3A_237 = arith.constant 0 : i32
      %dma_wait3A_238 = arith.constant 0 : i32
      %dma_wait3A_239 = tpu.memref_slice %arg4[%dma_wait3A_237, %dma_wait3A_238] : memref<10240x16xf32, #tpu.memory_space<hbm>> -> memref<10240x16xf32, #tpu.memory_space<hbm>>
      tpu.wait_indirect_dma semaphore(%arg27 : memref<!tpu.dma_semaphore, #tpu.memory_space<semaphore_mem>>) src(%dma_wait3A_239 : memref<10240x16xf32, #tpu.memory_space<hbm>>) dst(%arg15 : memref<128x16xf32, #tpu.memory_space<vmem>>)
      %dma_wait3A_240 = arith.constant 0 : i32
      %dma_wait3A_241 = arith.constant 0 : i32
      %dma_wait3A_242 = tpu.memref_slice %arg4[%dma_wait3A_240, %dma_wait3A_241] : memref<10240x16xf32, #tpu.memory_space<hbm>> -> memref<10240x16xf32, #tpu.memory_space<hbm>>
      tpu.wait_indirect_dma semaphore(%arg27 : memref<!tpu.dma_semaphore, #tpu.memory_space<semaphore_mem>>) src(%dma_wait3A_242 : memref<10240x16xf32, #tpu.memory_space<hbm>>) dst(%arg17 : memref<128x16xf32, #tpu.memory_space<vmem>>)
      %dma_wait3A_243 = arith.constant 0 : i32
      %dma_wait3A_244 = arith.constant 0 : i32
      %dma_wait3A_245 = tpu.memref_slice %arg5[%dma_wait3A_243, %dma_wait3A_244] : memref<10240x64xf32, #tpu.memory_space<hbm>> -> memref<10240x64xf32, #tpu.memory_space<hbm>>
      tpu.wait_indirect_dma semaphore(%arg27 : memref<!tpu.dma_semaphore, #tpu.memory_space<semaphore_mem>>) src(%dma_wait3A_245 : memref<10240x64xf32, #tpu.memory_space<hbm>>) dst(%arg19 : memref<128x64xf32, #tpu.memory_space<vmem>>)
      %mul3A_246 = arith.constant 10496 : i32
      %mul3A_247 = arith.muli %add3A, %mul3A_246 : i32
      %mul3A_248 = arith.constant 128 : i32
      %mul3A_249 = arith.muli %min3A_222, %mul3A_248 : i32
      %add3A_250 = arith.addi %mul3A_247, %mul3A_249 : i32
      %dma_wait3A_251 = tpu.memref_slice %arg2[%add3A_250] : memref<335872xi32, #tpu.memory_space<hbm>> -> memref<128xi32, #tpu.memory_space<hbm>>
      %dma_wait3A_252 = tpu.memref_slice %arg2[%add3A_250] : memref<335872xi32, #tpu.memory_space<hbm>> -> memref<128xi32, #tpu.memory_space<hbm>>
      tpu.wait_dma2 semaphore(%arg24 : memref<!tpu.dma_semaphore, #tpu.memory_space<semaphore_mem>>) src(%dma_wait3A_252 : memref<128xi32, #tpu.memory_space<hbm>>) dst(%arg10 : memref<128xi32, #tpu.memory_space<vmem>>)
      %mul3A_253 = arith.constant 10496 : i32
      %mul3A_254 = arith.muli %add3A, %mul3A_253 : i32
      %mul3A_255 = arith.constant 128 : i32
      %mul3A_256 = arith.muli %min3A_222, %mul3A_255 : i32
      %add3A_257 = arith.addi %mul3A_254, %mul3A_256 : i32
      %dma_wait3A_258 = tpu.memref_slice %arg3[%add3A_257] : memref<335872xi32, #tpu.memory_space<hbm>> -> memref<128xi32, #tpu.memory_space<hbm>>
      %dma_wait3A_259 = tpu.memref_slice %arg3[%add3A_257] : memref<335872xi32, #tpu.memory_space<hbm>> -> memref<128xi32, #tpu.memory_space<hbm>>
      tpu.wait_dma2 semaphore(%arg24 : memref<!tpu.dma_semaphore, #tpu.memory_space<semaphore_mem>>) src(%dma_wait3A_259 : memref<128xi32, #tpu.memory_space<hbm>>) dst(%arg12 : memref<128xi32, #tpu.memory_space<vmem>>)
      %dma_start3A_260 = arith.constant 0 : i32
      %dma_start3A_261 = arith.constant 0 : i32
      %dma_start3A_262 = tpu.memref_slice %arg4[%dma_start3A_260, %dma_start3A_261] : memref<10240x16xf32, #tpu.memory_space<hbm>> -> memref<10240x16xf32, #tpu.memory_space<hbm>>
      tpu.enqueue_indirect_dma source(%dma_start3A_262 : memref<10240x16xf32, #tpu.memory_space<hbm>>) target(%arg14 : memref<128x16xf32, #tpu.memory_space<vmem>>) offsets(%arg10 : memref<128xi32, #tpu.memory_space<vmem>>) semaphore(%arg26 : memref<!tpu.dma_semaphore, #tpu.memory_space<semaphore_mem>>)
      %dma_start3A_263 = arith.constant 0 : i32
      %dma_start3A_264 = arith.constant 0 : i32
      %dma_start3A_265 = tpu.memref_slice %arg4[%dma_start3A_263, %dma_start3A_264] : memref<10240x16xf32, #tpu.memory_space<hbm>> -> memref<10240x16xf32, #tpu.memory_space<hbm>>
      tpu.enqueue_indirect_dma source(%dma_start3A_265 : memref<10240x16xf32, #tpu.memory_space<hbm>>) target(%arg16 : memref<128x16xf32, #tpu.memory_space<vmem>>) offsets(%arg12 : memref<128xi32, #tpu.memory_space<vmem>>) semaphore(%arg26 : memref<!tpu.dma_semaphore, #tpu.memory_space<semaphore_mem>>)
      %dma_start3A_266 = arith.constant 0 : i32
      %dma_start3A_267 = arith.constant 0 : i32
      %dma_start3A_268 = tpu.memref_slice %arg5[%dma_start3A_266, %dma_start3A_267] : memref<10240x64xf32, #tpu.memory_space<hbm>> -> memref<10240x64xf32, #tpu.memory_space<hbm>>
      tpu.enqueue_indirect_dma source(%dma_start3A_268 : memref<10240x64xf32, #tpu.memory_space<hbm>>) target(%arg18 : memref<128x64xf32, #tpu.memory_space<vmem>>) offsets(%arg10 : memref<128xi32, #tpu.memory_space<vmem>>) semaphore(%arg26 : memref<!tpu.dma_semaphore, #tpu.memory_space<semaphore_mem>>)
      %scan3A_269 = arith.constant 0 : i32
      %scan3A_270 = arith.constant 0 : i32
      %scan3A_271 = arith.constant 64 : i32
      %scan3A_272 = arith.addi %scan3A_270, %scan3A_271 : i32
      %scan3A_273 = arith.constant 4 : i32
      %scan3A_274 = scf.for %scan3A_290 = %scan3A_270 to %scan3A_272 step %scan3A_273 iter_args(%scan3A_291 = %scan3A_269) -> (i32)  : i32 {
        %mul3A_292 = arith.constant 16 : i32
        %mul3A_293 = arith.muli %scan3A_290, %mul3A_292 : i32
        %add3A_294 = vector.broadcast %mul3A_293 : i32 to vector<16xi32>
        %add3A_295 = arith.addi %add3A_294, %iota3A : vector<16xi32>
        %shift_right_arithmetic3A = arith.constant 3 : i32
        %shift_right_arithmetic3A_296 = vector.broadcast %shift_right_arithmetic3A : i32 to vector<16xi32>
        %shift_right_arithmetic3A_297 = arith.shrsi %add3A_295, %shift_right_arithmetic3A_296 : vector<16xi32>
        %and3A = arith.constant 7 : i32
        %and3A_298 = vector.broadcast %and3A : i32 to vector<16xi32>
        %and3A_299 = arith.andi %add3A_295, %and3A_298 : vector<16xi32>
        %gather3A = tpu.vector_load_idx %arg15[%shift_right_arithmetic3A_297, %and3A_299] : memref<128x16xf32, #tpu.memory_space<vmem>>[vector<16xi32>, vector<16xi32>], vector<16xf32>,
        %add3A_300 = arith.constant 8 : i32
        %add3A_301 = vector.broadcast %add3A_300 : i32 to vector<16xi32>
        %add3A_302 = arith.addi %and3A_299, %add3A_301 : vector<16xi32>
        %gather3A_303 = tpu.vector_load_idx %arg17[%shift_right_arithmetic3A_297, %add3A_302] : memref<128x16xf32, #tpu.memory_space<vmem>>[vector<16xi32>, vector<16xi32>], vector<16xf32>,
        %add3A_304 = arith.addf %gather3A, %gather3A_303 : vector<16xf32>
        %gt3A = arith.constant 0.000000e+00 : f32
        %gt3A_305 = vector.broadcast %gt3A : f32 to vector<16xf32>
        %gt3A_306 = arith.cmpf ogt, %add3A_304, %gt3A_305 : vector<16xf32>
        %mul3A_307 = arith.constant 2.000000e-01 : f32
        %mul3A_308 = vector.broadcast %mul3A_307 : f32 to vector<16xf32>
        %mul3A_309 = arith.mulf %mul3A_308, %add3A_304 : vector<16xf32>
        %select_n3A = arith.select %gt3A_306, %add3A_304, %mul3A_309 : vector<16xi1>, vector<16xf32>
        %exp3A = math.exp %select_n3A : vector<16xf32>
        tpu.vector_store_idx %arg21[%shift_right_arithmetic3A_297, %and3A_299], %exp3A : memref<128x8xf32, #tpu.memory_space<vmem>>[vector<16xi32>, vector<16xi32>], vector<16xf32>,
        %scan3A_310 = arith.constant 0 : i32
        %scan3A_311 = arith.constant 1 : i32
        %scan3A_312 = arith.addi %scan3A_290, %scan3A_311 : i32
        %mul3A_313 = arith.constant 16 : i32
        %mul3A_314 = arith.muli %scan3A_312, %mul3A_313 : i32
        %add3A_315 = vector.broadcast %mul3A_314 : i32 to vector<16xi32>
        %add3A_316 = arith.addi %add3A_315, %iota3A : vector<16xi32>
        %shift_right_arithmetic3A_317 = arith.constant 3 : i32
        %shift_right_arithmetic3A_318 = vector.broadcast %shift_right_arithmetic3A_317 : i32 to vector<16xi32>
        %shift_right_arithmetic3A_319 = arith.shrsi %add3A_316, %shift_right_arithmetic3A_318 : vector<16xi32>
        %and3A_320 = arith.constant 7 : i32
        %and3A_321 = vector.broadcast %and3A_320 : i32 to vector<16xi32>
        %and3A_322 = arith.andi %add3A_316, %and3A_321 : vector<16xi32>
        %gather3A_323 = tpu.vector_load_idx %arg15[%shift_right_arithmetic3A_319, %and3A_322] : memref<128x16xf32, #tpu.memory_space<vmem>>[vector<16xi32>, vector<16xi32>], vector<16xf32>,
        %add3A_324 = arith.constant 8 : i32
        %add3A_325 = vector.broadcast %add3A_324 : i32 to vector<16xi32>
        %add3A_326 = arith.addi %and3A_322, %add3A_325 : vector<16xi32>
        %gather3A_327 = tpu.vector_load_idx %arg17[%shift_right_arithmetic3A_319, %add3A_326] : memref<128x16xf32, #tpu.memory_space<vmem>>[vector<16xi32>, vector<16xi32>], vector<16xf32>,
        %add3A_328 = arith.addf %gather3A_323, %gather3A_327 : vector<16xf32>
        %gt3A_329 = arith.constant 0.000000e+00 : f32
        %gt3A_330 = vector.broadcast %gt3A_329 : f32 to vector<16xf32>
        %gt3A_331 = arith.cmpf ogt, %add3A_328, %gt3A_330 : vector<16xf32>
        %mul3A_332 = arith.constant 2.000000e-01 : f32
        %mul3A_333 = vector.broadcast %mul3A_332 : f32 to vector<16xf32>
        %mul3A_334 = arith.mulf %mul3A_333, %add3A_328 : vector<16xf32>
        %select_n3A_335 = arith.select %gt3A_331, %add3A_328, %mul3A_334 : vector<16xi1>, vector<16xf32>
        %exp3A_336 = math.exp %select_n3A_335 : vector<16xf32>
        tpu.vector_store_idx %arg21[%shift_right_arithmetic3A_319, %and3A_322], %exp3A_336 : memref<128x8xf32, #tpu.memory_space<vmem>>[vector<16xi32>, vector<16xi32>], vector<16xf32>,
        %scan3A_337 = arith.constant 0 : i32
        %scan3A_338 = arith.constant 2 : i32
        %scan3A_339 = arith.addi %scan3A_290, %scan3A_338 : i32
        %mul3A_340 = arith.constant 16 : i32
        %mul3A_341 = arith.muli %scan3A_339, %mul3A_340 : i32
        %add3A_342 = vector.broadcast %mul3A_341 : i32 to vector<16xi32>
        %add3A_343 = arith.addi %add3A_342, %iota3A : vector<16xi32>
        %shift_right_arithmetic3A_344 = arith.constant 3 : i32
        %shift_right_arithmetic3A_345 = vector.broadcast %shift_right_arithmetic3A_344 : i32 to vector<16xi32>
        %shift_right_arithmetic3A_346 = arith.shrsi %add3A_343, %shift_right_arithmetic3A_345 : vector<16xi32>
        %and3A_347 = arith.constant 7 : i32
        %and3A_348 = vector.broadcast %and3A_347 : i32 to vector<16xi32>
        %and3A_349 = arith.andi %add3A_343, %and3A_348 : vector<16xi32>
        %gather3A_350 = tpu.vector_load_idx %arg15[%shift_right_arithmetic3A_346, %and3A_349] : memref<128x16xf32, #tpu.memory_space<vmem>>[vector<16xi32>, vector<16xi32>], vector<16xf32>,
        %add3A_351 = arith.constant 8 : i32
        %add3A_352 = vector.broadcast %add3A_351 : i32 to vector<16xi32>
        %add3A_353 = arith.addi %and3A_349, %add3A_352 : vector<16xi32>
        %gather3A_354 = tpu.vector_load_idx %arg17[%shift_right_arithmetic3A_346, %add3A_353] : memref<128x16xf32, #tpu.memory_space<vmem>>[vector<16xi32>, vector<16xi32>], vector<16xf32>,
        %add3A_355 = arith.addf %gather3A_350, %gather3A_354 : vector<16xf32>
        %gt3A_356 = arith.constant 0.000000e+00 : f32
        %gt3A_357 = vector.broadcast %gt3A_356 : f32 to vector<16xf32>
        %gt3A_358 = arith.cmpf ogt, %add3A_355, %gt3A_357 : vector<16xf32>
        %mul3A_359 = arith.constant 2.000000e-01 : f32
        %mul3A_360 = vector.broadcast %mul3A_359 : f32 to vector<16xf32>
        %mul3A_361 = arith.mulf %mul3A_360, %add3A_355 : vector<16xf32>
        %select_n3A_362 = arith.select %gt3A_358, %add3A_355, %mul3A_361 : vector<16xi1>, vector<16xf32>
        %exp3A_363 = math.exp %select_n3A_362 : vector<16xf32>
        tpu.vector_store_idx %arg21[%shift_right_arithmetic3A_346, %and3A_349], %exp3A_363 : memref<128x8xf32, #tpu.memory_space<vmem>>[vector<16xi32>, vector<16xi32>], vector<16xf32>,
        %scan3A_364 = arith.constant 0 : i32
        %scan3A_365 = arith.constant 3 : i32
        %scan3A_366 = arith.addi %scan3A_290, %scan3A_365 : i32
        %mul3A_367 = arith.constant 16 : i32
        %mul3A_368 = arith.muli %scan3A_366, %mul3A_367 : i32
        %add3A_369 = vector.broadcast %mul3A_368 : i32 to vector<16xi32>
        %add3A_370 = arith.addi %add3A_369, %iota3A : vector<16xi32>
        %shift_right_arithmetic3A_371 = arith.constant 3 : i32
        %shift_right_arithmetic3A_372 = vector.broadcast %shift_right_arithmetic3A_371 : i32 to vector<16xi32>
        %shift_right_arithmetic3A_373 = arith.shrsi %add3A_370, %shift_right_arithmetic3A_372 : vector<16xi32>
        %and3A_374 = arith.constant 7 : i32
        %and3A_375 = vector.broadcast %and3A_374 : i32 to vector<16xi32>
        %and3A_376 = arith.andi %add3A_370, %and3A_375 : vector<16xi32>
        %gather3A_377 = tpu.vector_load_idx %arg15[%shift_right_arithmetic3A_373, %and3A_376] : memref<128x16xf32, #tpu.memory_space<vmem>>[vector<16xi32>, vector<16xi32>], vector<16xf32>,
        %add3A_378 = arith.constant 8 : i32
        %add3A_379 = vector.broadcast %add3A_378 : i32 to vector<16xi32>
        %add3A_380 = arith.addi %and3A_376, %add3A_379 : vector<16xi32>
        %gather3A_381 = tpu.vector_load_idx %arg17[%shift_right_arithmetic3A_373, %add3A_380] : memref<128x16xf32, #tpu.memory_space<vmem>>[vector<16xi32>, vector<16xi32>], vector<16xf32>,
        %add3A_382 = arith.addf %gather3A_377, %gather3A_381 : vector<16xf32>
        %gt3A_383 = arith.constant 0.000000e+00 : f32
        %gt3A_384 = vector.broadcast %gt3A_383 : f32 to vector<16xf32>
        %gt3A_385 = arith.cmpf ogt, %add3A_382, %gt3A_384 : vector<16xf32>
        %mul3A_386 = arith.constant 2.000000e-01 : f32
        %mul3A_387 = vector.broadcast %mul3A_386 : f32 to vector<16xf32>
        %mul3A_388 = arith.mulf %mul3A_387, %add3A_382 : vector<16xf32>
        %select_n3A_389 = arith.select %gt3A_385, %add3A_382, %mul3A_388 : vector<16xi1>, vector<16xf32>
        %exp3A_390 = math.exp %select_n3A_389 : vector<16xf32>
        tpu.vector_store_idx %arg21[%shift_right_arithmetic3A_373, %and3A_376], %exp3A_390 : memref<128x8xf32, #tpu.memory_space<vmem>>[vector<16xi32>, vector<16xi32>], vector<16xf32>,
        %scan3A_391 = arith.constant 0 : i32
        scf.yield %scan3A_391 : i32
      }
      %scan3A_275 = arith.constant 64 : i32
      %scan3A_276 = arith.constant 0 : i32
      %scan3A_277 = arith.constant 0 : i32
      %scan3A_278 = arith.constant 128 : i32
      %scan3A_279 = arith.addi %scan3A_277, %scan3A_278 : i32
      %scan3A_280 = arith.constant 4 : i32
      %scan3A_281 = scf.for %scan3A_290 = %scan3A_277 to %scan3A_279 step %scan3A_280 iter_args(%scan3A_291 = %scan3A_276) -> (i32)  : i32 {
        %broadcast_in_dim3A_292 = arith.constant 0 : i32
        %broadcast_in_dim3A_293 = vector.broadcast %broadcast_in_dim3A_292 : i32 to vector<16xi32>
        %add3A_294 = vector.broadcast %scan3A_290 : i32 to vector<16xi32>
        %add3A_295 = arith.addi %broadcast_in_dim3A_293, %add3A_294 : vector<16xi32>
        %shift_right_arithmetic3A = arith.constant 2 : i32
        %shift_right_arithmetic3A_296 = vector.broadcast %shift_right_arithmetic3A : i32 to vector<16xi32>
        %shift_right_arithmetic3A_297 = arith.shrsi %iota3A, %shift_right_arithmetic3A_296 : vector<16xi32>
        %add3A_298 = arith.constant 0 : i32
        %add3A_299 = vector.broadcast %add3A_298 : i32 to vector<16xi32>
        %add3A_300 = arith.addi %shift_right_arithmetic3A_297, %add3A_299 : vector<16xi32>
        %gather3A = tpu.vector_load_idx %arg21[%add3A_295, %add3A_300] : memref<128x8xf32, #tpu.memory_space<vmem>>[vector<16xi32>, vector<16xi32>], vector<16xf32>,
        %get3A = arith.index_cast %scan3A_290 : i32 to index
        %get3A_301 = arith.constant 0 : index
        %get3A_302 = tpu.vector_load %arg19[%get3A, %get3A_301] {strides = array<i32>} : memref<128x64xf32, #tpu.memory_space<vmem>>, vector<16xf32>,
        %get3A_303 = arith.index_cast %scan3A_290 : i32 to index
        %get3A_304 = arith.constant 32 : index
        %get3A_305 = tpu.vector_load %arg19[%get3A_303, %get3A_304] {strides = array<i32>} : memref<128x64xf32, #tpu.memory_space<vmem>>, vector<16xf32>,
        %mul3A_306 = arith.mulf %gather3A, %get3A_302 : vector<16xf32>
        %bitcast3A = vector.bitcast %mul3A_306 : vector<16xf32> to vector<16xi32>
        %mul3A_307 = arith.mulf %gather3A, %get3A_305 : vector<16xf32>
        %bitcast3A_308 = vector.bitcast %mul3A_307 : vector<16xf32> to vector<16xi32>
        %add3A_309 = arith.constant 32768 : i32
        %add3A_310 = vector.broadcast %add3A_309 : i32 to vector<16xi32>
        %add3A_311 = arith.addi %bitcast3A, %add3A_310 : vector<16xi32>
        %shift_right_logical3A = arith.constant 16 : i32
        %shift_right_logical3A_312 = vector.broadcast %shift_right_logical3A : i32 to vector<16xi32>
        %shift_right_logical3A_313 = arith.shrui %add3A_311, %shift_right_logical3A_312 : vector<16xi32>
        %add3A_314 = arith.constant 32768 : i32
        %add3A_315 = vector.broadcast %add3A_314 : i32 to vector<16xi32>
        %add3A_316 = arith.addi %bitcast3A_308, %add3A_315 : vector<16xi32>
        %and3A = arith.constant -65536 : i32
        %and3A_317 = vector.broadcast %and3A : i32 to vector<16xi32>
        %and3A_318 = arith.andi %add3A_316, %and3A_317 : vector<16xi32>
        %or3A = arith.ori %shift_right_logical3A_313, %and3A_318 : vector<16xi32>
        %bitcast3A_319 = vector.bitcast %or3A : vector<16xi32> to vector<32xbf16>
        %swap3A = arith.index_cast %scan3A_290 : i32 to index
        %swap3A_320 = arith.constant 0 : index
        %swap3A_321 = tpu.vector_load %arg23[%swap3A, %swap3A_320] {strides = array<i32>} : memref<128x64xbf16, #tpu.memory_space<vmem>>, vector<32xbf16>,
        tpu.vector_store %arg23[%swap3A, %swap3A_320], %bitcast3A_319 {strides = array<i32>} : memref<128x64xbf16, #tpu.memory_space<vmem>>, vector<32xbf16>,
        %shift_right_arithmetic3A_322 = arith.constant 2 : i32
        %shift_right_arithmetic3A_323 = vector.broadcast %shift_right_arithmetic3A_322 : i32 to vector<16xi32>
        %shift_right_arithmetic3A_324 = arith.shrsi %iota3A, %shift_right_arithmetic3A_323 : vector<16xi32>
        %add3A_325 = arith.constant 4 : i32
        %add3A_326 = vector.broadcast %add3A_325 : i32 to vector<16xi32>
        %add3A_327 = arith.addi %shift_right_arithmetic3A_324, %add3A_326 : vector<16xi32>
        %gather3A_328 = tpu.vector_load_idx %arg21[%add3A_295, %add3A_327] : memref<128x8xf32, #tpu.memory_space<vmem>>[vector<16xi32>, vector<16xi32>], vector<16xf32>,
        %get3A_329 = arith.index_cast %scan3A_290 : i32 to index
        %get3A_330 = arith.constant 16 : index
        %get3A_331 = tpu.vector_load %arg19[%get3A_329, %get3A_330] {strides = array<i32>} : memref<128x64xf32, #tpu.memory_space<vmem>>, vector<16xf32>,
        %get3A_332 = arith.index_cast %scan3A_290 : i32 to index
        %get3A_333 = arith.constant 48 : index
        %get3A_334 = tpu.vector_load %arg19[%get3A_332, %get3A_333] {strides = array<i32>} : memref<128x64xf32, #tpu.memory_space<vmem>>, vector<16xf32>,
        %mul3A_335 = arith.mulf %gather3A_328, %get3A_331 : vector<16xf32>
        %bitcast3A_336 = vector.bitcast %mul3A_335 : vector<16xf32> to vector<16xi32>
        %mul3A_337 = arith.mulf %gather3A_328, %get3A_334 : vector<16xf32>
        %bitcast3A_338 = vector.bitcast %mul3A_337 : vector<16xf32> to vector<16xi32>
        %add3A_339 = arith.constant 32768 : i32
        %add3A_340 = vector.broadcast %add3A_339 : i32 to vector<16xi32>
        %add3A_341 = arith.addi %bitcast3A_336, %add3A_340 : vector<16xi32>
        %shift_right_logical3A_342 = arith.constant 16 : i32
        %shift_right_logical3A_343 = vector.broadcast %shift_right_logical3A_342 : i32 to vector<16xi32>
        %shift_right_logical3A_344 = arith.shrui %add3A_341, %shift_right_logical3A_343 : vector<16xi32>
        %add3A_345 = arith.constant 32768 : i32
        %add3A_346 = vector.broadcast %add3A_345 : i32 to vector<16xi32>
        %add3A_347 = arith.addi %bitcast3A_338, %add3A_346 : vector<16xi32>
        %and3A_348 = arith.constant -65536 : i32
        %and3A_349 = vector.broadcast %and3A_348 : i32 to vector<16xi32>
        %and3A_350 = arith.andi %add3A_347, %and3A_349 : vector<16xi32>
        %or3A_351 = arith.ori %shift_right_logical3A_344, %and3A_350 : vector<16xi32>
        %bitcast3A_352 = vector.bitcast %or3A_351 : vector<16xi32> to vector<32xbf16>
        %swap3A_353 = arith.index_cast %scan3A_290 : i32 to index
        %swap3A_354 = arith.constant 32 : index
        %swap3A_355 = tpu.vector_load %arg23[%swap3A_353, %swap3A_354] {strides = array<i32>} : memref<128x64xbf16, #tpu.memory_space<vmem>>, vector<32xbf16>,
        tpu.vector_store %arg23[%swap3A_353, %swap3A_354], %bitcast3A_352 {strides = array<i32>} : memref<128x64xbf16, #tpu.memory_space<vmem>>, vector<32xbf16>,
        %scan3A_356 = arith.constant 0 : i32
        %scan3A_357 = arith.constant 1 : i32
        %scan3A_358 = arith.addi %scan3A_290, %scan3A_357 : i32
        %broadcast_in_dim3A_359 = arith.constant 0 : i32
        %broadcast_in_dim3A_360 = vector.broadcast %broadcast_in_dim3A_359 : i32 to vector<16xi32>
        %add3A_361 = vector.broadcast %scan3A_358 : i32 to vector<16xi32>
        %add3A_362 = arith.addi %broadcast_in_dim3A_360, %add3A_361 : vector<16xi32>
        %shift_right_arithmetic3A_363 = arith.constant 2 : i32
        %shift_right_arithmetic3A_364 = vector.broadcast %shift_right_arithmetic3A_363 : i32 to vector<16xi32>
        %shift_right_arithmetic3A_365 = arith.shrsi %iota3A, %shift_right_arithmetic3A_364 : vector<16xi32>
        %add3A_366 = arith.constant 0 : i32
        %add3A_367 = vector.broadcast %add3A_366 : i32 to vector<16xi32>
        %add3A_368 = arith.addi %shift_right_arithmetic3A_365, %add3A_367 : vector<16xi32>
        %gather3A_369 = tpu.vector_load_idx %arg21[%add3A_362, %add3A_368] : memref<128x8xf32, #tpu.memory_space<vmem>>[vector<16xi32>, vector<16xi32>], vector<16xf32>,
        %get3A_370 = arith.index_cast %scan3A_358 : i32 to index
        %get3A_371 = arith.constant 0 : index
        %get3A_372 = tpu.vector_load %arg19[%get3A_370, %get3A_371] {strides = array<i32>} : memref<128x64xf32, #tpu.memory_space<vmem>>, vector<16xf32>,
        %get3A_373 = arith.index_cast %scan3A_358 : i32 to index
        %get3A_374 = arith.constant 32 : index
        %get3A_375 = tpu.vector_load %arg19[%get3A_373, %get3A_374] {strides = array<i32>} : memref<128x64xf32, #tpu.memory_space<vmem>>, vector<16xf32>,
        %mul3A_376 = arith.mulf %gather3A_369, %get3A_372 : vector<16xf32>
        %bitcast3A_377 = vector.bitcast %mul3A_376 : vector<16xf32> to vector<16xi32>
        %mul3A_378 = arith.mulf %gather3A_369, %get3A_375 : vector<16xf32>
        %bitcast3A_379 = vector.bitcast %mul3A_378 : vector<16xf32> to vector<16xi32>
        %add3A_380 = arith.constant 32768 : i32
        %add3A_381 = vector.broadcast %add3A_380 : i32 to vector<16xi32>
        %add3A_382 = arith.addi %bitcast3A_377, %add3A_381 : vector<16xi32>
        %shift_right_logical3A_383 = arith.constant 16 : i32
        %shift_right_logical3A_384 = vector.broadcast %shift_right_logical3A_383 : i32 to vector<16xi32>
        %shift_right_logical3A_385 = arith.shrui %add3A_382, %shift_right_logical3A_384 : vector<16xi32>
        %add3A_386 = arith.constant 32768 : i32
        %add3A_387 = vector.broadcast %add3A_386 : i32 to vector<16xi32>
        %add3A_388 = arith.addi %bitcast3A_379, %add3A_387 : vector<16xi32>
        %and3A_389 = arith.constant -65536 : i32
        %and3A_390 = vector.broadcast %and3A_389 : i32 to vector<16xi32>
        %and3A_391 = arith.andi %add3A_388, %and3A_390 : vector<16xi32>
        %or3A_392 = arith.ori %shift_right_logical3A_385, %and3A_391 : vector<16xi32>
        %bitcast3A_393 = vector.bitcast %or3A_392 : vector<16xi32> to vector<32xbf16>
        %swap3A_394 = arith.index_cast %scan3A_358 : i32 to index
        %swap3A_395 = arith.constant 0 : index
        %swap3A_396 = tpu.vector_load %arg23[%swap3A_394, %swap3A_395] {strides = array<i32>} : memref<128x64xbf16, #tpu.memory_space<vmem>>, vector<32xbf16>,
        tpu.vector_store %arg23[%swap3A_394, %swap3A_395], %bitcast3A_393 {strides = array<i32>} : memref<128x64xbf16, #tpu.memory_space<vmem>>, vector<32xbf16>,
        %shift_right_arithmetic3A_397 = arith.constant 2 : i32
        %shift_right_arithmetic3A_398 = vector.broadcast %shift_right_arithmetic3A_397 : i32 to vector<16xi32>
        %shift_right_arithmetic3A_399 = arith.shrsi %iota3A, %shift_right_arithmetic3A_398 : vector<16xi32>
        %add3A_400 = arith.constant 4 : i32
        %add3A_401 = vector.broadcast %add3A_400 : i32 to vector<16xi32>
        %add3A_402 = arith.addi %shift_right_arithmetic3A_399, %add3A_401 : vector<16xi32>
        %gather3A_403 = tpu.vector_load_idx %arg21[%add3A_362, %add3A_402] : memref<128x8xf32, #tpu.memory_space<vmem>>[vector<16xi32>, vector<16xi32>], vector<16xf32>,
        %get3A_404 = arith.index_cast %scan3A_358 : i32 to index
        %get3A_405 = arith.constant 16 : index
        %get3A_406 = tpu.vector_load %arg19[%get3A_404, %get3A_405] {strides = array<i32>} : memref<128x64xf32, #tpu.memory_space<vmem>>, vector<16xf32>,
        %get3A_407 = arith.index_cast %scan3A_358 : i32 to index
        %get3A_408 = arith.constant 48 : index
        %get3A_409 = tpu.vector_load %arg19[%get3A_407, %get3A_408] {strides = array<i32>} : memref<128x64xf32, #tpu.memory_space<vmem>>, vector<16xf32>,
        %mul3A_410 = arith.mulf %gather3A_403, %get3A_406 : vector<16xf32>
        %bitcast3A_411 = vector.bitcast %mul3A_410 : vector<16xf32> to vector<16xi32>
        %mul3A_412 = arith.mulf %gather3A_403, %get3A_409 : vector<16xf32>
        %bitcast3A_413 = vector.bitcast %mul3A_412 : vector<16xf32> to vector<16xi32>
        %add3A_414 = arith.constant 32768 : i32
        %add3A_415 = vector.broadcast %add3A_414 : i32 to vector<16xi32>
        %add3A_416 = arith.addi %bitcast3A_411, %add3A_415 : vector<16xi32>
        %shift_right_logical3A_417 = arith.constant 16 : i32
        %shift_right_logical3A_418 = vector.broadcast %shift_right_logical3A_417 : i32 to vector<16xi32>
        %shift_right_logical3A_419 = arith.shrui %add3A_416, %shift_right_logical3A_418 : vector<16xi32>
        %add3A_420 = arith.constant 32768 : i32
        %add3A_421 = vector.broadcast %add3A_420 : i32 to vector<16xi32>
        %add3A_422 = arith.addi %bitcast3A_413, %add3A_421 : vector<16xi32>
        %and3A_423 = arith.constant -65536 : i32
        %and3A_424 = vector.broadcast %and3A_423 : i32 to vector<16xi32>
        %and3A_425 = arith.andi %add3A_422, %and3A_424 : vector<16xi32>
        %or3A_426 = arith.ori %shift_right_logical3A_419, %and3A_425 : vector<16xi32>
        %bitcast3A_427 = vector.bitcast %or3A_426 : vector<16xi32> to vector<32xbf16>
        %swap3A_428 = arith.index_cast %scan3A_358 : i32 to index
        %swap3A_429 = arith.constant 32 : index
        %swap3A_430 = tpu.vector_load %arg23[%swap3A_428, %swap3A_429] {strides = array<i32>} : memref<128x64xbf16, #tpu.memory_space<vmem>>, vector<32xbf16>,
        tpu.vector_store %arg23[%swap3A_428, %swap3A_429], %bitcast3A_427 {strides = array<i32>} : memref<128x64xbf16, #tpu.memory_space<vmem>>, vector<32xbf16>,
        %scan3A_431 = arith.constant 0 : i32
        %scan3A_432 = arith.constant 2 : i32
        %scan3A_433 = arith.addi %scan3A_290, %scan3A_432 : i32
        %broadcast_in_dim3A_434 = arith.constant 0 : i32
        %broadcast_in_dim3A_435 = vector.broadcast %broadcast_in_dim3A_434 : i32 to vector<16xi32>
        %add3A_436 = vector.broadcast %scan3A_433 : i32 to vector<16xi32>
        %add3A_437 = arith.addi %broadcast_in_dim3A_435, %add3A_436 : vector<16xi32>
        %shift_right_arithmetic3A_438 = arith.constant 2 : i32
        %shift_right_arithmetic3A_439 = vector.broadcast %shift_right_arithmetic3A_438 : i32 to vector<16xi32>
        %shift_right_arithmetic3A_440 = arith.shrsi %iota3A, %shift_right_arithmetic3A_439 : vector<16xi32>
        %add3A_441 = arith.constant 0 : i32
        %add3A_442 = vector.broadcast %add3A_441 : i32 to vector<16xi32>
        %add3A_443 = arith.addi %shift_right_arithmetic3A_440, %add3A_442 : vector<16xi32>
        %gather3A_444 = tpu.vector_load_idx %arg21[%add3A_437, %add3A_443] : memref<128x8xf32, #tpu.memory_space<vmem>>[vector<16xi32>, vector<16xi32>], vector<16xf32>,
        %get3A_445 = arith.index_cast %scan3A_433 : i32 to index
        %get3A_446 = arith.constant 0 : index
        %get3A_447 = tpu.vector_load %arg19[%get3A_445, %get3A_446] {strides = array<i32>} : memref<128x64xf32, #tpu.memory_space<vmem>>, vector<16xf32>,
        %get3A_448 = arith.index_cast %scan3A_433 : i32 to index
        %get3A_449 = arith.constant 32 : index
        %get3A_450 = tpu.vector_load %arg19[%get3A_448, %get3A_449] {strides = array<i32>} : memref<128x64xf32, #tpu.memory_space<vmem>>, vector<16xf32>,
        %mul3A_451 = arith.mulf %gather3A_444, %get3A_447 : vector<16xf32>
        %bitcast3A_452 = vector.bitcast %mul3A_451 : vector<16xf32> to vector<16xi32>
        %mul3A_453 = arith.mulf %gather3A_444, %get3A_450 : vector<16xf32>
        %bitcast3A_454 = vector.bitcast %mul3A_453 : vector<16xf32> to vector<16xi32>
        %add3A_455 = arith.constant 32768 : i32
        %add3A_456 = vector.broadcast %add3A_455 : i32 to vector<16xi32>
        %add3A_457 = arith.addi %bitcast3A_452, %add3A_456 : vector<16xi32>
        %shift_right_logical3A_458 = arith.constant 16 : i32
        %shift_right_logical3A_459 = vector.broadcast %shift_right_logical3A_458 : i32 to vector<16xi32>
        %shift_right_logical3A_460 = arith.shrui %add3A_457, %shift_right_logical3A_459 : vector<16xi32>
        %add3A_461 = arith.constant 32768 : i32
        %add3A_462 = vector.broadcast %add3A_461 : i32 to vector<16xi32>
        %add3A_463 = arith.addi %bitcast3A_454, %add3A_462 : vector<16xi32>
        %and3A_464 = arith.constant -65536 : i32
        %and3A_465 = vector.broadcast %and3A_464 : i32 to vector<16xi32>
        %and3A_466 = arith.andi %add3A_463, %and3A_465 : vector<16xi32>
        %or3A_467 = arith.ori %shift_right_logical3A_460, %and3A_466 : vector<16xi32>
        %bitcast3A_468 = vector.bitcast %or3A_467 : vector<16xi32> to vector<32xbf16>
        %swap3A_469 = arith.index_cast %scan3A_433 : i32 to index
        %swap3A_470 = arith.constant 0 : index
        %swap3A_471 = tpu.vector_load %arg23[%swap3A_469, %swap3A_470] {strides = array<i32>} : memref<128x64xbf16, #tpu.memory_space<vmem>>, vector<32xbf16>,
        tpu.vector_store %arg23[%swap3A_469, %swap3A_470], %bitcast3A_468 {strides = array<i32>} : memref<128x64xbf16, #tpu.memory_space<vmem>>, vector<32xbf16>,
        %shift_right_arithmetic3A_472 = arith.constant 2 : i32
        %shift_right_arithmetic3A_473 = vector.broadcast %shift_right_arithmetic3A_472 : i32 to vector<16xi32>
        %shift_right_arithmetic3A_474 = arith.shrsi %iota3A, %shift_right_arithmetic3A_473 : vector<16xi32>
        %add3A_475 = arith.constant 4 : i32
        %add3A_476 = vector.broadcast %add3A_475 : i32 to vector<16xi32>
        %add3A_477 = arith.addi %shift_right_arithmetic3A_474, %add3A_476 : vector<16xi32>
        %gather3A_478 = tpu.vector_load_idx %arg21[%add3A_437, %add3A_477] : memref<128x8xf32, #tpu.memory_space<vmem>>[vector<16xi32>, vector<16xi32>], vector<16xf32>,
        %get3A_479 = arith.index_cast %scan3A_433 : i32 to index
        %get3A_480 = arith.constant 16 : index
        %get3A_481 = tpu.vector_load %arg19[%get3A_479, %get3A_480] {strides = array<i32>} : memref<128x64xf32, #tpu.memory_space<vmem>>, vector<16xf32>,
        %get3A_482 = arith.index_cast %scan3A_433 : i32 to index
        %get3A_483 = arith.constant 48 : index
        %get3A_484 = tpu.vector_load %arg19[%get3A_482, %get3A_483] {strides = array<i32>} : memref<128x64xf32, #tpu.memory_space<vmem>>, vector<16xf32>,
        %mul3A_485 = arith.mulf %gather3A_478, %get3A_481 : vector<16xf32>
        %bitcast3A_486 = vector.bitcast %mul3A_485 : vector<16xf32> to vector<16xi32>
        %mul3A_487 = arith.mulf %gather3A_478, %get3A_484 : vector<16xf32>
        %bitcast3A_488 = vector.bitcast %mul3A_487 : vector<16xf32> to vector<16xi32>
        %add3A_489 = arith.constant 32768 : i32
        %add3A_490 = vector.broadcast %add3A_489 : i32 to vector<16xi32>
        %add3A_491 = arith.addi %bitcast3A_486, %add3A_490 : vector<16xi32>
        %shift_right_logical3A_492 = arith.constant 16 : i32
        %shift_right_logical3A_493 = vector.broadcast %shift_right_logical3A_492 : i32 to vector<16xi32>
        %shift_right_logical3A_494 = arith.shrui %add3A_491, %shift_right_logical3A_493 : vector<16xi32>
        %add3A_495 = arith.constant 32768 : i32
        %add3A_496 = vector.broadcast %add3A_495 : i32 to vector<16xi32>
        %add3A_497 = arith.addi %bitcast3A_488, %add3A_496 : vector<16xi32>
        %and3A_498 = arith.constant -65536 : i32
        %and3A_499 = vector.broadcast %and3A_498 : i32 to vector<16xi32>
        %and3A_500 = arith.andi %add3A_497, %and3A_499 : vector<16xi32>
        %or3A_501 = arith.ori %shift_right_logical3A_494, %and3A_500 : vector<16xi32>
        %bitcast3A_502 = vector.bitcast %or3A_501 : vector<16xi32> to vector<32xbf16>
        %swap3A_503 = arith.index_cast %scan3A_433 : i32 to index
        %swap3A_504 = arith.constant 32 : index
        %swap3A_505 = tpu.vector_load %arg23[%swap3A_503, %swap3A_504] {strides = array<i32>} : memref<128x64xbf16, #tpu.memory_space<vmem>>, vector<32xbf16>,
        tpu.vector_store %arg23[%swap3A_503, %swap3A_504], %bitcast3A_502 {strides = array<i32>} : memref<128x64xbf16, #tpu.memory_space<vmem>>, vector<32xbf16>,
        %scan3A_506 = arith.constant 0 : i32
        %scan3A_507 = arith.constant 3 : i32
        %scan3A_508 = arith.addi %scan3A_290, %scan3A_507 : i32
        %broadcast_in_dim3A_509 = arith.constant 0 : i32
        %broadcast_in_dim3A_510 = vector.broadcast %broadcast_in_dim3A_509 : i32 to vector<16xi32>
        %add3A_511 = vector.broadcast %scan3A_508 : i32 to vector<16xi32>
        %add3A_512 = arith.addi %broadcast_in_dim3A_510, %add3A_511 : vector<16xi32>
        %shift_right_arithmetic3A_513 = arith.constant 2 : i32
        %shift_right_arithmetic3A_514 = vector.broadcast %shift_right_arithmetic3A_513 : i32 to vector<16xi32>
        %shift_right_arithmetic3A_515 = arith.shrsi %iota3A, %shift_right_arithmetic3A_514 : vector<16xi32>
        %add3A_516 = arith.constant 0 : i32
        %add3A_517 = vector.broadcast %add3A_516 : i32 to vector<16xi32>
        %add3A_518 = arith.addi %shift_right_arithmetic3A_515, %add3A_517 : vector<16xi32>
        %gather3A_519 = tpu.vector_load_idx %arg21[%add3A_512, %add3A_518] : memref<128x8xf32, #tpu.memory_space<vmem>>[vector<16xi32>, vector<16xi32>], vector<16xf32>,
        %get3A_520 = arith.index_cast %scan3A_508 : i32 to index
        %get3A_521 = arith.constant 0 : index
        %get3A_522 = tpu.vector_load %arg19[%get3A_520, %get3A_521] {strides = array<i32>} : memref<128x64xf32, #tpu.memory_space<vmem>>, vector<16xf32>,
        %get3A_523 = arith.index_cast %scan3A_508 : i32 to index
        %get3A_524 = arith.constant 32 : index
        %get3A_525 = tpu.vector_load %arg19[%get3A_523, %get3A_524] {strides = array<i32>} : memref<128x64xf32, #tpu.memory_space<vmem>>, vector<16xf32>,
        %mul3A_526 = arith.mulf %gather3A_519, %get3A_522 : vector<16xf32>
        %bitcast3A_527 = vector.bitcast %mul3A_526 : vector<16xf32> to vector<16xi32>
        %mul3A_528 = arith.mulf %gather3A_519, %get3A_525 : vector<16xf32>
        %bitcast3A_529 = vector.bitcast %mul3A_528 : vector<16xf32> to vector<16xi32>
        %add3A_530 = arith.constant 32768 : i32
        %add3A_531 = vector.broadcast %add3A_530 : i32 to vector<16xi32>
        %add3A_532 = arith.addi %bitcast3A_527, %add3A_531 : vector<16xi32>
        %shift_right_logical3A_533 = arith.constant 16 : i32
        %shift_right_logical3A_534 = vector.broadcast %shift_right_logical3A_533 : i32 to vector<16xi32>
        %shift_right_logical3A_535 = arith.shrui %add3A_532, %shift_right_logical3A_534 : vector<16xi32>
        %add3A_536 = arith.constant 32768 : i32
        %add3A_537 = vector.broadcast %add3A_536 : i32 to vector<16xi32>
        %add3A_538 = arith.addi %bitcast3A_529, %add3A_537 : vector<16xi32>
        %and3A_539 = arith.constant -65536 : i32
        %and3A_540 = vector.broadcast %and3A_539 : i32 to vector<16xi32>
        %and3A_541 = arith.andi %add3A_538, %and3A_540 : vector<16xi32>
        %or3A_542 = arith.ori %shift_right_logical3A_535, %and3A_541 : vector<16xi32>
        %bitcast3A_543 = vector.bitcast %or3A_542 : vector<16xi32> to vector<32xbf16>
        %swap3A_544 = arith.index_cast %scan3A_508 : i32 to index
        %swap3A_545 = arith.constant 0 : index
        %swap3A_546 = tpu.vector_load %arg23[%swap3A_544, %swap3A_545] {strides = array<i32>} : memref<128x64xbf16, #tpu.memory_space<vmem>>, vector<32xbf16>,
        tpu.vector_store %arg23[%swap3A_544, %swap3A_545], %bitcast3A_543 {strides = array<i32>} : memref<128x64xbf16, #tpu.memory_space<vmem>>, vector<32xbf16>,
        %shift_right_arithmetic3A_547 = arith.constant 2 : i32
        %shift_right_arithmetic3A_548 = vector.broadcast %shift_right_arithmetic3A_547 : i32 to vector<16xi32>
        %shift_right_arithmetic3A_549 = arith.shrsi %iota3A, %shift_right_arithmetic3A_548 : vector<16xi32>
        %add3A_550 = arith.constant 4 : i32
        %add3A_551 = vector.broadcast %add3A_550 : i32 to vector<16xi32>
        %add3A_552 = arith.addi %shift_right_arithmetic3A_549, %add3A_551 : vector<16xi32>
        %gather3A_553 = tpu.vector_load_idx %arg21[%add3A_512, %add3A_552] : memref<128x8xf32, #tpu.memory_space<vmem>>[vector<16xi32>, vector<16xi32>], vector<16xf32>,
        %get3A_554 = arith.index_cast %scan3A_508 : i32 to index
        %get3A_555 = arith.constant 16 : index
        %get3A_556 = tpu.vector_load %arg19[%get3A_554, %get3A_555] {strides = array<i32>} : memref<128x64xf32, #tpu.memory_space<vmem>>, vector<16xf32>,
        %get3A_557 = arith.index_cast %scan3A_508 : i32 to index
        %get3A_558 = arith.constant 48 : index
        %get3A_559 = tpu.vector_load %arg19[%get3A_557, %get3A_558] {strides = array<i32>} : memref<128x64xf32, #tpu.memory_space<vmem>>, vector<16xf32>,
        %mul3A_560 = arith.mulf %gather3A_553, %get3A_556 : vector<16xf32>
        %bitcast3A_561 = vector.bitcast %mul3A_560 : vector<16xf32> to vector<16xi32>
        %mul3A_562 = arith.mulf %gather3A_553, %get3A_559 : vector<16xf32>
        %bitcast3A_563 = vector.bitcast %mul3A_562 : vector<16xf32> to vector<16xi32>
        %add3A_564 = arith.constant 32768 : i32
        %add3A_565 = vector.broadcast %add3A_564 : i32 to vector<16xi32>
        %add3A_566 = arith.addi %bitcast3A_561, %add3A_565 : vector<16xi32>
        %shift_right_logical3A_567 = arith.constant 16 : i32
        %shift_right_logical3A_568 = vector.broadcast %shift_right_logical3A_567 : i32 to vector<16xi32>
        %shift_right_logical3A_569 = arith.shrui %add3A_566, %shift_right_logical3A_568 : vector<16xi32>
        %add3A_570 = arith.constant 32768 : i32
        %add3A_571 = vector.broadcast %add3A_570 : i32 to vector<16xi32>
        %add3A_572 = arith.addi %bitcast3A_563, %add3A_571 : vector<16xi32>
        %and3A_573 = arith.constant -65536 : i32
        %and3A_574 = vector.broadcast %and3A_573 : i32 to vector<16xi32>
        %and3A_575 = arith.andi %add3A_572, %and3A_574 : vector<16xi32>
        %or3A_576 = arith.ori %shift_right_logical3A_569, %and3A_575 : vector<16xi32>
        %bitcast3A_577 = vector.bitcast %or3A_576 : vector<16xi32> to vector<32xbf16>
        %swap3A_578 = arith.index_cast %scan3A_508 : i32 to index
        %swap3A_579 = arith.constant 32 : index
        %swap3A_580 = tpu.vector_load %arg23[%swap3A_578, %swap3A_579] {strides = array<i32>} : memref<128x64xbf16, #tpu.memory_space<vmem>>, vector<32xbf16>,
        tpu.vector_store %arg23[%swap3A_578, %swap3A_579], %bitcast3A_577 {strides = array<i32>} : memref<128x64xbf16, #tpu.memory_space<vmem>>, vector<32xbf16>,
        %scan3A_581 = arith.constant 0 : i32
        scf.yield %scan3A_581 : i32
      }
      %scan3A_282 = arith.constant 128 : i32
      %dma_start3A_283 = arith.constant 0 : i32
      %dma_start3A_284 = arith.constant 0 : i32
      %dma_start3A_285 = tpu.memref_slice %arg30[%dma_start3A_283, %dma_start3A_284] : memref<10240x8xf32, #tpu.memory_space<vmem_shared>> -> memref<10240x8xf32, #tpu.memory_space<vmem_shared>>
      tpu.enqueue_indirect_dma source(%arg21 : memref<128x8xf32, #tpu.memory_space<vmem>>) target(%dma_start3A_285 : memref<10240x8xf32, #tpu.memory_space<vmem_shared>>) offsets(%arg13 : memref<128xi32, #tpu.memory_space<vmem>>) semaphore(%arg29 : memref<!tpu.dma_semaphore, #tpu.memory_space<semaphore_mem>>) {add = true}
      %dma_start3A_286 = arith.constant 0 : i32
      %dma_start3A_287 = arith.constant 0 : i32
      %dma_start3A_288 = tpu.memref_slice %arg31[%dma_start3A_286, %dma_start3A_287] : memref<10240x64xbf16, #tpu.memory_space<vmem_shared>> -> memref<10240x64xbf16, #tpu.memory_space<vmem_shared>>
      tpu.enqueue_indirect_dma source(%arg23 : memref<128x64xbf16, #tpu.memory_space<vmem>>) target(%dma_start3A_288 : memref<10240x64xbf16, #tpu.memory_space<vmem_shared>>) offsets(%arg13 : memref<128xi32, #tpu.memory_space<vmem>>) semaphore(%arg29 : memref<!tpu.dma_semaphore, #tpu.memory_space<semaphore_mem>>) {add = true}
      %scan3A_289 = arith.constant 0 : i32
      scf.yield %scan3A_289 : i32
    }
    %scan3A_89 = arith.constant 41 : i32
    %dma_wait3A_90 = arith.constant 0 : i32
    %dma_wait3A_91 = arith.constant 0 : i32
    %dma_wait3A_92 = tpu.memref_slice %arg30[%dma_wait3A_90, %dma_wait3A_91] : memref<10240x8xf32, #tpu.memory_space<vmem_shared>> -> memref<10240x8xf32, #tpu.memory_space<vmem_shared>>
    tpu.wait_indirect_dma semaphore(%arg29 : memref<!tpu.dma_semaphore, #tpu.memory_space<semaphore_mem>>) src(%arg21 : memref<128x8xf32, #tpu.memory_space<vmem>>) dst(%dma_wait3A_92 : memref<10240x8xf32, #tpu.memory_space<vmem_shared>>)
    %dma_wait3A_93 = arith.constant 0 : i32
    %dma_wait3A_94 = arith.constant 0 : i32
    %dma_wait3A_95 = tpu.memref_slice %arg31[%dma_wait3A_93, %dma_wait3A_94] : memref<10240x64xbf16, #tpu.memory_space<vmem_shared>> -> memref<10240x64xbf16, #tpu.memory_space<vmem_shared>>
    tpu.wait_indirect_dma semaphore(%arg29 : memref<!tpu.dma_semaphore, #tpu.memory_space<semaphore_mem>>) src(%arg23 : memref<128x64xbf16, #tpu.memory_space<vmem>>) dst(%dma_wait3A_95 : memref<10240x64xbf16, #tpu.memory_space<vmem_shared>>)
    %dma_wait3A_96 = arith.constant 0 : i32
    %dma_wait3A_97 = arith.constant 0 : i32
    %dma_wait3A_98 = tpu.memref_slice %arg4[%dma_wait3A_96, %dma_wait3A_97] : memref<10240x16xf32, #tpu.memory_space<hbm>> -> memref<10240x16xf32, #tpu.memory_space<hbm>>
    tpu.wait_indirect_dma semaphore(%arg26 : memref<!tpu.dma_semaphore, #tpu.memory_space<semaphore_mem>>) src(%dma_wait3A_98 : memref<10240x16xf32, #tpu.memory_space<hbm>>) dst(%arg14 : memref<128x16xf32, #tpu.memory_space<vmem>>)
    %dma_wait3A_99 = arith.constant 0 : i32
    %dma_wait3A_100 = arith.constant 0 : i32
    %dma_wait3A_101 = tpu.memref_slice %arg4[%dma_wait3A_99, %dma_wait3A_100] : memref<10240x16xf32, #tpu.memory_space<hbm>> -> memref<10240x16xf32, #tpu.memory_space<hbm>>
    tpu.wait_indirect_dma semaphore(%arg26 : memref<!tpu.dma_semaphore, #tpu.memory_space<semaphore_mem>>) src(%dma_wait3A_101 : memref<10240x16xf32, #tpu.memory_space<hbm>>) dst(%arg16 : memref<128x16xf32, #tpu.memory_space<vmem>>)
    %dma_wait3A_102 = arith.constant 0 : i32
    %dma_wait3A_103 = arith.constant 0 : i32
    %dma_wait3A_104 = tpu.memref_slice %arg5[%dma_wait3A_102, %dma_wait3A_103] : memref<10240x64xf32, #tpu.memory_space<hbm>> -> memref<10240x64xf32, #tpu.memory_space<hbm>>
    tpu.wait_indirect_dma semaphore(%arg26 : memref<!tpu.dma_semaphore, #tpu.memory_space<semaphore_mem>>) src(%dma_wait3A_104 : memref<10240x64xf32, #tpu.memory_space<hbm>>) dst(%arg18 : memref<128x64xf32, #tpu.memory_space<vmem>>)
    %barrier3A_105 = arith.constant 0 : index
    tpu.barrier barrier_id(%barrier3A_105)
    %mul3A_106 = arith.constant 640 : i32
    %mul3A_107 = arith.muli %arg1, %mul3A_106 : i32
    %add3A_108 = arith.constant 0 : i32
    %add3A_109 = arith.addi %mul3A_107, %add3A_108 : i32
    %multiple_of3A = tpu.assume_multiple %add3A_109, 128 : i32
    "tpu.region"() ({
      %run_scoped3A = tpu.sem_alloc : memref<!tpu.dma_semaphore, #tpu.memory_space<semaphore_mem>>
      %dma_start3A_130 = arith.constant 0 : i32
      %dma_start3A_131 = tpu.memref_slice %arg30[%multiple_of3A, %dma_start3A_130] : memref<10240x8xf32, #tpu.memory_space<vmem_shared>> -> memref<128x8xf32, #tpu.memory_space<vmem_shared>>
      %dma_start3A_132 = arith.constant 0 : i32
      %dma_start3A_133 = tpu.memref_slice %arg30[%multiple_of3A, %dma_start3A_132] : memref<10240x8xf32, #tpu.memory_space<vmem_shared>> -> memref<128x8xf32, #tpu.memory_space<vmem_shared>>
      tpu.enqueue_dma source(%dma_start3A_133 : memref<128x8xf32, #tpu.memory_space<vmem_shared>>) target(%arg20 : memref<128x8xf32, #tpu.memory_space<vmem>>) target_semaphore(%run_scoped3A : memref<!tpu.dma_semaphore, #tpu.memory_space<semaphore_mem>>)
      %dma_wait3A_134 = arith.constant 0 : i32
      %dma_wait3A_135 = tpu.memref_slice %arg30[%multiple_of3A, %dma_wait3A_134] : memref<10240x8xf32, #tpu.memory_space<vmem_shared>> -> memref<128x8xf32, #tpu.memory_space<vmem_shared>>
      %dma_wait3A_136 = arith.constant 0 : i32
      %dma_wait3A_137 = tpu.memref_slice %arg30[%multiple_of3A, %dma_wait3A_136] : memref<10240x8xf32, #tpu.memory_space<vmem_shared>> -> memref<128x8xf32, #tpu.memory_space<vmem_shared>>
      tpu.wait_dma2 semaphore(%run_scoped3A : memref<!tpu.dma_semaphore, #tpu.memory_space<semaphore_mem>>) src(%dma_wait3A_137 : memref<128x8xf32, #tpu.memory_space<vmem_shared>>) dst(%arg20 : memref<128x8xf32, #tpu.memory_space<vmem>>)
      tpu.yield
    }) : () -> ()
    "tpu.region"() ({
      %run_scoped3A = tpu.sem_alloc : memref<!tpu.dma_semaphore, #tpu.memory_space<semaphore_mem>>
      %dma_start3A_130 = arith.constant 0 : i32
      %dma_start3A_131 = tpu.memref_slice %arg8[%arg0, %multiple_of3A, %dma_start3A_130] : memref<2x10240x8xf32, #tpu.memory_space<hbm>> -> memref<1x128x8xf32, #tpu.memory_space<hbm>>
      %dma_start3A_132 = tpu.memref_squeeze %dma_start3A_131 : memref<1x128x8xf32, #tpu.memory_space<hbm>> -> memref<128x8xf32, #tpu.memory_space<hbm>>
      %dma_start3A_133 = arith.constant 0 : i32
      %dma_start3A_134 = tpu.memref_slice %arg8[%arg0, %multiple_of3A, %dma_start3A_133] : memref<2x10240x8xf32, #tpu.memory_space<hbm>> -> memref<1x128x8xf32, #tpu.memory_space<hbm>>
      %dma_start3A_135 = tpu.memref_squeeze %dma_start3A_134 : memref<1x128x8xf32, #tpu.memory_space<hbm>> -> memref<128x8xf32, #tpu.memory_space<hbm>>
      tpu.enqueue_dma source(%arg20 : memref<128x8xf32, #tpu.memory_space<vmem>>) target(%dma_start3A_135 : memref<128x8xf32, #tpu.memory_space<hbm>>) target_semaphore(%run_scoped3A : memref<!tpu.dma_semaphore, #tpu.memory_space<semaphore_mem>>)
      %dma_wait3A_136 = arith.constant 0 : i32
      %dma_wait3A_137 = tpu.memref_slice %arg8[%arg0, %multiple_of3A, %dma_wait3A_136] : memref<2x10240x8xf32, #tpu.memory_space<hbm>> -> memref<1x128x8xf32, #tpu.memory_space<hbm>>
      %dma_wait3A_138 = tpu.memref_squeeze %dma_wait3A_137 : memref<1x128x8xf32, #tpu.memory_space<hbm>> -> memref<128x8xf32, #tpu.memory_space<hbm>>
      %dma_wait3A_139 = arith.constant 0 : i32
      %dma_wait3A_140 = tpu.memref_slice %arg8[%arg0, %multiple_of3A, %dma_wait3A_139] : memref<2x10240x8xf32, #tpu.memory_space<hbm>> -> memref<1x128x8xf32, #tpu.memory_space<hbm>>
      %dma_wait3A_141 = tpu.memref_squeeze %dma_wait3A_140 : memref<1x128x8xf32, #tpu.memory_space<hbm>> -> memref<128x8xf32, #tpu.memory_space<hbm>>
      tpu.wait_dma2 semaphore(%run_scoped3A : memref<!tpu.dma_semaphore, #tpu.memory_space<semaphore_mem>>) src(%arg20 : memref<128x8xf32, #tpu.memory_space<vmem>>) dst(%dma_wait3A_141 : memref<128x8xf32, #tpu.memory_space<hbm>>)
      tpu.yield
    }) : () -> ()
    "tpu.region"() ({
      %run_scoped3A = tpu.sem_alloc : memref<!tpu.dma_semaphore, #tpu.memory_space<semaphore_mem>>
      %dma_start3A_130 = arith.constant 0 : i32
      %dma_start3A_131 = tpu.memref_slice %arg31[%multiple_of3A, %dma_start3A_130] : memref<10240x64xbf16, #tpu.memory_space<vmem_shared>> -> memref<128x64xbf16, #tpu.memory_space<vmem_shared>>
      %dma_start3A_132 = arith.constant 0 : i32
      %dma_start3A_133 = tpu.memref_slice %arg31[%multiple_of3A, %dma_start3A_132] : memref<10240x64xbf16, #tpu.memory_space<vmem_shared>> -> memref<128x64xbf16, #tpu.memory_space<vmem_shared>>
      tpu.enqueue_dma source(%dma_start3A_133 : memref<128x64xbf16, #tpu.memory_space<vmem_shared>>) target(%arg22 : memref<128x64xbf16, #tpu.memory_space<vmem>>) target_semaphore(%run_scoped3A : memref<!tpu.dma_semaphore, #tpu.memory_space<semaphore_mem>>)
      %dma_wait3A_134 = arith.constant 0 : i32
      %dma_wait3A_135 = tpu.memref_slice %arg31[%multiple_of3A, %dma_wait3A_134] : memref<10240x64xbf16, #tpu.memory_space<vmem_shared>> -> memref<128x64xbf16, #tpu.memory_space<vmem_shared>>
      %dma_wait3A_136 = arith.constant 0 : i32
      %dma_wait3A_137 = tpu.memref_slice %arg31[%multiple_of3A, %dma_wait3A_136] : memref<10240x64xbf16, #tpu.memory_space<vmem_shared>> -> memref<128x64xbf16, #tpu.memory_space<vmem_shared>>
      tpu.wait_dma2 semaphore(%run_scoped3A : memref<!tpu.dma_semaphore, #tpu.memory_space<semaphore_mem>>) src(%dma_wait3A_137 : memref<128x64xbf16, #tpu.memory_space<vmem_shared>>) dst(%arg22 : memref<128x64xbf16, #tpu.memory_space<vmem>>)
      tpu.yield
    }) : () -> ()
    "tpu.region"() ({
      %run_scoped3A = tpu.sem_alloc : memref<!tpu.dma_semaphore, #tpu.memory_space<semaphore_mem>>
      %dma_start3A_130 = arith.constant 0 : i32
      %dma_start3A_131 = tpu.memref_slice %arg9[%arg0, %multiple_of3A, %dma_start3A_130] : memref<2x10240x64xbf16, #tpu.memory_space<hbm>> -> memref<1x128x64xbf16, #tpu.memory_space<hbm>>
      %dma_start3A_132 = tpu.memref_squeeze %dma_start3A_131 : memref<1x128x64xbf16, #tpu.memory_space<hbm>> -> memref<128x64xbf16, #tpu.memory_space<hbm>>
      %dma_start3A_133 = arith.constant 0 : i32
      %dma_start3A_134 = tpu.memref_slice %arg9[%arg0, %multiple_of3A, %dma_start3A_133] : memref<2x10240x64xbf16, #tpu.memory_space<hbm>> -> memref<1x128x64xbf16, #tpu.memory_space<hbm>>
      %dma_start3A_135 = tpu.memref_squeeze %dma_start3A_134 : memref<1x128x64xbf16, #tpu.memory_space<hbm>> -> memref<128x64xbf16, #tpu.memory_space<hbm>>
      tpu.enqueue_dma source(%arg22 : memref<128x64xbf16, #tpu.memory_space<vmem>>) target(%dma_start3A_135 : memref<128x64xbf16, #tpu.memory_space<hbm>>) target_semaphore(%run_scoped3A : memref<!tpu.dma_semaphore, #tpu.memory_space<semaphore_mem>>)
      %dma_wait3A_136 = arith.constant 0 : i32
      %dma_wait3A_137 = tpu.memref_slice %arg9[%arg0, %multiple_of3A, %dma_wait3A_136] : memref<2x10240x64xbf16, #tpu.memory_space<hbm>> -> memref<1x128x64xbf16, #tpu.memory_space<hbm>>
      %dma_wait3A_138 = tpu.memref_squeeze %dma_wait3A_137 : memref<1x128x64xbf16, #tpu.memory_space<hbm>> -> memref<128x64xbf16, #tpu.memory_space<hbm>>
      %dma_wait3A_139 = arith.constant 0 : i32
      %dma_wait3A_140 = tpu.memref_slice %arg9[%arg0, %multiple_of3A, %dma_wait3A_139] : memref<2x10240x64xbf16, #tpu.memory_space<hbm>> -> memref<1x128x64xbf16, #tpu.memory_space<hbm>>
      %dma_wait3A_141 = tpu.memref_squeeze %dma_wait3A_140 : memref<1x128x64xbf16, #tpu.memory_space<hbm>> -> memref<128x64xbf16, #tpu.memory_space<hbm>>
      tpu.wait_dma2 semaphore(%run_scoped3A : memref<!tpu.dma_semaphore, #tpu.memory_space<semaphore_mem>>) src(%arg22 : memref<128x64xbf16, #tpu.memory_space<vmem>>) dst(%dma_wait3A_141 : memref<128x64xbf16, #tpu.memory_space<hbm>>)
      tpu.yield
    }) : () -> ()
    %mul3A_110 = arith.constant 640 : i32
    %mul3A_111 = arith.muli %arg1, %mul3A_110 : i32
    %add3A_112 = arith.constant 128 : i32
    %add3A_113 = arith.addi %mul3A_111, %add3A_112 : i32
    %multiple_of3A_114 = tpu.assume_multiple %add3A_113, 128 : i32
    "tpu.region"() ({
      %run_scoped3A = tpu.sem_alloc : memref<!tpu.dma_semaphore, #tpu.memory_space<semaphore_mem>>
      %dma_start3A_130 = arith.constant 0 : i32
      %dma_start3A_131 = tpu.memref_slice %arg30[%multiple_of3A_114, %dma_start3A_130] : memref<10240x8xf32, #tpu.memory_space<vmem_shared>> -> memref<128x8xf32, #tpu.memory_space<vmem_shared>>
      %dma_start3A_132 = arith.constant 0 : i32
      %dma_start3A_133 = tpu.memref_slice %arg30[%multiple_of3A_114, %dma_start3A_132] : memref<10240x8xf32, #tpu.memory_space<vmem_shared>> -> memref<128x8xf32, #tpu.memory_space<vmem_shared>>
      tpu.enqueue_dma source(%dma_start3A_133 : memref<128x8xf32, #tpu.memory_space<vmem_shared>>) target(%arg20 : memref<128x8xf32, #tpu.memory_space<vmem>>) target_semaphore(%run_scoped3A : memref<!tpu.dma_semaphore, #tpu.memory_space<semaphore_mem>>)
      %dma_wait3A_134 = arith.constant 0 : i32
      %dma_wait3A_135 = tpu.memref_slice %arg30[%multiple_of3A_114, %dma_wait3A_134] : memref<10240x8xf32, #tpu.memory_space<vmem_shared>> -> memref<128x8xf32, #tpu.memory_space<vmem_shared>>
      %dma_wait3A_136 = arith.constant 0 : i32
      %dma_wait3A_137 = tpu.memref_slice %arg30[%multiple_of3A_114, %dma_wait3A_136] : memref<10240x8xf32, #tpu.memory_space<vmem_shared>> -> memref<128x8xf32, #tpu.memory_space<vmem_shared>>
      tpu.wait_dma2 semaphore(%run_scoped3A : memref<!tpu.dma_semaphore, #tpu.memory_space<semaphore_mem>>) src(%dma_wait3A_137 : memref<128x8xf32, #tpu.memory_space<vmem_shared>>) dst(%arg20 : memref<128x8xf32, #tpu.memory_space<vmem>>)
      tpu.yield
    }) : () -> ()
    "tpu.region"() ({
      %run_scoped3A = tpu.sem_alloc : memref<!tpu.dma_semaphore, #tpu.memory_space<semaphore_mem>>
      %dma_start3A_130 = arith.constant 0 : i32
      %dma_start3A_131 = tpu.memref_slice %arg8[%arg0, %multiple_of3A_114, %dma_start3A_130] : memref<2x10240x8xf32, #tpu.memory_space<hbm>> -> memref<1x128x8xf32, #tpu.memory_space<hbm>>
      %dma_start3A_132 = tpu.memref_squeeze %dma_start3A_131 : memref<1x128x8xf32, #tpu.memory_space<hbm>> -> memref<128x8xf32, #tpu.memory_space<hbm>>
      %dma_start3A_133 = arith.constant 0 : i32
      %dma_start3A_134 = tpu.memref_slice %arg8[%arg0, %multiple_of3A_114, %dma_start3A_133] : memref<2x10240x8xf32, #tpu.memory_space<hbm>> -> memref<1x128x8xf32, #tpu.memory_space<hbm>>
      %dma_start3A_135 = tpu.memref_squeeze %dma_start3A_134 : memref<1x128x8xf32, #tpu.memory_space<hbm>> -> memref<128x8xf32, #tpu.memory_space<hbm>>
      tpu.enqueue_dma source(%arg20 : memref<128x8xf32, #tpu.memory_space<vmem>>) target(%dma_start3A_135 : memref<128x8xf32, #tpu.memory_space<hbm>>) target_semaphore(%run_scoped3A : memref<!tpu.dma_semaphore, #tpu.memory_space<semaphore_mem>>)
      %dma_wait3A_136 = arith.constant 0 : i32
      %dma_wait3A_137 = tpu.memref_slice %arg8[%arg0, %multiple_of3A_114, %dma_wait3A_136] : memref<2x10240x8xf32, #tpu.memory_space<hbm>> -> memref<1x128x8xf32, #tpu.memory_space<hbm>>
      %dma_wait3A_138 = tpu.memref_squeeze %dma_wait3A_137 : memref<1x128x8xf32, #tpu.memory_space<hbm>> -> memref<128x8xf32, #tpu.memory_space<hbm>>
      %dma_wait3A_139 = arith.constant 0 : i32
      %dma_wait3A_140 = tpu.memref_slice %arg8[%arg0, %multiple_of3A_114, %dma_wait3A_139] : memref<2x10240x8xf32, #tpu.memory_space<hbm>> -> memref<1x128x8xf32, #tpu.memory_space<hbm>>
      %dma_wait3A_141 = tpu.memref_squeeze %dma_wait3A_140 : memref<1x128x8xf32, #tpu.memory_space<hbm>> -> memref<128x8xf32, #tpu.memory_space<hbm>>
      tpu.wait_dma2 semaphore(%run_scoped3A : memref<!tpu.dma_semaphore, #tpu.memory_space<semaphore_mem>>) src(%arg20 : memref<128x8xf32, #tpu.memory_space<vmem>>) dst(%dma_wait3A_141 : memref<128x8xf32, #tpu.memory_space<hbm>>)
      tpu.yield
    }) : () -> ()
    "tpu.region"() ({
      %run_scoped3A = tpu.sem_alloc : memref<!tpu.dma_semaphore, #tpu.memory_space<semaphore_mem>>
      %dma_start3A_130 = arith.constant 0 : i32
      %dma_start3A_131 = tpu.memref_slice %arg31[%multiple_of3A_114, %dma_start3A_130] : memref<10240x64xbf16, #tpu.memory_space<vmem_shared>> -> memref<128x64xbf16, #tpu.memory_space<vmem_shared>>
      %dma_start3A_132 = arith.constant 0 : i32
      %dma_start3A_133 = tpu.memref_slice %arg31[%multiple_of3A_114, %dma_start3A_132] : memref<10240x64xbf16, #tpu.memory_space<vmem_shared>> -> memref<128x64xbf16, #tpu.memory_space<vmem_shared>>
      tpu.enqueue_dma source(%dma_start3A_133 : memref<128x64xbf16, #tpu.memory_space<vmem_shared>>) target(%arg22 : memref<128x64xbf16, #tpu.memory_space<vmem>>) target_semaphore(%run_scoped3A : memref<!tpu.dma_semaphore, #tpu.memory_space<semaphore_mem>>)
      %dma_wait3A_134 = arith.constant 0 : i32
      %dma_wait3A_135 = tpu.memref_slice %arg31[%multiple_of3A_114, %dma_wait3A_134] : memref<10240x64xbf16, #tpu.memory_space<vmem_shared>> -> memref<128x64xbf16, #tpu.memory_space<vmem_shared>>
      %dma_wait3A_136 = arith.constant 0 : i32
      %dma_wait3A_137 = tpu.memref_slice %arg31[%multiple_of3A_114, %dma_wait3A_136] : memref<10240x64xbf16, #tpu.memory_space<vmem_shared>> -> memref<128x64xbf16, #tpu.memory_space<vmem_shared>>
      tpu.wait_dma2 semaphore(%run_scoped3A : memref<!tpu.dma_semaphore, #tpu.memory_space<semaphore_mem>>) src(%dma_wait3A_137 : memref<128x64xbf16, #tpu.memory_space<vmem_shared>>) dst(%arg22 : memref<128x64xbf16, #tpu.memory_space<vmem>>)
      tpu.yield
    }) : () -> ()
    "tpu.region"() ({
      %run_scoped3A = tpu.sem_alloc : memref<!tpu.dma_semaphore, #tpu.memory_space<semaphore_mem>>
      %dma_start3A_130 = arith.constant 0 : i32
      %dma_start3A_131 = tpu.memref_slice %arg9[%arg0, %multiple_of3A_114, %dma_start3A_130] : memref<2x10240x64xbf16, #tpu.memory_space<hbm>> -> memref<1x128x64xbf16, #tpu.memory_space<hbm>>
      %dma_start3A_132 = tpu.memref_squeeze %dma_start3A_131 : memref<1x128x64xbf16, #tpu.memory_space<hbm>> -> memref<128x64xbf16, #tpu.memory_space<hbm>>
      %dma_start3A_133 = arith.constant 0 : i32
      %dma_start3A_134 = tpu.memref_slice %arg9[%arg0, %multiple_of3A_114, %dma_start3A_133] : memref<2x10240x64xbf16, #tpu.memory_space<hbm>> -> memref<1x128x64xbf16, #tpu.memory_space<hbm>>
      %dma_start3A_135 = tpu.memref_squeeze %dma_start3A_134 : memref<1x128x64xbf16, #tpu.memory_space<hbm>> -> memref<128x64xbf16, #tpu.memory_space<hbm>>
      tpu.enqueue_dma source(%arg22 : memref<128x64xbf16, #tpu.memory_space<vmem>>) target(%dma_start3A_135 : memref<128x64xbf16, #tpu.memory_space<hbm>>) target_semaphore(%run_scoped3A : memref<!tpu.dma_semaphore, #tpu.memory_space<semaphore_mem>>)
      %dma_wait3A_136 = arith.constant 0 : i32
      %dma_wait3A_137 = tpu.memref_slice %arg9[%arg0, %multiple_of3A_114, %dma_wait3A_136] : memref<2x10240x64xbf16, #tpu.memory_space<hbm>> -> memref<1x128x64xbf16, #tpu.memory_space<hbm>>
      %dma_wait3A_138 = tpu.memref_squeeze %dma_wait3A_137 : memref<1x128x64xbf16, #tpu.memory_space<hbm>> -> memref<128x64xbf16, #tpu.memory_space<hbm>>
      %dma_wait3A_139 = arith.constant 0 : i32
      %dma_wait3A_140 = tpu.memref_slice %arg9[%arg0, %multiple_of3A_114, %dma_wait3A_139] : memref<2x10240x64xbf16, #tpu.memory_space<hbm>> -> memref<1x128x64xbf16, #tpu.memory_space<hbm>>
      %dma_wait3A_141 = tpu.memref_squeeze %dma_wait3A_140 : memref<1x128x64xbf16, #tpu.memory_space<hbm>> -> memref<128x64xbf16, #tpu.memory_space<hbm>>
      tpu.wait_dma2 semaphore(%run_scoped3A : memref<!tpu.dma_semaphore, #tpu.memory_space<semaphore_mem>>) src(%arg22 : memref<128x64xbf16, #tpu.memory_space<vmem>>) dst(%dma_wait3A_141 : memref<128x64xbf16, #tpu.memory_space<hbm>>)
      tpu.yield
    }) : () -> ()
    %mul3A_115 = arith.constant 640 : i32
    %mul3A_116 = arith.muli %arg1, %mul3A_115 : i32
    %add3A_117 = arith.constant 256 : i32
    %add3A_118 = arith.addi %mul3A_116, %add3A_117 : i32
    %multiple_of3A_119 = tpu.assume_multiple %add3A_118, 128 : i32
    "tpu.region"() ({
      %run_scoped3A = tpu.sem_alloc : memref<!tpu.dma_semaphore, #tpu.memory_space<semaphore_mem>>
      %dma_start3A_130 = arith.constant 0 : i32
      %dma_start3A_131 = tpu.memref_slice %arg30[%multiple_of3A_119, %dma_start3A_130] : memref<10240x8xf32, #tpu.memory_space<vmem_shared>> -> memref<128x8xf32, #tpu.memory_space<vmem_shared>>
      %dma_start3A_132 = arith.constant 0 : i32
      %dma_start3A_133 = tpu.memref_slice %arg30[%multiple_of3A_119, %dma_start3A_132] : memref<10240x8xf32, #tpu.memory_space<vmem_shared>> -> memref<128x8xf32, #tpu.memory_space<vmem_shared>>
      tpu.enqueue_dma source(%dma_start3A_133 : memref<128x8xf32, #tpu.memory_space<vmem_shared>>) target(%arg20 : memref<128x8xf32, #tpu.memory_space<vmem>>) target_semaphore(%run_scoped3A : memref<!tpu.dma_semaphore, #tpu.memory_space<semaphore_mem>>)
      %dma_wait3A_134 = arith.constant 0 : i32
      %dma_wait3A_135 = tpu.memref_slice %arg30[%multiple_of3A_119, %dma_wait3A_134] : memref<10240x8xf32, #tpu.memory_space<vmem_shared>> -> memref<128x8xf32, #tpu.memory_space<vmem_shared>>
      %dma_wait3A_136 = arith.constant 0 : i32
      %dma_wait3A_137 = tpu.memref_slice %arg30[%multiple_of3A_119, %dma_wait3A_136] : memref<10240x8xf32, #tpu.memory_space<vmem_shared>> -> memref<128x8xf32, #tpu.memory_space<vmem_shared>>
      tpu.wait_dma2 semaphore(%run_scoped3A : memref<!tpu.dma_semaphore, #tpu.memory_space<semaphore_mem>>) src(%dma_wait3A_137 : memref<128x8xf32, #tpu.memory_space<vmem_shared>>) dst(%arg20 : memref<128x8xf32, #tpu.memory_space<vmem>>)
      tpu.yield
    }) : () -> ()
    "tpu.region"() ({
      %run_scoped3A = tpu.sem_alloc : memref<!tpu.dma_semaphore, #tpu.memory_space<semaphore_mem>>
      %dma_start3A_130 = arith.constant 0 : i32
      %dma_start3A_131 = tpu.memref_slice %arg8[%arg0, %multiple_of3A_119, %dma_start3A_130] : memref<2x10240x8xf32, #tpu.memory_space<hbm>> -> memref<1x128x8xf32, #tpu.memory_space<hbm>>
      %dma_start3A_132 = tpu.memref_squeeze %dma_start3A_131 : memref<1x128x8xf32, #tpu.memory_space<hbm>> -> memref<128x8xf32, #tpu.memory_space<hbm>>
      %dma_start3A_133 = arith.constant 0 : i32
      %dma_start3A_134 = tpu.memref_slice %arg8[%arg0, %multiple_of3A_119, %dma_start3A_133] : memref<2x10240x8xf32, #tpu.memory_space<hbm>> -> memref<1x128x8xf32, #tpu.memory_space<hbm>>
      %dma_start3A_135 = tpu.memref_squeeze %dma_start3A_134 : memref<1x128x8xf32, #tpu.memory_space<hbm>> -> memref<128x8xf32, #tpu.memory_space<hbm>>
      tpu.enqueue_dma source(%arg20 : memref<128x8xf32, #tpu.memory_space<vmem>>) target(%dma_start3A_135 : memref<128x8xf32, #tpu.memory_space<hbm>>) target_semaphore(%run_scoped3A : memref<!tpu.dma_semaphore, #tpu.memory_space<semaphore_mem>>)
      %dma_wait3A_136 = arith.constant 0 : i32
      %dma_wait3A_137 = tpu.memref_slice %arg8[%arg0, %multiple_of3A_119, %dma_wait3A_136] : memref<2x10240x8xf32, #tpu.memory_space<hbm>> -> memref<1x128x8xf32, #tpu.memory_space<hbm>>
      %dma_wait3A_138 = tpu.memref_squeeze %dma_wait3A_137 : memref<1x128x8xf32, #tpu.memory_space<hbm>> -> memref<128x8xf32, #tpu.memory_space<hbm>>
      %dma_wait3A_139 = arith.constant 0 : i32
      %dma_wait3A_140 = tpu.memref_slice %arg8[%arg0, %multiple_of3A_119, %dma_wait3A_139] : memref<2x10240x8xf32, #tpu.memory_space<hbm>> -> memref<1x128x8xf32, #tpu.memory_space<hbm>>
      %dma_wait3A_141 = tpu.memref_squeeze %dma_wait3A_140 : memref<1x128x8xf32, #tpu.memory_space<hbm>> -> memref<128x8xf32, #tpu.memory_space<hbm>>
      tpu.wait_dma2 semaphore(%run_scoped3A : memref<!tpu.dma_semaphore, #tpu.memory_space<semaphore_mem>>) src(%arg20 : memref<128x8xf32, #tpu.memory_space<vmem>>) dst(%dma_wait3A_141 : memref<128x8xf32, #tpu.memory_space<hbm>>)
      tpu.yield
    }) : () -> ()
    "tpu.region"() ({
      %run_scoped3A = tpu.sem_alloc : memref<!tpu.dma_semaphore, #tpu.memory_space<semaphore_mem>>
      %dma_start3A_130 = arith.constant 0 : i32
      %dma_start3A_131 = tpu.memref_slice %arg31[%multiple_of3A_119, %dma_start3A_130] : memref<10240x64xbf16, #tpu.memory_space<vmem_shared>> -> memref<128x64xbf16, #tpu.memory_space<vmem_shared>>
      %dma_start3A_132 = arith.constant 0 : i32
      %dma_start3A_133 = tpu.memref_slice %arg31[%multiple_of3A_119, %dma_start3A_132] : memref<10240x64xbf16, #tpu.memory_space<vmem_shared>> -> memref<128x64xbf16, #tpu.memory_space<vmem_shared>>
      tpu.enqueue_dma source(%dma_start3A_133 : memref<128x64xbf16, #tpu.memory_space<vmem_shared>>) target(%arg22 : memref<128x64xbf16, #tpu.memory_space<vmem>>) target_semaphore(%run_scoped3A : memref<!tpu.dma_semaphore, #tpu.memory_space<semaphore_mem>>)
      %dma_wait3A_134 = arith.constant 0 : i32
      %dma_wait3A_135 = tpu.memref_slice %arg31[%multiple_of3A_119, %dma_wait3A_134] : memref<10240x64xbf16, #tpu.memory_space<vmem_shared>> -> memref<128x64xbf16, #tpu.memory_space<vmem_shared>>
      %dma_wait3A_136 = arith.constant 0 : i32
      %dma_wait3A_137 = tpu.memref_slice %arg31[%multiple_of3A_119, %dma_wait3A_136] : memref<10240x64xbf16, #tpu.memory_space<vmem_shared>> -> memref<128x64xbf16, #tpu.memory_space<vmem_shared>>
      tpu.wait_dma2 semaphore(%run_scoped3A : memref<!tpu.dma_semaphore, #tpu.memory_space<semaphore_mem>>) src(%dma_wait3A_137 : memref<128x64xbf16, #tpu.memory_space<vmem_shared>>) dst(%arg22 : memref<128x64xbf16, #tpu.memory_space<vmem>>)
      tpu.yield
    }) : () -> ()
    "tpu.region"() ({
      %run_scoped3A = tpu.sem_alloc : memref<!tpu.dma_semaphore, #tpu.memory_space<semaphore_mem>>
      %dma_start3A_130 = arith.constant 0 : i32
      %dma_start3A_131 = tpu.memref_slice %arg9[%arg0, %multiple_of3A_119, %dma_start3A_130] : memref<2x10240x64xbf16, #tpu.memory_space<hbm>> -> memref<1x128x64xbf16, #tpu.memory_space<hbm>>
      %dma_start3A_132 = tpu.memref_squeeze %dma_start3A_131 : memref<1x128x64xbf16, #tpu.memory_space<hbm>> -> memref<128x64xbf16, #tpu.memory_space<hbm>>
      %dma_start3A_133 = arith.constant 0 : i32
      %dma_start3A_134 = tpu.memref_slice %arg9[%arg0, %multiple_of3A_119, %dma_start3A_133] : memref<2x10240x64xbf16, #tpu.memory_space<hbm>> -> memref<1x128x64xbf16, #tpu.memory_space<hbm>>
      %dma_start3A_135 = tpu.memref_squeeze %dma_start3A_134 : memref<1x128x64xbf16, #tpu.memory_space<hbm>> -> memref<128x64xbf16, #tpu.memory_space<hbm>>
      tpu.enqueue_dma source(%arg22 : memref<128x64xbf16, #tpu.memory_space<vmem>>) target(%dma_start3A_135 : memref<128x64xbf16, #tpu.memory_space<hbm>>) target_semaphore(%run_scoped3A : memref<!tpu.dma_semaphore, #tpu.memory_space<semaphore_mem>>)
      %dma_wait3A_136 = arith.constant 0 : i32
      %dma_wait3A_137 = tpu.memref_slice %arg9[%arg0, %multiple_of3A_119, %dma_wait3A_136] : memref<2x10240x64xbf16, #tpu.memory_space<hbm>> -> memref<1x128x64xbf16, #tpu.memory_space<hbm>>
      %dma_wait3A_138 = tpu.memref_squeeze %dma_wait3A_137 : memref<1x128x64xbf16, #tpu.memory_space<hbm>> -> memref<128x64xbf16, #tpu.memory_space<hbm>>
      %dma_wait3A_139 = arith.constant 0 : i32
      %dma_wait3A_140 = tpu.memref_slice %arg9[%arg0, %multiple_of3A_119, %dma_wait3A_139] : memref<2x10240x64xbf16, #tpu.memory_space<hbm>> -> memref<1x128x64xbf16, #tpu.memory_space<hbm>>
      %dma_wait3A_141 = tpu.memref_squeeze %dma_wait3A_140 : memref<1x128x64xbf16, #tpu.memory_space<hbm>> -> memref<128x64xbf16, #tpu.memory_space<hbm>>
      tpu.wait_dma2 semaphore(%run_scoped3A : memref<!tpu.dma_semaphore, #tpu.memory_space<semaphore_mem>>) src(%arg22 : memref<128x64xbf16, #tpu.memory_space<vmem>>) dst(%dma_wait3A_141 : memref<128x64xbf16, #tpu.memory_space<hbm>>)
      tpu.yield
    }) : () -> ()
    %mul3A_120 = arith.constant 640 : i32
    %mul3A_121 = arith.muli %arg1, %mul3A_120 : i32
    %add3A_122 = arith.constant 384 : i32
    %add3A_123 = arith.addi %mul3A_121, %add3A_122 : i32
    %multiple_of3A_124 = tpu.assume_multiple %add3A_123, 128 : i32
    "tpu.region"() ({
      %run_scoped3A = tpu.sem_alloc : memref<!tpu.dma_semaphore, #tpu.memory_space<semaphore_mem>>
      %dma_start3A_130 = arith.constant 0 : i32
      %dma_start3A_131 = tpu.memref_slice %arg30[%multiple_of3A_124, %dma_start3A_130] : memref<10240x8xf32, #tpu.memory_space<vmem_shared>> -> memref<128x8xf32, #tpu.memory_space<vmem_shared>>
      %dma_start3A_132 = arith.constant 0 : i32
      %dma_start3A_133 = tpu.memref_slice %arg30[%multiple_of3A_124, %dma_start3A_132] : memref<10240x8xf32, #tpu.memory_space<vmem_shared>> -> memref<128x8xf32, #tpu.memory_space<vmem_shared>>
      tpu.enqueue_dma source(%dma_start3A_133 : memref<128x8xf32, #tpu.memory_space<vmem_shared>>) target(%arg20 : memref<128x8xf32, #tpu.memory_space<vmem>>) target_semaphore(%run_scoped3A : memref<!tpu.dma_semaphore, #tpu.memory_space<semaphore_mem>>)
      %dma_wait3A_134 = arith.constant 0 : i32
      %dma_wait3A_135 = tpu.memref_slice %arg30[%multiple_of3A_124, %dma_wait3A_134] : memref<10240x8xf32, #tpu.memory_space<vmem_shared>> -> memref<128x8xf32, #tpu.memory_space<vmem_shared>>
      %dma_wait3A_136 = arith.constant 0 : i32
      %dma_wait3A_137 = tpu.memref_slice %arg30[%multiple_of3A_124, %dma_wait3A_136] : memref<10240x8xf32, #tpu.memory_space<vmem_shared>> -> memref<128x8xf32, #tpu.memory_space<vmem_shared>>
      tpu.wait_dma2 semaphore(%run_scoped3A : memref<!tpu.dma_semaphore, #tpu.memory_space<semaphore_mem>>) src(%dma_wait3A_137 : memref<128x8xf32, #tpu.memory_space<vmem_shared>>) dst(%arg20 : memref<128x8xf32, #tpu.memory_space<vmem>>)
      tpu.yield
    }) : () -> ()
    "tpu.region"() ({
      %run_scoped3A = tpu.sem_alloc : memref<!tpu.dma_semaphore, #tpu.memory_space<semaphore_mem>>
      %dma_start3A_130 = arith.constant 0 : i32
      %dma_start3A_131 = tpu.memref_slice %arg8[%arg0, %multiple_of3A_124, %dma_start3A_130] : memref<2x10240x8xf32, #tpu.memory_space<hbm>> -> memref<1x128x8xf32, #tpu.memory_space<hbm>>
      %dma_start3A_132 = tpu.memref_squeeze %dma_start3A_131 : memref<1x128x8xf32, #tpu.memory_space<hbm>> -> memref<128x8xf32, #tpu.memory_space<hbm>>
      %dma_start3A_133 = arith.constant 0 : i32
      %dma_start3A_134 = tpu.memref_slice %arg8[%arg0, %multiple_of3A_124, %dma_start3A_133] : memref<2x10240x8xf32, #tpu.memory_space<hbm>> -> memref<1x128x8xf32, #tpu.memory_space<hbm>>
      %dma_start3A_135 = tpu.memref_squeeze %dma_start3A_134 : memref<1x128x8xf32, #tpu.memory_space<hbm>> -> memref<128x8xf32, #tpu.memory_space<hbm>>
      tpu.enqueue_dma source(%arg20 : memref<128x8xf32, #tpu.memory_space<vmem>>) target(%dma_start3A_135 : memref<128x8xf32, #tpu.memory_space<hbm>>) target_semaphore(%run_scoped3A : memref<!tpu.dma_semaphore, #tpu.memory_space<semaphore_mem>>)
      %dma_wait3A_136 = arith.constant 0 : i32
      %dma_wait3A_137 = tpu.memref_slice %arg8[%arg0, %multiple_of3A_124, %dma_wait3A_136] : memref<2x10240x8xf32, #tpu.memory_space<hbm>> -> memref<1x128x8xf32, #tpu.memory_space<hbm>>
      %dma_wait3A_138 = tpu.memref_squeeze %dma_wait3A_137 : memref<1x128x8xf32, #tpu.memory_space<hbm>> -> memref<128x8xf32, #tpu.memory_space<hbm>>
      %dma_wait3A_139 = arith.constant 0 : i32
      %dma_wait3A_140 = tpu.memref_slice %arg8[%arg0, %multiple_of3A_124, %dma_wait3A_139] : memref<2x10240x8xf32, #tpu.memory_space<hbm>> -> memref<1x128x8xf32, #tpu.memory_space<hbm>>
      %dma_wait3A_141 = tpu.memref_squeeze %dma_wait3A_140 : memref<1x128x8xf32, #tpu.memory_space<hbm>> -> memref<128x8xf32, #tpu.memory_space<hbm>>
      tpu.wait_dma2 semaphore(%run_scoped3A : memref<!tpu.dma_semaphore, #tpu.memory_space<semaphore_mem>>) src(%arg20 : memref<128x8xf32, #tpu.memory_space<vmem>>) dst(%dma_wait3A_141 : memref<128x8xf32, #tpu.memory_space<hbm>>)
      tpu.yield
    }) : () -> ()
    "tpu.region"() ({
      %run_scoped3A = tpu.sem_alloc : memref<!tpu.dma_semaphore, #tpu.memory_space<semaphore_mem>>
      %dma_start3A_130 = arith.constant 0 : i32
      %dma_start3A_131 = tpu.memref_slice %arg31[%multiple_of3A_124, %dma_start3A_130] : memref<10240x64xbf16, #tpu.memory_space<vmem_shared>> -> memref<128x64xbf16, #tpu.memory_space<vmem_shared>>
      %dma_start3A_132 = arith.constant 0 : i32
      %dma_start3A_133 = tpu.memref_slice %arg31[%multiple_of3A_124, %dma_start3A_132] : memref<10240x64xbf16, #tpu.memory_space<vmem_shared>> -> memref<128x64xbf16, #tpu.memory_space<vmem_shared>>
      tpu.enqueue_dma source(%dma_start3A_133 : memref<128x64xbf16, #tpu.memory_space<vmem_shared>>) target(%arg22 : memref<128x64xbf16, #tpu.memory_space<vmem>>) target_semaphore(%run_scoped3A : memref<!tpu.dma_semaphore, #tpu.memory_space<semaphore_mem>>)
      %dma_wait3A_134 = arith.constant 0 : i32
      %dma_wait3A_135 = tpu.memref_slice %arg31[%multiple_of3A_124, %dma_wait3A_134] : memref<10240x64xbf16, #tpu.memory_space<vmem_shared>> -> memref<128x64xbf16, #tpu.memory_space<vmem_shared>>
      %dma_wait3A_136 = arith.constant 0 : i32
      %dma_wait3A_137 = tpu.memref_slice %arg31[%multiple_of3A_124, %dma_wait3A_136] : memref<10240x64xbf16, #tpu.memory_space<vmem_shared>> -> memref<128x64xbf16, #tpu.memory_space<vmem_shared>>
      tpu.wait_dma2 semaphore(%run_scoped3A : memref<!tpu.dma_semaphore, #tpu.memory_space<semaphore_mem>>) src(%dma_wait3A_137 : memref<128x64xbf16, #tpu.memory_space<vmem_shared>>) dst(%arg22 : memref<128x64xbf16, #tpu.memory_space<vmem>>)
      tpu.yield
    }) : () -> ()
    "tpu.region"() ({
      %run_scoped3A = tpu.sem_alloc : memref<!tpu.dma_semaphore, #tpu.memory_space<semaphore_mem>>
      %dma_start3A_130 = arith.constant 0 : i32
      %dma_start3A_131 = tpu.memref_slice %arg9[%arg0, %multiple_of3A_124, %dma_start3A_130] : memref<2x10240x64xbf16, #tpu.memory_space<hbm>> -> memref<1x128x64xbf16, #tpu.memory_space<hbm>>
      %dma_start3A_132 = tpu.memref_squeeze %dma_start3A_131 : memref<1x128x64xbf16, #tpu.memory_space<hbm>> -> memref<128x64xbf16, #tpu.memory_space<hbm>>
      %dma_start3A_133 = arith.constant 0 : i32
      %dma_start3A_134 = tpu.memref_slice %arg9[%arg0, %multiple_of3A_124, %dma_start3A_133] : memref<2x10240x64xbf16, #tpu.memory_space<hbm>> -> memref<1x128x64xbf16, #tpu.memory_space<hbm>>
      %dma_start3A_135 = tpu.memref_squeeze %dma_start3A_134 : memref<1x128x64xbf16, #tpu.memory_space<hbm>> -> memref<128x64xbf16, #tpu.memory_space<hbm>>
      tpu.enqueue_dma source(%arg22 : memref<128x64xbf16, #tpu.memory_space<vmem>>) target(%dma_start3A_135 : memref<128x64xbf16, #tpu.memory_space<hbm>>) target_semaphore(%run_scoped3A : memref<!tpu.dma_semaphore, #tpu.memory_space<semaphore_mem>>)
      %dma_wait3A_136 = arith.constant 0 : i32
      %dma_wait3A_137 = tpu.memref_slice %arg9[%arg0, %multiple_of3A_124, %dma_wait3A_136] : memref<2x10240x64xbf16, #tpu.memory_space<hbm>> -> memref<1x128x64xbf16, #tpu.memory_space<hbm>>
      %dma_wait3A_138 = tpu.memref_squeeze %dma_wait3A_137 : memref<1x128x64xbf16, #tpu.memory_space<hbm>> -> memref<128x64xbf16, #tpu.memory_space<hbm>>
      %dma_wait3A_139 = arith.constant 0 : i32
      %dma_wait3A_140 = tpu.memref_slice %arg9[%arg0, %multiple_of3A_124, %dma_wait3A_139] : memref<2x10240x64xbf16, #tpu.memory_space<hbm>> -> memref<1x128x64xbf16, #tpu.memory_space<hbm>>
      %dma_wait3A_141 = tpu.memref_squeeze %dma_wait3A_140 : memref<1x128x64xbf16, #tpu.memory_space<hbm>> -> memref<128x64xbf16, #tpu.memory_space<hbm>>
      tpu.wait_dma2 semaphore(%run_scoped3A : memref<!tpu.dma_semaphore, #tpu.memory_space<semaphore_mem>>) src(%arg22 : memref<128x64xbf16, #tpu.memory_space<vmem>>) dst(%dma_wait3A_141 : memref<128x64xbf16, #tpu.memory_space<hbm>>)
      tpu.yield
    }) : () -> ()
    %mul3A_125 = arith.constant 640 : i32
    %mul3A_126 = arith.muli %arg1, %mul3A_125 : i32
    %add3A_127 = arith.constant 512 : i32
    %add3A_128 = arith.addi %mul3A_126, %add3A_127 : i32
    %multiple_of3A_129 = tpu.assume_multiple %add3A_128, 128 : i32
    "tpu.region"() ({
      %run_scoped3A = tpu.sem_alloc : memref<!tpu.dma_semaphore, #tpu.memory_space<semaphore_mem>>
      %dma_start3A_130 = arith.constant 0 : i32
      %dma_start3A_131 = tpu.memref_slice %arg30[%multiple_of3A_129, %dma_start3A_130] : memref<10240x8xf32, #tpu.memory_space<vmem_shared>> -> memref<128x8xf32, #tpu.memory_space<vmem_shared>>
      %dma_start3A_132 = arith.constant 0 : i32
      %dma_start3A_133 = tpu.memref_slice %arg30[%multiple_of3A_129, %dma_start3A_132] : memref<10240x8xf32, #tpu.memory_space<vmem_shared>> -> memref<128x8xf32, #tpu.memory_space<vmem_shared>>
      tpu.enqueue_dma source(%dma_start3A_133 : memref<128x8xf32, #tpu.memory_space<vmem_shared>>) target(%arg20 : memref<128x8xf32, #tpu.memory_space<vmem>>) target_semaphore(%run_scoped3A : memref<!tpu.dma_semaphore, #tpu.memory_space<semaphore_mem>>)
      %dma_wait3A_134 = arith.constant 0 : i32
      %dma_wait3A_135 = tpu.memref_slice %arg30[%multiple_of3A_129, %dma_wait3A_134] : memref<10240x8xf32, #tpu.memory_space<vmem_shared>> -> memref<128x8xf32, #tpu.memory_space<vmem_shared>>
      %dma_wait3A_136 = arith.constant 0 : i32
      %dma_wait3A_137 = tpu.memref_slice %arg30[%multiple_of3A_129, %dma_wait3A_136] : memref<10240x8xf32, #tpu.memory_space<vmem_shared>> -> memref<128x8xf32, #tpu.memory_space<vmem_shared>>
      tpu.wait_dma2 semaphore(%run_scoped3A : memref<!tpu.dma_semaphore, #tpu.memory_space<semaphore_mem>>) src(%dma_wait3A_137 : memref<128x8xf32, #tpu.memory_space<vmem_shared>>) dst(%arg20 : memref<128x8xf32, #tpu.memory_space<vmem>>)
      tpu.yield
    }) : () -> ()
    "tpu.region"() ({
      %run_scoped3A = tpu.sem_alloc : memref<!tpu.dma_semaphore, #tpu.memory_space<semaphore_mem>>
      %dma_start3A_130 = arith.constant 0 : i32
      %dma_start3A_131 = tpu.memref_slice %arg8[%arg0, %multiple_of3A_129, %dma_start3A_130] : memref<2x10240x8xf32, #tpu.memory_space<hbm>> -> memref<1x128x8xf32, #tpu.memory_space<hbm>>
      %dma_start3A_132 = tpu.memref_squeeze %dma_start3A_131 : memref<1x128x8xf32, #tpu.memory_space<hbm>> -> memref<128x8xf32, #tpu.memory_space<hbm>>
      %dma_start3A_133 = arith.constant 0 : i32
      %dma_start3A_134 = tpu.memref_slice %arg8[%arg0, %multiple_of3A_129, %dma_start3A_133] : memref<2x10240x8xf32, #tpu.memory_space<hbm>> -> memref<1x128x8xf32, #tpu.memory_space<hbm>>
      %dma_start3A_135 = tpu.memref_squeeze %dma_start3A_134 : memref<1x128x8xf32, #tpu.memory_space<hbm>> -> memref<128x8xf32, #tpu.memory_space<hbm>>
      tpu.enqueue_dma source(%arg20 : memref<128x8xf32, #tpu.memory_space<vmem>>) target(%dma_start3A_135 : memref<128x8xf32, #tpu.memory_space<hbm>>) target_semaphore(%run_scoped3A : memref<!tpu.dma_semaphore, #tpu.memory_space<semaphore_mem>>)
      %dma_wait3A_136 = arith.constant 0 : i32
      %dma_wait3A_137 = tpu.memref_slice %arg8[%arg0, %multiple_of3A_129, %dma_wait3A_136] : memref<2x10240x8xf32, #tpu.memory_space<hbm>> -> memref<1x128x8xf32, #tpu.memory_space<hbm>>
      %dma_wait3A_138 = tpu.memref_squeeze %dma_wait3A_137 : memref<1x128x8xf32, #tpu.memory_space<hbm>> -> memref<128x8xf32, #tpu.memory_space<hbm>>
      %dma_wait3A_139 = arith.constant 0 : i32
      %dma_wait3A_140 = tpu.memref_slice %arg8[%arg0, %multiple_of3A_129, %dma_wait3A_139] : memref<2x10240x8xf32, #tpu.memory_space<hbm>> -> memref<1x128x8xf32, #tpu.memory_space<hbm>>
      %dma_wait3A_141 = tpu.memref_squeeze %dma_wait3A_140 : memref<1x128x8xf32, #tpu.memory_space<hbm>> -> memref<128x8xf32, #tpu.memory_space<hbm>>
      tpu.wait_dma2 semaphore(%run_scoped3A : memref<!tpu.dma_semaphore, #tpu.memory_space<semaphore_mem>>) src(%arg20 : memref<128x8xf32, #tpu.memory_space<vmem>>) dst(%dma_wait3A_141 : memref<128x8xf32, #tpu.memory_space<hbm>>)
      tpu.yield
    }) : () -> ()
    "tpu.region"() ({
      %run_scoped3A = tpu.sem_alloc : memref<!tpu.dma_semaphore, #tpu.memory_space<semaphore_mem>>
      %dma_start3A_130 = arith.constant 0 : i32
      %dma_start3A_131 = tpu.memref_slice %arg31[%multiple_of3A_129, %dma_start3A_130] : memref<10240x64xbf16, #tpu.memory_space<vmem_shared>> -> memref<128x64xbf16, #tpu.memory_space<vmem_shared>>
      %dma_start3A_132 = arith.constant 0 : i32
      %dma_start3A_133 = tpu.memref_slice %arg31[%multiple_of3A_129, %dma_start3A_132] : memref<10240x64xbf16, #tpu.memory_space<vmem_shared>> -> memref<128x64xbf16, #tpu.memory_space<vmem_shared>>
      tpu.enqueue_dma source(%dma_start3A_133 : memref<128x64xbf16, #tpu.memory_space<vmem_shared>>) target(%arg22 : memref<128x64xbf16, #tpu.memory_space<vmem>>) target_semaphore(%run_scoped3A : memref<!tpu.dma_semaphore, #tpu.memory_space<semaphore_mem>>)
      %dma_wait3A_134 = arith.constant 0 : i32
      %dma_wait3A_135 = tpu.memref_slice %arg31[%multiple_of3A_129, %dma_wait3A_134] : memref<10240x64xbf16, #tpu.memory_space<vmem_shared>> -> memref<128x64xbf16, #tpu.memory_space<vmem_shared>>
      %dma_wait3A_136 = arith.constant 0 : i32
      %dma_wait3A_137 = tpu.memref_slice %arg31[%multiple_of3A_129, %dma_wait3A_136] : memref<10240x64xbf16, #tpu.memory_space<vmem_shared>> -> memref<128x64xbf16, #tpu.memory_space<vmem_shared>>
      tpu.wait_dma2 semaphore(%run_scoped3A : memref<!tpu.dma_semaphore, #tpu.memory_space<semaphore_mem>>) src(%dma_wait3A_137 : memref<128x64xbf16, #tpu.memory_space<vmem_shared>>) dst(%arg22 : memref<128x64xbf16, #tpu.memory_space<vmem>>)
      tpu.yield
    }) : () -> ()
    "tpu.region"() ({
      %run_scoped3A = tpu.sem_alloc : memref<!tpu.dma_semaphore, #tpu.memory_space<semaphore_mem>>
      %dma_start3A_130 = arith.constant 0 : i32
      %dma_start3A_131 = tpu.memref_slice %arg9[%arg0, %multiple_of3A_129, %dma_start3A_130] : memref<2x10240x64xbf16, #tpu.memory_space<hbm>> -> memref<1x128x64xbf16, #tpu.memory_space<hbm>>
      %dma_start3A_132 = tpu.memref_squeeze %dma_start3A_131 : memref<1x128x64xbf16, #tpu.memory_space<hbm>> -> memref<128x64xbf16, #tpu.memory_space<hbm>>
      %dma_start3A_133 = arith.constant 0 : i32
      %dma_start3A_134 = tpu.memref_slice %arg9[%arg0, %multiple_of3A_129, %dma_start3A_133] : memref<2x10240x64xbf16, #tpu.memory_space<hbm>> -> memref<1x128x64xbf16, #tpu.memory_space<hbm>>
      %dma_start3A_135 = tpu.memref_squeeze %dma_start3A_134 : memref<1x128x64xbf16, #tpu.memory_space<hbm>> -> memref<128x64xbf16, #tpu.memory_space<hbm>>
      tpu.enqueue_dma source(%arg22 : memref<128x64xbf16, #tpu.memory_space<vmem>>) target(%dma_start3A_135 : memref<128x64xbf16, #tpu.memory_space<hbm>>) target_semaphore(%run_scoped3A : memref<!tpu.dma_semaphore, #tpu.memory_space<semaphore_mem>>)
      %dma_wait3A_136 = arith.constant 0 : i32
      %dma_wait3A_137 = tpu.memref_slice %arg9[%arg0, %multiple_of3A_129, %dma_wait3A_136] : memref<2x10240x64xbf16, #tpu.memory_space<hbm>> -> memref<1x128x64xbf16, #tpu.memory_space<hbm>>
      %dma_wait3A_138 = tpu.memref_squeeze %dma_wait3A_137 : memref<1x128x64xbf16, #tpu.memory_space<hbm>> -> memref<128x64xbf16, #tpu.memory_space<hbm>>
      %dma_wait3A_139 = arith.constant 0 : i32
      %dma_wait3A_140 = tpu.memref_slice %arg9[%arg0, %multiple_of3A_129, %dma_wait3A_139] : memref<2x10240x64xbf16, #tpu.memory_space<hbm>> -> memref<1x128x64xbf16, #tpu.memory_space<hbm>>
      %dma_wait3A_141 = tpu.memref_squeeze %dma_wait3A_140 : memref<1x128x64xbf16, #tpu.memory_space<hbm>> -> memref<128x64xbf16, #tpu.memory_space<hbm>>
      tpu.wait_dma2 semaphore(%run_scoped3A : memref<!tpu.dma_semaphore, #tpu.memory_space<semaphore_mem>>) src(%arg22 : memref<128x64xbf16, #tpu.memory_space<vmem>>) dst(%dma_wait3A_141 : memref<128x64xbf16, #tpu.memory_space<hbm>>)
      tpu.yield
    }) : () -> ()
    return
  }
}

#map = affine_map<(d0, d1) -> (0)>
#map1 = affine_map<(d0, d1) -> (0, 0)>
#map2 = affine_map<(d0, d1) -> (0, 0, 0)>
module attributes {stable_mosaic.version = 14 : i64} {
  func.func @k(%arg0: i32, %arg1: i32, %arg2: memref<335872xi32, #tpu.memory_space<hbm>>, %arg3: memref<335872xi32, #tpu.memory_space<hbm>>, %arg4: memref<10240x16xf32, #tpu.memory_space<hbm>>, %arg5: memref<10240x16xf32, #tpu.memory_space<hbm>>, %arg6: memref<2x10240x32xf32, #tpu.memory_space<hbm>>, %arg7: memref<128xi32, #tpu.memory_space<vmem>>, %arg8: memref<128xi32, #tpu.memory_space<vmem>>, %arg9: memref<128xi32, #tpu.memory_space<vmem>>, %arg10: memref<128xi32, #tpu.memory_space<vmem>>, %arg11: memref<128x16xf32, #tpu.memory_space<vmem>>, %arg12: memref<128x16xf32, #tpu.memory_space<vmem>>, %arg13: memref<128x16xf32, #tpu.memory_space<vmem>>, %arg14: memref<128x16xf32, #tpu.memory_space<vmem>>, %arg15: memref<128x16xf32, #tpu.memory_space<vmem>>, %arg16: memref<128x16xf32, #tpu.memory_space<vmem>>, %arg17: memref<128x32xf32, #tpu.memory_space<vmem>>, %arg18: memref<128x32xf32, #tpu.memory_space<vmem>>, %arg19: memref<128x32xf32, #tpu.memory_space<vmem>>, %arg20: memref<10240x32xf32, #tpu.memory_space<vmem_shared>>, %arg21: memref<!tpu.dma_semaphore, #tpu.memory_space<semaphore_mem>>, %arg22: memref<!tpu.dma_semaphore, #tpu.memory_space<semaphore_mem>>, %arg23: memref<!tpu.dma_semaphore, #tpu.memory_space<semaphore_mem>>, %arg24: memref<!tpu.dma_semaphore, #tpu.memory_space<semaphore_mem>>, %arg25: memref<!tpu.dma_semaphore, #tpu.memory_space<semaphore_mem>>, %arg26: memref<!tpu.dma_semaphore, #tpu.memory_space<semaphore_mem>>) attributes {dimension_semantics = [#tpu.dimension_semantics<core_parallel>, #tpu.dimension_semantics<subcore_parallel>], iteration_bounds = array<i64: 2, 16>, scalar_prefetch = 0 : i64, scratch_operands = 20 : i64, tpu.core_type = #tpu.core_type<sc_vector_subcore>, window_params = [{transform_indices = #map}, {transform_indices = #map}, {transform_indices = #map1}, {transform_indices = #map1}, {transform_indices = #map2}]} {
    %mul3A = arith.constant 16 : i32
    %mul3A_0 = arith.muli %arg0, %mul3A : i32
    %add3A = arith.addi %mul3A_0, %arg1 : i32
    %broadcast_in_dim3A = arith.constant 0.000000e+00 : f32
    %broadcast_in_dim3A_1 = vector.broadcast %broadcast_in_dim3A : f32 to vector<16xf32>
    %broadcast_in_dim3A_2 = arith.constant 0 : i32
    %broadcast_in_dim3A_3 = vector.broadcast %broadcast_in_dim3A_2 : i32 to vector<16xi32>
    %iota3A = tpu.iota {dimensions = array<i32: 0>} : vector<16xi32>
    %add3A_4 = arith.constant 0 : i32
    %add3A_5 = vector.broadcast %add3A_4 : i32 to vector<16xi32>
    %add3A_6 = arith.addi %add3A_5, %iota3A : vector<16xi32>
    %shift_right_arithmetic3A = arith.constant 4 : i32
    %shift_right_arithmetic3A_7 = vector.broadcast %shift_right_arithmetic3A : i32 to vector<16xi32>
    %shift_right_arithmetic3A_8 = arith.shrsi %add3A_6, %shift_right_arithmetic3A_7 : vector<16xi32>
    %scan3A = arith.constant 0 : i32
    %scan3A_9 = arith.constant 0 : i32
    %scan3A_10 = arith.constant 128 : i32
    %scan3A_11 = arith.addi %scan3A_9, %scan3A_10 : i32
    %scan3A_12 = arith.constant 1 : i32
    %scan3A_13 = scf.for %scan3A_141 = %scan3A_9 to %scan3A_11 step %scan3A_12 iter_args(%scan3A_142 = %scan3A) -> (i32)  : i32 {
      %swap3A = arith.index_cast %scan3A_141 : i32 to index
      %swap3A_143 = arith.constant 0 : index
      %swap3A_144 = tpu.vector_load %arg19[%swap3A, %swap3A_143] {strides = array<i32>} : memref<128x32xf32, #tpu.memory_space<vmem>>, vector<16xf32>,
      tpu.vector_store %arg19[%swap3A, %swap3A_143], %broadcast_in_dim3A_1 {strides = array<i32>} : memref<128x32xf32, #tpu.memory_space<vmem>>, vector<16xf32>,
      %swap3A_145 = arith.index_cast %scan3A_141 : i32 to index
      %swap3A_146 = arith.constant 16 : index
      %swap3A_147 = tpu.vector_load %arg19[%swap3A_145, %swap3A_146] {strides = array<i32>} : memref<128x32xf32, #tpu.memory_space<vmem>>, vector<16xf32>,
      tpu.vector_store %arg19[%swap3A_145, %swap3A_146], %broadcast_in_dim3A_1 {strides = array<i32>} : memref<128x32xf32, #tpu.memory_space<vmem>>, vector<16xf32>,
      %scan3A_148 = arith.constant 0 : i32
      scf.yield %scan3A_148 : i32
    }
    %scan3A_14 = arith.constant 128 : i32
    %scan3A_15 = arith.constant 0 : i32
    %scan3A_16 = arith.constant 0 : i32
    %scan3A_17 = arith.constant 128 : i32
    %scan3A_18 = arith.addi %scan3A_16, %scan3A_17 : i32
    %scan3A_19 = arith.constant 1 : i32
    %scan3A_20 = scf.for %scan3A_141 = %scan3A_16 to %scan3A_18 step %scan3A_19 iter_args(%scan3A_142 = %scan3A_15) -> (i32)  : i32 {
      %swap3A = arith.index_cast %scan3A_141 : i32 to index
      %swap3A_143 = arith.constant 0 : index
      %swap3A_144 = tpu.vector_load %arg17[%swap3A, %swap3A_143] {strides = array<i32>} : memref<128x32xf32, #tpu.memory_space<vmem>>, vector<16xf32>,
      tpu.vector_store %arg17[%swap3A, %swap3A_143], %broadcast_in_dim3A_1 {strides = array<i32>} : memref<128x32xf32, #tpu.memory_space<vmem>>, vector<16xf32>,
      %swap3A_145 = arith.index_cast %scan3A_141 : i32 to index
      %swap3A_146 = arith.constant 16 : index
      %swap3A_147 = tpu.vector_load %arg17[%swap3A_145, %swap3A_146] {strides = array<i32>} : memref<128x32xf32, #tpu.memory_space<vmem>>, vector<16xf32>,
      tpu.vector_store %arg17[%swap3A_145, %swap3A_146], %broadcast_in_dim3A_1 {strides = array<i32>} : memref<128x32xf32, #tpu.memory_space<vmem>>, vector<16xf32>,
      %scan3A_148 = arith.constant 0 : i32
      scf.yield %scan3A_148 : i32
    }
    %scan3A_21 = arith.constant 128 : i32
    %scan3A_22 = arith.constant 0 : i32
    %scan3A_23 = arith.constant 0 : i32
    %scan3A_24 = arith.constant 8 : i32
    %scan3A_25 = arith.addi %scan3A_23, %scan3A_24 : i32
    %scan3A_26 = arith.constant 1 : i32
    %scan3A_27 = scf.for %scan3A_141 = %scan3A_23 to %scan3A_25 step %scan3A_26 iter_args(%scan3A_142 = %scan3A_22) -> (i32)  : i32 {
      %mul3A_143 = arith.constant 16 : i32
      %mul3A_144 = arith.muli %scan3A_141, %mul3A_143 : i32
      %swap3A = arith.index_cast %mul3A_144 : i32 to index
      %swap3A_145 = tpu.vector_load %arg9[%swap3A] {strides = array<i32>} : memref<128xi32, #tpu.memory_space<vmem>>, vector<16xi32>,
      tpu.vector_store %arg9[%swap3A], %broadcast_in_dim3A_3 {strides = array<i32>} : memref<128xi32, #tpu.memory_space<vmem>>, vector<16xi32>,
      %scan3A_146 = arith.constant 0 : i32
      scf.yield %scan3A_146 : i32
    }
    %scan3A_28 = arith.constant 8 : i32
    %scan3A_29 = arith.constant 0 : i32
    %scan3A_30 = arith.constant 0 : i32
    %scan3A_31 = arith.constant 128 : i32
    %scan3A_32 = arith.addi %scan3A_30, %scan3A_31 : i32
    %scan3A_33 = arith.constant 1 : i32
    %scan3A_34 = scf.for %scan3A_141 = %scan3A_30 to %scan3A_32 step %scan3A_33 iter_args(%scan3A_142 = %scan3A_29) -> (i32)  : i32 {
      %swap3A = arith.index_cast %scan3A_141 : i32 to index
      %swap3A_143 = arith.constant 0 : index
      %swap3A_144 = tpu.vector_load %arg18[%swap3A, %swap3A_143] {strides = array<i32>} : memref<128x32xf32, #tpu.memory_space<vmem>>, vector<16xf32>,
      tpu.vector_store %arg18[%swap3A, %swap3A_143], %broadcast_in_dim3A_1 {strides = array<i32>} : memref<128x32xf32, #tpu.memory_space<vmem>>, vector<16xf32>,
      %swap3A_145 = arith.index_cast %scan3A_141 : i32 to index
      %swap3A_146 = arith.constant 16 : index
      %swap3A_147 = tpu.vector_load %arg18[%swap3A_145, %swap3A_146] {strides = array<i32>} : memref<128x32xf32, #tpu.memory_space<vmem>>, vector<16xf32>,
      tpu.vector_store %arg18[%swap3A_145, %swap3A_146], %broadcast_in_dim3A_1 {strides = array<i32>} : memref<128x32xf32, #tpu.memory_space<vmem>>, vector<16xf32>,
      %scan3A_148 = arith.constant 0 : i32
      scf.yield %scan3A_148 : i32
    }
    %scan3A_35 = arith.constant 128 : i32
    %scan3A_36 = arith.constant 0 : i32
    %scan3A_37 = arith.constant 0 : i32
    %scan3A_38 = arith.constant 8 : i32
    %scan3A_39 = arith.addi %scan3A_37, %scan3A_38 : i32
    %scan3A_40 = arith.constant 1 : i32
    %scan3A_41 = scf.for %scan3A_141 = %scan3A_37 to %scan3A_39 step %scan3A_40 iter_args(%scan3A_142 = %scan3A_36) -> (i32)  : i32 {
      %mul3A_143 = arith.constant 16 : i32
      %mul3A_144 = arith.muli %scan3A_141, %mul3A_143 : i32
      %swap3A = arith.index_cast %mul3A_144 : i32 to index
      %swap3A_145 = tpu.vector_load %arg10[%swap3A] {strides = array<i32>} : memref<128xi32, #tpu.memory_space<vmem>>, vector<16xi32>,
      tpu.vector_store %arg10[%swap3A], %broadcast_in_dim3A_3 {strides = array<i32>} : memref<128xi32, #tpu.memory_space<vmem>>, vector<16xi32>,
      %scan3A_146 = arith.constant 0 : i32
      scf.yield %scan3A_146 : i32
    }
    %scan3A_42 = arith.constant 8 : i32
    %mul3A_43 = arith.constant 640 : i32
    %mul3A_44 = arith.muli %arg1, %mul3A_43 : i32
    %add3A_45 = arith.constant 0 : i32
    %add3A_46 = arith.addi %mul3A_44, %add3A_45 : i32
    "tpu.region"() ({
      %run_scoped3A = tpu.sem_alloc : memref<!tpu.dma_semaphore, #tpu.memory_space<semaphore_mem>>
      %dma_start3A_141 = arith.constant 0 : i32
      %dma_start3A_142 = tpu.memref_slice %arg20[%add3A_46, %dma_start3A_141] : memref<10240x32xf32, #tpu.memory_space<vmem_shared>> -> memref<128x32xf32, #tpu.memory_space<vmem_shared>>
      %dma_start3A_143 = arith.constant 0 : i32
      %dma_start3A_144 = tpu.memref_slice %arg20[%add3A_46, %dma_start3A_143] : memref<10240x32xf32, #tpu.memory_space<vmem_shared>> -> memref<128x32xf32, #tpu.memory_space<vmem_shared>>
      tpu.enqueue_dma source(%arg19 : memref<128x32xf32, #tpu.memory_space<vmem>>) target(%dma_start3A_144 : memref<128x32xf32, #tpu.memory_space<vmem_shared>>) target_semaphore(%run_scoped3A : memref<!tpu.dma_semaphore, #tpu.memory_space<semaphore_mem>>)
      %dma_wait3A_145 = arith.constant 0 : i32
      %dma_wait3A_146 = tpu.memref_slice %arg20[%add3A_46, %dma_wait3A_145] : memref<10240x32xf32, #tpu.memory_space<vmem_shared>> -> memref<128x32xf32, #tpu.memory_space<vmem_shared>>
      %dma_wait3A_147 = arith.constant 0 : i32
      %dma_wait3A_148 = tpu.memref_slice %arg20[%add3A_46, %dma_wait3A_147] : memref<10240x32xf32, #tpu.memory_space<vmem_shared>> -> memref<128x32xf32, #tpu.memory_space<vmem_shared>>
      tpu.wait_dma2 semaphore(%run_scoped3A : memref<!tpu.dma_semaphore, #tpu.memory_space<semaphore_mem>>) src(%arg19 : memref<128x32xf32, #tpu.memory_space<vmem>>) dst(%dma_wait3A_148 : memref<128x32xf32, #tpu.memory_space<vmem_shared>>)
      tpu.yield
    }) : () -> ()
    %mul3A_47 = arith.constant 640 : i32
    %mul3A_48 = arith.muli %arg1, %mul3A_47 : i32
    %add3A_49 = arith.constant 128 : i32
    %add3A_50 = arith.addi %mul3A_48, %add3A_49 : i32
    "tpu.region"() ({
      %run_scoped3A = tpu.sem_alloc : memref<!tpu.dma_semaphore, #tpu.memory_space<semaphore_mem>>
      %dma_start3A_141 = arith.constant 0 : i32
      %dma_start3A_142 = tpu.memref_slice %arg20[%add3A_50, %dma_start3A_141] : memref<10240x32xf32, #tpu.memory_space<vmem_shared>> -> memref<128x32xf32, #tpu.memory_space<vmem_shared>>
      %dma_start3A_143 = arith.constant 0 : i32
      %dma_start3A_144 = tpu.memref_slice %arg20[%add3A_50, %dma_start3A_143] : memref<10240x32xf32, #tpu.memory_space<vmem_shared>> -> memref<128x32xf32, #tpu.memory_space<vmem_shared>>
      tpu.enqueue_dma source(%arg19 : memref<128x32xf32, #tpu.memory_space<vmem>>) target(%dma_start3A_144 : memref<128x32xf32, #tpu.memory_space<vmem_shared>>) target_semaphore(%run_scoped3A : memref<!tpu.dma_semaphore, #tpu.memory_space<semaphore_mem>>)
      %dma_wait3A_145 = arith.constant 0 : i32
      %dma_wait3A_146 = tpu.memref_slice %arg20[%add3A_50, %dma_wait3A_145] : memref<10240x32xf32, #tpu.memory_space<vmem_shared>> -> memref<128x32xf32, #tpu.memory_space<vmem_shared>>
      %dma_wait3A_147 = arith.constant 0 : i32
      %dma_wait3A_148 = tpu.memref_slice %arg20[%add3A_50, %dma_wait3A_147] : memref<10240x32xf32, #tpu.memory_space<vmem_shared>> -> memref<128x32xf32, #tpu.memory_space<vmem_shared>>
      tpu.wait_dma2 semaphore(%run_scoped3A : memref<!tpu.dma_semaphore, #tpu.memory_space<semaphore_mem>>) src(%arg19 : memref<128x32xf32, #tpu.memory_space<vmem>>) dst(%dma_wait3A_148 : memref<128x32xf32, #tpu.memory_space<vmem_shared>>)
      tpu.yield
    }) : () -> ()
    %mul3A_51 = arith.constant 640 : i32
    %mul3A_52 = arith.muli %arg1, %mul3A_51 : i32
    %add3A_53 = arith.constant 256 : i32
    %add3A_54 = arith.addi %mul3A_52, %add3A_53 : i32
    "tpu.region"() ({
      %run_scoped3A = tpu.sem_alloc : memref<!tpu.dma_semaphore, #tpu.memory_space<semaphore_mem>>
      %dma_start3A_141 = arith.constant 0 : i32
      %dma_start3A_142 = tpu.memref_slice %arg20[%add3A_54, %dma_start3A_141] : memref<10240x32xf32, #tpu.memory_space<vmem_shared>> -> memref<128x32xf32, #tpu.memory_space<vmem_shared>>
      %dma_start3A_143 = arith.constant 0 : i32
      %dma_start3A_144 = tpu.memref_slice %arg20[%add3A_54, %dma_start3A_143] : memref<10240x32xf32, #tpu.memory_space<vmem_shared>> -> memref<128x32xf32, #tpu.memory_space<vmem_shared>>
      tpu.enqueue_dma source(%arg19 : memref<128x32xf32, #tpu.memory_space<vmem>>) target(%dma_start3A_144 : memref<128x32xf32, #tpu.memory_space<vmem_shared>>) target_semaphore(%run_scoped3A : memref<!tpu.dma_semaphore, #tpu.memory_space<semaphore_mem>>)
      %dma_wait3A_145 = arith.constant 0 : i32
      %dma_wait3A_146 = tpu.memref_slice %arg20[%add3A_54, %dma_wait3A_145] : memref<10240x32xf32, #tpu.memory_space<vmem_shared>> -> memref<128x32xf32, #tpu.memory_space<vmem_shared>>
      %dma_wait3A_147 = arith.constant 0 : i32
      %dma_wait3A_148 = tpu.memref_slice %arg20[%add3A_54, %dma_wait3A_147] : memref<10240x32xf32, #tpu.memory_space<vmem_shared>> -> memref<128x32xf32, #tpu.memory_space<vmem_shared>>
      tpu.wait_dma2 semaphore(%run_scoped3A : memref<!tpu.dma_semaphore, #tpu.memory_space<semaphore_mem>>) src(%arg19 : memref<128x32xf32, #tpu.memory_space<vmem>>) dst(%dma_wait3A_148 : memref<128x32xf32, #tpu.memory_space<vmem_shared>>)
      tpu.yield
    }) : () -> ()
    %mul3A_55 = arith.constant 640 : i32
    %mul3A_56 = arith.muli %arg1, %mul3A_55 : i32
    %add3A_57 = arith.constant 384 : i32
    %add3A_58 = arith.addi %mul3A_56, %add3A_57 : i32
    "tpu.region"() ({
      %run_scoped3A = tpu.sem_alloc : memref<!tpu.dma_semaphore, #tpu.memory_space<semaphore_mem>>
      %dma_start3A_141 = arith.constant 0 : i32
      %dma_start3A_142 = tpu.memref_slice %arg20[%add3A_58, %dma_start3A_141] : memref<10240x32xf32, #tpu.memory_space<vmem_shared>> -> memref<128x32xf32, #tpu.memory_space<vmem_shared>>
      %dma_start3A_143 = arith.constant 0 : i32
      %dma_start3A_144 = tpu.memref_slice %arg20[%add3A_58, %dma_start3A_143] : memref<10240x32xf32, #tpu.memory_space<vmem_shared>> -> memref<128x32xf32, #tpu.memory_space<vmem_shared>>
      tpu.enqueue_dma source(%arg19 : memref<128x32xf32, #tpu.memory_space<vmem>>) target(%dma_start3A_144 : memref<128x32xf32, #tpu.memory_space<vmem_shared>>) target_semaphore(%run_scoped3A : memref<!tpu.dma_semaphore, #tpu.memory_space<semaphore_mem>>)
      %dma_wait3A_145 = arith.constant 0 : i32
      %dma_wait3A_146 = tpu.memref_slice %arg20[%add3A_58, %dma_wait3A_145] : memref<10240x32xf32, #tpu.memory_space<vmem_shared>> -> memref<128x32xf32, #tpu.memory_space<vmem_shared>>
      %dma_wait3A_147 = arith.constant 0 : i32
      %dma_wait3A_148 = tpu.memref_slice %arg20[%add3A_58, %dma_wait3A_147] : memref<10240x32xf32, #tpu.memory_space<vmem_shared>> -> memref<128x32xf32, #tpu.memory_space<vmem_shared>>
      tpu.wait_dma2 semaphore(%run_scoped3A : memref<!tpu.dma_semaphore, #tpu.memory_space<semaphore_mem>>) src(%arg19 : memref<128x32xf32, #tpu.memory_space<vmem>>) dst(%dma_wait3A_148 : memref<128x32xf32, #tpu.memory_space<vmem_shared>>)
      tpu.yield
    }) : () -> ()
    %mul3A_59 = arith.constant 640 : i32
    %mul3A_60 = arith.muli %arg1, %mul3A_59 : i32
    %add3A_61 = arith.constant 512 : i32
    %add3A_62 = arith.addi %mul3A_60, %add3A_61 : i32
    "tpu.region"() ({
      %run_scoped3A = tpu.sem_alloc : memref<!tpu.dma_semaphore, #tpu.memory_space<semaphore_mem>>
      %dma_start3A_141 = arith.constant 0 : i32
      %dma_start3A_142 = tpu.memref_slice %arg20[%add3A_62, %dma_start3A_141] : memref<10240x32xf32, #tpu.memory_space<vmem_shared>> -> memref<128x32xf32, #tpu.memory_space<vmem_shared>>
      %dma_start3A_143 = arith.constant 0 : i32
      %dma_start3A_144 = tpu.memref_slice %arg20[%add3A_62, %dma_start3A_143] : memref<10240x32xf32, #tpu.memory_space<vmem_shared>> -> memref<128x32xf32, #tpu.memory_space<vmem_shared>>
      tpu.enqueue_dma source(%arg19 : memref<128x32xf32, #tpu.memory_space<vmem>>) target(%dma_start3A_144 : memref<128x32xf32, #tpu.memory_space<vmem_shared>>) target_semaphore(%run_scoped3A : memref<!tpu.dma_semaphore, #tpu.memory_space<semaphore_mem>>)
      %dma_wait3A_145 = arith.constant 0 : i32
      %dma_wait3A_146 = tpu.memref_slice %arg20[%add3A_62, %dma_wait3A_145] : memref<10240x32xf32, #tpu.memory_space<vmem_shared>> -> memref<128x32xf32, #tpu.memory_space<vmem_shared>>
      %dma_wait3A_147 = arith.constant 0 : i32
      %dma_wait3A_148 = tpu.memref_slice %arg20[%add3A_62, %dma_wait3A_147] : memref<10240x32xf32, #tpu.memory_space<vmem_shared>> -> memref<128x32xf32, #tpu.memory_space<vmem_shared>>
      tpu.wait_dma2 semaphore(%run_scoped3A : memref<!tpu.dma_semaphore, #tpu.memory_space<semaphore_mem>>) src(%arg19 : memref<128x32xf32, #tpu.memory_space<vmem>>) dst(%dma_wait3A_148 : memref<128x32xf32, #tpu.memory_space<vmem_shared>>)
      tpu.yield
    }) : () -> ()
    %barrier3A = arith.constant 0 : index
    tpu.barrier barrier_id(%barrier3A)
    %dma_start3A = arith.constant 0 : i32
    %dma_start3A_63 = arith.constant 0 : i32
    %dma_start3A_64 = tpu.memref_slice %arg20[%dma_start3A, %dma_start3A_63] : memref<10240x32xf32, #tpu.memory_space<vmem_shared>> -> memref<10240x32xf32, #tpu.memory_space<vmem_shared>>
    tpu.enqueue_indirect_dma source(%arg18 : memref<128x32xf32, #tpu.memory_space<vmem>>) target(%dma_start3A_64 : memref<10240x32xf32, #tpu.memory_space<vmem_shared>>) offsets(%arg10 : memref<128xi32, #tpu.memory_space<vmem>>) semaphore(%arg26 : memref<!tpu.dma_semaphore, #tpu.memory_space<semaphore_mem>>) {add = true}
    %mul3A_65 = arith.constant 10496 : i32
    %mul3A_66 = arith.muli %add3A, %mul3A_65 : i32
    %add3A_67 = arith.constant 0 : i32
    %add3A_68 = arith.addi %mul3A_66, %add3A_67 : i32
    %dma_start3A_69 = tpu.memref_slice %arg2[%add3A_68] : memref<335872xi32, #tpu.memory_space<hbm>> -> memref<128xi32, #tpu.memory_space<hbm>>
    %dma_start3A_70 = tpu.memref_slice %arg2[%add3A_68] : memref<335872xi32, #tpu.memory_space<hbm>> -> memref<128xi32, #tpu.memory_space<hbm>>
    tpu.enqueue_dma source(%dma_start3A_70 : memref<128xi32, #tpu.memory_space<hbm>>) target(%arg7 : memref<128xi32, #tpu.memory_space<vmem>>) target_semaphore(%arg21 : memref<!tpu.dma_semaphore, #tpu.memory_space<semaphore_mem>>)
    %mul3A_71 = arith.constant 10496 : i32
    %mul3A_72 = arith.muli %add3A, %mul3A_71 : i32
    %add3A_73 = arith.constant 0 : i32
    %add3A_74 = arith.addi %mul3A_72, %add3A_73 : i32
    %dma_start3A_75 = tpu.memref_slice %arg3[%add3A_74] : memref<335872xi32, #tpu.memory_space<hbm>> -> memref<128xi32, #tpu.memory_space<hbm>>
    %dma_start3A_76 = tpu.memref_slice %arg3[%add3A_74] : memref<335872xi32, #tpu.memory_space<hbm>> -> memref<128xi32, #tpu.memory_space<hbm>>
    tpu.enqueue_dma source(%dma_start3A_76 : memref<128xi32, #tpu.memory_space<hbm>>) target(%arg9 : memref<128xi32, #tpu.memory_space<vmem>>) target_semaphore(%arg21 : memref<!tpu.dma_semaphore, #tpu.memory_space<semaphore_mem>>)
    %mul3A_77 = arith.constant 10496 : i32
    %mul3A_78 = arith.muli %add3A, %mul3A_77 : i32
    %add3A_79 = arith.constant 0 : i32
    %add3A_80 = arith.addi %mul3A_78, %add3A_79 : i32
    %dma_wait3A = tpu.memref_slice %arg2[%add3A_80] : memref<335872xi32, #tpu.memory_space<hbm>> -> memref<128xi32, #tpu.memory_space<hbm>>
    %dma_wait3A_81 = tpu.memref_slice %arg2[%add3A_80] : memref<335872xi32, #tpu.memory_space<hbm>> -> memref<128xi32, #tpu.memory_space<hbm>>
    tpu.wait_dma2 semaphore(%arg21 : memref<!tpu.dma_semaphore, #tpu.memory_space<semaphore_mem>>) src(%dma_wait3A_81 : memref<128xi32, #tpu.memory_space<hbm>>) dst(%arg7 : memref<128xi32, #tpu.memory_space<vmem>>)
    %mul3A_82 = arith.constant 10496 : i32
    %mul3A_83 = arith.muli %add3A, %mul3A_82 : i32
    %add3A_84 = arith.constant 0 : i32
    %add3A_85 = arith.addi %mul3A_83, %add3A_84 : i32
    %dma_wait3A_86 = tpu.memref_slice %arg3[%add3A_85] : memref<335872xi32, #tpu.memory_space<hbm>> -> memref<128xi32, #tpu.memory_space<hbm>>
    %dma_wait3A_87 = tpu.memref_slice %arg3[%add3A_85] : memref<335872xi32, #tpu.memory_space<hbm>> -> memref<128xi32, #tpu.memory_space<hbm>>
    tpu.wait_dma2 semaphore(%arg21 : memref<!tpu.dma_semaphore, #tpu.memory_space<semaphore_mem>>) src(%dma_wait3A_87 : memref<128xi32, #tpu.memory_space<hbm>>) dst(%arg9 : memref<128xi32, #tpu.memory_space<vmem>>)
    %dma_start3A_88 = arith.constant 0 : i32
    %dma_start3A_89 = arith.constant 0 : i32
    %dma_start3A_90 = tpu.memref_slice %arg4[%dma_start3A_88, %dma_start3A_89] : memref<10240x16xf32, #tpu.memory_space<hbm>> -> memref<10240x16xf32, #tpu.memory_space<hbm>>
    tpu.enqueue_indirect_dma source(%dma_start3A_90 : memref<10240x16xf32, #tpu.memory_space<hbm>>) target(%arg11 : memref<128x16xf32, #tpu.memory_space<vmem>>) offsets(%arg7 : memref<128xi32, #tpu.memory_space<vmem>>) semaphore(%arg23 : memref<!tpu.dma_semaphore, #tpu.memory_space<semaphore_mem>>)
    %dma_start3A_91 = arith.constant 0 : i32
    %dma_start3A_92 = arith.constant 0 : i32
    %dma_start3A_93 = tpu.memref_slice %arg4[%dma_start3A_91, %dma_start3A_92] : memref<10240x16xf32, #tpu.memory_space<hbm>> -> memref<10240x16xf32, #tpu.memory_space<hbm>>
    tpu.enqueue_indirect_dma source(%dma_start3A_93 : memref<10240x16xf32, #tpu.memory_space<hbm>>) target(%arg13 : memref<128x16xf32, #tpu.memory_space<vmem>>) offsets(%arg9 : memref<128xi32, #tpu.memory_space<vmem>>) semaphore(%arg23 : memref<!tpu.dma_semaphore, #tpu.memory_space<semaphore_mem>>)
    %dma_start3A_94 = arith.constant 0 : i32
    %dma_start3A_95 = arith.constant 0 : i32
    %dma_start3A_96 = tpu.memref_slice %arg5[%dma_start3A_94, %dma_start3A_95] : memref<10240x16xf32, #tpu.memory_space<hbm>> -> memref<10240x16xf32, #tpu.memory_space<hbm>>
    tpu.enqueue_indirect_dma source(%dma_start3A_96 : memref<10240x16xf32, #tpu.memory_space<hbm>>) target(%arg15 : memref<128x16xf32, #tpu.memory_space<vmem>>) offsets(%arg7 : memref<128xi32, #tpu.memory_space<vmem>>) semaphore(%arg23 : memref<!tpu.dma_semaphore, #tpu.memory_space<semaphore_mem>>)
    %scan3A_97 = arith.constant 0 : i32
    %scan3A_98 = arith.constant 0 : i32
    %scan3A_99 = arith.constant 41 : i32
    %scan3A_100 = arith.addi %scan3A_98, %scan3A_99 : i32
    %scan3A_101 = arith.constant 1 : i32
    %scan3A_102 = scf.for %scan3A_141 = %scan3A_98 to %scan3A_100 step %scan3A_101 iter_args(%scan3A_142 = %scan3A_97) -> (i32)  : i32 {
      %mul3A_143 = arith.constant 2 : i32
      %mul3A_144 = arith.muli %mul3A_143, %scan3A_141 : i32
      %dma_wait3A_145 = arith.constant 0 : i32
      %dma_wait3A_146 = arith.constant 0 : i32
      %dma_wait3A_147 = tpu.memref_slice %arg20[%dma_wait3A_145, %dma_wait3A_146] : memref<10240x32xf32, #tpu.memory_space<vmem_shared>> -> memref<10240x32xf32, #tpu.memory_space<vmem_shared>>
      tpu.wait_indirect_dma semaphore(%arg26 : memref<!tpu.dma_semaphore, #tpu.memory_space<semaphore_mem>>) src(%arg18 : memref<128x32xf32, #tpu.memory_space<vmem>>) dst(%dma_wait3A_147 : memref<10240x32xf32, #tpu.memory_space<vmem_shared>>)
      %add3A_148 = arith.constant 1 : i32
      %add3A_149 = arith.addi %mul3A_144, %add3A_148 : i32
      %min3A = arith.constant 81 : i32
      %min3A_150 = arith.minsi %add3A_149, %min3A : i32
      %mul3A_151 = arith.constant 10496 : i32
      %mul3A_152 = arith.muli %add3A, %mul3A_151 : i32
      %mul3A_153 = arith.constant 128 : i32
      %mul3A_154 = arith.muli %min3A_150, %mul3A_153 : i32
      %add3A_155 = arith.addi %mul3A_152, %mul3A_154 : i32
      %dma_start3A_156 = tpu.memref_slice %arg2[%add3A_155] : memref<335872xi32, #tpu.memory_space<hbm>> -> memref<128xi32, #tpu.memory_space<hbm>>
      %dma_start3A_157 = tpu.memref_slice %arg2[%add3A_155] : memref<335872xi32, #tpu.memory_space<hbm>> -> memref<128xi32, #tpu.memory_space<hbm>>
      tpu.enqueue_dma source(%dma_start3A_157 : memref<128xi32, #tpu.memory_space<hbm>>) target(%arg8 : memref<128xi32, #tpu.memory_space<vmem>>) target_semaphore(%arg22 : memref<!tpu.dma_semaphore, #tpu.memory_space<semaphore_mem>>)
      %mul3A_158 = arith.constant 10496 : i32
      %mul3A_159 = arith.muli %add3A, %mul3A_158 : i32
      %mul3A_160 = arith.constant 128 : i32
      %mul3A_161 = arith.muli %min3A_150, %mul3A_160 : i32
      %add3A_162 = arith.addi %mul3A_159, %mul3A_161 : i32
      %dma_start3A_163 = tpu.memref_slice %arg3[%add3A_162] : memref<335872xi32, #tpu.memory_space<hbm>> -> memref<128xi32, #tpu.memory_space<hbm>>
      %dma_start3A_164 = tpu.memref_slice %arg3[%add3A_162] : memref<335872xi32, #tpu.memory_space<hbm>> -> memref<128xi32, #tpu.memory_space<hbm>>
      tpu.enqueue_dma source(%dma_start3A_164 : memref<128xi32, #tpu.memory_space<hbm>>) target(%arg10 : memref<128xi32, #tpu.memory_space<vmem>>) target_semaphore(%arg22 : memref<!tpu.dma_semaphore, #tpu.memory_space<semaphore_mem>>)
      %dma_wait3A_165 = arith.constant 0 : i32
      %dma_wait3A_166 = arith.constant 0 : i32
      %dma_wait3A_167 = tpu.memref_slice %arg4[%dma_wait3A_165, %dma_wait3A_166] : memref<10240x16xf32, #tpu.memory_space<hbm>> -> memref<10240x16xf32, #tpu.memory_space<hbm>>
      tpu.wait_indirect_dma semaphore(%arg23 : memref<!tpu.dma_semaphore, #tpu.memory_space<semaphore_mem>>) src(%dma_wait3A_167 : memref<10240x16xf32, #tpu.memory_space<hbm>>) dst(%arg11 : memref<128x16xf32, #tpu.memory_space<vmem>>)
      %dma_wait3A_168 = arith.constant 0 : i32
      %dma_wait3A_169 = arith.constant 0 : i32
      %dma_wait3A_170 = tpu.memref_slice %arg4[%dma_wait3A_168, %dma_wait3A_169] : memref<10240x16xf32, #tpu.memory_space<hbm>> -> memref<10240x16xf32, #tpu.memory_space<hbm>>
      tpu.wait_indirect_dma semaphore(%arg23 : memref<!tpu.dma_semaphore, #tpu.memory_space<semaphore_mem>>) src(%dma_wait3A_170 : memref<10240x16xf32, #tpu.memory_space<hbm>>) dst(%arg13 : memref<128x16xf32, #tpu.memory_space<vmem>>)
      %dma_wait3A_171 = arith.constant 0 : i32
      %dma_wait3A_172 = arith.constant 0 : i32
      %dma_wait3A_173 = tpu.memref_slice %arg5[%dma_wait3A_171, %dma_wait3A_172] : memref<10240x16xf32, #tpu.memory_space<hbm>> -> memref<10240x16xf32, #tpu.memory_space<hbm>>
      tpu.wait_indirect_dma semaphore(%arg23 : memref<!tpu.dma_semaphore, #tpu.memory_space<semaphore_mem>>) src(%dma_wait3A_173 : memref<10240x16xf32, #tpu.memory_space<hbm>>) dst(%arg15 : memref<128x16xf32, #tpu.memory_space<vmem>>)
      %mul3A_174 = arith.constant 10496 : i32
      %mul3A_175 = arith.muli %add3A, %mul3A_174 : i32
      %mul3A_176 = arith.constant 128 : i32
      %mul3A_177 = arith.muli %min3A_150, %mul3A_176 : i32
      %add3A_178 = arith.addi %mul3A_175, %mul3A_177 : i32
      %dma_wait3A_179 = tpu.memref_slice %arg2[%add3A_178] : memref<335872xi32, #tpu.memory_space<hbm>> -> memref<128xi32, #tpu.memory_space<hbm>>
      %dma_wait3A_180 = tpu.memref_slice %arg2[%add3A_178] : memref<335872xi32, #tpu.memory_space<hbm>> -> memref<128xi32, #tpu.memory_space<hbm>>
      tpu.wait_dma2 semaphore(%arg22 : memref<!tpu.dma_semaphore, #tpu.memory_space<semaphore_mem>>) src(%dma_wait3A_180 : memref<128xi32, #tpu.memory_space<hbm>>) dst(%arg8 : memref<128xi32, #tpu.memory_space<vmem>>)
      %mul3A_181 = arith.constant 10496 : i32
      %mul3A_182 = arith.muli %add3A, %mul3A_181 : i32
      %mul3A_183 = arith.constant 128 : i32
      %mul3A_184 = arith.muli %min3A_150, %mul3A_183 : i32
      %add3A_185 = arith.addi %mul3A_182, %mul3A_184 : i32
      %dma_wait3A_186 = tpu.memref_slice %arg3[%add3A_185] : memref<335872xi32, #tpu.memory_space<hbm>> -> memref<128xi32, #tpu.memory_space<hbm>>
      %dma_wait3A_187 = tpu.memref_slice %arg3[%add3A_185] : memref<335872xi32, #tpu.memory_space<hbm>> -> memref<128xi32, #tpu.memory_space<hbm>>
      tpu.wait_dma2 semaphore(%arg22 : memref<!tpu.dma_semaphore, #tpu.memory_space<semaphore_mem>>) src(%dma_wait3A_187 : memref<128xi32, #tpu.memory_space<hbm>>) dst(%arg10 : memref<128xi32, #tpu.memory_space<vmem>>)
      %dma_start3A_188 = arith.constant 0 : i32
      %dma_start3A_189 = arith.constant 0 : i32
      %dma_start3A_190 = tpu.memref_slice %arg4[%dma_start3A_188, %dma_start3A_189] : memref<10240x16xf32, #tpu.memory_space<hbm>> -> memref<10240x16xf32, #tpu.memory_space<hbm>>
      tpu.enqueue_indirect_dma source(%dma_start3A_190 : memref<10240x16xf32, #tpu.memory_space<hbm>>) target(%arg12 : memref<128x16xf32, #tpu.memory_space<vmem>>) offsets(%arg8 : memref<128xi32, #tpu.memory_space<vmem>>) semaphore(%arg24 : memref<!tpu.dma_semaphore, #tpu.memory_space<semaphore_mem>>)
      %dma_start3A_191 = arith.constant 0 : i32
      %dma_start3A_192 = arith.constant 0 : i32
      %dma_start3A_193 = tpu.memref_slice %arg4[%dma_start3A_191, %dma_start3A_192] : memref<10240x16xf32, #tpu.memory_space<hbm>> -> memref<10240x16xf32, #tpu.memory_space<hbm>>
      tpu.enqueue_indirect_dma source(%dma_start3A_193 : memref<10240x16xf32, #tpu.memory_space<hbm>>) target(%arg14 : memref<128x16xf32, #tpu.memory_space<vmem>>) offsets(%arg10 : memref<128xi32, #tpu.memory_space<vmem>>) semaphore(%arg24 : memref<!tpu.dma_semaphore, #tpu.memory_space<semaphore_mem>>)
      %dma_start3A_194 = arith.constant 0 : i32
      %dma_start3A_195 = arith.constant 0 : i32
      %dma_start3A_196 = tpu.memref_slice %arg5[%dma_start3A_194, %dma_start3A_195] : memref<10240x16xf32, #tpu.memory_space<hbm>> -> memref<10240x16xf32, #tpu.memory_space<hbm>>
      tpu.enqueue_indirect_dma source(%dma_start3A_196 : memref<10240x16xf32, #tpu.memory_space<hbm>>) target(%arg16 : memref<128x16xf32, #tpu.memory_space<vmem>>) offsets(%arg8 : memref<128xi32, #tpu.memory_space<vmem>>) semaphore(%arg24 : memref<!tpu.dma_semaphore, #tpu.memory_space<semaphore_mem>>)
      %scan3A_197 = arith.constant 0 : i32
      %scan3A_198 = arith.constant 0 : i32
      %scan3A_199 = arith.constant 8 : i32
      %scan3A_200 = arith.addi %scan3A_198, %scan3A_199 : i32
      %scan3A_201 = arith.constant 4 : i32
      %scan3A_202 = scf.for %scan3A_289 = %scan3A_198 to %scan3A_200 step %scan3A_201 iter_args(%scan3A_290 = %scan3A_197) -> (i32)  : i32 {
        %mul3A_291 = arith.constant 16 : i32
        %mul3A_292 = arith.muli %scan3A_289, %mul3A_291 : i32
        %add3A_293 = vector.broadcast %mul3A_292 : i32 to vector<16xi32>
        %add3A_294 = arith.addi %add3A_293, %iota3A : vector<16xi32>
        %and3A = arith.constant 0 : i32
        %and3A_295 = vector.broadcast %and3A : i32 to vector<16xi32>
        %and3A_296 = arith.andi %iota3A, %and3A_295 : vector<16xi32>
        %gather3A = tpu.vector_load_idx %arg11[%add3A_294, %and3A_296] : memref<128x16xf32, #tpu.memory_space<vmem>>[vector<16xi32>, vector<16xi32>], vector<16xf32>,
        %add3A_297 = arith.constant 8 : i32
        %add3A_298 = vector.broadcast %add3A_297 : i32 to vector<16xi32>
        %add3A_299 = arith.addi %and3A_296, %add3A_298 : vector<16xi32>
        %gather3A_300 = tpu.vector_load_idx %arg13[%add3A_294, %add3A_299] : memref<128x16xf32, #tpu.memory_space<vmem>>[vector<16xi32>, vector<16xi32>], vector<16xf32>,
        %add3A_301 = arith.addf %gather3A, %gather3A_300 : vector<16xf32>
        %gt3A = arith.constant 0.000000e+00 : f32
        %gt3A_302 = vector.broadcast %gt3A : f32 to vector<16xf32>
        %gt3A_303 = arith.cmpf ogt, %add3A_301, %gt3A_302 : vector<16xf32>
        %mul3A_304 = arith.constant 2.000000e-01 : f32
        %mul3A_305 = vector.broadcast %mul3A_304 : f32 to vector<16xf32>
        %mul3A_306 = arith.mulf %mul3A_305, %add3A_301 : vector<16xf32>
        %select_n3A = arith.select %gt3A_303, %add3A_301, %mul3A_306 : vector<16xi1>, vector<16xf32>
        %exp3A = math.exp %select_n3A : vector<16xf32>
        tpu.vector_store_idx %arg17[%add3A_294, %and3A_296], %exp3A : memref<128x32xf32, #tpu.memory_space<vmem>>[vector<16xi32>, vector<16xi32>], vector<16xf32>,
        %scan3A_307 = arith.constant 0 : i32
        %scan3A_308 = arith.constant 1 : i32
        %scan3A_309 = arith.addi %scan3A_289, %scan3A_308 : i32
        %mul3A_310 = arith.constant 16 : i32
        %mul3A_311 = arith.muli %scan3A_309, %mul3A_310 : i32
        %add3A_312 = vector.broadcast %mul3A_311 : i32 to vector<16xi32>
        %add3A_313 = arith.addi %add3A_312, %iota3A : vector<16xi32>
        %and3A_314 = arith.constant 0 : i32
        %and3A_315 = vector.broadcast %and3A_314 : i32 to vector<16xi32>
        %and3A_316 = arith.andi %iota3A, %and3A_315 : vector<16xi32>
        %gather3A_317 = tpu.vector_load_idx %arg11[%add3A_313, %and3A_316] : memref<128x16xf32, #tpu.memory_space<vmem>>[vector<16xi32>, vector<16xi32>], vector<16xf32>,
        %add3A_318 = arith.constant 8 : i32
        %add3A_319 = vector.broadcast %add3A_318 : i32 to vector<16xi32>
        %add3A_320 = arith.addi %and3A_316, %add3A_319 : vector<16xi32>
        %gather3A_321 = tpu.vector_load_idx %arg13[%add3A_313, %add3A_320] : memref<128x16xf32, #tpu.memory_space<vmem>>[vector<16xi32>, vector<16xi32>], vector<16xf32>,
        %add3A_322 = arith.addf %gather3A_317, %gather3A_321 : vector<16xf32>
        %gt3A_323 = arith.constant 0.000000e+00 : f32
        %gt3A_324 = vector.broadcast %gt3A_323 : f32 to vector<16xf32>
        %gt3A_325 = arith.cmpf ogt, %add3A_322, %gt3A_324 : vector<16xf32>
        %mul3A_326 = arith.constant 2.000000e-01 : f32
        %mul3A_327 = vector.broadcast %mul3A_326 : f32 to vector<16xf32>
        %mul3A_328 = arith.mulf %mul3A_327, %add3A_322 : vector<16xf32>
        %select_n3A_329 = arith.select %gt3A_325, %add3A_322, %mul3A_328 : vector<16xi1>, vector<16xf32>
        %exp3A_330 = math.exp %select_n3A_329 : vector<16xf32>
        tpu.vector_store_idx %arg17[%add3A_313, %and3A_316], %exp3A_330 : memref<128x32xf32, #tpu.memory_space<vmem>>[vector<16xi32>, vector<16xi32>], vector<16xf32>,
        %scan3A_331 = arith.constant 0 : i32
        %scan3A_332 = arith.constant 2 : i32
        %scan3A_333 = arith.addi %scan3A_289, %scan3A_332 : i32
        %mul3A_334 = arith.constant 16 : i32
        %mul3A_335 = arith.muli %scan3A_333, %mul3A_334 : i32
        %add3A_336 = vector.broadcast %mul3A_335 : i32 to vector<16xi32>
        %add3A_337 = arith.addi %add3A_336, %iota3A : vector<16xi32>
        %and3A_338 = arith.constant 0 : i32
        %and3A_339 = vector.broadcast %and3A_338 : i32 to vector<16xi32>
        %and3A_340 = arith.andi %iota3A, %and3A_339 : vector<16xi32>
        %gather3A_341 = tpu.vector_load_idx %arg11[%add3A_337, %and3A_340] : memref<128x16xf32, #tpu.memory_space<vmem>>[vector<16xi32>, vector<16xi32>], vector<16xf32>,
        %add3A_342 = arith.constant 8 : i32
        %add3A_343 = vector.broadcast %add3A_342 : i32 to vector<16xi32>
        %add3A_344 = arith.addi %and3A_340, %add3A_343 : vector<16xi32>
        %gather3A_345 = tpu.vector_load_idx %arg13[%add3A_337, %add3A_344] : memref<128x16xf32, #tpu.memory_space<vmem>>[vector<16xi32>, vector<16xi32>], vector<16xf32>,
        %add3A_346 = arith.addf %gather3A_341, %gather3A_345 : vector<16xf32>
        %gt3A_347 = arith.constant 0.000000e+00 : f32
        %gt3A_348 = vector.broadcast %gt3A_347 : f32 to vector<16xf32>
        %gt3A_349 = arith.cmpf ogt, %add3A_346, %gt3A_348 : vector<16xf32>
        %mul3A_350 = arith.constant 2.000000e-01 : f32
        %mul3A_351 = vector.broadcast %mul3A_350 : f32 to vector<16xf32>
        %mul3A_352 = arith.mulf %mul3A_351, %add3A_346 : vector<16xf32>
        %select_n3A_353 = arith.select %gt3A_349, %add3A_346, %mul3A_352 : vector<16xi1>, vector<16xf32>
        %exp3A_354 = math.exp %select_n3A_353 : vector<16xf32>
        tpu.vector_store_idx %arg17[%add3A_337, %and3A_340], %exp3A_354 : memref<128x32xf32, #tpu.memory_space<vmem>>[vector<16xi32>, vector<16xi32>], vector<16xf32>,
        %scan3A_355 = arith.constant 0 : i32
        %scan3A_356 = arith.constant 3 : i32
        %scan3A_357 = arith.addi %scan3A_289, %scan3A_356 : i32
        %mul3A_358 = arith.constant 16 : i32
        %mul3A_359 = arith.muli %scan3A_357, %mul3A_358 : i32
        %add3A_360 = vector.broadcast %mul3A_359 : i32 to vector<16xi32>
        %add3A_361 = arith.addi %add3A_360, %iota3A : vector<16xi32>
        %and3A_362 = arith.constant 0 : i32
        %and3A_363 = vector.broadcast %and3A_362 : i32 to vector<16xi32>
        %and3A_364 = arith.andi %iota3A, %and3A_363 : vector<16xi32>
        %gather3A_365 = tpu.vector_load_idx %arg11[%add3A_361, %and3A_364] : memref<128x16xf32, #tpu.memory_space<vmem>>[vector<16xi32>, vector<16xi32>], vector<16xf32>,
        %add3A_366 = arith.constant 8 : i32
        %add3A_367 = vector.broadcast %add3A_366 : i32 to vector<16xi32>
        %add3A_368 = arith.addi %and3A_364, %add3A_367 : vector<16xi32>
        %gather3A_369 = tpu.vector_load_idx %arg13[%add3A_361, %add3A_368] : memref<128x16xf32, #tpu.memory_space<vmem>>[vector<16xi32>, vector<16xi32>], vector<16xf32>,
        %add3A_370 = arith.addf %gather3A_365, %gather3A_369 : vector<16xf32>
        %gt3A_371 = arith.constant 0.000000e+00 : f32
        %gt3A_372 = vector.broadcast %gt3A_371 : f32 to vector<16xf32>
        %gt3A_373 = arith.cmpf ogt, %add3A_370, %gt3A_372 : vector<16xf32>
        %mul3A_374 = arith.constant 2.000000e-01 : f32
        %mul3A_375 = vector.broadcast %mul3A_374 : f32 to vector<16xf32>
        %mul3A_376 = arith.mulf %mul3A_375, %add3A_370 : vector<16xf32>
        %select_n3A_377 = arith.select %gt3A_373, %add3A_370, %mul3A_376 : vector<16xi1>, vector<16xf32>
        %exp3A_378 = math.exp %select_n3A_377 : vector<16xf32>
        tpu.vector_store_idx %arg17[%add3A_361, %and3A_364], %exp3A_378 : memref<128x32xf32, #tpu.memory_space<vmem>>[vector<16xi32>, vector<16xi32>], vector<16xf32>,
        %scan3A_379 = arith.constant 0 : i32
        scf.yield %scan3A_379 : i32
      }
      %scan3A_203 = arith.constant 8 : i32
      %scan3A_204 = arith.constant 0 : i32
      %scan3A_205 = arith.constant 0 : i32
      %scan3A_206 = arith.constant 128 : i32
      %scan3A_207 = arith.addi %scan3A_205, %scan3A_206 : i32
      %scan3A_208 = arith.constant 4 : i32
      %scan3A_209 = scf.for %scan3A_289 = %scan3A_205 to %scan3A_207 step %scan3A_208 iter_args(%scan3A_290 = %scan3A_204) -> (i32)  : i32 {
        %broadcast_in_dim3A_291 = arith.constant 0 : i32
        %broadcast_in_dim3A_292 = vector.broadcast %broadcast_in_dim3A_291 : i32 to vector<16xi32>
        %add3A_293 = vector.broadcast %scan3A_289 : i32 to vector<16xi32>
        %add3A_294 = arith.addi %broadcast_in_dim3A_292, %add3A_293 : vector<16xi32>
        %gather3A = tpu.vector_load_idx %arg17[%add3A_294, %shift_right_arithmetic3A_8] : memref<128x32xf32, #tpu.memory_space<vmem>>[vector<16xi32>, vector<16xi32>], vector<16xf32>,
        %get3A = arith.index_cast %scan3A_289 : i32 to index
        %get3A_295 = arith.constant 0 : index
        %get3A_296 = tpu.vector_load %arg15[%get3A, %get3A_295] {strides = array<i32>} : memref<128x16xf32, #tpu.memory_space<vmem>>, vector<16xf32>,
        %mul3A_297 = arith.mulf %gather3A, %get3A_296 : vector<16xf32>
        %swap3A = arith.index_cast %scan3A_289 : i32 to index
        %swap3A_298 = arith.constant 8 : index
        %swap3A_299 = tpu.vector_load %arg17[%swap3A, %swap3A_298] {strides = array<i32>} : memref<128x32xf32, #tpu.memory_space<vmem>>, vector<16xf32>,
        tpu.vector_store %arg17[%swap3A, %swap3A_298], %mul3A_297 {strides = array<i32>} : memref<128x32xf32, #tpu.memory_space<vmem>>, vector<16xf32>,
        %scan3A_300 = arith.constant 0 : i32
        %scan3A_301 = arith.constant 1 : i32
        %scan3A_302 = arith.addi %scan3A_289, %scan3A_301 : i32
        %broadcast_in_dim3A_303 = arith.constant 0 : i32
        %broadcast_in_dim3A_304 = vector.broadcast %broadcast_in_dim3A_303 : i32 to vector<16xi32>
        %add3A_305 = vector.broadcast %scan3A_302 : i32 to vector<16xi32>
        %add3A_306 = arith.addi %broadcast_in_dim3A_304, %add3A_305 : vector<16xi32>
        %gather3A_307 = tpu.vector_load_idx %arg17[%add3A_306, %shift_right_arithmetic3A_8] : memref<128x32xf32, #tpu.memory_space<vmem>>[vector<16xi32>, vector<16xi32>], vector<16xf32>,
        %get3A_308 = arith.index_cast %scan3A_302 : i32 to index
        %get3A_309 = arith.constant 0 : index
        %get3A_310 = tpu.vector_load %arg15[%get3A_308, %get3A_309] {strides = array<i32>} : memref<128x16xf32, #tpu.memory_space<vmem>>, vector<16xf32>,
        %mul3A_311 = arith.mulf %gather3A_307, %get3A_310 : vector<16xf32>
        %swap3A_312 = arith.index_cast %scan3A_302 : i32 to index
        %swap3A_313 = arith.constant 8 : index
        %swap3A_314 = tpu.vector_load %arg17[%swap3A_312, %swap3A_313] {strides = array<i32>} : memref<128x32xf32, #tpu.memory_space<vmem>>, vector<16xf32>,
        tpu.vector_store %arg17[%swap3A_312, %swap3A_313], %mul3A_311 {strides = array<i32>} : memref<128x32xf32, #tpu.memory_space<vmem>>, vector<16xf32>,
        %scan3A_315 = arith.constant 0 : i32
        %scan3A_316 = arith.constant 2 : i32
        %scan3A_317 = arith.addi %scan3A_289, %scan3A_316 : i32
        %broadcast_in_dim3A_318 = arith.constant 0 : i32
        %broadcast_in_dim3A_319 = vector.broadcast %broadcast_in_dim3A_318 : i32 to vector<16xi32>
        %add3A_320 = vector.broadcast %scan3A_317 : i32 to vector<16xi32>
        %add3A_321 = arith.addi %broadcast_in_dim3A_319, %add3A_320 : vector<16xi32>
        %gather3A_322 = tpu.vector_load_idx %arg17[%add3A_321, %shift_right_arithmetic3A_8] : memref<128x32xf32, #tpu.memory_space<vmem>>[vector<16xi32>, vector<16xi32>], vector<16xf32>,
        %get3A_323 = arith.index_cast %scan3A_317 : i32 to index
        %get3A_324 = arith.constant 0 : index
        %get3A_325 = tpu.vector_load %arg15[%get3A_323, %get3A_324] {strides = array<i32>} : memref<128x16xf32, #tpu.memory_space<vmem>>, vector<16xf32>,
        %mul3A_326 = arith.mulf %gather3A_322, %get3A_325 : vector<16xf32>
        %swap3A_327 = arith.index_cast %scan3A_317 : i32 to index
        %swap3A_328 = arith.constant 8 : index
        %swap3A_329 = tpu.vector_load %arg17[%swap3A_327, %swap3A_328] {strides = array<i32>} : memref<128x32xf32, #tpu.memory_space<vmem>>, vector<16xf32>,
        tpu.vector_store %arg17[%swap3A_327, %swap3A_328], %mul3A_326 {strides = array<i32>} : memref<128x32xf32, #tpu.memory_space<vmem>>, vector<16xf32>,
        %scan3A_330 = arith.constant 0 : i32
        %scan3A_331 = arith.constant 3 : i32
        %scan3A_332 = arith.addi %scan3A_289, %scan3A_331 : i32
        %broadcast_in_dim3A_333 = arith.constant 0 : i32
        %broadcast_in_dim3A_334 = vector.broadcast %broadcast_in_dim3A_333 : i32 to vector<16xi32>
        %add3A_335 = vector.broadcast %scan3A_332 : i32 to vector<16xi32>
        %add3A_336 = arith.addi %broadcast_in_dim3A_334, %add3A_335 : vector<16xi32>
        %gather3A_337 = tpu.vector_load_idx %arg17[%add3A_336, %shift_right_arithmetic3A_8] : memref<128x32xf32, #tpu.memory_space<vmem>>[vector<16xi32>, vector<16xi32>], vector<16xf32>,
        %get3A_338 = arith.index_cast %scan3A_332 : i32 to index
        %get3A_339 = arith.constant 0 : index
        %get3A_340 = tpu.vector_load %arg15[%get3A_338, %get3A_339] {strides = array<i32>} : memref<128x16xf32, #tpu.memory_space<vmem>>, vector<16xf32>,
        %mul3A_341 = arith.mulf %gather3A_337, %get3A_340 : vector<16xf32>
        %swap3A_342 = arith.index_cast %scan3A_332 : i32 to index
        %swap3A_343 = arith.constant 8 : index
        %swap3A_344 = tpu.vector_load %arg17[%swap3A_342, %swap3A_343] {strides = array<i32>} : memref<128x32xf32, #tpu.memory_space<vmem>>, vector<16xf32>,
        tpu.vector_store %arg17[%swap3A_342, %swap3A_343], %mul3A_341 {strides = array<i32>} : memref<128x32xf32, #tpu.memory_space<vmem>>, vector<16xf32>,
        %scan3A_345 = arith.constant 0 : i32
        scf.yield %scan3A_345 : i32
      }
      %scan3A_210 = arith.constant 128 : i32
      %dma_start3A_211 = arith.constant 0 : i32
      %dma_start3A_212 = arith.constant 0 : i32
      %dma_start3A_213 = tpu.memref_slice %arg20[%dma_start3A_211, %dma_start3A_212] : memref<10240x32xf32, #tpu.memory_space<vmem_shared>> -> memref<10240x32xf32, #tpu.memory_space<vmem_shared>>
      tpu.enqueue_indirect_dma source(%arg17 : memref<128x32xf32, #tpu.memory_space<vmem>>) target(%dma_start3A_213 : memref<10240x32xf32, #tpu.memory_space<vmem_shared>>) offsets(%arg9 : memref<128xi32, #tpu.memory_space<vmem>>) semaphore(%arg25 : memref<!tpu.dma_semaphore, #tpu.memory_space<semaphore_mem>>) {add = true}
      %mul3A_214 = arith.constant 2 : i32
      %mul3A_215 = arith.muli %mul3A_214, %scan3A_141 : i32
      %add3A_216 = arith.constant 1 : i32
      %add3A_217 = arith.addi %mul3A_215, %add3A_216 : i32
      %dma_wait3A_218 = arith.constant 0 : i32
      %dma_wait3A_219 = arith.constant 0 : i32
      %dma_wait3A_220 = tpu.memref_slice %arg20[%dma_wait3A_218, %dma_wait3A_219] : memref<10240x32xf32, #tpu.memory_space<vmem_shared>> -> memref<10240x32xf32, #tpu.memory_space<vmem_shared>>
      tpu.wait_indirect_dma semaphore(%arg25 : memref<!tpu.dma_semaphore, #tpu.memory_space<semaphore_mem>>) src(%arg17 : memref<128x32xf32, #tpu.memory_space<vmem>>) dst(%dma_wait3A_220 : memref<10240x32xf32, #tpu.memory_space<vmem_shared>>)
      %add3A_221 = arith.constant 1 : i32
      %add3A_222 = arith.addi %add3A_217, %add3A_221 : i32
      %min3A_223 = arith.constant 81 : i32
      %min3A_224 = arith.minsi %add3A_222, %min3A_223 : i32
      %mul3A_225 = arith.constant 10496 : i32
      %mul3A_226 = arith.muli %add3A, %mul3A_225 : i32
      %mul3A_227 = arith.constant 128 : i32
      %mul3A_228 = arith.muli %min3A_224, %mul3A_227 : i32
      %add3A_229 = arith.addi %mul3A_226, %mul3A_228 : i32
      %dma_start3A_230 = tpu.memref_slice %arg2[%add3A_229] : memref<335872xi32, #tpu.memory_space<hbm>> -> memref<128xi32, #tpu.memory_space<hbm>>
      %dma_start3A_231 = tpu.memref_slice %arg2[%add3A_229] : memref<335872xi32, #tpu.memory_space<hbm>> -> memref<128xi32, #tpu.memory_space<hbm>>
      tpu.enqueue_dma source(%dma_start3A_231 : memref<128xi32, #tpu.memory_space<hbm>>) target(%arg7 : memref<128xi32, #tpu.memory_space<vmem>>) target_semaphore(%arg21 : memref<!tpu.dma_semaphore, #tpu.memory_space<semaphore_mem>>)
      %mul3A_232 = arith.constant 10496 : i32
      %mul3A_233 = arith.muli %add3A, %mul3A_232 : i32
      %mul3A_234 = arith.constant 128 : i32
      %mul3A_235 = arith.muli %min3A_224, %mul3A_234 : i32
      %add3A_236 = arith.addi %mul3A_233, %mul3A_235 : i32
      %dma_start3A_237 = tpu.memref_slice %arg3[%add3A_236] : memref<335872xi32, #tpu.memory_space<hbm>> -> memref<128xi32, #tpu.memory_space<hbm>>
      %dma_start3A_238 = tpu.memref_slice %arg3[%add3A_236] : memref<335872xi32, #tpu.memory_space<hbm>> -> memref<128xi32, #tpu.memory_space<hbm>>
      tpu.enqueue_dma source(%dma_start3A_238 : memref<128xi32, #tpu.memory_space<hbm>>) target(%arg9 : memref<128xi32, #tpu.memory_space<vmem>>) target_semaphore(%arg21 : memref<!tpu.dma_semaphore, #tpu.memory_space<semaphore_mem>>)
      %dma_wait3A_239 = arith.constant 0 : i32
      %dma_wait3A_240 = arith.constant 0 : i32
      %dma_wait3A_241 = tpu.memref_slice %arg4[%dma_wait3A_239, %dma_wait3A_240] : memref<10240x16xf32, #tpu.memory_space<hbm>> -> memref<10240x16xf32, #tpu.memory_space<hbm>>
      tpu.wait_indirect_dma semaphore(%arg24 : memref<!tpu.dma_semaphore, #tpu.memory_space<semaphore_mem>>) src(%dma_wait3A_241 : memref<10240x16xf32, #tpu.memory_space<hbm>>) dst(%arg12 : memref<128x16xf32, #tpu.memory_space<vmem>>)
      %dma_wait3A_242 = arith.constant 0 : i32
      %dma_wait3A_243 = arith.constant 0 : i32
      %dma_wait3A_244 = tpu.memref_slice %arg4[%dma_wait3A_242, %dma_wait3A_243] : memref<10240x16xf32, #tpu.memory_space<hbm>> -> memref<10240x16xf32, #tpu.memory_space<hbm>>
      tpu.wait_indirect_dma semaphore(%arg24 : memref<!tpu.dma_semaphore, #tpu.memory_space<semaphore_mem>>) src(%dma_wait3A_244 : memref<10240x16xf32, #tpu.memory_space<hbm>>) dst(%arg14 : memref<128x16xf32, #tpu.memory_space<vmem>>)
      %dma_wait3A_245 = arith.constant 0 : i32
      %dma_wait3A_246 = arith.constant 0 : i32
      %dma_wait3A_247 = tpu.memref_slice %arg5[%dma_wait3A_245, %dma_wait3A_246] : memref<10240x16xf32, #tpu.memory_space<hbm>> -> memref<10240x16xf32, #tpu.memory_space<hbm>>
      tpu.wait_indirect_dma semaphore(%arg24 : memref<!tpu.dma_semaphore, #tpu.memory_space<semaphore_mem>>) src(%dma_wait3A_247 : memref<10240x16xf32, #tpu.memory_space<hbm>>) dst(%arg16 : memref<128x16xf32, #tpu.memory_space<vmem>>)
      %mul3A_248 = arith.constant 10496 : i32
      %mul3A_249 = arith.muli %add3A, %mul3A_248 : i32
      %mul3A_250 = arith.constant 128 : i32
      %mul3A_251 = arith.muli %min3A_224, %mul3A_250 : i32
      %add3A_252 = arith.addi %mul3A_249, %mul3A_251 : i32
      %dma_wait3A_253 = tpu.memref_slice %arg2[%add3A_252] : memref<335872xi32, #tpu.memory_space<hbm>> -> memref<128xi32, #tpu.memory_space<hbm>>
      %dma_wait3A_254 = tpu.memref_slice %arg2[%add3A_252] : memref<335872xi32, #tpu.memory_space<hbm>> -> memref<128xi32, #tpu.memory_space<hbm>>
      tpu.wait_dma2 semaphore(%arg21 : memref<!tpu.dma_semaphore, #tpu.memory_space<semaphore_mem>>) src(%dma_wait3A_254 : memref<128xi32, #tpu.memory_space<hbm>>) dst(%arg7 : memref<128xi32, #tpu.memory_space<vmem>>)
      %mul3A_255 = arith.constant 10496 : i32
      %mul3A_256 = arith.muli %add3A, %mul3A_255 : i32
      %mul3A_257 = arith.constant 128 : i32
      %mul3A_258 = arith.muli %min3A_224, %mul3A_257 : i32
      %add3A_259 = arith.addi %mul3A_256, %mul3A_258 : i32
      %dma_wait3A_260 = tpu.memref_slice %arg3[%add3A_259] : memref<335872xi32, #tpu.memory_space<hbm>> -> memref<128xi32, #tpu.memory_space<hbm>>
      %dma_wait3A_261 = tpu.memref_slice %arg3[%add3A_259] : memref<335872xi32, #tpu.memory_space<hbm>> -> memref<128xi32, #tpu.memory_space<hbm>>
      tpu.wait_dma2 semaphore(%arg21 : memref<!tpu.dma_semaphore, #tpu.memory_space<semaphore_mem>>) src(%dma_wait3A_261 : memref<128xi32, #tpu.memory_space<hbm>>) dst(%arg9 : memref<128xi32, #tpu.memory_space<vmem>>)
      %dma_start3A_262 = arith.constant 0 : i32
      %dma_start3A_263 = arith.constant 0 : i32
      %dma_start3A_264 = tpu.memref_slice %arg4[%dma_start3A_262, %dma_start3A_263] : memref<10240x16xf32, #tpu.memory_space<hbm>> -> memref<10240x16xf32, #tpu.memory_space<hbm>>
      tpu.enqueue_indirect_dma source(%dma_start3A_264 : memref<10240x16xf32, #tpu.memory_space<hbm>>) target(%arg11 : memref<128x16xf32, #tpu.memory_space<vmem>>) offsets(%arg7 : memref<128xi32, #tpu.memory_space<vmem>>) semaphore(%arg23 : memref<!tpu.dma_semaphore, #tpu.memory_space<semaphore_mem>>)
      %dma_start3A_265 = arith.constant 0 : i32
      %dma_start3A_266 = arith.constant 0 : i32
      %dma_start3A_267 = tpu.memref_slice %arg4[%dma_start3A_265, %dma_start3A_266] : memref<10240x16xf32, #tpu.memory_space<hbm>> -> memref<10240x16xf32, #tpu.memory_space<hbm>>
      tpu.enqueue_indirect_dma source(%dma_start3A_267 : memref<10240x16xf32, #tpu.memory_space<hbm>>) target(%arg13 : memref<128x16xf32, #tpu.memory_space<vmem>>) offsets(%arg9 : memref<128xi32, #tpu.memory_space<vmem>>) semaphore(%arg23 : memref<!tpu.dma_semaphore, #tpu.memory_space<semaphore_mem>>)
      %dma_start3A_268 = arith.constant 0 : i32
      %dma_start3A_269 = arith.constant 0 : i32
      %dma_start3A_270 = tpu.memref_slice %arg5[%dma_start3A_268, %dma_start3A_269] : memref<10240x16xf32, #tpu.memory_space<hbm>> -> memref<10240x16xf32, #tpu.memory_space<hbm>>
      tpu.enqueue_indirect_dma source(%dma_start3A_270 : memref<10240x16xf32, #tpu.memory_space<hbm>>) target(%arg15 : memref<128x16xf32, #tpu.memory_space<vmem>>) offsets(%arg7 : memref<128xi32, #tpu.memory_space<vmem>>) semaphore(%arg23 : memref<!tpu.dma_semaphore, #tpu.memory_space<semaphore_mem>>)
      %scan3A_271 = arith.constant 0 : i32
      %scan3A_272 = arith.constant 0 : i32
      %scan3A_273 = arith.constant 8 : i32
      %scan3A_274 = arith.addi %scan3A_272, %scan3A_273 : i32
      %scan3A_275 = arith.constant 4 : i32
      %scan3A_276 = scf.for %scan3A_289 = %scan3A_272 to %scan3A_274 step %scan3A_275 iter_args(%scan3A_290 = %scan3A_271) -> (i32)  : i32 {
        %mul3A_291 = arith.constant 16 : i32
        %mul3A_292 = arith.muli %scan3A_289, %mul3A_291 : i32
        %add3A_293 = vector.broadcast %mul3A_292 : i32 to vector<16xi32>
        %add3A_294 = arith.addi %add3A_293, %iota3A : vector<16xi32>
        %and3A = arith.constant 0 : i32
        %and3A_295 = vector.broadcast %and3A : i32 to vector<16xi32>
        %and3A_296 = arith.andi %iota3A, %and3A_295 : vector<16xi32>
        %gather3A = tpu.vector_load_idx %arg12[%add3A_294, %and3A_296] : memref<128x16xf32, #tpu.memory_space<vmem>>[vector<16xi32>, vector<16xi32>], vector<16xf32>,
        %add3A_297 = arith.constant 8 : i32
        %add3A_298 = vector.broadcast %add3A_297 : i32 to vector<16xi32>
        %add3A_299 = arith.addi %and3A_296, %add3A_298 : vector<16xi32>
        %gather3A_300 = tpu.vector_load_idx %arg14[%add3A_294, %add3A_299] : memref<128x16xf32, #tpu.memory_space<vmem>>[vector<16xi32>, vector<16xi32>], vector<16xf32>,
        %add3A_301 = arith.addf %gather3A, %gather3A_300 : vector<16xf32>
        %gt3A = arith.constant 0.000000e+00 : f32
        %gt3A_302 = vector.broadcast %gt3A : f32 to vector<16xf32>
        %gt3A_303 = arith.cmpf ogt, %add3A_301, %gt3A_302 : vector<16xf32>
        %mul3A_304 = arith.constant 2.000000e-01 : f32
        %mul3A_305 = vector.broadcast %mul3A_304 : f32 to vector<16xf32>
        %mul3A_306 = arith.mulf %mul3A_305, %add3A_301 : vector<16xf32>
        %select_n3A = arith.select %gt3A_303, %add3A_301, %mul3A_306 : vector<16xi1>, vector<16xf32>
        %exp3A = math.exp %select_n3A : vector<16xf32>
        tpu.vector_store_idx %arg18[%add3A_294, %and3A_296], %exp3A : memref<128x32xf32, #tpu.memory_space<vmem>>[vector<16xi32>, vector<16xi32>], vector<16xf32>,
        %scan3A_307 = arith.constant 0 : i32
        %scan3A_308 = arith.constant 1 : i32
        %scan3A_309 = arith.addi %scan3A_289, %scan3A_308 : i32
        %mul3A_310 = arith.constant 16 : i32
        %mul3A_311 = arith.muli %scan3A_309, %mul3A_310 : i32
        %add3A_312 = vector.broadcast %mul3A_311 : i32 to vector<16xi32>
        %add3A_313 = arith.addi %add3A_312, %iota3A : vector<16xi32>
        %and3A_314 = arith.constant 0 : i32
        %and3A_315 = vector.broadcast %and3A_314 : i32 to vector<16xi32>
        %and3A_316 = arith.andi %iota3A, %and3A_315 : vector<16xi32>
        %gather3A_317 = tpu.vector_load_idx %arg12[%add3A_313, %and3A_316] : memref<128x16xf32, #tpu.memory_space<vmem>>[vector<16xi32>, vector<16xi32>], vector<16xf32>,
        %add3A_318 = arith.constant 8 : i32
        %add3A_319 = vector.broadcast %add3A_318 : i32 to vector<16xi32>
        %add3A_320 = arith.addi %and3A_316, %add3A_319 : vector<16xi32>
        %gather3A_321 = tpu.vector_load_idx %arg14[%add3A_313, %add3A_320] : memref<128x16xf32, #tpu.memory_space<vmem>>[vector<16xi32>, vector<16xi32>], vector<16xf32>,
        %add3A_322 = arith.addf %gather3A_317, %gather3A_321 : vector<16xf32>
        %gt3A_323 = arith.constant 0.000000e+00 : f32
        %gt3A_324 = vector.broadcast %gt3A_323 : f32 to vector<16xf32>
        %gt3A_325 = arith.cmpf ogt, %add3A_322, %gt3A_324 : vector<16xf32>
        %mul3A_326 = arith.constant 2.000000e-01 : f32
        %mul3A_327 = vector.broadcast %mul3A_326 : f32 to vector<16xf32>
        %mul3A_328 = arith.mulf %mul3A_327, %add3A_322 : vector<16xf32>
        %select_n3A_329 = arith.select %gt3A_325, %add3A_322, %mul3A_328 : vector<16xi1>, vector<16xf32>
        %exp3A_330 = math.exp %select_n3A_329 : vector<16xf32>
        tpu.vector_store_idx %arg18[%add3A_313, %and3A_316], %exp3A_330 : memref<128x32xf32, #tpu.memory_space<vmem>>[vector<16xi32>, vector<16xi32>], vector<16xf32>,
        %scan3A_331 = arith.constant 0 : i32
        %scan3A_332 = arith.constant 2 : i32
        %scan3A_333 = arith.addi %scan3A_289, %scan3A_332 : i32
        %mul3A_334 = arith.constant 16 : i32
        %mul3A_335 = arith.muli %scan3A_333, %mul3A_334 : i32
        %add3A_336 = vector.broadcast %mul3A_335 : i32 to vector<16xi32>
        %add3A_337 = arith.addi %add3A_336, %iota3A : vector<16xi32>
        %and3A_338 = arith.constant 0 : i32
        %and3A_339 = vector.broadcast %and3A_338 : i32 to vector<16xi32>
        %and3A_340 = arith.andi %iota3A, %and3A_339 : vector<16xi32>
        %gather3A_341 = tpu.vector_load_idx %arg12[%add3A_337, %and3A_340] : memref<128x16xf32, #tpu.memory_space<vmem>>[vector<16xi32>, vector<16xi32>], vector<16xf32>,
        %add3A_342 = arith.constant 8 : i32
        %add3A_343 = vector.broadcast %add3A_342 : i32 to vector<16xi32>
        %add3A_344 = arith.addi %and3A_340, %add3A_343 : vector<16xi32>
        %gather3A_345 = tpu.vector_load_idx %arg14[%add3A_337, %add3A_344] : memref<128x16xf32, #tpu.memory_space<vmem>>[vector<16xi32>, vector<16xi32>], vector<16xf32>,
        %add3A_346 = arith.addf %gather3A_341, %gather3A_345 : vector<16xf32>
        %gt3A_347 = arith.constant 0.000000e+00 : f32
        %gt3A_348 = vector.broadcast %gt3A_347 : f32 to vector<16xf32>
        %gt3A_349 = arith.cmpf ogt, %add3A_346, %gt3A_348 : vector<16xf32>
        %mul3A_350 = arith.constant 2.000000e-01 : f32
        %mul3A_351 = vector.broadcast %mul3A_350 : f32 to vector<16xf32>
        %mul3A_352 = arith.mulf %mul3A_351, %add3A_346 : vector<16xf32>
        %select_n3A_353 = arith.select %gt3A_349, %add3A_346, %mul3A_352 : vector<16xi1>, vector<16xf32>
        %exp3A_354 = math.exp %select_n3A_353 : vector<16xf32>
        tpu.vector_store_idx %arg18[%add3A_337, %and3A_340], %exp3A_354 : memref<128x32xf32, #tpu.memory_space<vmem>>[vector<16xi32>, vector<16xi32>], vector<16xf32>,
        %scan3A_355 = arith.constant 0 : i32
        %scan3A_356 = arith.constant 3 : i32
        %scan3A_357 = arith.addi %scan3A_289, %scan3A_356 : i32
        %mul3A_358 = arith.constant 16 : i32
        %mul3A_359 = arith.muli %scan3A_357, %mul3A_358 : i32
        %add3A_360 = vector.broadcast %mul3A_359 : i32 to vector<16xi32>
        %add3A_361 = arith.addi %add3A_360, %iota3A : vector<16xi32>
        %and3A_362 = arith.constant 0 : i32
        %and3A_363 = vector.broadcast %and3A_362 : i32 to vector<16xi32>
        %and3A_364 = arith.andi %iota3A, %and3A_363 : vector<16xi32>
        %gather3A_365 = tpu.vector_load_idx %arg12[%add3A_361, %and3A_364] : memref<128x16xf32, #tpu.memory_space<vmem>>[vector<16xi32>, vector<16xi32>], vector<16xf32>,
        %add3A_366 = arith.constant 8 : i32
        %add3A_367 = vector.broadcast %add3A_366 : i32 to vector<16xi32>
        %add3A_368 = arith.addi %and3A_364, %add3A_367 : vector<16xi32>
        %gather3A_369 = tpu.vector_load_idx %arg14[%add3A_361, %add3A_368] : memref<128x16xf32, #tpu.memory_space<vmem>>[vector<16xi32>, vector<16xi32>], vector<16xf32>,
        %add3A_370 = arith.addf %gather3A_365, %gather3A_369 : vector<16xf32>
        %gt3A_371 = arith.constant 0.000000e+00 : f32
        %gt3A_372 = vector.broadcast %gt3A_371 : f32 to vector<16xf32>
        %gt3A_373 = arith.cmpf ogt, %add3A_370, %gt3A_372 : vector<16xf32>
        %mul3A_374 = arith.constant 2.000000e-01 : f32
        %mul3A_375 = vector.broadcast %mul3A_374 : f32 to vector<16xf32>
        %mul3A_376 = arith.mulf %mul3A_375, %add3A_370 : vector<16xf32>
        %select_n3A_377 = arith.select %gt3A_373, %add3A_370, %mul3A_376 : vector<16xi1>, vector<16xf32>
        %exp3A_378 = math.exp %select_n3A_377 : vector<16xf32>
        tpu.vector_store_idx %arg18[%add3A_361, %and3A_364], %exp3A_378 : memref<128x32xf32, #tpu.memory_space<vmem>>[vector<16xi32>, vector<16xi32>], vector<16xf32>,
        %scan3A_379 = arith.constant 0 : i32
        scf.yield %scan3A_379 : i32
      }
      %scan3A_277 = arith.constant 8 : i32
      %scan3A_278 = arith.constant 0 : i32
      %scan3A_279 = arith.constant 0 : i32
      %scan3A_280 = arith.constant 128 : i32
      %scan3A_281 = arith.addi %scan3A_279, %scan3A_280 : i32
      %scan3A_282 = arith.constant 4 : i32
      %scan3A_283 = scf.for %scan3A_289 = %scan3A_279 to %scan3A_281 step %scan3A_282 iter_args(%scan3A_290 = %scan3A_278) -> (i32)  : i32 {
        %broadcast_in_dim3A_291 = arith.constant 0 : i32
        %broadcast_in_dim3A_292 = vector.broadcast %broadcast_in_dim3A_291 : i32 to vector<16xi32>
        %add3A_293 = vector.broadcast %scan3A_289 : i32 to vector<16xi32>
        %add3A_294 = arith.addi %broadcast_in_dim3A_292, %add3A_293 : vector<16xi32>
        %gather3A = tpu.vector_load_idx %arg18[%add3A_294, %shift_right_arithmetic3A_8] : memref<128x32xf32, #tpu.memory_space<vmem>>[vector<16xi32>, vector<16xi32>], vector<16xf32>,
        %get3A = arith.index_cast %scan3A_289 : i32 to index
        %get3A_295 = arith.constant 0 : index
        %get3A_296 = tpu.vector_load %arg16[%get3A, %get3A_295] {strides = array<i32>} : memref<128x16xf32, #tpu.memory_space<vmem>>, vector<16xf32>,
        %mul3A_297 = arith.mulf %gather3A, %get3A_296 : vector<16xf32>
        %swap3A = arith.index_cast %scan3A_289 : i32 to index
        %swap3A_298 = arith.constant 8 : index
        %swap3A_299 = tpu.vector_load %arg18[%swap3A, %swap3A_298] {strides = array<i32>} : memref<128x32xf32, #tpu.memory_space<vmem>>, vector<16xf32>,
        tpu.vector_store %arg18[%swap3A, %swap3A_298], %mul3A_297 {strides = array<i32>} : memref<128x32xf32, #tpu.memory_space<vmem>>, vector<16xf32>,
        %scan3A_300 = arith.constant 0 : i32
        %scan3A_301 = arith.constant 1 : i32
        %scan3A_302 = arith.addi %scan3A_289, %scan3A_301 : i32
        %broadcast_in_dim3A_303 = arith.constant 0 : i32
        %broadcast_in_dim3A_304 = vector.broadcast %broadcast_in_dim3A_303 : i32 to vector<16xi32>
        %add3A_305 = vector.broadcast %scan3A_302 : i32 to vector<16xi32>
        %add3A_306 = arith.addi %broadcast_in_dim3A_304, %add3A_305 : vector<16xi32>
        %gather3A_307 = tpu.vector_load_idx %arg18[%add3A_306, %shift_right_arithmetic3A_8] : memref<128x32xf32, #tpu.memory_space<vmem>>[vector<16xi32>, vector<16xi32>], vector<16xf32>,
        %get3A_308 = arith.index_cast %scan3A_302 : i32 to index
        %get3A_309 = arith.constant 0 : index
        %get3A_310 = tpu.vector_load %arg16[%get3A_308, %get3A_309] {strides = array<i32>} : memref<128x16xf32, #tpu.memory_space<vmem>>, vector<16xf32>,
        %mul3A_311 = arith.mulf %gather3A_307, %get3A_310 : vector<16xf32>
        %swap3A_312 = arith.index_cast %scan3A_302 : i32 to index
        %swap3A_313 = arith.constant 8 : index
        %swap3A_314 = tpu.vector_load %arg18[%swap3A_312, %swap3A_313] {strides = array<i32>} : memref<128x32xf32, #tpu.memory_space<vmem>>, vector<16xf32>,
        tpu.vector_store %arg18[%swap3A_312, %swap3A_313], %mul3A_311 {strides = array<i32>} : memref<128x32xf32, #tpu.memory_space<vmem>>, vector<16xf32>,
        %scan3A_315 = arith.constant 0 : i32
        %scan3A_316 = arith.constant 2 : i32
        %scan3A_317 = arith.addi %scan3A_289, %scan3A_316 : i32
        %broadcast_in_dim3A_318 = arith.constant 0 : i32
        %broadcast_in_dim3A_319 = vector.broadcast %broadcast_in_dim3A_318 : i32 to vector<16xi32>
        %add3A_320 = vector.broadcast %scan3A_317 : i32 to vector<16xi32>
        %add3A_321 = arith.addi %broadcast_in_dim3A_319, %add3A_320 : vector<16xi32>
        %gather3A_322 = tpu.vector_load_idx %arg18[%add3A_321, %shift_right_arithmetic3A_8] : memref<128x32xf32, #tpu.memory_space<vmem>>[vector<16xi32>, vector<16xi32>], vector<16xf32>,
        %get3A_323 = arith.index_cast %scan3A_317 : i32 to index
        %get3A_324 = arith.constant 0 : index
        %get3A_325 = tpu.vector_load %arg16[%get3A_323, %get3A_324] {strides = array<i32>} : memref<128x16xf32, #tpu.memory_space<vmem>>, vector<16xf32>,
        %mul3A_326 = arith.mulf %gather3A_322, %get3A_325 : vector<16xf32>
        %swap3A_327 = arith.index_cast %scan3A_317 : i32 to index
        %swap3A_328 = arith.constant 8 : index
        %swap3A_329 = tpu.vector_load %arg18[%swap3A_327, %swap3A_328] {strides = array<i32>} : memref<128x32xf32, #tpu.memory_space<vmem>>, vector<16xf32>,
        tpu.vector_store %arg18[%swap3A_327, %swap3A_328], %mul3A_326 {strides = array<i32>} : memref<128x32xf32, #tpu.memory_space<vmem>>, vector<16xf32>,
        %scan3A_330 = arith.constant 0 : i32
        %scan3A_331 = arith.constant 3 : i32
        %scan3A_332 = arith.addi %scan3A_289, %scan3A_331 : i32
        %broadcast_in_dim3A_333 = arith.constant 0 : i32
        %broadcast_in_dim3A_334 = vector.broadcast %broadcast_in_dim3A_333 : i32 to vector<16xi32>
        %add3A_335 = vector.broadcast %scan3A_332 : i32 to vector<16xi32>
        %add3A_336 = arith.addi %broadcast_in_dim3A_334, %add3A_335 : vector<16xi32>
        %gather3A_337 = tpu.vector_load_idx %arg18[%add3A_336, %shift_right_arithmetic3A_8] : memref<128x32xf32, #tpu.memory_space<vmem>>[vector<16xi32>, vector<16xi32>], vector<16xf32>,
        %get3A_338 = arith.index_cast %scan3A_332 : i32 to index
        %get3A_339 = arith.constant 0 : index
        %get3A_340 = tpu.vector_load %arg16[%get3A_338, %get3A_339] {strides = array<i32>} : memref<128x16xf32, #tpu.memory_space<vmem>>, vector<16xf32>,
        %mul3A_341 = arith.mulf %gather3A_337, %get3A_340 : vector<16xf32>
        %swap3A_342 = arith.index_cast %scan3A_332 : i32 to index
        %swap3A_343 = arith.constant 8 : index
        %swap3A_344 = tpu.vector_load %arg18[%swap3A_342, %swap3A_343] {strides = array<i32>} : memref<128x32xf32, #tpu.memory_space<vmem>>, vector<16xf32>,
        tpu.vector_store %arg18[%swap3A_342, %swap3A_343], %mul3A_341 {strides = array<i32>} : memref<128x32xf32, #tpu.memory_space<vmem>>, vector<16xf32>,
        %scan3A_345 = arith.constant 0 : i32
        scf.yield %scan3A_345 : i32
      }
      %scan3A_284 = arith.constant 128 : i32
      %dma_start3A_285 = arith.constant 0 : i32
      %dma_start3A_286 = arith.constant 0 : i32
      %dma_start3A_287 = tpu.memref_slice %arg20[%dma_start3A_285, %dma_start3A_286] : memref<10240x32xf32, #tpu.memory_space<vmem_shared>> -> memref<10240x32xf32, #tpu.memory_space<vmem_shared>>
      tpu.enqueue_indirect_dma source(%arg18 : memref<128x32xf32, #tpu.memory_space<vmem>>) target(%dma_start3A_287 : memref<10240x32xf32, #tpu.memory_space<vmem_shared>>) offsets(%arg10 : memref<128xi32, #tpu.memory_space<vmem>>) semaphore(%arg26 : memref<!tpu.dma_semaphore, #tpu.memory_space<semaphore_mem>>) {add = true}
      %scan3A_288 = arith.constant 0 : i32
      scf.yield %scan3A_288 : i32
    }
    %scan3A_103 = arith.constant 41 : i32
    %dma_wait3A_104 = arith.constant 0 : i32
    %dma_wait3A_105 = arith.constant 0 : i32
    %dma_wait3A_106 = tpu.memref_slice %arg20[%dma_wait3A_104, %dma_wait3A_105] : memref<10240x32xf32, #tpu.memory_space<vmem_shared>> -> memref<10240x32xf32, #tpu.memory_space<vmem_shared>>
    tpu.wait_indirect_dma semaphore(%arg26 : memref<!tpu.dma_semaphore, #tpu.memory_space<semaphore_mem>>) src(%arg18 : memref<128x32xf32, #tpu.memory_space<vmem>>) dst(%dma_wait3A_106 : memref<10240x32xf32, #tpu.memory_space<vmem_shared>>)
    %dma_wait3A_107 = arith.constant 0 : i32
    %dma_wait3A_108 = arith.constant 0 : i32
    %dma_wait3A_109 = tpu.memref_slice %arg4[%dma_wait3A_107, %dma_wait3A_108] : memref<10240x16xf32, #tpu.memory_space<hbm>> -> memref<10240x16xf32, #tpu.memory_space<hbm>>
    tpu.wait_indirect_dma semaphore(%arg23 : memref<!tpu.dma_semaphore, #tpu.memory_space<semaphore_mem>>) src(%dma_wait3A_109 : memref<10240x16xf32, #tpu.memory_space<hbm>>) dst(%arg11 : memref<128x16xf32, #tpu.memory_space<vmem>>)
    %dma_wait3A_110 = arith.constant 0 : i32
    %dma_wait3A_111 = arith.constant 0 : i32
    %dma_wait3A_112 = tpu.memref_slice %arg4[%dma_wait3A_110, %dma_wait3A_111] : memref<10240x16xf32, #tpu.memory_space<hbm>> -> memref<10240x16xf32, #tpu.memory_space<hbm>>
    tpu.wait_indirect_dma semaphore(%arg23 : memref<!tpu.dma_semaphore, #tpu.memory_space<semaphore_mem>>) src(%dma_wait3A_112 : memref<10240x16xf32, #tpu.memory_space<hbm>>) dst(%arg13 : memref<128x16xf32, #tpu.memory_space<vmem>>)
    %dma_wait3A_113 = arith.constant 0 : i32
    %dma_wait3A_114 = arith.constant 0 : i32
    %dma_wait3A_115 = tpu.memref_slice %arg5[%dma_wait3A_113, %dma_wait3A_114] : memref<10240x16xf32, #tpu.memory_space<hbm>> -> memref<10240x16xf32, #tpu.memory_space<hbm>>
    tpu.wait_indirect_dma semaphore(%arg23 : memref<!tpu.dma_semaphore, #tpu.memory_space<semaphore_mem>>) src(%dma_wait3A_115 : memref<10240x16xf32, #tpu.memory_space<hbm>>) dst(%arg15 : memref<128x16xf32, #tpu.memory_space<vmem>>)
    %barrier3A_116 = arith.constant 0 : index
    tpu.barrier barrier_id(%barrier3A_116)
    %mul3A_117 = arith.constant 640 : i32
    %mul3A_118 = arith.muli %arg1, %mul3A_117 : i32
    %add3A_119 = arith.constant 0 : i32
    %add3A_120 = arith.addi %mul3A_118, %add3A_119 : i32
    %multiple_of3A = tpu.assume_multiple %add3A_120, 128 : i32
    "tpu.region"() ({
      %run_scoped3A = tpu.sem_alloc : memref<!tpu.dma_semaphore, #tpu.memory_space<semaphore_mem>>
      %dma_start3A_141 = arith.constant 0 : i32
      %dma_start3A_142 = tpu.memref_slice %arg20[%multiple_of3A, %dma_start3A_141] : memref<10240x32xf32, #tpu.memory_space<vmem_shared>> -> memref<128x32xf32, #tpu.memory_space<vmem_shared>>
      %dma_start3A_143 = arith.constant 0 : i32
      %dma_start3A_144 = tpu.memref_slice %arg20[%multiple_of3A, %dma_start3A_143] : memref<10240x32xf32, #tpu.memory_space<vmem_shared>> -> memref<128x32xf32, #tpu.memory_space<vmem_shared>>
      tpu.enqueue_dma source(%dma_start3A_144 : memref<128x32xf32, #tpu.memory_space<vmem_shared>>) target(%arg19 : memref<128x32xf32, #tpu.memory_space<vmem>>) target_semaphore(%run_scoped3A : memref<!tpu.dma_semaphore, #tpu.memory_space<semaphore_mem>>)
      %dma_wait3A_145 = arith.constant 0 : i32
      %dma_wait3A_146 = tpu.memref_slice %arg20[%multiple_of3A, %dma_wait3A_145] : memref<10240x32xf32, #tpu.memory_space<vmem_shared>> -> memref<128x32xf32, #tpu.memory_space<vmem_shared>>
      %dma_wait3A_147 = arith.constant 0 : i32
      %dma_wait3A_148 = tpu.memref_slice %arg20[%multiple_of3A, %dma_wait3A_147] : memref<10240x32xf32, #tpu.memory_space<vmem_shared>> -> memref<128x32xf32, #tpu.memory_space<vmem_shared>>
      tpu.wait_dma2 semaphore(%run_scoped3A : memref<!tpu.dma_semaphore, #tpu.memory_space<semaphore_mem>>) src(%dma_wait3A_148 : memref<128x32xf32, #tpu.memory_space<vmem_shared>>) dst(%arg19 : memref<128x32xf32, #tpu.memory_space<vmem>>)
      tpu.yield
    }) : () -> ()
    "tpu.region"() ({
      %run_scoped3A = tpu.sem_alloc : memref<!tpu.dma_semaphore, #tpu.memory_space<semaphore_mem>>
      %dma_start3A_141 = arith.constant 0 : i32
      %dma_start3A_142 = tpu.memref_slice %arg6[%arg0, %multiple_of3A, %dma_start3A_141] : memref<2x10240x32xf32, #tpu.memory_space<hbm>> -> memref<1x128x32xf32, #tpu.memory_space<hbm>>
      %dma_start3A_143 = tpu.memref_squeeze %dma_start3A_142 : memref<1x128x32xf32, #tpu.memory_space<hbm>> -> memref<128x32xf32, #tpu.memory_space<hbm>>
      %dma_start3A_144 = arith.constant 0 : i32
      %dma_start3A_145 = tpu.memref_slice %arg6[%arg0, %multiple_of3A, %dma_start3A_144] : memref<2x10240x32xf32, #tpu.memory_space<hbm>> -> memref<1x128x32xf32, #tpu.memory_space<hbm>>
      %dma_start3A_146 = tpu.memref_squeeze %dma_start3A_145 : memref<1x128x32xf32, #tpu.memory_space<hbm>> -> memref<128x32xf32, #tpu.memory_space<hbm>>
      tpu.enqueue_dma source(%arg19 : memref<128x32xf32, #tpu.memory_space<vmem>>) target(%dma_start3A_146 : memref<128x32xf32, #tpu.memory_space<hbm>>) target_semaphore(%run_scoped3A : memref<!tpu.dma_semaphore, #tpu.memory_space<semaphore_mem>>)
      %dma_wait3A_147 = arith.constant 0 : i32
      %dma_wait3A_148 = tpu.memref_slice %arg6[%arg0, %multiple_of3A, %dma_wait3A_147] : memref<2x10240x32xf32, #tpu.memory_space<hbm>> -> memref<1x128x32xf32, #tpu.memory_space<hbm>>
      %dma_wait3A_149 = tpu.memref_squeeze %dma_wait3A_148 : memref<1x128x32xf32, #tpu.memory_space<hbm>> -> memref<128x32xf32, #tpu.memory_space<hbm>>
      %dma_wait3A_150 = arith.constant 0 : i32
      %dma_wait3A_151 = tpu.memref_slice %arg6[%arg0, %multiple_of3A, %dma_wait3A_150] : memref<2x10240x32xf32, #tpu.memory_space<hbm>> -> memref<1x128x32xf32, #tpu.memory_space<hbm>>
      %dma_wait3A_152 = tpu.memref_squeeze %dma_wait3A_151 : memref<1x128x32xf32, #tpu.memory_space<hbm>> -> memref<128x32xf32, #tpu.memory_space<hbm>>
      tpu.wait_dma2 semaphore(%run_scoped3A : memref<!tpu.dma_semaphore, #tpu.memory_space<semaphore_mem>>) src(%arg19 : memref<128x32xf32, #tpu.memory_space<vmem>>) dst(%dma_wait3A_152 : memref<128x32xf32, #tpu.memory_space<hbm>>)
      tpu.yield
    }) : () -> ()
    %mul3A_121 = arith.constant 640 : i32
    %mul3A_122 = arith.muli %arg1, %mul3A_121 : i32
    %add3A_123 = arith.constant 128 : i32
    %add3A_124 = arith.addi %mul3A_122, %add3A_123 : i32
    %multiple_of3A_125 = tpu.assume_multiple %add3A_124, 128 : i32
    "tpu.region"() ({
      %run_scoped3A = tpu.sem_alloc : memref<!tpu.dma_semaphore, #tpu.memory_space<semaphore_mem>>
      %dma_start3A_141 = arith.constant 0 : i32
      %dma_start3A_142 = tpu.memref_slice %arg20[%multiple_of3A_125, %dma_start3A_141] : memref<10240x32xf32, #tpu.memory_space<vmem_shared>> -> memref<128x32xf32, #tpu.memory_space<vmem_shared>>
      %dma_start3A_143 = arith.constant 0 : i32
      %dma_start3A_144 = tpu.memref_slice %arg20[%multiple_of3A_125, %dma_start3A_143] : memref<10240x32xf32, #tpu.memory_space<vmem_shared>> -> memref<128x32xf32, #tpu.memory_space<vmem_shared>>
      tpu.enqueue_dma source(%dma_start3A_144 : memref<128x32xf32, #tpu.memory_space<vmem_shared>>) target(%arg19 : memref<128x32xf32, #tpu.memory_space<vmem>>) target_semaphore(%run_scoped3A : memref<!tpu.dma_semaphore, #tpu.memory_space<semaphore_mem>>)
      %dma_wait3A_145 = arith.constant 0 : i32
      %dma_wait3A_146 = tpu.memref_slice %arg20[%multiple_of3A_125, %dma_wait3A_145] : memref<10240x32xf32, #tpu.memory_space<vmem_shared>> -> memref<128x32xf32, #tpu.memory_space<vmem_shared>>
      %dma_wait3A_147 = arith.constant 0 : i32
      %dma_wait3A_148 = tpu.memref_slice %arg20[%multiple_of3A_125, %dma_wait3A_147] : memref<10240x32xf32, #tpu.memory_space<vmem_shared>> -> memref<128x32xf32, #tpu.memory_space<vmem_shared>>
      tpu.wait_dma2 semaphore(%run_scoped3A : memref<!tpu.dma_semaphore, #tpu.memory_space<semaphore_mem>>) src(%dma_wait3A_148 : memref<128x32xf32, #tpu.memory_space<vmem_shared>>) dst(%arg19 : memref<128x32xf32, #tpu.memory_space<vmem>>)
      tpu.yield
    }) : () -> ()
    "tpu.region"() ({
      %run_scoped3A = tpu.sem_alloc : memref<!tpu.dma_semaphore, #tpu.memory_space<semaphore_mem>>
      %dma_start3A_141 = arith.constant 0 : i32
      %dma_start3A_142 = tpu.memref_slice %arg6[%arg0, %multiple_of3A_125, %dma_start3A_141] : memref<2x10240x32xf32, #tpu.memory_space<hbm>> -> memref<1x128x32xf32, #tpu.memory_space<hbm>>
      %dma_start3A_143 = tpu.memref_squeeze %dma_start3A_142 : memref<1x128x32xf32, #tpu.memory_space<hbm>> -> memref<128x32xf32, #tpu.memory_space<hbm>>
      %dma_start3A_144 = arith.constant 0 : i32
      %dma_start3A_145 = tpu.memref_slice %arg6[%arg0, %multiple_of3A_125, %dma_start3A_144] : memref<2x10240x32xf32, #tpu.memory_space<hbm>> -> memref<1x128x32xf32, #tpu.memory_space<hbm>>
      %dma_start3A_146 = tpu.memref_squeeze %dma_start3A_145 : memref<1x128x32xf32, #tpu.memory_space<hbm>> -> memref<128x32xf32, #tpu.memory_space<hbm>>
      tpu.enqueue_dma source(%arg19 : memref<128x32xf32, #tpu.memory_space<vmem>>) target(%dma_start3A_146 : memref<128x32xf32, #tpu.memory_space<hbm>>) target_semaphore(%run_scoped3A : memref<!tpu.dma_semaphore, #tpu.memory_space<semaphore_mem>>)
      %dma_wait3A_147 = arith.constant 0 : i32
      %dma_wait3A_148 = tpu.memref_slice %arg6[%arg0, %multiple_of3A_125, %dma_wait3A_147] : memref<2x10240x32xf32, #tpu.memory_space<hbm>> -> memref<1x128x32xf32, #tpu.memory_space<hbm>>
      %dma_wait3A_149 = tpu.memref_squeeze %dma_wait3A_148 : memref<1x128x32xf32, #tpu.memory_space<hbm>> -> memref<128x32xf32, #tpu.memory_space<hbm>>
      %dma_wait3A_150 = arith.constant 0 : i32
      %dma_wait3A_151 = tpu.memref_slice %arg6[%arg0, %multiple_of3A_125, %dma_wait3A_150] : memref<2x10240x32xf32, #tpu.memory_space<hbm>> -> memref<1x128x32xf32, #tpu.memory_space<hbm>>
      %dma_wait3A_152 = tpu.memref_squeeze %dma_wait3A_151 : memref<1x128x32xf32, #tpu.memory_space<hbm>> -> memref<128x32xf32, #tpu.memory_space<hbm>>
      tpu.wait_dma2 semaphore(%run_scoped3A : memref<!tpu.dma_semaphore, #tpu.memory_space<semaphore_mem>>) src(%arg19 : memref<128x32xf32, #tpu.memory_space<vmem>>) dst(%dma_wait3A_152 : memref<128x32xf32, #tpu.memory_space<hbm>>)
      tpu.yield
    }) : () -> ()
    %mul3A_126 = arith.constant 640 : i32
    %mul3A_127 = arith.muli %arg1, %mul3A_126 : i32
    %add3A_128 = arith.constant 256 : i32
    %add3A_129 = arith.addi %mul3A_127, %add3A_128 : i32
    %multiple_of3A_130 = tpu.assume_multiple %add3A_129, 128 : i32
    "tpu.region"() ({
      %run_scoped3A = tpu.sem_alloc : memref<!tpu.dma_semaphore, #tpu.memory_space<semaphore_mem>>
      %dma_start3A_141 = arith.constant 0 : i32
      %dma_start3A_142 = tpu.memref_slice %arg20[%multiple_of3A_130, %dma_start3A_141] : memref<10240x32xf32, #tpu.memory_space<vmem_shared>> -> memref<128x32xf32, #tpu.memory_space<vmem_shared>>
      %dma_start3A_143 = arith.constant 0 : i32
      %dma_start3A_144 = tpu.memref_slice %arg20[%multiple_of3A_130, %dma_start3A_143] : memref<10240x32xf32, #tpu.memory_space<vmem_shared>> -> memref<128x32xf32, #tpu.memory_space<vmem_shared>>
      tpu.enqueue_dma source(%dma_start3A_144 : memref<128x32xf32, #tpu.memory_space<vmem_shared>>) target(%arg19 : memref<128x32xf32, #tpu.memory_space<vmem>>) target_semaphore(%run_scoped3A : memref<!tpu.dma_semaphore, #tpu.memory_space<semaphore_mem>>)
      %dma_wait3A_145 = arith.constant 0 : i32
      %dma_wait3A_146 = tpu.memref_slice %arg20[%multiple_of3A_130, %dma_wait3A_145] : memref<10240x32xf32, #tpu.memory_space<vmem_shared>> -> memref<128x32xf32, #tpu.memory_space<vmem_shared>>
      %dma_wait3A_147 = arith.constant 0 : i32
      %dma_wait3A_148 = tpu.memref_slice %arg20[%multiple_of3A_130, %dma_wait3A_147] : memref<10240x32xf32, #tpu.memory_space<vmem_shared>> -> memref<128x32xf32, #tpu.memory_space<vmem_shared>>
      tpu.wait_dma2 semaphore(%run_scoped3A : memref<!tpu.dma_semaphore, #tpu.memory_space<semaphore_mem>>) src(%dma_wait3A_148 : memref<128x32xf32, #tpu.memory_space<vmem_shared>>) dst(%arg19 : memref<128x32xf32, #tpu.memory_space<vmem>>)
      tpu.yield
    }) : () -> ()
    "tpu.region"() ({
      %run_scoped3A = tpu.sem_alloc : memref<!tpu.dma_semaphore, #tpu.memory_space<semaphore_mem>>
      %dma_start3A_141 = arith.constant 0 : i32
      %dma_start3A_142 = tpu.memref_slice %arg6[%arg0, %multiple_of3A_130, %dma_start3A_141] : memref<2x10240x32xf32, #tpu.memory_space<hbm>> -> memref<1x128x32xf32, #tpu.memory_space<hbm>>
      %dma_start3A_143 = tpu.memref_squeeze %dma_start3A_142 : memref<1x128x32xf32, #tpu.memory_space<hbm>> -> memref<128x32xf32, #tpu.memory_space<hbm>>
      %dma_start3A_144 = arith.constant 0 : i32
      %dma_start3A_145 = tpu.memref_slice %arg6[%arg0, %multiple_of3A_130, %dma_start3A_144] : memref<2x10240x32xf32, #tpu.memory_space<hbm>> -> memref<1x128x32xf32, #tpu.memory_space<hbm>>
      %dma_start3A_146 = tpu.memref_squeeze %dma_start3A_145 : memref<1x128x32xf32, #tpu.memory_space<hbm>> -> memref<128x32xf32, #tpu.memory_space<hbm>>
      tpu.enqueue_dma source(%arg19 : memref<128x32xf32, #tpu.memory_space<vmem>>) target(%dma_start3A_146 : memref<128x32xf32, #tpu.memory_space<hbm>>) target_semaphore(%run_scoped3A : memref<!tpu.dma_semaphore, #tpu.memory_space<semaphore_mem>>)
      %dma_wait3A_147 = arith.constant 0 : i32
      %dma_wait3A_148 = tpu.memref_slice %arg6[%arg0, %multiple_of3A_130, %dma_wait3A_147] : memref<2x10240x32xf32, #tpu.memory_space<hbm>> -> memref<1x128x32xf32, #tpu.memory_space<hbm>>
      %dma_wait3A_149 = tpu.memref_squeeze %dma_wait3A_148 : memref<1x128x32xf32, #tpu.memory_space<hbm>> -> memref<128x32xf32, #tpu.memory_space<hbm>>
      %dma_wait3A_150 = arith.constant 0 : i32
      %dma_wait3A_151 = tpu.memref_slice %arg6[%arg0, %multiple_of3A_130, %dma_wait3A_150] : memref<2x10240x32xf32, #tpu.memory_space<hbm>> -> memref<1x128x32xf32, #tpu.memory_space<hbm>>
      %dma_wait3A_152 = tpu.memref_squeeze %dma_wait3A_151 : memref<1x128x32xf32, #tpu.memory_space<hbm>> -> memref<128x32xf32, #tpu.memory_space<hbm>>
      tpu.wait_dma2 semaphore(%run_scoped3A : memref<!tpu.dma_semaphore, #tpu.memory_space<semaphore_mem>>) src(%arg19 : memref<128x32xf32, #tpu.memory_space<vmem>>) dst(%dma_wait3A_152 : memref<128x32xf32, #tpu.memory_space<hbm>>)
      tpu.yield
    }) : () -> ()
    %mul3A_131 = arith.constant 640 : i32
    %mul3A_132 = arith.muli %arg1, %mul3A_131 : i32
    %add3A_133 = arith.constant 384 : i32
    %add3A_134 = arith.addi %mul3A_132, %add3A_133 : i32
    %multiple_of3A_135 = tpu.assume_multiple %add3A_134, 128 : i32
    "tpu.region"() ({
      %run_scoped3A = tpu.sem_alloc : memref<!tpu.dma_semaphore, #tpu.memory_space<semaphore_mem>>
      %dma_start3A_141 = arith.constant 0 : i32
      %dma_start3A_142 = tpu.memref_slice %arg20[%multiple_of3A_135, %dma_start3A_141] : memref<10240x32xf32, #tpu.memory_space<vmem_shared>> -> memref<128x32xf32, #tpu.memory_space<vmem_shared>>
      %dma_start3A_143 = arith.constant 0 : i32
      %dma_start3A_144 = tpu.memref_slice %arg20[%multiple_of3A_135, %dma_start3A_143] : memref<10240x32xf32, #tpu.memory_space<vmem_shared>> -> memref<128x32xf32, #tpu.memory_space<vmem_shared>>
      tpu.enqueue_dma source(%dma_start3A_144 : memref<128x32xf32, #tpu.memory_space<vmem_shared>>) target(%arg19 : memref<128x32xf32, #tpu.memory_space<vmem>>) target_semaphore(%run_scoped3A : memref<!tpu.dma_semaphore, #tpu.memory_space<semaphore_mem>>)
      %dma_wait3A_145 = arith.constant 0 : i32
      %dma_wait3A_146 = tpu.memref_slice %arg20[%multiple_of3A_135, %dma_wait3A_145] : memref<10240x32xf32, #tpu.memory_space<vmem_shared>> -> memref<128x32xf32, #tpu.memory_space<vmem_shared>>
      %dma_wait3A_147 = arith.constant 0 : i32
      %dma_wait3A_148 = tpu.memref_slice %arg20[%multiple_of3A_135, %dma_wait3A_147] : memref<10240x32xf32, #tpu.memory_space<vmem_shared>> -> memref<128x32xf32, #tpu.memory_space<vmem_shared>>
      tpu.wait_dma2 semaphore(%run_scoped3A : memref<!tpu.dma_semaphore, #tpu.memory_space<semaphore_mem>>) src(%dma_wait3A_148 : memref<128x32xf32, #tpu.memory_space<vmem_shared>>) dst(%arg19 : memref<128x32xf32, #tpu.memory_space<vmem>>)
      tpu.yield
    }) : () -> ()
    "tpu.region"() ({
      %run_scoped3A = tpu.sem_alloc : memref<!tpu.dma_semaphore, #tpu.memory_space<semaphore_mem>>
      %dma_start3A_141 = arith.constant 0 : i32
      %dma_start3A_142 = tpu.memref_slice %arg6[%arg0, %multiple_of3A_135, %dma_start3A_141] : memref<2x10240x32xf32, #tpu.memory_space<hbm>> -> memref<1x128x32xf32, #tpu.memory_space<hbm>>
      %dma_start3A_143 = tpu.memref_squeeze %dma_start3A_142 : memref<1x128x32xf32, #tpu.memory_space<hbm>> -> memref<128x32xf32, #tpu.memory_space<hbm>>
      %dma_start3A_144 = arith.constant 0 : i32
      %dma_start3A_145 = tpu.memref_slice %arg6[%arg0, %multiple_of3A_135, %dma_start3A_144] : memref<2x10240x32xf32, #tpu.memory_space<hbm>> -> memref<1x128x32xf32, #tpu.memory_space<hbm>>
      %dma_start3A_146 = tpu.memref_squeeze %dma_start3A_145 : memref<1x128x32xf32, #tpu.memory_space<hbm>> -> memref<128x32xf32, #tpu.memory_space<hbm>>
      tpu.enqueue_dma source(%arg19 : memref<128x32xf32, #tpu.memory_space<vmem>>) target(%dma_start3A_146 : memref<128x32xf32, #tpu.memory_space<hbm>>) target_semaphore(%run_scoped3A : memref<!tpu.dma_semaphore, #tpu.memory_space<semaphore_mem>>)
      %dma_wait3A_147 = arith.constant 0 : i32
      %dma_wait3A_148 = tpu.memref_slice %arg6[%arg0, %multiple_of3A_135, %dma_wait3A_147] : memref<2x10240x32xf32, #tpu.memory_space<hbm>> -> memref<1x128x32xf32, #tpu.memory_space<hbm>>
      %dma_wait3A_149 = tpu.memref_squeeze %dma_wait3A_148 : memref<1x128x32xf32, #tpu.memory_space<hbm>> -> memref<128x32xf32, #tpu.memory_space<hbm>>
      %dma_wait3A_150 = arith.constant 0 : i32
      %dma_wait3A_151 = tpu.memref_slice %arg6[%arg0, %multiple_of3A_135, %dma_wait3A_150] : memref<2x10240x32xf32, #tpu.memory_space<hbm>> -> memref<1x128x32xf32, #tpu.memory_space<hbm>>
      %dma_wait3A_152 = tpu.memref_squeeze %dma_wait3A_151 : memref<1x128x32xf32, #tpu.memory_space<hbm>> -> memref<128x32xf32, #tpu.memory_space<hbm>>
      tpu.wait_dma2 semaphore(%run_scoped3A : memref<!tpu.dma_semaphore, #tpu.memory_space<semaphore_mem>>) src(%arg19 : memref<128x32xf32, #tpu.memory_space<vmem>>) dst(%dma_wait3A_152 : memref<128x32xf32, #tpu.memory_space<hbm>>)
      tpu.yield
    }) : () -> ()
    %mul3A_136 = arith.constant 640 : i32
    %mul3A_137 = arith.muli %arg1, %mul3A_136 : i32
    %add3A_138 = arith.constant 512 : i32
    %add3A_139 = arith.addi %mul3A_137, %add3A_138 : i32
    %multiple_of3A_140 = tpu.assume_multiple %add3A_139, 128 : i32
    "tpu.region"() ({
      %run_scoped3A = tpu.sem_alloc : memref<!tpu.dma_semaphore, #tpu.memory_space<semaphore_mem>>
      %dma_start3A_141 = arith.constant 0 : i32
      %dma_start3A_142 = tpu.memref_slice %arg20[%multiple_of3A_140, %dma_start3A_141] : memref<10240x32xf32, #tpu.memory_space<vmem_shared>> -> memref<128x32xf32, #tpu.memory_space<vmem_shared>>
      %dma_start3A_143 = arith.constant 0 : i32
      %dma_start3A_144 = tpu.memref_slice %arg20[%multiple_of3A_140, %dma_start3A_143] : memref<10240x32xf32, #tpu.memory_space<vmem_shared>> -> memref<128x32xf32, #tpu.memory_space<vmem_shared>>
      tpu.enqueue_dma source(%dma_start3A_144 : memref<128x32xf32, #tpu.memory_space<vmem_shared>>) target(%arg19 : memref<128x32xf32, #tpu.memory_space<vmem>>) target_semaphore(%run_scoped3A : memref<!tpu.dma_semaphore, #tpu.memory_space<semaphore_mem>>)
      %dma_wait3A_145 = arith.constant 0 : i32
      %dma_wait3A_146 = tpu.memref_slice %arg20[%multiple_of3A_140, %dma_wait3A_145] : memref<10240x32xf32, #tpu.memory_space<vmem_shared>> -> memref<128x32xf32, #tpu.memory_space<vmem_shared>>
      %dma_wait3A_147 = arith.constant 0 : i32
      %dma_wait3A_148 = tpu.memref_slice %arg20[%multiple_of3A_140, %dma_wait3A_147] : memref<10240x32xf32, #tpu.memory_space<vmem_shared>> -> memref<128x32xf32, #tpu.memory_space<vmem_shared>>
      tpu.wait_dma2 semaphore(%run_scoped3A : memref<!tpu.dma_semaphore, #tpu.memory_space<semaphore_mem>>) src(%dma_wait3A_148 : memref<128x32xf32, #tpu.memory_space<vmem_shared>>) dst(%arg19 : memref<128x32xf32, #tpu.memory_space<vmem>>)
      tpu.yield
    }) : () -> ()
    "tpu.region"() ({
      %run_scoped3A = tpu.sem_alloc : memref<!tpu.dma_semaphore, #tpu.memory_space<semaphore_mem>>
      %dma_start3A_141 = arith.constant 0 : i32
      %dma_start3A_142 = tpu.memref_slice %arg6[%arg0, %multiple_of3A_140, %dma_start3A_141] : memref<2x10240x32xf32, #tpu.memory_space<hbm>> -> memref<1x128x32xf32, #tpu.memory_space<hbm>>
      %dma_start3A_143 = tpu.memref_squeeze %dma_start3A_142 : memref<1x128x32xf32, #tpu.memory_space<hbm>> -> memref<128x32xf32, #tpu.memory_space<hbm>>
      %dma_start3A_144 = arith.constant 0 : i32
      %dma_start3A_145 = tpu.memref_slice %arg6[%arg0, %multiple_of3A_140, %dma_start3A_144] : memref<2x10240x32xf32, #tpu.memory_space<hbm>> -> memref<1x128x32xf32, #tpu.memory_space<hbm>>
      %dma_start3A_146 = tpu.memref_squeeze %dma_start3A_145 : memref<1x128x32xf32, #tpu.memory_space<hbm>> -> memref<128x32xf32, #tpu.memory_space<hbm>>
      tpu.enqueue_dma source(%arg19 : memref<128x32xf32, #tpu.memory_space<vmem>>) target(%dma_start3A_146 : memref<128x32xf32, #tpu.memory_space<hbm>>) target_semaphore(%run_scoped3A : memref<!tpu.dma_semaphore, #tpu.memory_space<semaphore_mem>>)
      %dma_wait3A_147 = arith.constant 0 : i32
      %dma_wait3A_148 = tpu.memref_slice %arg6[%arg0, %multiple_of3A_140, %dma_wait3A_147] : memref<2x10240x32xf32, #tpu.memory_space<hbm>> -> memref<1x128x32xf32, #tpu.memory_space<hbm>>
      %dma_wait3A_149 = tpu.memref_squeeze %dma_wait3A_148 : memref<1x128x32xf32, #tpu.memory_space<hbm>> -> memref<128x32xf32, #tpu.memory_space<hbm>>
      %dma_wait3A_150 = arith.constant 0 : i32
      %dma_wait3A_151 = tpu.memref_slice %arg6[%arg0, %multiple_of3A_140, %dma_wait3A_150] : memref<2x10240x32xf32, #tpu.memory_space<hbm>> -> memref<1x128x32xf32, #tpu.memory_space<hbm>>
      %dma_wait3A_152 = tpu.memref_squeeze %dma_wait3A_151 : memref<1x128x32xf32, #tpu.memory_space<hbm>> -> memref<128x32xf32, #tpu.memory_space<hbm>>
      tpu.wait_dma2 semaphore(%run_scoped3A : memref<!tpu.dma_semaphore, #tpu.memory_space<semaphore_mem>>) src(%arg19 : memref<128x32xf32, #tpu.memory_space<vmem>>) dst(%dma_wait3A_152 : memref<128x32xf32, #tpu.memory_space<hbm>>)
      tpu.yield
    }) : () -> ()
    return
  }
}

module attributes {stable_mosaic.version = 14 : i64} {
  func.func @_k1_body(%arg0: i32, %arg1: memref<512x128xf32, #tpu.memory_space<vmem>>, %arg2: memref<128x64xf32, #tpu.memory_space<vmem>>, %arg3: memref<64x16xf32, #tpu.memory_space<vmem>>, %arg4: memref<512x64xf32, #tpu.memory_space<vmem>>, %arg5: memref<512x16xf32, #tpu.memory_space<vmem>>) attributes {dimension_semantics = [#tpu.dimension_semantics<arbitrary>], iteration_bounds = array<i64: 20>, scalar_prefetch = 0 : i64, scratch_operands = 0 : i64, tpu.core_type = #tpu.core_type<tc>, window_params = [{transform_indices = @transform_0, window_bounds = array<i64: 512, 128>}, {pipeline_mode = #tpu.pipeline_mode<synchronous>, transform_indices = @transform_1, window_bounds = array<i64: 128, 64>}, {pipeline_mode = #tpu.pipeline_mode<synchronous>, transform_indices = @transform_2, window_bounds = array<i64: 64, 16>}, {transform_indices = @transform_3, window_bounds = array<i64: 512, 64>}, {transform_indices = @transform_4, window_bounds = array<i64: 512, 16>}]} {
    %get3A = arith.constant 0 : index
    %get3A_0 = arith.constant 0 : index
    %get3A_1 = vector.load %arg1[%get3A, %get3A_0] : memref<512x128xf32, #tpu.memory_space<vmem>>, vector<512x128xf32>
    %get3A_2 = arith.constant 0 : index
    %get3A_3 = arith.constant 0 : index
    %get3A_4 = vector.load %arg2[%get3A_2, %get3A_3] : memref<128x64xf32, #tpu.memory_space<vmem>>, vector<128x64xf32>
    %dot_general3A = arith.constant dense<0.000000e+00> : vector<512x64xf32>
    %dot_general3A_5 = tpu.matmul %get3A_1, %get3A_4, %dot_general3A {dimension_numbers = #tpu.dot_dimension_numbers<[1], [0], [0], [1], [0, 0, 1, 1], [], []>, transpose_lhs_hint = false} : vector<512x128xf32>, vector<128x64xf32>, vector<512x64xf32> -> vector<512x64xf32>
    %swap3A = arith.constant 0 : index
    %swap3A_6 = arith.constant 0 : index
    %swap3A_7 = vector.load %arg4[%swap3A, %swap3A_6] : memref<512x64xf32, #tpu.memory_space<vmem>>, vector<512x64xf32>
    tpu.vector_store %arg4[%swap3A, %swap3A_6], %dot_general3A_5 {strides = array<i32>} : memref<512x64xf32, #tpu.memory_space<vmem>>, vector<512x64xf32>,
    %get3A_8 = arith.constant 0 : index
    %get3A_9 = arith.constant 0 : index
    %get3A_10 = vector.load %arg3[%get3A_8, %get3A_9] : memref<64x16xf32, #tpu.memory_space<vmem>>, vector<64x16xf32>
    %dot_general3A_11 = arith.constant dense<0.000000e+00> : vector<512x16xf32>
    %dot_general3A_12 = tpu.matmul %dot_general3A_5, %get3A_10, %dot_general3A_11 {dimension_numbers = #tpu.dot_dimension_numbers<[1], [0], [0], [1], [0, 0, 1, 1], [], []>, transpose_lhs_hint = false} : vector<512x64xf32>, vector<64x16xf32>, vector<512x16xf32> -> vector<512x16xf32>
    %swap3A_13 = arith.constant 0 : index
    %swap3A_14 = arith.constant 0 : index
    %swap3A_15 = vector.load %arg5[%swap3A_13, %swap3A_14] : memref<512x16xf32, #tpu.memory_space<vmem>>, vector<512x16xf32>
    tpu.vector_store %arg5[%swap3A_13, %swap3A_14], %dot_general3A_12 {strides = array<i32>} : memref<512x16xf32, #tpu.memory_space<vmem>>, vector<512x16xf32>,
    return
  }
  func.func @transform_0(%arg0: i32) -> (i32, i32) {
    %c0_i32 = arith.constant 0 : i32
    %c0_i32_0 = arith.constant 0 : i32
    return %arg0, %c0_i32 : i32, i32
  }
  func.func @transform_1(%arg0: i32) -> (i32, i32) {
    %c0_i32 = arith.constant 0 : i32
    %c0_i32_0 = arith.constant 0 : i32
    %c0_i32_1 = arith.constant 0 : i32
    return %c0_i32, %c0_i32_0 : i32, i32
  }
  func.func @transform_2(%arg0: i32) -> (i32, i32) {
    %c0_i32 = arith.constant 0 : i32
    %c0_i32_0 = arith.constant 0 : i32
    %c0_i32_1 = arith.constant 0 : i32
    return %c0_i32, %c0_i32_0 : i32, i32
  }
  func.func @transform_3(%arg0: i32) -> (i32, i32) {
    %c0_i32 = arith.constant 0 : i32
    %c0_i32_0 = arith.constant 0 : i32
    return %arg0, %c0_i32 : i32, i32
  }
  func.func @transform_4(%arg0: i32) -> (i32, i32) {
    %c0_i32 = arith.constant 0 : i32
    %c0_i32_0 = arith.constant 0 : i32
    return %arg0, %c0_i32 : i32, i32
  }
}

module attributes {stable_mosaic.version = 14 : i64} {
  func.func @_k2_body(%arg0: i32, %arg1: memref<2x512x8xf32, #tpu.memory_space<vmem>>, %arg2: memref<2x512x64xbf16, #tpu.memory_space<vmem>>, %arg3: memref<8x64xf32, #tpu.memory_space<vmem>>, %arg4: memref<1x64xf32, #tpu.memory_space<vmem>>, %arg5: memref<64x16xf32, #tpu.memory_space<vmem>>, %arg6: memref<16x16xf32, #tpu.memory_space<vmem>>, %arg7: memref<512x16xf32, #tpu.memory_space<vmem>>, %arg8: memref<512x16xf32, #tpu.memory_space<vmem>>) attributes {dimension_semantics = [#tpu.dimension_semantics<arbitrary>], iteration_bounds = array<i64: 20>, scalar_prefetch = 0 : i64, scratch_operands = 0 : i64, tpu.core_type = #tpu.core_type<tc>, window_params = [{transform_indices = @transform_0, window_bounds = array<i64: 2, 512, 8>}, {transform_indices = @transform_1, window_bounds = array<i64: 2, 512, 64>}, {pipeline_mode = #tpu.pipeline_mode<synchronous>, transform_indices = @transform_2, window_bounds = array<i64: 8, 64>}, {pipeline_mode = #tpu.pipeline_mode<synchronous>, transform_indices = @transform_3, window_bounds = array<i64: 1, 64>}, {pipeline_mode = #tpu.pipeline_mode<synchronous>, transform_indices = @transform_4, window_bounds = array<i64: 64, 16>}, {pipeline_mode = #tpu.pipeline_mode<synchronous>, transform_indices = @transform_5, window_bounds = array<i64: 16, 16>}, {transform_indices = @transform_6, window_bounds = array<i64: 512, 16>}, {transform_indices = @transform_7, window_bounds = array<i64: 512, 16>}]} {
    %get3A = arith.constant 0 : index
    %get3A_0 = arith.constant 0 : index
    %get3A_1 = arith.constant 0 : index
    %get3A_2 = vector.load %arg2[%get3A, %get3A_0, %get3A_1] : memref<2x512x64xbf16, #tpu.memory_space<vmem>>, vector<1x512x64xbf16>
    %get3A_3 = vector.shape_cast %get3A_2 : vector<1x512x64xbf16> to vector<512x64xbf16>
    %convert_element_type3A = arith.extf %get3A_3 : vector<512x64xbf16> to vector<512x64xf32>
    %get3A_4 = arith.constant 1 : index
    %get3A_5 = arith.constant 0 : index
    %get3A_6 = arith.constant 0 : index
    %get3A_7 = vector.load %arg2[%get3A_4, %get3A_5, %get3A_6] : memref<2x512x64xbf16, #tpu.memory_space<vmem>>, vector<1x512x64xbf16>
    %get3A_8 = vector.shape_cast %get3A_7 : vector<1x512x64xbf16> to vector<512x64xbf16>
    %convert_element_type3A_9 = arith.extf %get3A_8 : vector<512x64xbf16> to vector<512x64xf32>
    %add3A = arith.addf %convert_element_type3A, %convert_element_type3A_9 : vector<512x64xf32>
    %get3A_10 = arith.constant 0 : index
    %get3A_11 = arith.constant 0 : index
    %get3A_12 = arith.constant 0 : index
    %get3A_13 = vector.load %arg1[%get3A_10, %get3A_11, %get3A_12] : memref<2x512x8xf32, #tpu.memory_space<vmem>>, vector<1x512x8xf32>
    %get3A_14 = vector.shape_cast %get3A_13 : vector<1x512x8xf32> to vector<512x8xf32>
    %get3A_15 = arith.constant 1 : index
    %get3A_16 = arith.constant 0 : index
    %get3A_17 = arith.constant 0 : index
    %get3A_18 = vector.load %arg1[%get3A_15, %get3A_16, %get3A_17] : memref<2x512x8xf32, #tpu.memory_space<vmem>>, vector<1x512x8xf32>
    %get3A_19 = vector.shape_cast %get3A_18 : vector<1x512x8xf32> to vector<512x8xf32>
    %add3A_20 = arith.addf %get3A_14, %get3A_19 : vector<512x8xf32>
    %get3A_21 = arith.constant 0 : index
    %get3A_22 = arith.constant 0 : index
    %get3A_23 = vector.load %arg3[%get3A_21, %get3A_22] : memref<8x64xf32, #tpu.memory_space<vmem>>, vector<8x64xf32>
    %dot_general3A = arith.constant dense<0.000000e+00> : vector<512x64xf32>
    %dot_general3A_24 = tpu.matmul %add3A_20, %get3A_23, %dot_general3A {dimension_numbers = #tpu.dot_dimension_numbers<[1], [0], [0], [1], [0, 0, 1, 1], [], []>, transpose_lhs_hint = false} : vector<512x8xf32>, vector<8x64xf32>, vector<512x64xf32> -> vector<512x64xf32>
    %add3A_25 = arith.constant 1.000000e-16 : f32
    %add3A_26 = vector.broadcast %add3A_25 : f32 to vector<512x64xf32>
    %add3A_27 = arith.addf %dot_general3A_24, %add3A_26 : vector<512x64xf32>
    %div3A = arith.divf %add3A, %add3A_27 : vector<512x64xf32>
    %get3A_28 = arith.constant 0 : index
    %get3A_29 = arith.constant 0 : index
    %get3A_30 = vector.load %arg4[%get3A_28, %get3A_29] : memref<1x64xf32, #tpu.memory_space<vmem>>, vector<1x64xf32>
    %add3A_31 = vector.broadcast %get3A_30 : vector<1x64xf32> to vector<512x64xf32>
    %add3A_32 = arith.addf %div3A, %add3A_31 : vector<512x64xf32>
    %gt3A = arith.constant 0.000000e+00 : f32
    %gt3A_33 = vector.broadcast %gt3A : f32 to vector<512x64xf32>
    %gt3A_34 = arith.cmpf ogt, %add3A_32, %gt3A_33 : vector<512x64xf32>
    %mul3A = arith.constant 2.000000e-01 : f32
    %mul3A_35 = vector.broadcast %mul3A : f32 to vector<512x64xf32>
    %mul3A_36 = arith.mulf %mul3A_35, %add3A_32 : vector<512x64xf32>
    %select_n3A = arith.select %gt3A_34, %add3A_32, %mul3A_36 : vector<512x64xi1>, vector<512x64xf32>
    %get3A_37 = arith.constant 0 : index
    %get3A_38 = arith.constant 0 : index
    %get3A_39 = vector.load %arg5[%get3A_37, %get3A_38] : memref<64x16xf32, #tpu.memory_space<vmem>>, vector<64x16xf32>
    %dot_general3A_40 = arith.constant dense<0.000000e+00> : vector<512x16xf32>
    %dot_general3A_41 = tpu.matmul %select_n3A, %get3A_39, %dot_general3A_40 {dimension_numbers = #tpu.dot_dimension_numbers<[1], [0], [0], [1], [0, 0, 1, 1], [], []>, transpose_lhs_hint = false} : vector<512x64xf32>, vector<64x16xf32>, vector<512x16xf32> -> vector<512x16xf32>
    %swap3A = arith.constant 0 : index
    %swap3A_42 = arith.constant 0 : index
    %swap3A_43 = vector.load %arg7[%swap3A, %swap3A_42] : memref<512x16xf32, #tpu.memory_space<vmem>>, vector<512x16xf32>
    tpu.vector_store %arg7[%swap3A, %swap3A_42], %dot_general3A_41 {strides = array<i32>} : memref<512x16xf32, #tpu.memory_space<vmem>>, vector<512x16xf32>,
    %get3A_44 = arith.constant 0 : index
    %get3A_45 = arith.constant 0 : index
    %get3A_46 = vector.load %arg6[%get3A_44, %get3A_45] : memref<16x16xf32, #tpu.memory_space<vmem>>, vector<16x16xf32>
    %dot_general3A_47 = arith.constant dense<0.000000e+00> : vector<512x16xf32>
    %dot_general3A_48 = tpu.matmul %dot_general3A_41, %get3A_46, %dot_general3A_47 {dimension_numbers = #tpu.dot_dimension_numbers<[1], [0], [0], [1], [0, 0, 1, 1], [], []>, transpose_lhs_hint = false} : vector<512x16xf32>, vector<16x16xf32>, vector<512x16xf32> -> vector<512x16xf32>
    %swap3A_49 = arith.constant 0 : index
    %swap3A_50 = arith.constant 0 : index
    %swap3A_51 = vector.load %arg8[%swap3A_49, %swap3A_50] : memref<512x16xf32, #tpu.memory_space<vmem>>, vector<512x16xf32>
    tpu.vector_store %arg8[%swap3A_49, %swap3A_50], %dot_general3A_48 {strides = array<i32>} : memref<512x16xf32, #tpu.memory_space<vmem>>, vector<512x16xf32>,
    return
  }
  func.func @transform_0(%arg0: i32) -> (i32, i32, i32) {
    %c0_i32 = arith.constant 0 : i32
    %c0_i32_0 = arith.constant 0 : i32
    %c0_i32_1 = arith.constant 0 : i32
    return %c0_i32, %arg0, %c0_i32_0 : i32, i32, i32
  }
  func.func @transform_1(%arg0: i32) -> (i32, i32, i32) {
    %c0_i32 = arith.constant 0 : i32
    %c0_i32_0 = arith.constant 0 : i32
    %c0_i32_1 = arith.constant 0 : i32
    return %c0_i32, %arg0, %c0_i32_0 : i32, i32, i32
  }
  func.func @transform_2(%arg0: i32) -> (i32, i32) {
    %c0_i32 = arith.constant 0 : i32
    %c0_i32_0 = arith.constant 0 : i32
    %c0_i32_1 = arith.constant 0 : i32
    return %c0_i32, %c0_i32_0 : i32, i32
  }
  func.func @transform_3(%arg0: i32) -> (i32, i32) {
    %c0_i32 = arith.constant 0 : i32
    %c0_i32_0 = arith.constant 0 : i32
    %c0_i32_1 = arith.constant 0 : i32
    return %c0_i32, %c0_i32_0 : i32, i32
  }
  func.func @transform_4(%arg0: i32) -> (i32, i32) {
    %c0_i32 = arith.constant 0 : i32
    %c0_i32_0 = arith.constant 0 : i32
    %c0_i32_1 = arith.constant 0 : i32
    return %c0_i32, %c0_i32_0 : i32, i32
  }
  func.func @transform_5(%arg0: i32) -> (i32, i32) {
    %c0_i32 = arith.constant 0 : i32
    %c0_i32_0 = arith.constant 0 : i32
    %c0_i32_1 = arith.constant 0 : i32
    return %c0_i32, %c0_i32_0 : i32, i32
  }
  func.func @transform_6(%arg0: i32) -> (i32, i32) {
    %c0_i32 = arith.constant 0 : i32
    %c0_i32_0 = arith.constant 0 : i32
    return %arg0, %c0_i32 : i32, i32
  }
  func.func @transform_7(%arg0: i32) -> (i32, i32) {
    %c0_i32 = arith.constant 0 : i32
    %c0_i32_0 = arith.constant 0 : i32
    return %arg0, %c0_i32 : i32, i32
  }
}

module attributes {stable_mosaic.version = 14 : i64} {
  func.func @_k3_body(%arg0: i32, %arg1: memref<2x512x32xf32, #tpu.memory_space<vmem>>, %arg2: memref<1x16xf32, #tpu.memory_space<vmem>>, %arg3: memref<512x16xf32, #tpu.memory_space<vmem>>) attributes {dimension_semantics = [#tpu.dimension_semantics<arbitrary>], iteration_bounds = array<i64: 20>, scalar_prefetch = 0 : i64, scratch_operands = 0 : i64, tpu.core_type = #tpu.core_type<tc>, window_params = [{transform_indices = @transform_0, window_bounds = array<i64: 2, 512, 32>}, {pipeline_mode = #tpu.pipeline_mode<synchronous>, transform_indices = @transform_1, window_bounds = array<i64: 1, 16>}, {transform_indices = @transform_2, window_bounds = array<i64: 512, 16>}]} {
    %get3A = arith.constant 0 : index
    %get3A_0 = arith.constant 0 : index
    %get3A_1 = arith.constant 0 : index
    %get3A_2 = vector.load %arg1[%get3A, %get3A_0, %get3A_1] : memref<2x512x32xf32, #tpu.memory_space<vmem>>, vector<1x512x32xf32>
    %get3A_3 = vector.shape_cast %get3A_2 : vector<1x512x32xf32> to vector<512x32xf32>
    %get3A_4 = arith.constant 1 : index
    %get3A_5 = arith.constant 0 : index
    %get3A_6 = arith.constant 0 : index
    %get3A_7 = vector.load %arg1[%get3A_4, %get3A_5, %get3A_6] : memref<2x512x32xf32, #tpu.memory_space<vmem>>, vector<1x512x32xf32>
    %get3A_8 = vector.shape_cast %get3A_7 : vector<1x512x32xf32> to vector<512x32xf32>
    %add3A = arith.addf %get3A_3, %get3A_8 : vector<512x32xf32>
    %slice3A = vector.extract_strided_slice %add3A {offsets = [0, 8], sizes = [512, 16], strides = [1, 1]} : vector<512x32xf32> to vector<512x16xf32>
    %slice3A_9 = vector.extract_strided_slice %add3A {offsets = [0, 0], sizes = [512, 1], strides = [1, 1]} : vector<512x32xf32> to vector<512x1xf32>
    %add3A_10 = arith.constant 1.000000e-16 : f32
    %add3A_11 = vector.broadcast %add3A_10 : f32 to vector<512x1xf32>
    %add3A_12 = arith.addf %slice3A_9, %add3A_11 : vector<512x1xf32>
    %div3A = vector.broadcast %add3A_12 : vector<512x1xf32> to vector<512x16xf32>
    %div3A_13 = arith.divf %slice3A, %div3A : vector<512x16xf32>
    %get3A_14 = arith.constant 0 : index
    %get3A_15 = arith.constant 0 : index
    %get3A_16 = vector.load %arg2[%get3A_14, %get3A_15] : memref<1x16xf32, #tpu.memory_space<vmem>>, vector<1x16xf32>
    %add3A_17 = vector.broadcast %get3A_16 : vector<1x16xf32> to vector<512x16xf32>
    %add3A_18 = arith.addf %div3A_13, %add3A_17 : vector<512x16xf32>
    %reduce_max3A = arith.constant dense<0xFF800000> : vector<512xf32>
    %reduce_max3A_19 = vector.multi_reduction <maximumf>, %add3A_18, %reduce_max3A [1] : vector<512x16xf32> to vector<512xf32>
    %broadcast_in_dim3A = vector.shape_cast %reduce_max3A_19 : vector<512xf32> to vector<512x1xf32>
    %sub3A = vector.broadcast %broadcast_in_dim3A : vector<512x1xf32> to vector<512x16xf32>
    %sub3A_20 = arith.subf %add3A_18, %sub3A : vector<512x16xf32>
    %sub3A_21 = vector.broadcast %broadcast_in_dim3A : vector<512x1xf32> to vector<512x16xf32>
    %sub3A_22 = arith.subf %add3A_18, %sub3A_21 : vector<512x16xf32>
    %exp3A = math.exp %sub3A_22 : vector<512x16xf32>
    %reduce_sum3A = arith.constant dense<0.000000e+00> : vector<512xf32>
    %reduce_sum3A_23 = vector.multi_reduction <add>, %exp3A, %reduce_sum3A [1] : vector<512x16xf32> to vector<512xf32>
    %broadcast_in_dim3A_24 = vector.shape_cast %reduce_sum3A_23 : vector<512xf32> to vector<512x1xf32>
    %log3A = math.log %broadcast_in_dim3A_24 : vector<512x1xf32>
    %sub3A_25 = vector.broadcast %log3A : vector<512x1xf32> to vector<512x16xf32>
    %sub3A_26 = arith.subf %sub3A_20, %sub3A_25 : vector<512x16xf32>
    %swap3A = arith.constant 0 : index
    %swap3A_27 = arith.constant 0 : index
    %swap3A_28 = vector.load %arg3[%swap3A, %swap3A_27] : memref<512x16xf32, #tpu.memory_space<vmem>>, vector<512x16xf32>
    tpu.vector_store %arg3[%swap3A, %swap3A_27], %sub3A_26 {strides = array<i32>} : memref<512x16xf32, #tpu.memory_space<vmem>>, vector<512x16xf32>,
    return
  }
  func.func @transform_0(%arg0: i32) -> (i32, i32, i32) {
    %c0_i32 = arith.constant 0 : i32
    %c0_i32_0 = arith.constant 0 : i32
    %c0_i32_1 = arith.constant 0 : i32
    return %c0_i32, %arg0, %c0_i32_0 : i32, i32, i32
  }
  func.func @transform_1(%arg0: i32) -> (i32, i32) {
    %c0_i32 = arith.constant 0 : i32
    %c0_i32_0 = arith.constant 0 : i32
    %c0_i32_1 = arith.constant 0 : i32
    return %c0_i32, %c0_i32_0 : i32, i32
  }
  func.func @transform_2(%arg0: i32) -> (i32, i32) {
    %c0_i32 = arith.constant 0 : i32
    %c0_i32_0 = arith.constant 0 : i32
    return %arg0, %c0_i32 : i32, i32
  }
}

</mosaic_0001>

<sc_bundles>
// kernel: kernel.10.cloned.1.call-start
scs
__scs_entry_jumppad:
0x0: {  	(pc) =	sbr.rel $0x88, $3  }
0x1: {  	(tag) =	ssettag $0x0;
	lr =	simm.s32 $0x1  }
0x2: {  	[smem:$0x3F97] =	sst lr;
	_ =	strace $0xD0000000  }
0x3: {  	_ = 	snop  }
0x4: {  	_ = 	snop  }
0x5: {  	_ = 	snop  }
0x6: {  	_ = 	snop  }
0x7: {  	_ = 	snop  }
__scs_overlays_trampoline_lowered:
0x8: {  	[smem:$0x3FA6] =	sst s0  }
0x9: {  	[smem:$0x3FA7] =	sst s1  }
0xa: {  	[smem:$0x3FA8] =	sst s2  }
0xb: {  	[smem:$0x3FA9] =	sst s3  }
0xc: {  	[smem:$0x3FAA] =	sst s4  }
0xd: {  	[smem:$0x3FAB] =	sst s5  }
0xe: {  	[smem:$0x3FAC] =	sst s6  }
0xf: {  	[smem:$0x3FAD] =	sst s7  }
0x10: {  	[smem:$0x3FAE] =	sst s8  }
0x11: {  	[smem:$0x3FAF] =	sst s9;
	s0 =	simm.s32 @!p0 $0x0  }
0x12: {  	s1 =	sld [smem:$0x3F95];
	s0 =	simm.s32 @p0 $0x1  }
0x13: {  	[smem:$0x3FB0] =	sst s0;
	s0 =	simm.s32 @!p1 $0x0  }
0x14: {  	s2 =	sld [smem:$0x3F94];
	s0 =	simm.s32 @p1 $0x1  }
0x15: {  	[smem:$0x3FB1] =	sst s0;
	s0 =	simm.s32 @!p2 $0x0  }
0x16: {  	s3 =	sld [smem:$0x3FDB];
	s0 =	simm.s32 @p2 $0x1  }
0x17: {  	s4 =	simm.s32 $0x1BF5;
	[smem:$0x3FB3] =	sst s0  }
0x18: {  	s0 =	sld [smem:$0x3F96];
	_ =	swait.ge [sflag:s4], $0x0  }
0x19: {  	s7 =	sld [smem:$0x3F97]  }
0x1a: {  	s8 =	sadd.s32 $0xFFFFE003, lr  }
0x1b: {  	s9 =	sadd.s32 $0xFFFFFEF7, lr;
	s5 =	simm.s32 $0xFFFFFFFF;
	p2 =	slt.u32 s8, $0xFFFFF086  }
0x1c: {  	p1 =	slt.u32 s9, $0xF7A;
	s5 =	simm.s32 @!p2 $0x0  }
0x1d: {  	s5 =	simm.s32 @p1 $0x1;
	p0 =	seq.s32 s7, s2  }
0x1e: {  	s7 =	smul.u32 @!p0 $0xF7A, s2;
	p2 =	seq.s32 @!p0 s5, $0x0  }
0x1f: {  	s9 =	smul.u32 $0xF7A, s1;
	s8 =	simm.s32 @!p0 $0x1BF5;
	p2 =	por !p2, p0  }
0x20: {  	[sflag:s8] =	ssyncset.s32 @!p0 $0xFFFFF086;
	s6 =	sadd.s32 @!p0 s3, s7;
	s7 =	simm.s32 @!p0 $0x108  }
0x21: {  	s3 =	sadd.s32 s3, s9;
	s6 =	sadd.s32 @!p0 $0x88, s6;
	s7 =	simm.s32 @p2 $0x1082  }
0x22: {  	[simem:s7], [sflag:s8] =	dma.local @!p0 [hbm:s6], $0xF7A  }
0x23: {  	s9 =	sor.u32 $0xD0000000, s2;
	s6 =	simm.s32 $0x108;
	_ =	swait.ge @!p0 [sflag:s8], $0x0  }
0x24: {  	s3 =	sadd.s32 $0x88, s3;
	s6 =	simm.s32 @!p1 $0x1082;
	[sflag:s4] =	ssyncset.s32 $0xFFFFF086  }
0x25: {  	[simem:s6], [sflag:s4] =	dma.local [hbm:s3], $0xF7A  }
0x26: {  	[smem:$0x3F97] =	sst s1;
	(tag) =	ssettag s2;
	_ =	strace s9  }
0x27: {  	s1 =	sld [smem:$0x3FA7]  }
0x28: {  	s2 =	sld [smem:$0x3FA8]  }
0x29: {  	s4 =	sld [smem:$0x3FAA]  }
0x2a: {  	p0 =	seq.s32 s5, $0x0;
	s5 =	sld [smem:$0x3FAB]  }
0x2b: {  	s6 =	sld [smem:$0x3FAC]  }
0x2c: {  	s7 =	sld [smem:$0x3FAD]  }
0x2d: {  	s3 =	simm.s32 $0x108;
	s8 =	sld [smem:$0x3FAE]  }
0x2e: {  	s3 =	simm.s32 @!p0 $0x1082;
	s9 =	sld [smem:$0x3FAF]  }
0x2f: {  	lr =	sadd.s32 s0, s3;
	s0 =	sld [smem:$0x3FA6]  }
0x30: {  	s3 =	sld [smem:$0x3FA9]  }
0x31: {  	[smem:$0x3FB2] =	sst s10  }
0x32: {  	s10 =	sld [smem:$0x3FB0];
	_ =	sdelay $0x3  }
0x33: {  	p0 =	seq.s32 s10, $0x1;
	s10 =	sld [smem:$0x3FB2];
	_ =	sdelay $0x3  }
0x34: {  	[smem:$0x3FB2] =	sst s10  }
0x35: {  	s10 =	sld [smem:$0x3FB1];
	_ =	sdelay $0x3  }
0x36: {  	p1 =	seq.s32 s10, $0x1;
	s10 =	sld [smem:$0x3FB2];
	_ =	sdelay $0x3  }
0x37: {  	[smem:$0x3FB2] =	sst s10  }
0x38: {  	s10 =	sld [smem:$0x3FB3]  }
0x39: {  	_ = 	snop;
	(pc) =	sbr.ind lr, $3  }
0x3a: {  	_ = 	snop  }
0x3b: {  	_ = 	snop  }
0x3c: {  	p2 =	seq.s32 s10, $0x1;
	s10 =	sld [smem:$0x3FB2]  }
0x3d: {  	_ =	shalt  }
0x3e: {  	_ =	shalt  }
0x3f: {  	_ =	shalt  }
0x40: {  	_ =	shalt  }
0x41: {  	_ =	shalt  }
0x42: {  	_ =	shalt  }
0x43: {  	_ =	shalt  }
0x44: {  	_ =	shalt  }
0x45: {  	_ =	shalt  }
0x46: {  	_ =	shalt  }
0x47: {  	_ =	shalt  }
0x48: {  	_ =	shalt  }
0x49: {  	_ =	shalt  }
0x4a: {  	_ =	shalt  }
0x4b: {  	_ =	shalt  }
0x4c: {  	_ =	shalt  }
0x4d: {  	_ =	shalt  }
0x4e: {  	_ =	shalt  }
0x4f: {  	_ =	shalt  }
0x50: {  	_ =	shalt  }
0x51: {  	_ =	shalt  }
0x52: {  	_ =	shalt  }
0x53: {  	_ =	shalt  }
0x54: {  	_ =	shalt  }
0x55: {  	_ =	shalt  }
0x56: {  	_ =	shalt  }
0x57: {  	_ =	shalt  }
0x58: {  	_ =	shalt  }
0x59: {  	_ =	shalt  }
0x5a: {  	_ =	shalt  }
0x5b: {  	_ =	shalt  }
0x5c: {  	_ =	shalt  }
0x5d: {  	_ =	shalt  }
0x5e: {  	_ =	shalt  }
0x5f: {  	_ =	shalt  }
0x60: {  	_ =	shalt  }
0x61: {  	_ =	shalt  }
0x62: {  	_ =	shalt  }
0x63: {  	_ =	shalt  }
0x64: {  	_ =	shalt  }
0x65: {  	_ =	shalt  }
0x66: {  	_ =	shalt  }
0x67: {  	_ =	shalt  }
0x68: {  	_ =	shalt  }
0x69: {  	_ =	shalt  }
0x6a: {  	_ =	shalt  }
0x6b: {  	_ =	shalt  }
0x6c: {  	_ =	shalt  }
0x6d: {  	_ =	shalt  }
0x6e: {  	_ =	shalt  }
0x6f: {  	_ =	shalt  }
0x70: {  	_ =	shalt  }
0x71: {  	_ =	shalt  }
0x72: {  	_ =	shalt  }
0x73: {  	_ =	shalt  }
0x74: {  	_ =	shalt  }
0x75: {  	_ =	shalt  }
0x76: {  	_ =	shalt  }
0x77: {  	_ =	shalt  }
0x78: {  	_ =	shalt  }
0x79: {  	_ =	shalt  }
0x7a: {  	_ =	shalt  }
0x7b: {  	_ =	shalt  }
0x7c: {  	_ =	shalt  }
0x7d: {  	_ =	shalt  }
0x7e: {  	_ =	shalt  }
0x7f: {  	_ =	shalt  }
0x80: {  	_ =	shalt  }
0x81: {  	_ =	shalt  }
0x82: {  	_ =	shalt  }
0x83: {  	_ =	shalt  }
0x84: {  	_ =	shalt  }
0x85: {  	_ =	shalt  }
0x86: {  	_ =	shalt  }
0x87: {  	_ =	shalt  }
.Lfunc_end0:
.L_simem_size_0:
called_computation.1_lowered:
.L_overlay_start_0:
0x88: {  	s2 =	sld [smem:$0x3FD9]  }
0x89: {  	s3 =	sld [smem:$0x3FFE];
	_ =	sdelay $0x1  }
0x8a: {  	s1 =	srdreg.scid  }
0x8b: {  	s0 =	sand.u32 $0x1, s1  }
0x8c: {  	s16 =	sshll.u32 s0, $0xA;
	s2 =	sadd.s32 s3, s2  }
0x8d: {  	s2 =	sadd.s32 s2, s16  }
0x8e: {  	[smem:$0x3FBE] =	sst s2  }
0x8f: {  	_ = 	snop  }
0x90: {  	(tm) =	ssettm $0x1  }
0x91: {  	s17 =	sld [smem:$0x3FFB];
	_ =	sdelay $0x3  }
0x92: {  	_ =	strace s17  }
0x93: {  	s2 =	sld [smem:$0x3FFC];
	_ =	sdelay $0x3  }
0x94: {  	_ =	strace s2  }
0x95: {  	s2 =	sld [smem:$0x3FFD];
	_ =	sdelay $0x3  }
0x96: {  	_ =	strace s2  }
0x97: {  	_ =	strace $0x8FFFFFFF  }
0x98: {  	s18 =	sld [smem:$0x3FDB];
	_ =	sdelay $0x1  }
0x99: {  	s19 =	simm.s32 $_scs_section_size  }
0x9a: {  	s4 =	simm.s32 $_size__tile_overlayer_lowered;
	s5 =	simm.s32 $_tile_overlayer_lowered  }
0x9b: {  	s22 =	simm.s32 $0x1BFF;
	s21 =	sshll.u32 s5, $0x1;
	s2 =	sadd.s32 s19, s18  }
0x9c: {  	s6 =	simm.s32 $0x0;
	s20 =	sshll.u32 s4, $0x1;
	s4 =	sadd.s32 s21, s2  }
0x9d: {  	[timem:s6], [sflag:s22] =	dma.local [hbm:s4], s20  }
0x9e: {  	_ =	swait.ge [sflag:s22], s20  }
0x9f: {  	s3 =	ssub.s32 $0x0, s20;
	[sflag:s22] =	ssyncset.done $0x0  }
0xa0: {  	[sflag:s22] =	ssyncadd.s32 s3;
	_ =	sdelay $0x1  }
0xa1: {  	s23 =	simm.s32 $0x1B8B  }
0xa2: {  	_ =	swait.ge [sflag:s23], $0x1  }
0xa3: {  	[sflag:s23] =	ssyncset.done $0x0  }
0xa4: {  	s25 =	simm.s32 $0x1B8E;
	s24 =	sld [smem:$0x3FFE];
	[sflag:s23] =	ssyncadd.s32 $0xFFFFFFFF  }
0xa5: {  	s26 =	simm.s32 $execute0_lowered;
	[smem:$0x3FD2] =	sst s25  }
0xa6: {  	s4 =	sshll.u32 s26, $0x1;
	_ =	strace $0x80000049;
	[dreg:$0x1] =	wrdreg $0xFFFFFFFF  }
0xa7: {  	s28 =	simm.s32 $_size_execute0_lowered;
	s2 =	sadd.s32 s2, s4;
	[dreg:$0x0] =	wrdreg $0x0  }
0xa8: {  	s4 =	sshll.u32 s28, $0x1;
	[dreg:$0x2] =	wrdreg s2  }
0xa9: {  	[dreg:$0x3] =	wrdreg s4  }
0xaa: {  	[dreg:$0x4] =	wrdreg $0xC0  }
0xab: {  	_ =	task [dreg:s6], $0x5FFFF  }
0xac: {  	[dreg:$0x1] =	wrdreg $0xFFFFFFFF  }
0xad: {  	[dreg:$0x0] =	wrdreg $0x60  }
0xae: {  	[dreg:$0x2] =	wrdreg s24  }
0xaf: {  	[dreg:$0x3] =	wrdreg $0x62000  }
0xb0: {  	[dreg:$0x4] =	wrdreg $0x9  }
0xb1: {  	_ =	task.clear_ibuf [dreg:s6], $0x5FFFF;
	_ =	strace $0x90000049  }
0xb2: {  	s29 =	simm.s32 $0x9;
	_ =	strace $0x8000004B  }
0xb3: {  	_ =	swait.ge [sflag:s29], $0x1  }
0xb4: {  	[sflag:s29] =	ssyncadd.s32 $0xFFFFFFFF  }
0xb5: {  	_ =	strace $0x9000004B  }
0xb6: {  	_ =	sfence  }
0xb7: {  	s30 =	sld [smem:$0x0];
	_ =	sdelay $0x2  }
0xb8: {  	s31 =	sshll.u32 s1, $0xD;
	s1 =	sshrl.u32 s1, $0x2  }
0xb9: {  	s3 =	sand.u32 $0x4000, s31;
	s1 =	sadd.s32 s1, s30  }
0xba: {  	s0 =	sor.u32 s3, s0;
	s1 =	sshll.u32 s1, $0x11  }
0xbb: {  	s0 =	sor.u32 s1, s0  }
0xbc: {  	s0 =	sadd.s32 $0x8F2B, s0  }
0xbd: {  	[sflag:s0] =	ssyncadd.remote.s32 $0x1  }
0xbe: {  	_ =	sfence.sel $0xFFFF  }
0xbf: {  	[dreg:$0x0] =	wrdreg $0xFFFFFFFF;
	(pc) =	sbr.abs _section_cstart, $3  }
0xc0: {  	[dreg:$0x1] =	wrdreg $0xFFFFFFFF  }
0xc1: {  	_ =	task.clear_ibuf [dreg:s6], $0x2FFFF;
	_ =	strace $0x9FFFFFFF  }
0xc2: {  	(tm) =	ssettm $0x7FFFFFFF  }
0xc3: {  	_ =	shalt  }
tec
execute0_lowered:
.L_overlay_start_1:
0x0: {  	(tag) =	ssettag $0x1  }
0x1: {  	s0 =	rddreg [dreg:$0x0]  }
0x2: {  	s1 =	rddreg [dreg:$0x1]  }
0x3: {  	s2 =	simm.s32 $0x0;
	s23 =	srdreg.scid;
	s11 =	stileid.u32  }
0x4: {  	s28 =	simm.s32 $0x4200;
	s29 =	simm.s32 $0x100;
	s30 =	simm.s32 $0x1  }
0x5: {  	s31 =	simm.s32 $0x200;
	[smem:$0x7FF] =	sst s2;
	s4 =	sadd.s32 $0xB800, s0  }
0x6: {  	s5 =	sadd.s32 $0x1400, s0;
	s6 =	sadd.s32 $0x15C00, s0;
	s2 =	sand.u32 $0x1, s23  }
0x7: {  	s7 =	sadd.s32 $0x1AC00, s0;
	s8 =	smul.u32 $0x5000, s11;
	s0 =	sadd.s32 $0x1FC00, s0  }
0x8: {  	_ =	strace $0x8000004A;
	s3 =	ssub.s32 $0x2, s2;
	s10 =	sshll.u32 s2, $0x4  }
0x9: {  	s2 =	smul.u32 $0x50000, s2;
	s9 =	sshrl.u32 s3, $0x1;
	s24 =	sor.u32 s11, s10  }
0xa: {  	s20 =	sadd.s32 s8, s1;
	s25 =	sadd.s32 $0x1000, s8;
	s26 =	sadd.s32 $0x2000, s8  }
0xb: {  	s17 =	sadd.s32 $0x3000, s8;
	s13 =	sadd.s32 $0x4000, s8;
	s11 =	simm.s32 $0x5200  }
0xc: {  	s3 =	ssub.s32 s3, s9;
	s9 =	smul.u32 $0x2900, s24;
	s23 =	sadd.s32 s25, s1  }
0xd: {  	s12 =	sadd.s32 s26, s1;
	s15 =	sadd.s32 s17, s1;
	s18 =	sadd.s32 s13, s1  }
0xe: {  	s8 =	sadd.s32 s8, s2;
	s10 =	sadd.s32 s2, s25;
	[dreg:$0x3] =	wrdreg s20  }
0xf: {  	s22 =	sadd.s32 s2, s26;
	s24 =	sadd.s32 s2, s17;
	[dreg:$0x5] =	wrdreg s12  }
0x10: {  	s2 =	sadd.s32 s2, s13;
	s13 =	simm.s32 $0x6;
	[dreg:$0x6] =	wrdreg s15  }
0x11: {  	s17 =	simm.s32 $0x2;
	[dreg:$0x7] =	wrdreg s18;
	s8 =	sshrl.u32 s8, $0x3  }
0x12: {  	s10 =	sshrl.u32 s10, $0x3;
	s2 =	sshrl.u32 s2, $0x3;
	s26 =	smax.u32 s3, $0x1  }
0x13: {  	s3 =	simm.s32 $0x2200;
	s18 =	simm.s32 $0xA00;
	[dreg:$0x4] =	wrdreg s23  }
0x14: {  	s14 =	sshrl.u32 s9, $0x3;
	s15 =	sor.u32 $0x80, s9;
	s16 =	sadd.s32 $0x100, s9  }
0x15: {  	s8 =	sadd.s32 s0, s8;
	s21 =	sadd.s32 s0, s10;
	s9 =	sshrl.u32 s24, $0x3  }
0x16: {  	[dreg:$0xf] =	wrdreg s26;
	s24 =	simm.s32 $0x7;
	s26 =	simm.s32 $0x180  }
0x17: {  	s19 =	sadd.s32 s4, s14;
	s14 =	sadd.s32 s5, s14;
	[dreg:$0xa] =	wrdreg s8  }
0x18: {  	[dreg:$0xb] =	wrdreg s21;
	s8 =	sshrl.u32 s22, $0x3;
	s25 =	sadd.s32 s0, s9  }
0x19: {  	s21 =	simm.s32 $0x3200;
	s22 =	simm.s32 $0x5;
	[dreg:$0x8] =	wrdreg s19  }
0x1a: {  	s9 =	simm.s32 $0x0;
	[dreg:$0x9] =	wrdreg s14;
	s8 =	sadd.s32 s0, s8  }
0x1b: {  	[dreg:$0xd] =	wrdreg s25;
	s0 =	sadd.s32 s0, s2;
	s25 =	simm.s32 $0x80  }
0x1c: {  	s14 =	simm.s32 $0x3;
	s19 =	simm.s32 $0x1A00;
	[dreg:$0xc] =	wrdreg s8  }
0x1d: {  	v0 =	vimm.f32 $0.0e+00;
	v1 =	vimm.s32 $0x0;
	v2 =	vlaneseq.u32;
	[dreg:$0xe] =	wrdreg s0;
	s0 =	simm.s32 $0x1200;
	s8 =	simm.s32 $0x4  }
.LBB2_1:
0x1e: {  	[dreg:$0x10] =	wrdreg s9;
	s2 =	simm.s32 $0x0  }
.LBB2_2:
0x1f: {  	p0 =	sne.s32 s2, $0x3F80  }
.Ltmp0:
0x20: {  	_ = 	snop;
	(pc) =	sbr.rel @p0 .LBB2_2-.Ltmp0, $4  }
0x21: {  	_ = 	snop  }
0x22: {  	s9 =	sshra.s32 s2, $0x2  }
0x23: {  	[tilespmem:s9+$0x5200] =	vst v0  }
0x24: {  	s2 =	sadd.s32 $0x80, s2;
	[tilespmem:s9+$0x5210] =	vst v0  }
0x25: {  	s2 =	simm.s32 $0x80;
	s9 =	simm.s32 $0x0  }
.LBB2_4:
0x26: {  	p0 =	sne.s32 s2, $0x3F80;
	[tilespmem:s9+$0x3200] =	vst v0;
	s10 =	smov.u32 s2;
	s2 =	sadd.s32 $0x80, s2  }
.Ltmp1:
0x27: {  	[tilespmem:s9+$0x3210] =	vst v0;
	(pc) =	sbr.rel @p0 .LBB2_4-.Ltmp1, $2  }
0x28: {  	_ =	sdelay $0x2  }
0x29: {  	s9 =	sshra.s32 s10, $0x2  }
0x2a: {  	[tilespmem:s9+$0x3200] =	vst v0  }
0x2b: {  	[tilespmem:s9+$0x3210] =	vst v0  }
0x2c: {  	[tilespmem:$0x100] =	vst v1  }
0x2d: {  	[tilespmem:$0x110] =	vst v1  }
0x2e: {  	[tilespmem:$0x120] =	vst v1  }
0x2f: {  	[tilespmem:$0x130] =	vst v1  }
0x30: {  	[tilespmem:$0x140] =	vst v1  }
0x31: {  	[tilespmem:$0x150] =	vst v1  }
0x32: {  	[tilespmem:$0x160] =	vst v1  }
0x33: {  	s2 =	simm.s32 $0x80;
	s9 =	simm.s32 $0x0;
	[tilespmem:$0x170] =	vst v1  }
.LBB2_6:
0x34: {  	p0 =	sne.s32 s2, $0x3F80;
	[tilespmem:s9+$0x4200] =	vst v0;
	s10 =	smov.u32 s2;
	s2 =	sadd.s32 $0x80, s2  }
.Ltmp2:
0x35: {  	[tilespmem:s9+$0x4210] =	vst v0;
	(pc) =	sbr.rel @p0 .LBB2_6-.Ltmp2, $2  }
0x36: {  	_ =	sdelay $0x2  }
0x37: {  	s9 =	sshra.s32 s10, $0x2  }
0x38: {  	[tilespmem:s9+$0x4200] =	vst v0  }
0x39: {  	[tilespmem:s9+$0x4210] =	vst v0  }
0x3a: {  	[tilespmem:$0x180] =	vst v1  }
0x3b: {  	[tilespmem:$0x190] =	vst v1  }
0x3c: {  	[tilespmem:$0x1A0] =	vst v1  }
0x3d: {  	[tilespmem:$0x1B0] =	vst v1  }
0x3e: {  	[tilespmem:$0x1C0] =	vst v1  }
0x3f: {  	[tilespmem:$0x1D0] =	vst v1  }
0x40: {  	[tilespmem:$0x1E0] =	vst v1  }
0x41: {  	[tilespmem:$0x1F0] =	vst v1  }
0x42: {  	[spmem:s20] =	stream.linear.scatter [tilespmem:s11], [sflag:$0x7], $0x1000, $0x38;
	[tilespmem:$0xB200] =	vst v63  }
0x43: {  	_ =	swait.ge [sflag:s24], $0x1000  }
0x44: {  	[sflag:s24] =	ssyncset.done $0x0  }
0x45: {  	[sflag:s24] =	ssyncadd.s32 $0xFFFFF000  }
0x46: {  	[spmem:s23] =	stream.linear.scatter [tilespmem:s11], [sflag:$0x7], $0x1000, $0x38;
	[tilespmem:$0xB200] =	vst v63  }
0x47: {  	_ =	swait.ge [sflag:s24], $0x1000  }
0x48: {  	[sflag:s24] =	ssyncset.done $0x0  }
0x49: {  	s2 =	rddreg [dreg:$0x5];
	[sflag:s24] =	ssyncadd.s32 $0xFFFFF000  }
0x4a: {  	[spmem:s2] =	stream.linear.scatter [tilespmem:s11], [sflag:$0x7], $0x1000, $0x38;
	[tilespmem:$0xB200] =	vst v63  }
0x4b: {  	_ =	swait.ge [sflag:s24], $0x1000  }
0x4c: {  	[sflag:s24] =	ssyncset.done $0x0  }
0x4d: {  	s10 =	rddreg [dreg:$0x6];
	[sflag:s24] =	ssyncadd.s32 $0xFFFFF000  }
0x4e: {  	[spmem:s10] =	stream.linear.scatter [tilespmem:s11], [sflag:$0x7], $0x1000, $0x38;
	[tilespmem:$0xB200] =	vst v63  }
0x4f: {  	_ =	swait.ge [sflag:s24], $0x1000  }
0x50: {  	[sflag:s24] =	ssyncset.done $0x0  }
0x51: {  	s12 =	rddreg [dreg:$0x7];
	[sflag:s24] =	ssyncadd.s32 $0xFFFFF000  }
0x52: {  	[spmem:s12] =	stream.linear.scatter [tilespmem:s11], [sflag:$0x7], $0x1000, $0x38;
	[tilespmem:$0xB200] =	vst v63  }
0x53: {  	_ =	swait.ge [sflag:s24], $0x1000  }
0x54: {  	[sflag:s24] =	ssyncset.done $0x0  }
0x55: {  	[sflag:s24] =	ssyncadd.s32 $0xFFFFF000  }
0x56: {  	[bflag:$0x0] =	sbarrier.arrive $0xFFFF  }
0x57: {  	[spmem:s1] =	stream.indirect.scatter.add.f32 [tilespmem:s28], [sflag:$0x6], $0x20, s26, s25, $0xb8;
	[tilespmem:$0xB200] =	vst v63  }
0x58: {  	s10 =	simm.s32 $0x0;
	s20 =	rddreg [dreg:$0x8]  }
0x59: {  	[tilespmem:s10], [sflag:$0x1] =	stream.linear.gather [hbm4b:s20+s10], $0x80, $0x38;
	[tilespmem:$0xB200] =	vst v63  }
0x5a: {  	s23 =	rddreg [dreg:$0x9]  }
0x5b: {  	[tilespmem:s29], [sflag:$0x1] =	stream.linear.gather [hbm4b:s23+s10], $0x80, $0x38;
	[tilespmem:$0xB200] =	vst v63  }
0x5c: {  	_ =	swait.ge [sflag:s30], $0x80  }
0x5d: {  	[sflag:s30] =	ssyncset.done $0x0  }
0x5e: {  	[sflag:s30] =	ssyncadd.s32 $0xFFFFFF80  }
0x5f: {  	_ =	swait.ge [sflag:s30], $0x80  }
0x60: {  	[sflag:s30] =	ssyncset.done $0x0  }
0x61: {  	[sflag:s30] =	ssyncadd.s32 $0xFFFFFF80  }
0x62: {  	[tilespmem:s31], [sflag:$0x3] =	stream.indirect.gather [hbm4b:s6+s25], $0x10, s10, s25, $0xb8;
	[tilespmem:$0xB200] =	vst v63  }
0x63: {  	_ = 	snop  }
0x64: {  	[tilespmem:s0], [sflag:$0x3] =	stream.indirect.gather [hbm4b:s6+s25], $0x10, s29, s25, $0xb8;
	[tilespmem:$0xB200] =	vst v63  }
0x65: {  	s11 =	simm.s32 $0x0  }
0x66: {  	[tilespmem:s3], [sflag:$0x3] =	stream.indirect.gather [hbm4b:s7+s25], $0x10, s10, s25, $0xb8;
	[tilespmem:$0xB200] =	vst v63  }
.LBB2_8:
0x67: {  	s2 =	sshll.u32 s11, $0x8  }
0x68: {  	_ =	swait.ge [sflag:s13], $0x1000;
	s2 =	sadd.s32 s2, s15  }
0x69: {  	[sflag:s13] =	ssyncset.done $0x0;
	s2 =	sshrl.u32 s2, $0x3  }
0x6a: {  	[sflag:s13] =	ssyncadd.s32 $0xFFFFF000;
	s9 =	sadd.s32 s4, s2  }
0x6b: {  	[tilespmem:s25], [sflag:$0x2] =	stream.linear.gather [hbm4b:s9+s10], $0x80, $0x38;
	[tilespmem:$0xB200] =	vst v63  }
0x6c: {  	s2 =	sadd.s32 s5, s2  }
0x6d: {  	[tilespmem:s26], [sflag:$0x2] =	stream.linear.gather [hbm4b:s2+s10], $0x80, $0x38;
	[tilespmem:$0xB200] =	vst v63  }
0x6e: {  	_ =	swait.ge [sflag:s14], $0x800  }
0x6f: {  	[sflag:s14] =	ssyncset.done $0x0  }
0x70: {  	[sflag:s14] =	ssyncadd.s32 $0xFFFFF800  }
0x71: {  	_ =	swait.ge [sflag:s14], $0x800  }
0x72: {  	[sflag:s14] =	ssyncset.done $0x0  }
0x73: {  	[sflag:s14] =	ssyncadd.s32 $0xFFFFF800  }
0x74: {  	_ =	swait.ge [sflag:s14], $0x800  }
0x75: {  	[sflag:s14] =	ssyncset.done $0x0  }
0x76: {  	[sflag:s14] =	ssyncadd.s32 $0xFFFFF800  }
0x77: {  	_ =	swait.ge [sflag:s17], $0x80  }
0x78: {  	[sflag:s17] =	ssyncset.done $0x0  }
0x79: {  	[sflag:s17] =	ssyncadd.s32 $0xFFFFFF80  }
0x7a: {  	_ =	swait.ge [sflag:s17], $0x80  }
0x7b: {  	[sflag:s17] =	ssyncset.done $0x0  }
0x7c: {  	[sflag:s17] =	ssyncadd.s32 $0xFFFFFF80  }
0x7d: {  	[tilespmem:s18], [sflag:$0x4] =	stream.indirect.gather [hbm4b:s6+s25], $0x10, s25, s25, $0xb8;
	[tilespmem:$0xB200] =	vst v63  }
0x7e: {  	_ = 	snop  }
0x7f: {  	[tilespmem:s19], [sflag:$0x4] =	stream.indirect.gather [hbm4b:s6+s25], $0x10, s26, s25, $0xb8;
	[tilespmem:$0xB200] =	vst v63  }
0x80: {  	s23 =	simm.s32 $0x2A00;
	p0 =	por $0x1, $0x1;
	s9 =	simm.s32 $0x0  }
0x81: {  	[tilespmem:s23], [sflag:$0x4] =	stream.indirect.gather [hbm4b:s7+s25], $0x10, s25, s25, $0xb8;
	[tilespmem:$0xB200] =	vst v63  }
.LBB2_9:
0x82: {  	v3 =	vor.u32 s9, v2  }
0x83: {  	v4 =	vshll.u32 v3, $0x4  }
0x84: {  	v5 =	vor.u32 $0x8, v4;
	_ =	sdelay $0x3  }
0x85: {  	v4 =	vld.idx.msk [tilespmem:v4+s31+$0x0], $0xffff  }
0x86: {  	v5 =	vld.idx.msk [tilespmem:v5+s0+$0x0], $0xffff;
	_ =	sdelay $0x4  }
0x87: {  	v4 =	vadd.f32 v5, v4;
	_ =	sdelay $0x1  }
0x88: {  	v5 =	vmul.f32 $2.000000030e-01, v4  }
0x89: {  	vm0 =	vgt.f32 v4, $0.0e+00  }
0x8a: {  	v4 =	vsel vm0, v4, v5  }
0x8b: {  	v4 =	vmul.f32 $1.442695020e+00, v4;
	_ =	sdelay $0x1  }
0x8c: {  	(erf) = vpow2.f32 v4;
	_ =	sdelay $0x3  }
0x8d: {  	s2 =	sor.u32 $0x10, s9  }
0x8e: {  	v3 =	vshll.u32 v3, $0x5;
	v50 =	vor.u32 s2, v2  }
0x8f: {  	v51 =	vshll.u32 v50, $0x4  }
0x90: {  	v6 =	vor.u32 $0x8, v51;
	_ =	sdelay $0x1  }
0x91: {  	v7 =	vpop (erf)  }
0x92: {  	[tilespmem:v3+s21+$0x0] =	vst.idx.msk $0xffff, v7  }
0x93: {  	v3 =	vld.idx.msk [tilespmem:v51+s31+$0x0], $0xffff  }
0x94: {  	v52 =	vld.idx.msk [tilespmem:v6+s0+$0x0], $0xffff;
	_ =	sdelay $0x4  }
0x95: {  	v3 =	vadd.f32 v52, v3;
	_ =	sdelay $0x1  }
0x96: {  	v5 =	vmul.f32 $2.000000030e-01, v3  }
0x97: {  	vm13 =	vgt.f32 v3, $0.0e+00  }
0x98: {  	v3 =	vsel vm13, v3, v5  }
0x99: {  	v3 =	vmul.f32 $1.442695020e+00, v3;
	_ =	sdelay $0x1  }
0x9a: {  	(erf) = vpow2.f32 v3;
	_ =	sdelay $0x3  }
0x9b: {  	s20 =	sor.u32 $0x20, s9  }
0x9c: {  	v53 =	vor.u32 s20, v2;
	v3 =	vshll.u32 v50, $0x5  }
0x9d: {  	v54 =	vshll.u32 v53, $0x4  }
0x9e: {  	v55 =	vor.u32 $0x8, v54;
	_ =	sdelay $0x1  }
0x9f: {  	v56 =	vpop (erf)  }
0xa0: {  	[tilespmem:v3+s21+$0x0] =	vst.idx.msk $0xffff, v56  }
0xa1: {  	v3 =	vld.idx.msk [tilespmem:v54+s31+$0x0], $0xffff  }
0xa2: {  	v57 =	vld.idx.msk [tilespmem:v55+s0+$0x0], $0xffff;
	_ =	sdelay $0x4  }
0xa3: {  	v3 =	vadd.f32 v57, v3;
	_ =	sdelay $0x1  }
0xa4: {  	v5 =	vmul.f32 $2.000000030e-01, v3  }
0xa5: {  	vm14 =	vgt.f32 v3, $0.0e+00  }
0xa6: {  	v3 =	vsel vm14, v3, v5  }
0xa7: {  	v3 =	vmul.f32 $1.442695020e+00, v3;
	_ =	sdelay $0x1  }
0xa8: {  	(erf) = vpow2.f32 v3;
	_ =	sdelay $0x3  }
0xa9: {  	s23 =	sor.u32 $0x30, s9  }
0xaa: {  	v58 =	vor.u32 s23, v2;
	v3 =	vshll.u32 v53, $0x5  }
0xab: {  	v59 =	vshll.u32 v58, $0x4  }
0xac: {  	v60 =	vor.u32 $0x8, v59;
	_ =	sdelay $0x1  }
0xad: {  	v61 =	vpop (erf)  }
0xae: {  	[tilespmem:v3+s21+$0x0] =	vst.idx.msk $0xffff, v61  }
0xaf: {  	v3 =	vld.idx.msk [tilespmem:v59+s31+$0x0], $0xffff  }
0xb0: {  	v62 =	vld.idx.msk [tilespmem:v60+s0+$0x0], $0xffff;
	_ =	sdelay $0x4  }
0xb1: {  	v3 =	vadd.f32 v62, v3;
	_ =	sdelay $0x1  }
0xb2: {  	v5 =	vmul.f32 $2.000000030e-01, v3  }
0xb3: {  	vm15 =	vgt.f32 v3, $0.0e+00  }
0xb4: {  	v3 =	vsel vm15, v3, v5  }
0xb5: {  	v3 =	vmul.f32 $1.442695020e+00, v3;
	_ =	sdelay $0x1  }
0xb6: {  	(erf) = vpow2.f32 v3;
	_ =	sdelay $0x4  }
0xb7: {  	p1 =	por p0, p0;
	v3 =	vshll.u32 v58, $0x5  }
.Ltmp3:
0xb8: {  	_ = 	snop;
	(pc) =	sbr.rel @p1 .LBB2_9-.Ltmp3, $3  }
0xb9: {  	_ =	sdelay $0x1  }
0xba: {  	s12 =	simm.s32 $0x3248;
	s9 =	simm.s32 $0x40;
	v63 =	vpop (erf)  }
0xbb: {  	p0 =	por $0x0, $0x0;
	s23 =	simm.s32 $0x0;
	s2 =	simm.s32 $0x2220;
	[tilespmem:v3+s21+$0x0] =	vst.idx.msk $0xffff, v63  }
0xbc: {  	s9 =	sshll.u32 s23, $0x5  }
0xbd: {  	v3 =	vmov s9;
	_ =	sdelay $0x3  }
0xbe: {  	v4 =	vld [tilespmem:s2+$0xFFFFFFE0]  }
0xbf: {  	v3 =	vld.idx.msk [tilespmem:v3+s21+$0x0], $0xffff;
	_ =	sdelay $0x1  }
0xc0: {  	s20 =	sadd.s32 $0x20, s9  }
0xc1: {  	v5 =	vmov s20;
	_ =	sdelay $0x1  }
0xc2: {  	v3 =	vmul.f32 v4, v3;
	_ =	sdelay $0x1  }
0xc3: {  	[tilespmem:s12+$0xFFFFFFC0] =	vst v3  }
0xc4: {  	v3 =	vld.idx.msk [tilespmem:v5+s21+$0x0], $0xffff  }
0xc5: {  	v4 =	vld [tilespmem:s2+$0xFFFFFFF0];
	_ =	sdelay $0x1  }
0xc6: {  	s20 =	sadd.s32 $0x40, s9  }
0xc7: {  	v5 =	vmov s20;
	_ =	sdelay $0x1  }
0xc8: {  	v3 =	vmul.f32 v4, v3;
	_ =	sdelay $0x1  }
0xc9: {  	[tilespmem:s12+$0xFFFFFFE0] =	vst v3  }
0xca: {  	v3 =	vld.idx.msk [tilespmem:v5+s21+$0x0], $0xffff  }
0xcb: {  	v4 =	vld [tilespmem:s2+$0x0];
	_ =	sdelay $0x1  }
0xcc: {  	s9 =	sadd.s32 $0x60, s9  }
0xcd: {  	v5 =	vmov s9;
	_ =	sdelay $0x1  }
0xce: {  	v3 =	vmul.f32 v4, v3;
	_ =	sdelay $0x1  }
0xcf: {  	[tilespmem:s12+$0x0] =	vst v3  }
0xd0: {  	v3 =	vld.idx.msk [tilespmem:v5+s21+$0x0], $0xffff  }
0xd1: {  	v4 =	vld [tilespmem:s2+$0x10]  }
0xd2: {  	s23 =	sadd.s32 $0x4, s23  }
0xd3: {  	s9 =	sshll.u32 s23, $0x5;
	s23 =	sadd.s32 $0x4, s23  }
.LBB2_11:
0xd4: {  	p0 =	slt.u32 s23, $0x7C;
	v5 =	vmov s9;
	_ =	sdelay $0x1  }
0xd5: {  	v3 =	vmul.f32 v4, v3;
	_ =	sdelay $0x1  }
0xd6: {  	[tilespmem:s12+$0x20] =	vst v3  }
0xd7: {  	s2 =	sadd.s32 $0x40, s2;
	v3 =	vld.idx.msk [tilespmem:v5+s21+$0x0], $0xffff  }
0xd8: {  	v4 =	vld [tilespmem:s2+$0xFFFFFFE0];
	_ =	sdelay $0x1  }
0xd9: {  	s20 =	sadd.s32 $0x20, s9  }
0xda: {  	v5 =	vmov s20;
	_ =	sdelay $0x1  }
0xdb: {  	v3 =	vmul.f32 v4, v3  }
0xdc: {  	s12 =	sadd.s32 $0x80, s12  }
0xdd: {  	[tilespmem:s12+$0xFFFFFFC0] =	vst v3  }
0xde: {  	v3 =	vld.idx.msk [tilespmem:v5+s21+$0x0], $0xffff  }
0xdf: {  	v4 =	vld [tilespmem:s2+$0xFFFFFFF0];
	_ =	sdelay $0x1  }
0xe0: {  	s20 =	sadd.s32 $0x40, s9  }
0xe1: {  	v5 =	vmov s20;
	_ =	sdelay $0x1  }
0xe2: {  	v3 =	vmul.f32 v4, v3;
	_ =	sdelay $0x1  }
0xe3: {  	[tilespmem:s12+$0xFFFFFFE0] =	vst v3  }
0xe4: {  	v3 =	vld.idx.msk [tilespmem:v5+s21+$0x0], $0xffff  }
0xe5: {  	v4 =	vld [tilespmem:s2+$0x0];
	_ =	sdelay $0x1  }
0xe6: {  	s9 =	sadd.s32 $0x60, s9  }
0xe7: {  	v5 =	vmov s9;
	_ =	sdelay $0x1  }
0xe8: {  	v3 =	vmul.f32 v4, v3;
	_ =	sdelay $0x1  }
.Ltmp4:
0xe9: {  	[tilespmem:s12+$0x0] =	vst v3;
	(pc) =	sbr.rel @p0 .LBB2_11-.Ltmp4, $3  }
0xea: {  	v3 =	vld.idx.msk [tilespmem:v5+s21+$0x0], $0xffff  }
0xeb: {  	v4 =	vld [tilespmem:s2+$0x10];
	_ =	sdelay $0x1  }
0xec: {  	s9 =	sshll.u32 s23, $0x5;
	s23 =	sadd.s32 $0x4, s23  }
0xed: {  	v5 =	vmov s9;
	_ =	sdelay $0x1  }
0xee: {  	v3 =	vmul.f32 v4, v3;
	_ =	sdelay $0x1  }
0xef: {  	[tilespmem:s12+$0x20] =	vst v3  }
0xf0: {  	s2 =	sadd.s32 $0x40, s2;
	v3 =	vld.idx.msk [tilespmem:v5+s21+$0x0], $0xffff  }
0xf1: {  	v57 =	vld [tilespmem:s2+$0xFFFFFFE0];
	_ =	sdelay $0x1  }
0xf2: {  	s20 =	sadd.s32 $0x20, s9  }
0xf3: {  	v58 =	vmov s20;
	_ =	sdelay $0x1  }
0xf4: {  	v3 =	vmul.f32 v57, v3  }
0xf5: {  	s12 =	sadd.s32 $0x80, s12  }
0xf6: {  	[tilespmem:s12+$0xFFFFFFC0] =	vst v3  }
0xf7: {  	v3 =	vld.idx.msk [tilespmem:v58+s21+$0x0], $0xffff  }
0xf8: {  	v59 =	vld [tilespmem:s2+$0xFFFFFFF0];
	_ =	sdelay $0x1  }
0xf9: {  	s23 =	sadd.s32 $0x40, s9  }
0xfa: {  	v60 =	vmov s23;
	_ =	sdelay $0x1  }
0xfb: {  	v3 =	vmul.f32 v59, v3;
	_ =	sdelay $0x1  }
0xfc: {  	[tilespmem:s12+$0xFFFFFFE0] =	vst v3  }
0xfd: {  	v3 =	vld.idx.msk [tilespmem:v60+s21+$0x0], $0xffff  }
0xfe: {  	v61 =	vld [tilespmem:s2+$0x0];
	_ =	sdelay $0x1  }
0xff: {  	s23 =	sadd.s32 $0x60, s9  }
0x100: {  	v62 =	vmov s23;
	_ =	sdelay $0x1  }
0x101: {  	v3 =	vmul.f32 v61, v3;
	_ =	sdelay $0x1  }
0x102: {  	[tilespmem:s12+$0x0] =	vst v3  }
0x103: {  	v3 =	vld.idx.msk [tilespmem:v62+s21+$0x0], $0xffff  }
0x104: {  	v63 =	vld [tilespmem:s2+$0x10];
	_ =	sdelay $0x4  }
0x105: {  	s20 =	sshll.u32 s11, $0x1;
	v3 =	vmul.f32 v63, v3  }
0x106: {  	s2 =	smin.u32 s20, $0x4F  }
0x107: {  	s2 =	sshll.u32 s2, $0x7;
	[tilespmem:s12+$0x20] =	vst v3  }
0x108: {  	[spmem:s1] =	stream.indirect.scatter.add.f32 [tilespmem:s21], [sflag:$0x5], $0x20, s29, s25, $0xb8;
	[tilespmem:$0xB200] =	vst v63  }
0x109: {  	s2 =	sadd.s32 s2, s16;
	_ =	swait.ge [sflag:s22], $0x1000  }
0x10a: {  	s2 =	sshrl.u32 s2, $0x3;
	[sflag:s22] =	ssyncset.done $0x0  }
0x10b: {  	s23 =	sadd.s32 s4, s2;
	s12 =	simm.s32 $0x0;
	[sflag:s22] =	ssyncadd.s32 $0xFFFFF000  }
0x10c: {  	[tilespmem:s12], [sflag:$0x1] =	stream.linear.gather [hbm4b:s23+s12], $0x80, $0x38;
	[tilespmem:$0xB200] =	vst v63  }
0x10d: {  	s2 =	sadd.s32 s5, s2  }
0x10e: {  	[tilespmem:s29], [sflag:$0x1] =	stream.linear.gather [hbm4b:s2+s12], $0x80, $0x38;
	[tilespmem:$0xB200] =	vst v63  }
0x10f: {  	_ =	swait.ge [sflag:s8], $0x800  }
0x110: {  	[sflag:s8] =	ssyncset.done $0x0  }
0x111: {  	[sflag:s8] =	ssyncadd.s32 $0xFFFFF800  }
0x112: {  	_ =	swait.ge [sflag:s8], $0x800  }
0x113: {  	[sflag:s8] =	ssyncset.done $0x0  }
0x114: {  	[sflag:s8] =	ssyncadd.s32 $0xFFFFF800  }
0x115: {  	_ =	swait.ge [sflag:s8], $0x800  }
0x116: {  	[sflag:s8] =	ssyncset.done $0x0  }
0x117: {  	[sflag:s8] =	ssyncadd.s32 $0xFFFFF800  }
0x118: {  	_ =	swait.ge [sflag:s30], $0x80  }
0x119: {  	[sflag:s30] =	ssyncset.done $0x0  }
0x11a: {  	[sflag:s30] =	ssyncadd.s32 $0xFFFFFF80  }
0x11b: {  	_ =	swait.ge [sflag:s30], $0x80  }
0x11c: {  	[sflag:s30] =	ssyncset.done $0x0  }
0x11d: {  	[sflag:s30] =	ssyncadd.s32 $0xFFFFFF80  }
0x11e: {  	[tilespmem:s31], [sflag:$0x3] =	stream.indirect.gather [hbm4b:s6+s25], $0x10, s12, s25, $0xb8;
	[tilespmem:$0xB200] =	vst v63  }
0x11f: {  	_ = 	snop  }
0x120: {  	[tilespmem:s0], [sflag:$0x3] =	stream.indirect.gather [hbm4b:s6+s25], $0x10, s29, s25, $0xb8;
	[tilespmem:$0xB200] =	vst v63  }
0x121: {  	p0 =	por $0x1, $0x1;
	s23 =	simm.s32 $0x0  }
0x122: {  	[tilespmem:s3], [sflag:$0x3] =	stream.indirect.gather [hbm4b:s7+s25], $0x10, s12, s25, $0xb8;
	[tilespmem:$0xB200] =	vst v63  }
.LBB2_13:
0x123: {  	v3 =	vor.u32 s23, v2  }
0x124: {  	v4 =	vshll.u32 v3, $0x4  }
0x125: {  	v5 =	vor.u32 $0x8, v4;
	_ =	sdelay $0x3  }
0x126: {  	v4 =	vld.idx.msk [tilespmem:v4+s18+$0x0], $0xffff  }
0x127: {  	v5 =	vld.idx.msk [tilespmem:v5+s19+$0x0], $0xffff;
	_ =	sdelay $0x4  }
0x128: {  	v4 =	vadd.f32 v5, v4;
	_ =	sdelay $0x1  }
0x129: {  	v5 =	vmul.f32 $2.000000030e-01, v4  }
0x12a: {  	vm0 =	vgt.f32 v4, $0.0e+00  }
0x12b: {  	v4 =	vsel vm0, v4, v5  }
0x12c: {  	v4 =	vmul.f32 $1.442695020e+00, v4;
	_ =	sdelay $0x1  }
0x12d: {  	(erf) = vpow2.f32 v4;
	_ =	sdelay $0x3  }
0x12e: {  	s2 =	sor.u32 $0x10, s23  }
0x12f: {  	v3 =	vshll.u32 v3, $0x5;
	v50 =	vor.u32 s2, v2  }
0x130: {  	v51 =	vshll.u32 v50, $0x4  }
0x131: {  	v6 =	vor.u32 $0x8, v51;
	_ =	sdelay $0x1  }
0x132: {  	v7 =	vpop (erf)  }
0x133: {  	[tilespmem:v3+s28+$0x0] =	vst.idx.msk $0xffff, v7  }
0x134: {  	v3 =	vld.idx.msk [tilespmem:v51+s18+$0x0], $0xffff  }
0x135: {  	v52 =	vld.idx.msk [tilespmem:v6+s19+$0x0], $0xffff;
	_ =	sdelay $0x4  }
0x136: {  	v3 =	vadd.f32 v52, v3;
	_ =	sdelay $0x1  }
0x137: {  	v5 =	vmul.f32 $2.000000030e-01, v3  }
0x138: {  	vm13 =	vgt.f32 v3, $0.0e+00  }
0x139: {  	v3 =	vsel vm13, v3, v5  }
0x13a: {  	v3 =	vmul.f32 $1.442695020e+00, v3;
	_ =	sdelay $0x1  }
0x13b: {  	(erf) = vpow2.f32 v3;
	_ =	sdelay $0x3  }
0x13c: {  	s20 =	sor.u32 $0x20, s23  }
0x13d: {  	v53 =	vor.u32 s20, v2;
	v3 =	vshll.u32 v50, $0x5  }
0x13e: {  	v54 =	vshll.u32 v53, $0x4  }
0x13f: {  	v55 =	vor.u32 $0x8, v54;
	_ =	sdelay $0x1  }
0x140: {  	v56 =	vpop (erf)  }
0x141: {  	[tilespmem:v3+s28+$0x0] =	vst.idx.msk $0xffff, v56  }
0x142: {  	v3 =	vld.idx.msk [tilespmem:v54+s18+$0x0], $0xffff  }
0x143: {  	v57 =	vld.idx.msk [tilespmem:v55+s19+$0x0], $0xffff;
	_ =	sdelay $0x4  }
0x144: {  	v3 =	vadd.f32 v57, v3;
	_ =	sdelay $0x1  }
0x145: {  	v5 =	vmul.f32 $2.000000030e-01, v3  }
0x146: {  	vm14 =	vgt.f32 v3, $0.0e+00  }
0x147: {  	v3 =	vsel vm14, v3, v5  }
0x148: {  	v3 =	vmul.f32 $1.442695020e+00, v3;
	_ =	sdelay $0x1  }
0x149: {  	(erf) = vpow2.f32 v3;
	_ =	sdelay $0x3  }
0x14a: {  	s23 =	sor.u32 $0x30, s23  }
0x14b: {  	v58 =	vor.u32 s23, v2;
	v3 =	vshll.u32 v53, $0x5  }
0x14c: {  	v59 =	vshll.u32 v58, $0x4  }
0x14d: {  	v60 =	vor.u32 $0x8, v59;
	_ =	sdelay $0x1  }
0x14e: {  	v61 =	vpop (erf)  }
0x14f: {  	[tilespmem:v3+s28+$0x0] =	vst.idx.msk $0xffff, v61  }
0x150: {  	v3 =	vld.idx.msk [tilespmem:v59+s18+$0x0], $0xffff  }
0x151: {  	v62 =	vld.idx.msk [tilespmem:v60+s19+$0x0], $0xffff;
	_ =	sdelay $0x4  }
0x152: {  	v3 =	vadd.f32 v62, v3;
	_ =	sdelay $0x1  }
0x153: {  	v5 =	vmul.f32 $2.000000030e-01, v3  }
0x154: {  	vm15 =	vgt.f32 v3, $0.0e+00  }
0x155: {  	v3 =	vsel vm15, v3, v5  }
0x156: {  	v3 =	vmul.f32 $1.442695020e+00, v3;
	_ =	sdelay $0x1  }
0x157: {  	(erf) = vpow2.f32 v3;
	_ =	sdelay $0x4  }
0x158: {  	p1 =	por p0, p0;
	v3 =	vshll.u32 v58, $0x5  }
.Ltmp5:
0x159: {  	_ = 	snop;
	(pc) =	sbr.rel @p1 .LBB2_13-.Ltmp5, $3  }
0x15a: {  	_ =	sdelay $0x1  }
0x15b: {  	s9 =	simm.s32 $0x2A20;
	v63 =	vpop (erf)  }
0x15c: {  	p0 =	por $0x0, $0x0;
	s2 =	simm.s32 $0x4248;
	s23 =	simm.s32 $0x40;
	[tilespmem:v3+s28+$0x0] =	vst.idx.msk $0xffff, v63  }
0x15d: {  	s20 =	sshll.u32 s12, $0x5  }
0x15e: {  	v3 =	vmov s20;
	_ =	sdelay $0x3  }
0x15f: {  	v4 =	vld [tilespmem:s9+$0xFFFFFFE0]  }
0x160: {  	v3 =	vld.idx.msk [tilespmem:v3+s28+$0x0], $0xffff;
	_ =	sdelay $0x1  }
0x161: {  	s23 =	sadd.s32 $0x20, s20  }
0x162: {  	v5 =	vmov s23;
	_ =	sdelay $0x1  }
0x163: {  	v3 =	vmul.f32 v4, v3;
	_ =	sdelay $0x1  }
0x164: {  	[tilespmem:s2+$0xFFFFFFC0] =	vst v3  }
0x165: {  	v3 =	vld.idx.msk [tilespmem:v5+s28+$0x0], $0xffff  }
0x166: {  	v4 =	vld [tilespmem:s9+$0xFFFFFFF0];
	_ =	sdelay $0x1  }
0x167: {  	s23 =	sadd.s32 $0x40, s20  }
0x168: {  	v5 =	vmov s23;
	_ =	sdelay $0x1  }
0x169: {  	v3 =	vmul.f32 v4, v3;
	_ =	sdelay $0x1  }
0x16a: {  	[tilespmem:s2+$0xFFFFFFE0] =	vst v3  }
0x16b: {  	v3 =	vld.idx.msk [tilespmem:v5+s28+$0x0], $0xffff  }
0x16c: {  	v4 =	vld [tilespmem:s9+$0x0];
	_ =	sdelay $0x1  }
0x16d: {  	s20 =	sadd.s32 $0x60, s20  }
0x16e: {  	v5 =	vmov s20;
	_ =	sdelay $0x1  }
0x16f: {  	v3 =	vmul.f32 v4, v3;
	_ =	sdelay $0x1  }
0x170: {  	[tilespmem:s2+$0x0] =	vst v3  }
0x171: {  	v3 =	vld.idx.msk [tilespmem:v5+s28+$0x0], $0xffff  }
0x172: {  	v4 =	vld [tilespmem:s9+$0x10]  }
0x173: {  	s23 =	sadd.s32 $0x4, s12  }
0x174: {  	s12 =	sshll.u32 s23, $0x5;
	s23 =	sadd.s32 $0x4, s23  }
.LBB2_15:
0x175: {  	p0 =	slt.u32 s23, $0x7C;
	v5 =	vmov s12;
	_ =	sdelay $0x1  }
0x176: {  	v3 =	vmul.f32 v4, v3;
	_ =	sdelay $0x1  }
0x177: {  	[tilespmem:s2+$0x20] =	vst v3  }
0x178: {  	s9 =	sadd.s32 $0x40, s9;
	v3 =	vld.idx.msk [tilespmem:v5+s28+$0x0], $0xffff  }
0x179: {  	v4 =	vld [tilespmem:s9+$0xFFFFFFE0];
	_ =	sdelay $0x1  }
0x17a: {  	s20 =	sadd.s32 $0x20, s12  }
0x17b: {  	v5 =	vmov s20;
	_ =	sdelay $0x1  }
0x17c: {  	v3 =	vmul.f32 v4, v3  }
0x17d: {  	s2 =	sadd.s32 $0x80, s2  }
0x17e: {  	[tilespmem:s2+$0xFFFFFFC0] =	vst v3  }
0x17f: {  	v3 =	vld.idx.msk [tilespmem:v5+s28+$0x0], $0xffff  }
0x180: {  	v4 =	vld [tilespmem:s9+$0xFFFFFFF0];
	_ =	sdelay $0x1  }
0x181: {  	s20 =	sadd.s32 $0x40, s12  }
0x182: {  	v5 =	vmov s20;
	_ =	sdelay $0x1  }
0x183: {  	v3 =	vmul.f32 v4, v3;
	_ =	sdelay $0x1  }
0x184: {  	[tilespmem:s2+$0xFFFFFFE0] =	vst v3  }
0x185: {  	v3 =	vld.idx.msk [tilespmem:v5+s28+$0x0], $0xffff  }
0x186: {  	v4 =	vld [tilespmem:s9+$0x0];
	_ =	sdelay $0x1  }
0x187: {  	s12 =	sadd.s32 $0x60, s12  }
0x188: {  	v5 =	vmov s12;
	_ =	sdelay $0x1  }
0x189: {  	v3 =	vmul.f32 v4, v3;
	_ =	sdelay $0x1  }
.Ltmp6:
0x18a: {  	[tilespmem:s2+$0x0] =	vst v3;
	(pc) =	sbr.rel @p0 .LBB2_15-.Ltmp6, $3  }
0x18b: {  	v3 =	vld.idx.msk [tilespmem:v5+s28+$0x0], $0xffff  }
0x18c: {  	v4 =	vld [tilespmem:s9+$0x10];
	_ =	sdelay $0x1  }
0x18d: {  	s12 =	sshll.u32 s23, $0x5;
	s23 =	sadd.s32 $0x4, s23  }
0x18e: {  	v5 =	vmov s12;
	_ =	sdelay $0x1  }
0x18f: {  	v3 =	vmul.f32 v4, v3;
	_ =	sdelay $0x1  }
0x190: {  	[tilespmem:s2+$0x20] =	vst v3  }
0x191: {  	s9 =	sadd.s32 $0x40, s9;
	v3 =	vld.idx.msk [tilespmem:v5+s28+$0x0], $0xffff  }
0x192: {  	v57 =	vld [tilespmem:s9+$0xFFFFFFE0];
	_ =	sdelay $0x1  }
0x193: {  	s20 =	sadd.s32 $0x20, s12  }
0x194: {  	v58 =	vmov s20;
	_ =	sdelay $0x1  }
0x195: {  	v3 =	vmul.f32 v57, v3  }
0x196: {  	s2 =	sadd.s32 $0x80, s2  }
0x197: {  	[tilespmem:s2+$0xFFFFFFC0] =	vst v3  }
0x198: {  	v3 =	vld.idx.msk [tilespmem:v58+s28+$0x0], $0xffff  }
0x199: {  	v59 =	vld [tilespmem:s9+$0xFFFFFFF0];
	_ =	sdelay $0x1  }
0x19a: {  	s23 =	sadd.s32 $0x40, s12  }
0x19b: {  	v60 =	vmov s23;
	_ =	sdelay $0x1  }
0x19c: {  	v3 =	vmul.f32 v59, v3;
	_ =	sdelay $0x1  }
0x19d: {  	[tilespmem:s2+$0xFFFFFFE0] =	vst v3  }
0x19e: {  	v3 =	vld.idx.msk [tilespmem:v60+s28+$0x0], $0xffff  }
0x19f: {  	v61 =	vld [tilespmem:s9+$0x0];
	_ =	sdelay $0x1  }
0x1a0: {  	s23 =	sadd.s32 $0x60, s12  }
0x1a1: {  	v62 =	vmov s23;
	_ =	sdelay $0x1  }
0x1a2: {  	v3 =	vmul.f32 v61, v3;
	_ =	sdelay $0x1  }
0x1a3: {  	[tilespmem:s2+$0x0] =	vst v3  }
0x1a4: {  	v3 =	vld.idx.msk [tilespmem:v62+s28+$0x0], $0xffff  }
0x1a5: {  	v63 =	vld [tilespmem:s9+$0x10];
	_ =	sdelay $0x1  }
0x1a6: {  	s11 =	sadd.s32 $0x1, s11  }
0x1a7: {  	p0 =	sne.s32 s11, $0x29  }
.Ltmp7:
0x1a8: {  	_ = 	snop;
	(pc) =	sbr.rel @p0 .LBB2_8-.Ltmp7, $3  }
0x1a9: {  	v3 =	vmul.f32 v63, v3;
	_ =	sdelay $0x1  }
0x1aa: {  	[tilespmem:s2+$0x20] =	vst v3  }
0x1ab: {  	[spmem:s1] =	stream.indirect.scatter.add.f32 [tilespmem:s28], [sflag:$0x6], $0x20, s26, s25, $0xb8;
	[tilespmem:$0xB200] =	vst v63  }
0x1ac: {  	_ =	swait.ge [sflag:s13], $0x1000  }
0x1ad: {  	[sflag:s13] =	ssyncset.done $0x0  }
0x1ae: {  	[sflag:s13] =	ssyncadd.s32 $0xFFFFF000  }
0x1af: {  	_ =	swait.ge [sflag:s14], $0x800  }
0x1b0: {  	[sflag:s14] =	ssyncset.done $0x0  }
0x1b1: {  	[sflag:s14] =	ssyncadd.s32 $0xFFFFF800  }
0x1b2: {  	_ =	swait.ge [sflag:s14], $0x800  }
0x1b3: {  	[sflag:s14] =	ssyncset.done $0x0  }
0x1b4: {  	[sflag:s14] =	ssyncadd.s32 $0xFFFFF800  }
0x1b5: {  	_ =	swait.ge [sflag:s14], $0x800  }
0x1b6: {  	[sflag:s14] =	ssyncset.done $0x0  }
0x1b7: {  	[sflag:s14] =	ssyncadd.s32 $0xFFFFF800  }
0x1b8: {  	[bflag:$0x0] =	sbarrier.arrive $0xFFFF  }
0x1b9: {  	s11 =	simm.s32 $0x5200;
	s20 =	rddreg [dreg:$0x3]  }
0x1ba: {  	[tilespmem:s11], [sflag:$0x7] =	stream.linear.gather [spmem:s20], $0x1000, $0x38;
	[tilespmem:$0xB200] =	vst v63  }
0x1bb: {  	_ =	swait.ge [sflag:s24], $0x1000  }
0x1bc: {  	[sflag:s24] =	ssyncset.done $0x0  }
0x1bd: {  	s2 =	simm.s32 $0x0;
	s9 =	rddreg [dreg:$0xa];
	[sflag:s24] =	ssyncadd.s32 $0xFFFFF000  }
0x1be: {  	[hbm4b:s9+s2] =	stream.linear.scatter [tilespmem:s11], [sflag:$0x7], $0x1000, $0x38;
	[tilespmem:$0xB200] =	vst v63  }
0x1bf: {  	_ =	swait.ge [sflag:s24], $0x1000  }
0x1c0: {  	[sflag:s24] =	ssyncset.done $0x0  }
0x1c1: {  	s23 =	rddreg [dreg:$0x4];
	[sflag:s24] =	ssyncadd.s32 $0xFFFFF000  }
0x1c2: {  	[tilespmem:s11], [sflag:$0x7] =	stream.linear.gather [spmem:s23], $0x1000, $0x38;
	[tilespmem:$0xB200] =	vst v63  }
0x1c3: {  	_ =	swait.ge [sflag:s24], $0x1000  }
0x1c4: {  	[sflag:s24] =	ssyncset.done $0x0  }
0x1c5: {  	s12 =	rddreg [dreg:$0xb];
	[sflag:s24] =	ssyncadd.s32 $0xFFFFF000  }
0x1c6: {  	[hbm4b:s12+s2] =	stream.linear.scatter [tilespmem:s11], [sflag:$0x7], $0x1000, $0x38;
	[tilespmem:$0xB200] =	vst v63  }
0x1c7: {  	_ =	swait.ge [sflag:s24], $0x1000  }
0x1c8: {  	[sflag:s24] =	ssyncset.done $0x0  }
0x1c9: {  	s10 =	rddreg [dreg:$0x5];
	[sflag:s24] =	ssyncadd.s32 $0xFFFFF000  }
0x1ca: {  	[tilespmem:s11], [sflag:$0x7] =	stream.linear.gather [spmem:s10], $0x1000, $0x38;
	[tilespmem:$0xB200] =	vst v63  }
0x1cb: {  	_ =	swait.ge [sflag:s24], $0x1000  }
0x1cc: {  	[sflag:s24] =	ssyncset.done $0x0  }
0x1cd: {  	s12 =	rddreg [dreg:$0xc];
	[sflag:s24] =	ssyncadd.s32 $0xFFFFF000  }
0x1ce: {  	[hbm4b:s12+s2] =	stream.linear.scatter [tilespmem:s11], [sflag:$0x7], $0x1000, $0x38;
	[tilespmem:$0xB200] =	vst v63  }
0x1cf: {  	_ =	swait.ge [sflag:s24], $0x1000  }
0x1d0: {  	[sflag:s24] =	ssyncset.done $0x0  }
0x1d1: {  	s10 =	rddreg [dreg:$0x6];
	[sflag:s24] =	ssyncadd.s32 $0xFFFFF000  }
0x1d2: {  	[tilespmem:s11], [sflag:$0x7] =	stream.linear.gather [spmem:s10], $0x1000, $0x38;
	[tilespmem:$0xB200] =	vst v63  }
0x1d3: {  	_ =	swait.ge [sflag:s24], $0x1000  }
0x1d4: {  	[sflag:s24] =	ssyncset.done $0x0  }
0x1d5: {  	s12 =	rddreg [dreg:$0xd];
	[sflag:s24] =	ssyncadd.s32 $0xFFFFF000  }
0x1d6: {  	[hbm4b:s12+s2] =	stream.linear.scatter [tilespmem:s11], [sflag:$0x7], $0x1000, $0x38;
	[tilespmem:$0xB200] =	vst v63  }
0x1d7: {  	_ =	swait.ge [sflag:s24], $0x1000  }
0x1d8: {  	[sflag:s24] =	ssyncset.done $0x0  }
0x1d9: {  	s10 =	rddreg [dreg:$0x7];
	[sflag:s24] =	ssyncadd.s32 $0xFFFFF000  }
0x1da: {  	[tilespmem:s11], [sflag:$0x7] =	stream.linear.gather [spmem:s10], $0x1000, $0x38;
	[tilespmem:$0xB200] =	vst v63  }
0x1db: {  	_ =	swait.ge [sflag:s24], $0x1000  }
0x1dc: {  	[sflag:s24] =	ssyncset.done $0x0  }
0x1dd: {  	s12 =	rddreg [dreg:$0xe];
	[sflag:s24] =	ssyncadd.s32 $0xFFFFF000  }
0x1de: {  	[hbm4b:s12+s2] =	stream.linear.scatter [tilespmem:s11], [sflag:$0x7], $0x1000, $0x38;
	[tilespmem:$0xB200] =	vst v63  }
0x1df: {  	_ =	swait.ge [sflag:s24], $0x1000  }
0x1e0: {  	s10 =	rddreg [dreg:$0x10]  }
0x1e1: {  	s12 =	rddreg [dreg:$0xf];
	s9 =	sadd.s32 $0x1, s10  }
0x1e2: {  	p0 =	sne.s32 s9, s12  }
.Ltmp8:
0x1e3: {  	_ = 	snop;
	(pc) =	sbr.rel @p0 .LBB2_1-.Ltmp8, $3  }
0x1e4: {  	_ =	sdelay $0x1  }
0x1e5: {  	[sflag:s24] =	ssyncset.done $0x0  }
0x1e6: {  	[sflag:s24] =	ssyncadd.s32 $0xFFFFF000  }
0x1e7: {  	_ =	sfence.sel $0x180000  }
0x1e8: {  	[bflag:$0x0] =	sbarrier.arrive $0xFFFF  }
0x1e9: {  	_ =	strace $0x9000004A  }
0x1ea: {  	s0 =	stileid.u32;
	[bflag:$0x2] =	sbarrier.arrive $0xFFFF  }
0x1eb: {  	p0 =	sne.s32 s0, $0x0;
	s0 =	rddreg [dreg:$0x2]  }
0x1ec: {  	s0 =	sadd.s32 @!p0 $0x100000, s0  }
0x1ed: {  	[sflag:s0] =	ssyncadd.tile.s32 @!p0 $0x1;
	_ =	shalt  }
.Lfunc_end2:
_tile_overlayer_lowered:
.L_overlay_start_2:
0x1ee: {  	(tag) =	ssettag $0x2  }
0x1ef: {  	s0 =	rddreg [dreg:$0x0];
	s2 =	stileid.u32  }
0x1f0: {  	s1 =	rddreg [dreg:$0x1];
	p0 =	sne.s32 s2, $0x0  }
0x1f1: {  	s3 =	rddreg [dreg:$0x2];
	[bflag:$0x3] =	sbarrier.arrive $0xFFFF;
	s2 =	simm.s32 @!p0 $0x1C07  }
0x1f2: {  	[timem:s3], [sflag:s2] =	dma.local @!p0 [hbm:s0], s1  }
0x1f3: {  	s0 =	simm.s32 @!p0 $0x7  }
0x1f4: {  	_ =	swait.ge @!p0 [sflag:s0], s1  }
0x1f5: {  	s1 =	ssub.s32 @!p0 $0x0, s1;
	[sflag:s0] =	ssyncset.done @!p0 $0x0  }
0x1f6: {  	[sflag:s0] =	ssyncadd.s32 @!p0 s1  }
0x1f7: {  	[bflag:$0x3] =	sbarrier.arrive $0xFFFF  }
0x1f8: {  	_ =	shalt  }

// kernel: kernel.7.cloned.1.call-start
scs
__scs_entry_jumppad:
0x0: {  	(pc) =	sbr.rel $0x88, $3  }
0x1: {  	(tag) =	ssettag $0x0;
	lr =	simm.s32 $0x1  }
0x2: {  	[smem:$0x3F97] =	sst lr;
	_ =	strace $0xD0000000  }
0x3: {  	_ = 	snop  }
0x4: {  	_ = 	snop  }
0x5: {  	_ = 	snop  }
0x6: {  	_ = 	snop  }
0x7: {  	_ = 	snop  }
__scs_overlays_trampoline_lowered:
0x8: {  	[smem:$0x3FA6] =	sst s0  }
0x9: {  	[smem:$0x3FA7] =	sst s1  }
0xa: {  	[smem:$0x3FA8] =	sst s2  }
0xb: {  	[smem:$0x3FA9] =	sst s3  }
0xc: {  	[smem:$0x3FAA] =	sst s4  }
0xd: {  	[smem:$0x3FAB] =	sst s5  }
0xe: {  	[smem:$0x3FAC] =	sst s6  }
0xf: {  	[smem:$0x3FAD] =	sst s7  }
0x10: {  	[smem:$0x3FAE] =	sst s8  }
0x11: {  	[smem:$0x3FAF] =	sst s9;
	s0 =	simm.s32 @!p0 $0x0  }
0x12: {  	s1 =	sld [smem:$0x3F95];
	s0 =	simm.s32 @p0 $0x1  }
0x13: {  	[smem:$0x3FB0] =	sst s0;
	s0 =	simm.s32 @!p1 $0x0  }
0x14: {  	s2 =	sld [smem:$0x3F94];
	s0 =	simm.s32 @p1 $0x1  }
0x15: {  	[smem:$0x3FB1] =	sst s0;
	s0 =	simm.s32 @!p2 $0x0  }
0x16: {  	s3 =	sld [smem:$0x3FDB];
	s0 =	simm.s32 @p2 $0x1  }
0x17: {  	s4 =	simm.s32 $0x1BF5;
	[smem:$0x3FB3] =	sst s0  }
0x18: {  	s0 =	sld [smem:$0x3F96];
	_ =	swait.ge [sflag:s4], $0x0  }
0x19: {  	s7 =	sld [smem:$0x3F97]  }
0x1a: {  	s8 =	sadd.s32 $0xFFFFE003, lr  }
0x1b: {  	s9 =	sadd.s32 $0xFFFFFEF7, lr;
	s5 =	simm.s32 $0xFFFFFFFF;
	p2 =	slt.u32 s8, $0xFFFFF086  }
0x1c: {  	p1 =	slt.u32 s9, $0xF7A;
	s5 =	simm.s32 @!p2 $0x0  }
0x1d: {  	s5 =	simm.s32 @p1 $0x1;
	p0 =	seq.s32 s7, s2  }
0x1e: {  	s7 =	smul.u32 @!p0 $0xF7A, s2;
	p2 =	seq.s32 @!p0 s5, $0x0  }
0x1f: {  	s9 =	smul.u32 $0xF7A, s1;
	s8 =	simm.s32 @!p0 $0x1BF5;
	p2 =	por !p2, p0  }
0x20: {  	[sflag:s8] =	ssyncset.s32 @!p0 $0xFFFFF086;
	s6 =	sadd.s32 @!p0 s3, s7;
	s7 =	simm.s32 @!p0 $0x108  }
0x21: {  	s3 =	sadd.s32 s3, s9;
	s6 =	sadd.s32 @!p0 $0x88, s6;
	s7 =	simm.s32 @p2 $0x1082  }
0x22: {  	[simem:s7], [sflag:s8] =	dma.local @!p0 [hbm:s6], $0xF7A  }
0x23: {  	s9 =	sor.u32 $0xD0000000, s2;
	s6 =	simm.s32 $0x108;
	_ =	swait.ge @!p0 [sflag:s8], $0x0  }
0x24: {  	s3 =	sadd.s32 $0x88, s3;
	s6 =	simm.s32 @!p1 $0x1082;
	[sflag:s4] =	ssyncset.s32 $0xFFFFF086  }
0x25: {  	[simem:s6], [sflag:s4] =	dma.local [hbm:s3], $0xF7A  }
0x26: {  	[smem:$0x3F97] =	sst s1;
	(tag) =	ssettag s2;
	_ =	strace s9  }
0x27: {  	s1 =	sld [smem:$0x3FA7]  }
0x28: {  	s2 =	sld [smem:$0x3FA8]  }
0x29: {  	s4 =	sld [smem:$0x3FAA]  }
0x2a: {  	p0 =	seq.s32 s5, $0x0;
	s5 =	sld [smem:$0x3FAB]  }
0x2b: {  	s6 =	sld [smem:$0x3FAC]  }
0x2c: {  	s7 =	sld [smem:$0x3FAD]  }
0x2d: {  	s3 =	simm.s32 $0x108;
	s8 =	sld [smem:$0x3FAE]  }
0x2e: {  	s3 =	simm.s32 @!p0 $0x1082;
	s9 =	sld [smem:$0x3FAF]  }
0x2f: {  	lr =	sadd.s32 s0, s3;
	s0 =	sld [smem:$0x3FA6]  }
0x30: {  	s3 =	sld [smem:$0x3FA9]  }
0x31: {  	[smem:$0x3FB2] =	sst s10  }
0x32: {  	s10 =	sld [smem:$0x3FB0];
	_ =	sdelay $0x3  }
0x33: {  	p0 =	seq.s32 s10, $0x1;
	s10 =	sld [smem:$0x3FB2];
	_ =	sdelay $0x3  }
0x34: {  	[smem:$0x3FB2] =	sst s10  }
0x35: {  	s10 =	sld [smem:$0x3FB1];
	_ =	sdelay $0x3  }
0x36: {  	p1 =	seq.s32 s10, $0x1;
	s10 =	sld [smem:$0x3FB2];
	_ =	sdelay $0x3  }
0x37: {  	[smem:$0x3FB2] =	sst s10  }
0x38: {  	s10 =	sld [smem:$0x3FB3]  }
0x39: {  	_ = 	snop;
	(pc) =	sbr.ind lr, $3  }
0x3a: {  	_ = 	snop  }
0x3b: {  	_ = 	snop  }
0x3c: {  	p2 =	seq.s32 s10, $0x1;
	s10 =	sld [smem:$0x3FB2]  }
0x3d: {  	_ =	shalt  }
0x3e: {  	_ =	shalt  }
0x3f: {  	_ =	shalt  }
0x40: {  	_ =	shalt  }
0x41: {  	_ =	shalt  }
0x42: {  	_ =	shalt  }
0x43: {  	_ =	shalt  }
0x44: {  	_ =	shalt  }
0x45: {  	_ =	shalt  }
0x46: {  	_ =	shalt  }
0x47: {  	_ =	shalt  }
0x48: {  	_ =	shalt  }
0x49: {  	_ =	shalt  }
0x4a: {  	_ =	shalt  }
0x4b: {  	_ =	shalt  }
0x4c: {  	_ =	shalt  }
0x4d: {  	_ =	shalt  }
0x4e: {  	_ =	shalt  }
0x4f: {  	_ =	shalt  }
0x50: {  	_ =	shalt  }
0x51: {  	_ =	shalt  }
0x52: {  	_ =	shalt  }
0x53: {  	_ =	shalt  }
0x54: {  	_ =	shalt  }
0x55: {  	_ =	shalt  }
0x56: {  	_ =	shalt  }
0x57: {  	_ =	shalt  }
0x58: {  	_ =	shalt  }
0x59: {  	_ =	shalt  }
0x5a: {  	_ =	shalt  }
0x5b: {  	_ =	shalt  }
0x5c: {  	_ =	shalt  }
0x5d: {  	_ =	shalt  }
0x5e: {  	_ =	shalt  }
0x5f: {  	_ =	shalt  }
0x60: {  	_ =	shalt  }
0x61: {  	_ =	shalt  }
0x62: {  	_ =	shalt  }
0x63: {  	_ =	shalt  }
0x64: {  	_ =	shalt  }
0x65: {  	_ =	shalt  }
0x66: {  	_ =	shalt  }
0x67: {  	_ =	shalt  }
0x68: {  	_ =	shalt  }
0x69: {  	_ =	shalt  }
0x6a: {  	_ =	shalt  }
0x6b: {  	_ =	shalt  }
0x6c: {  	_ =	shalt  }
0x6d: {  	_ =	shalt  }
0x6e: {  	_ =	shalt  }
0x6f: {  	_ =	shalt  }
0x70: {  	_ =	shalt  }
0x71: {  	_ =	shalt  }
0x72: {  	_ =	shalt  }
0x73: {  	_ =	shalt  }
0x74: {  	_ =	shalt  }
0x75: {  	_ =	shalt  }
0x76: {  	_ =	shalt  }
0x77: {  	_ =	shalt  }
0x78: {  	_ =	shalt  }
0x79: {  	_ =	shalt  }
0x7a: {  	_ =	shalt  }
0x7b: {  	_ =	shalt  }
0x7c: {  	_ =	shalt  }
0x7d: {  	_ =	shalt  }
0x7e: {  	_ =	shalt  }
0x7f: {  	_ =	shalt  }
0x80: {  	_ =	shalt  }
0x81: {  	_ =	shalt  }
0x82: {  	_ =	shalt  }
0x83: {  	_ =	shalt  }
0x84: {  	_ =	shalt  }
0x85: {  	_ =	shalt  }
0x86: {  	_ =	shalt  }
0x87: {  	_ =	shalt  }
.Lfunc_end0:
.L_simem_size_0:
called_computation_lowered:
.L_overlay_start_0:
0x88: {  	s2 =	sld [smem:$0x3FD9]  }
0x89: {  	s3 =	sld [smem:$0x3FFE];
	_ =	sdelay $0x1  }
0x8a: {  	s1 =	srdreg.scid  }
0x8b: {  	s0 =	sand.u32 $0x1, s1  }
0x8c: {  	s17 =	sshll.u32 s0, $0xA;
	s2 =	sadd.s32 s3, s2  }
0x8d: {  	s2 =	sadd.s32 s2, s17  }
0x8e: {  	[smem:$0x3FBE] =	sst s2  }
0x8f: {  	_ = 	snop  }
0x90: {  	s2 =	sld [smem:$0x3FD0];
	(tm) =	ssettm $0x1  }
0x91: {  	s18 =	sld [smem:$0x3FFB];
	_ =	sdelay $0x3  }
0x92: {  	_ =	strace s18  }
0x93: {  	s3 =	sld [smem:$0x3FFC];
	_ =	sdelay $0x3  }
0x94: {  	_ =	strace s3  }
0x95: {  	s3 =	sld [smem:$0x3FFD];
	_ =	sdelay $0x3  }
0x96: {  	_ =	strace s3  }
0x97: {  	_ =	strace $0x8FFFFFFF  }
0x98: {  	s19 =	sld [smem:$0x3FDB];
	_ =	sdelay $0x1  }
0x99: {  	s4 =	simm.s32 $_scs_section_size  }
0x9a: {  	s5 =	simm.s32 $_size__tile_overlayer_lowered;
	s6 =	simm.s32 $_tile_overlayer_lowered  }
0x9b: {  	s22 =	simm.s32 $0x1BFF;
	s21 =	sshll.u32 s6, $0x1;
	s3 =	sadd.s32 s4, s19  }
0x9c: {  	s7 =	simm.s32 $0x0;
	s20 =	sshll.u32 s5, $0x1;
	s5 =	sadd.s32 s21, s3  }
0x9d: {  	[timem:s7], [sflag:s22] =	dma.local [hbm:s5], s20  }
0x9e: {  	_ =	swait.ge [sflag:s22], s20  }
0x9f: {  	s4 =	ssub.s32 $0x0, s20;
	[sflag:s22] =	ssyncset.done $0x0  }
0xa0: {  	[sflag:s22] =	ssyncadd.s32 s4;
	_ =	sdelay $0x1  }
0xa1: {  	s23 =	simm.s32 $0x1B8B  }
0xa2: {  	_ =	swait.ge [sflag:s23], $0x1  }
0xa3: {  	[sflag:s23] =	ssyncset.done $0x0  }
0xa4: {  	s25 =	simm.s32 $0x1B8E;
	s24 =	sld [smem:$0x3FFE];
	[sflag:s23] =	ssyncadd.s32 $0xFFFFFFFF  }
0xa5: {  	s26 =	simm.s32 $execute0_lowered;
	[smem:$0x3FD2] =	sst s25  }
0xa6: {  	s5 =	sshll.u32 s26, $0x1;
	_ =	strace $0x80000046;
	[dreg:$0x1] =	wrdreg $0xFFFFFFFF  }
0xa7: {  	s28 =	simm.s32 $_size_execute0_lowered;
	s3 =	sadd.s32 s3, s5;
	[dreg:$0x0] =	wrdreg $0x0  }
0xa8: {  	s5 =	sshll.u32 s28, $0x1;
	[dreg:$0x2] =	wrdreg s3  }
0xa9: {  	[dreg:$0x3] =	wrdreg s5  }
0xaa: {  	[dreg:$0x4] =	wrdreg $0xC0  }
0xab: {  	_ =	task [dreg:s7], $0x5FFFF  }
0xac: {  	[dreg:$0x1] =	wrdreg $0xFFFFFFFF  }
0xad: {  	[dreg:$0x0] =	wrdreg $0x60  }
0xae: {  	[dreg:$0x2] =	wrdreg s24  }
0xaf: {  	[dreg:$0x3] =	wrdreg s2  }
0xb0: {  	[dreg:$0x4] =	wrdreg $0x8A000  }
0xb1: {  	[dreg:$0x5] =	wrdreg $0x9E000  }
0xb2: {  	[dreg:$0x6] =	wrdreg $0x9  }
0xb3: {  	_ =	task.clear_ibuf [dreg:s7], $0x7FFFF;
	_ =	strace $0x90000046  }
0xb4: {  	s29 =	simm.s32 $0x9;
	_ =	strace $0x80000048  }
0xb5: {  	_ =	swait.ge [sflag:s29], $0x1  }
0xb6: {  	[sflag:s29] =	ssyncadd.s32 $0xFFFFFFFF  }
0xb7: {  	_ =	strace $0x90000048  }
0xb8: {  	_ =	sfence  }
0xb9: {  	s30 =	sld [smem:$0x0];
	_ =	sdelay $0x2  }
0xba: {  	s31 =	sshll.u32 s1, $0xD;
	s1 =	sshrl.u32 s1, $0x2  }
0xbb: {  	s3 =	sand.u32 $0x4000, s31;
	s1 =	sadd.s32 s1, s30  }
0xbc: {  	s0 =	sor.u32 s3, s0;
	s1 =	sshll.u32 s1, $0x11  }
0xbd: {  	s0 =	sor.u32 s1, s0  }
0xbe: {  	s0 =	sadd.s32 $0x8F2B, s0  }
0xbf: {  	[sflag:s0] =	ssyncadd.remote.s32 $0x1  }
0xc0: {  	_ =	sfence.sel $0xFFFF  }
0xc1: {  	[dreg:$0x0] =	wrdreg $0xFFFFFFFF;
	(pc) =	sbr.abs _section_cstart, $3  }
0xc2: {  	[dreg:$0x1] =	wrdreg $0xFFFFFFFF  }
0xc3: {  	_ =	task.clear_ibuf [dreg:s7], $0x2FFFF;
	_ =	strace $0x9FFFFFFF  }
0xc4: {  	(tm) =	ssettm $0x7FFFFFFF  }
0xc5: {  	_ =	shalt  }
tec
execute0_lowered:
.L_overlay_start_1:
0x0: {  	(tag) =	ssettag $0x1  }
0x1: {  	s1 =	rddreg [dreg:$0x0];
	s22 =	stileid.u32  }
0x2: {  	s2 =	simm.s32 $0x0;
	s0 =	srdreg.scid;
	s5 =	smul.u32 $0x280, s22  }
0x3: {  	s28 =	simm.s32 $0x1A00;
	s30 =	simm.s32 $0x6200;
	s8 =	smul.u32 $0x1400, s22  }
0x4: {  	[smem:$0x7FF] =	sst s2;
	s3 =	sand.u32 $0x1, s0;
	s10 =	smul.u32 $0xA000, s22  }
0x5: {  	s4 =	sadd.s32 $0x42E00, s1;
	s6 =	sadd.s32 $0x2EE00, s1;
	s9 =	smul.u32 $0x14000, s3  }
0x6: {  	s0 =	ssub.s32 $0x2, s3;
	s16 =	smul.u32 $0xA0000, s3;
	s3 =	sshll.u32 s3, $0x4  }
0x7: {  	s7 =	sshrl.u32 s0, $0x1;
	s24 =	sadd.s32 $0x80, s5;
	s12 =	sadd.s32 $0x100, s5  }
0x8: {  	s14 =	sadd.s32 $0x180, s5;
	s5 =	sadd.s32 $0x200, s5;
	s0 =	ssub.s32 s0, s7  }
0x9: {  	s11 =	sshll.u32 s24, $0x6;
	s13 =	sshll.u32 s12, $0x6;
	s15 =	sadd.s32 s8, s9  }
0xa: {  	s20 =	sshll.u32 s14, $0x6;
	s25 =	sshll.u32 s5, $0x6;
	s7 =	sadd.s32 s10, s16  }
0xb: {  	s9 =	sshrl.u32 s9, $0x3;
	s17 =	sadd.s32 s4, s24;
	s18 =	sadd.s32 s4, s12  }
0xc: {  	s21 =	sadd.s32 s4, s14;
	s24 =	sshll.u32 s24, $0x3;
	s15 =	sshrl.u32 s15, $0x3  }
0xd: {  	s17 =	sadd.s32 s9, s17;
	s19 =	sadd.s32 s16, s11;
	s18 =	sadd.s32 s9, s18  }
0xe: {  	s23 =	sadd.s32 s16, s13;
	s26 =	sshrl.u32 s7, $0x4;
	[dreg:$0x6] =	wrdreg s17  }
0xf: {  	s0 =	smax.u32 s0, $0x1;
	s15 =	sadd.s32 s4, s15;
	[dreg:$0x7] =	wrdreg s18  }
0x10: {  	s4 =	sadd.s32 s4, s5;
	s18 =	sadd.s32 s9, s21;
	[dreg:$0x5] =	wrdreg s15  }
0x11: {  	s7 =	sshrl.u32 s19, $0x4;
	[dreg:$0x8] =	wrdreg s18;
	s4 =	sadd.s32 s9, s4  }
0x12: {  	s17 =	sadd.s32 s16, s20;
	s9 =	sadd.s32 s6, s26;
	[dreg:$0x9] =	wrdreg s4  }
0x13: {  	s21 =	sshrl.u32 s10, $0x1;
	s15 =	sadd.s32 s6, s7;
	[dreg:$0xa] =	wrdreg s9  }
0x14: {  	s18 =	sadd.s32 s16, s25;
	s16 =	sadd.s32 $0xB800, s1;
	[dreg:$0xb] =	wrdreg s15  }
0x15: {  	s26 =	sshll.u32 s22, $0x6;
	s4 =	sshrl.u32 s23, $0x4;
	s15 =	rddreg [dreg:$0x2]  }
0x16: {  	s9 =	sshrl.u32 s18, $0x4;
	s23 =	rddreg [dreg:$0x3];
	s18 =	sadd.s32 $0x15C00, s1  }
0x17: {  	s4 =	sadd.s32 s6, s4;
	s19 =	sadd.s32 s6, s9;
	s7 =	sadd.s32 s8, s15  }
0x18: {  	s21 =	sadd.s32 s21, s23;
	s8 =	sshll.u32 s12, $0x3;
	s9 =	sshrl.u32 s13, $0x1  }
0x19: {  	s13 =	sshrl.u32 s20, $0x1;
	[dreg:$0xc] =	wrdreg s4;
	s4 =	sshrl.u32 s17, $0x4  }
0x1a: {  	[dreg:$0xe] =	wrdreg s19;
	s17 =	sadd.s32 $0x1400, s1;
	s4 =	sadd.s32 s6, s4  }
0x1b: {  	s19 =	sadd.s32 $0x1AC00, s1;
	s1 =	sadd.s32 $0x2EC00, s1;
	[dreg:$0xd] =	wrdreg s4  }
0x1c: {  	s6 =	sor.u32 $0x1C07, s26;
	_ =	strace $0x80000047;
	[dreg:$0xf] =	wrdreg s1  }
0x1d: {  	s20 =	sshrl.u32 s25, $0x1;
	s4 =	sadd.s32 s24, s15;
	[dreg:$0x11] =	wrdreg s6  }
0x1e: {  	s10 =	sadd.s32 s8, s15;
	s12 =	sadd.s32 s9, s23;
	[dreg:$0x13] =	wrdreg s4  }
0x1f: {  	s13 =	sadd.s32 s13, s23;
	s8 =	simm.s32 $0x6600;
	[dreg:$0x15] =	wrdreg s10  }
0x20: {  	s9 =	simm.s32 $0x80;
	s1 =	sor.u32 s22, s3;
	[dreg:$0x1d] =	wrdreg s0  }
0x21: {  	s6 =	sshrl.u32 s11, $0x1;
	s11 =	sshll.u32 s14, $0x3;
	[dreg:$0x10] =	wrdreg s7  }
0x22: {  	s14 =	sshll.u32 s5, $0x3;
	s3 =	sadd.s32 s20, s23;
	[dreg:$0x12] =	wrdreg s21  }
0x23: {  	s10 =	simm.s32 $0x180;
	s0 =	simm.s32 $0x1;
	[dreg:$0x16] =	wrdreg s12  }
0x24: {  	s20 =	simm.s32 $0x0;
	[dreg:$0x17] =	wrdreg s13;
	s31 =	sadd.s32 s6, s23  }
0x25: {  	s1 =	smul.u32 $0x2900, s1;
	s29 =	sadd.s32 s11, s15;
	s14 =	sadd.s32 s14, s15  }
0x26: {  	[dreg:$0x1e] =	wrdreg s3;
	s15 =	simm.s32 $0x100;
	s3 =	simm.s32 $0x200  }
0x27: {  	s6 =	simm.s32 $0x1200;
	s23 =	simm.s32 $0x6;
	[dreg:$0x14] =	wrdreg s31  }
0x28: {  	s11 =	simm.s32 $0x5;
	[dreg:$0x18] =	wrdreg s14;
	s26 =	sor.u32 $0x80, s1  }
0x29: {  	v0 =	vlaneseq.u32;
	v1 =	vimm.f32 $0.0e+00;
	v2 =	vimm.bf16 $0.0e+00;
	s22 =	sshrl.u32 s1, $0x3;
	s1 =	sadd.s32 $0x100, s1;
	[dreg:$0x1b] =	wrdreg s26  }
0x2a: {  	v3 =	vimm.s32 $0x0;
	v4 =	vand.u32 $0x7, v0;
	v5 =	vor.u32 $0x8, v0;
	s24 =	sadd.s32 s16, s22;
	s25 =	sadd.s32 s17, s22;
	[dreg:$0x1c] =	wrdreg s1  }
0x2b: {  	v6 =	vor.u32 $0xFFFFFFC8, v0;
	v7 =	vor.u32 $0xFFFFFFD8, v0;
	v8 =	vshrl.u32 v0, $0x2;
	s26 =	simm.s32 $0xA00;
	s1 =	simm.s32 $0x4;
	[dreg:$0x19] =	wrdreg s24  }
0x2c: {  	v9 =	vor.u32 $0xFFFFFFE8, v0;
	v10 =	vor.u32 $0xFFFFFFF8, v0;
	v11 =	vor.u32 $0x4, v8;
	[dreg:$0x1a] =	wrdreg s25;
	s24 =	simm.s32 $0x3;
	s25 =	simm.s32 $0x2  }
.LBB2_1:
0x2d: {  	[dreg:$0x1f] =	wrdreg s20  }
0x2e: {  	s4 =	sshrl.u32 s7, $0x3;
	s22 =	smov.u32 s13;
	s13 =	rddreg [dreg:$0xf]  }
0x2f: {  	s20 =	simm.s32 $0x7;
	s7 =	smov.u32 s14;
	s14 =	rddreg [dreg:$0x11]  }
0x30: {  	[spmem:s4], [sflag:s14] =	dma.local [hbm:s13], $0x80  }
0x31: {  	_ =	swait.ge [sflag:s20], $0x80  }
0x32: {  	[sflag:s20] =	ssyncset.done $0x0  }
0x33: {  	[sflag:s20] =	ssyncadd.s32 $0xFFFFFF80  }
0x34: {  	s21 =	sshrl.u32 s21, $0x3;
	s4 =	rddreg [dreg:$0x1]  }
0x35: {  	[spmem:s21], [sflag:s14] =	dma.local [hbm:s4], $0x200  }
0x36: {  	_ =	swait.ge [sflag:s20], $0x200  }
0x37: {  	s5 =	smov.u32 s12;
	[sflag:s20] =	ssyncset.done $0x0;
	s12 =	rddreg [dreg:$0x13]  }
0x38: {  	[sflag:s20] =	ssyncadd.s32 $0xFFFFFE00;
	s21 =	sshrl.u32 s12, $0x3  }
0x39: {  	[spmem:s21], [sflag:s14] =	dma.local [hbm:s13], $0x80  }
0x3a: {  	_ =	swait.ge [sflag:s20], $0x80  }
0x3b: {  	[sflag:s20] =	ssyncset.done $0x0  }
0x3c: {  	s31 =	sshrl.u32 s31, $0x3;
	[sflag:s20] =	ssyncadd.s32 $0xFFFFFF80  }
0x3d: {  	[spmem:s31], [sflag:s14] =	dma.local [hbm:s4], $0x200  }
0x3e: {  	_ =	swait.ge [sflag:s20], $0x200  }
0x3f: {  	[sflag:s20] =	ssyncset.done $0x0;
	s21 =	rddreg [dreg:$0x15]  }
0x40: {  	[sflag:s20] =	ssyncadd.s32 $0xFFFFFE00;
	s31 =	sshrl.u32 s21, $0x3  }
0x41: {  	[spmem:s31], [sflag:s14] =	dma.local [hbm:s13], $0x80  }
0x42: {  	_ =	swait.ge [sflag:s20], $0x80  }
0x43: {  	[sflag:s20] =	ssyncset.done $0x0  }
0x44: {  	s21 =	sshrl.u32 s5, $0x3;
	[sflag:s20] =	ssyncadd.s32 $0xFFFFFF80  }
0x45: {  	[spmem:s21], [sflag:s14] =	dma.local [hbm:s4], $0x200  }
0x46: {  	_ =	swait.ge [sflag:s20], $0x200  }
0x47: {  	[sflag:s20] =	ssyncset.done $0x0  }
0x48: {  	s31 =	sshrl.u32 s29, $0x3;
	[sflag:s20] =	ssyncadd.s32 $0xFFFFFE00  }
0x49: {  	[spmem:s31], [sflag:s14] =	dma.local [hbm:s13], $0x80  }
0x4a: {  	_ =	swait.ge [sflag:s20], $0x80  }
0x4b: {  	[sflag:s20] =	ssyncset.done $0x0  }
0x4c: {  	s5 =	sshrl.u32 s22, $0x3;
	[sflag:s20] =	ssyncadd.s32 $0xFFFFFF80;
	s20 =	simm.s32 $0x7  }
0x4d: {  	[spmem:s5], [sflag:s14] =	dma.local [hbm:s4], $0x200  }
0x4e: {  	_ =	swait.ge [sflag:s20], $0x200  }
0x4f: {  	[sflag:s20] =	ssyncset.done $0x0  }
0x50: {  	s21 =	sshrl.u32 s7, $0x3;
	s22 =	rddreg [dreg:$0x1e];
	[sflag:s20] =	ssyncadd.s32 $0xFFFFFE00  }
0x51: {  	[spmem:s21], [sflag:s14] =	dma.local [hbm:s13], $0x80  }
0x52: {  	_ =	swait.ge [sflag:s20], $0x80  }
0x53: {  	[sflag:s20] =	ssyncset.done $0x0  }
0x54: {  	s31 =	sshrl.u32 s22, $0x3;
	[sflag:s20] =	ssyncadd.s32 $0xFFFFFF80  }
0x55: {  	[spmem:s31], [sflag:s14] =	dma.local [hbm:s4], $0x200  }
0x56: {  	_ =	swait.ge [sflag:s20], $0x200  }
0x57: {  	[sflag:s20] =	ssyncset.done $0x0  }
0x58: {  	s12 =	simm.s32 $0x0;
	s5 =	smov.u32 s29;
	[sflag:s20] =	ssyncadd.s32 $0xFFFFFE00  }
.LBB2_2:
0x59: {  	v12 =	vor.u32 s12, v0;
	p0 =	sne.s32 s12, $0x3F0  }
.Ltmp0:
0x5a: {  	_ = 	snop;
	(pc) =	sbr.rel @p0 .LBB2_2-.Ltmp0, $2  }
0x5b: {  	_ =	sdelay $0x2  }
0x5c: {  	s12 =	sadd.s32 $0x10, s12;
	[tilespmem:v12+s8+$0x0] =	vst.idx.msk $0xffff, v1  }
0x5d: {  	s12 =	simm.s32 $0x80;
	s13 =	simm.s32 $0x0  }
.LBB2_4:
0x5e: {  	p0 =	sne.s32 s12, $0x3F80;
	[tilespmem:s13+$0x7A00] =	vst v2;
	s14 =	smov.u32 s12;
	s12 =	sadd.s32 $0x80, s12  }
.Ltmp1:
0x5f: {  	[tilespmem:s13+$0x7A10] =	vst v2;
	(pc) =	sbr.rel @p0 .LBB2_4-.Ltmp1, $2  }
0x60: {  	_ =	sdelay $0x2  }
0x61: {  	s13 =	sshra.s32 s14, $0x2  }
0x62: {  	[tilespmem:s13+$0x7A00] =	vst v2  }
0x63: {  	[tilespmem:s13+$0x7A10] =	vst v2  }
0x64: {  	[tilespmem:$0x180] =	vst v3  }
0x65: {  	[tilespmem:$0x190] =	vst v3  }
0x66: {  	[tilespmem:$0x1A0] =	vst v3  }
0x67: {  	[tilespmem:$0x1B0] =	vst v3  }
0x68: {  	[tilespmem:$0x1C0] =	vst v3  }
0x69: {  	[tilespmem:$0x1D0] =	vst v3  }
0x6a: {  	[tilespmem:$0x1E0] =	vst v3  }
0x6b: {  	[tilespmem:$0x1F0] =	vst v3  }
0x6c: {  	[bflag:$0x0] =	sbarrier.arrive $0xFFFF  }
0x6d: {  	s4 =	rddreg [dreg:$0x2]  }
0x6e: {  	[spmem:s4] =	stream.indirect.scatter.add.f32 [tilespmem:s8], [sflag:$0x6], $0x8, s10, s9, $0xb8;
	[tilespmem:$0xEE00] =	vst v63  }
0x6f: {  	s12 =	simm.s32 $0x7A00;
	s21 =	rddreg [dreg:$0x3]  }
0x70: {  	[spmem:s21] =	stream.indirect.scatter.add.bf16 [tilespmem:s12], [sflag:$0x6], $0x20, s10, s9, $0xb8;
	[tilespmem:$0xEE00] =	vst v63  }
0x71: {  	s20 =	simm.s32 $0x0;
	s22 =	rddreg [dreg:$0x19]  }
0x72: {  	[tilespmem:s20], [sflag:$0x1] =	stream.linear.gather [hbm4b:s22+s20], $0x80, $0x38;
	[tilespmem:$0xEE00] =	vst v63  }
0x73: {  	s29 =	rddreg [dreg:$0x1a]  }
0x74: {  	[tilespmem:s15], [sflag:$0x1] =	stream.linear.gather [hbm4b:s29+s20], $0x80, $0x38;
	[tilespmem:$0xEE00] =	vst v63  }
0x75: {  	_ =	swait.ge [sflag:s0], $0x80  }
0x76: {  	[sflag:s0] =	ssyncset.done $0x0  }
0x77: {  	[sflag:s0] =	ssyncadd.s32 $0xFFFFFF80  }
0x78: {  	_ =	swait.ge [sflag:s0], $0x80  }
0x79: {  	[sflag:s0] =	ssyncset.done $0x0  }
0x7a: {  	[sflag:s0] =	ssyncadd.s32 $0xFFFFFF80  }
0x7b: {  	[tilespmem:s3], [sflag:$0x3] =	stream.indirect.gather [hbm4b:s18+s9], $0x10, s20, s9, $0xb8;
	[tilespmem:$0xEE00] =	vst v63  }
0x7c: {  	_ = 	snop  }
0x7d: {  	[tilespmem:s6], [sflag:$0x3] =	stream.indirect.gather [hbm4b:s18+s9], $0x10, s15, s9, $0xb8;
	[tilespmem:$0xEE00] =	vst v63  }
0x7e: {  	s31 =	simm.s32 $0x2200  }
0x7f: {  	[tilespmem:s31], [sflag:$0x3] =	stream.indirect.gather [hbm4b:s19+s9], $0x40, s20, s9, $0xb8;
	[tilespmem:$0xEE00] =	vst v63  }
.LBB2_6:
0x80: {  	_ =	swait.ge [sflag:s23], $0x400  }
0x81: {  	[sflag:s23] =	ssyncset.done $0x0  }
0x82: {  	[sflag:s23] =	ssyncadd.s32 $0xFFFFFC00  }
0x83: {  	_ =	swait.ge [sflag:s23], $0x1000  }
0x84: {  	s12 =	sshll.u32 s20, $0x8;
	s4 =	rddreg [dreg:$0x1b]  }
0x85: {  	s12 =	sadd.s32 s12, s4  }
0x86: {  	[sflag:s23] =	ssyncset.done $0x0;
	s12 =	sshrl.u32 s12, $0x3  }
0x87: {  	[sflag:s23] =	ssyncadd.s32 $0xFFFFF000;
	s13 =	sadd.s32 s16, s12  }
0x88: {  	[tilespmem:s9], [sflag:$0x2] =	stream.linear.gather [hbm4b:s13+s2], $0x80, $0x38;
	[tilespmem:$0xEE00] =	vst v63  }
0x89: {  	s12 =	sadd.s32 s17, s12  }
0x8a: {  	[tilespmem:s10], [sflag:$0x2] =	stream.linear.gather [hbm4b:s12+s2], $0x80, $0x38;
	[tilespmem:$0xEE00] =	vst v63  }
0x8b: {  	_ =	swait.ge [sflag:s24], $0x800  }
0x8c: {  	[sflag:s24] =	ssyncset.done $0x0  }
0x8d: {  	[sflag:s24] =	ssyncadd.s32 $0xFFFFF800  }
0x8e: {  	_ =	swait.ge [sflag:s24], $0x800  }
0x8f: {  	[sflag:s24] =	ssyncset.done $0x0  }
0x90: {  	[sflag:s24] =	ssyncadd.s32 $0xFFFFF800  }
0x91: {  	_ =	swait.ge [sflag:s24], $0x2000  }
0x92: {  	[sflag:s24] =	ssyncset.done $0x0  }
0x93: {  	[sflag:s24] =	ssyncadd.s32 $0xFFFFE000  }
0x94: {  	_ =	swait.ge [sflag:s25], $0x80  }
0x95: {  	[sflag:s25] =	ssyncset.done $0x0  }
0x96: {  	s7 =	simm.s32 $0x0;
	[sflag:s25] =	ssyncadd.s32 $0xFFFFFF80  }
0x97: {  	v12 =	vor.u32 s7, v0;
	_ =	swait.ge [sflag:s25], $0x80  }
0x98: {  	v13 =	vshll.u32 v12, $0x1;
	[sflag:s25] =	ssyncset.done $0x0  }
0x99: {  	v13 =	vand.u32 $0x790, v13;
	[sflag:s25] =	ssyncadd.s32 $0xFFFFFF80  }
0x9a: {  	v14 =	vor.u32 v4, v13;
	[tilespmem:s26], [sflag:$0x4] =	stream.indirect.gather [hbm4b:s18+s9], $0x10, s9, s9, $0xb8;
	[tilespmem:$0xEE00] =	vst v63  }
0x9b: {  	v13 =	vor.u32 v5, v13  }
0x9c: {  	[tilespmem:s28], [sflag:$0x4] =	stream.indirect.gather [hbm4b:s18+s9], $0x10, s10, s9, $0xb8;
	[tilespmem:$0xEE00] =	vst v63  }
0x9d: {  	s13 =	simm.s32 $0x4200  }
0x9e: {  	[tilespmem:s13], [sflag:$0x4] =	stream.indirect.gather [hbm4b:s19+s9], $0x40, s9, s9, $0xb8;
	[tilespmem:$0xEE00] =	vst v63  }
0x9f: {  	v14 =	vld.idx.msk [tilespmem:v14+s3+$0x0], $0xffff  }
0xa0: {  	v13 =	vld.idx.msk [tilespmem:v13+s6+$0x0], $0xffff;
	_ =	sdelay $0x4  }
0xa1: {  	v13 =	vadd.f32 v13, v14;
	_ =	sdelay $0x1  }
0xa2: {  	v14 =	vmul.f32 $2.000000030e-01, v13  }
0xa3: {  	vm0 =	vgt.f32 v13, $0.0e+00  }
0xa4: {  	v13 =	vsel vm0, v13, v14  }
0xa5: {  	v13 =	vmul.f32 $1.442695020e+00, v13;
	_ =	sdelay $0x1  }
0xa6: {  	(erf) = vpow2.f32 v13;
	_ =	sdelay $0x1  }
0xa7: {  	s14 =	simm.s32 $0x10  }
0xa8: {  	v13 =	vor.u32 s14, v0  }
0xa9: {  	v14 =	vshll.u32 v13, $0x1  }
0xaa: {  	v12 =	vand.u32 v6, v12;
	v14 =	vand.u32 $0x7FFFFFF0, v14  }
0xab: {  	v15 =	vor.u32 v4, v14  }
0xac: {  	v14 =	vor.u32 v5, v14;
	_ =	sdelay $0x1  }
0xad: {  	v16 =	vpop (erf)  }
0xae: {  	[tilespmem:v12+s30+$0x0] =	vst.idx.msk $0xffff, v16  }
0xaf: {  	v12 =	vld.idx.msk [tilespmem:v15+s3+$0x0], $0xffff  }
0xb0: {  	v14 =	vld.idx.msk [tilespmem:v14+s6+$0x0], $0xffff;
	_ =	sdelay $0x4  }
0xb1: {  	v12 =	vadd.f32 v14, v12;
	_ =	sdelay $0x1  }
0xb2: {  	v14 =	vmul.f32 $2.000000030e-01, v12  }
0xb3: {  	vm13 =	vgt.f32 v12, $0.0e+00  }
0xb4: {  	v12 =	vsel vm13, v12, v14  }
0xb5: {  	v12 =	vmul.f32 $1.442695020e+00, v12;
	_ =	sdelay $0x1  }
0xb6: {  	(erf) = vpow2.f32 v12;
	_ =	sdelay $0x1  }
0xb7: {  	s21 =	simm.s32 $0x20  }
0xb8: {  	v12 =	vor.u32 s21, v0  }
0xb9: {  	v14 =	vshll.u32 v12, $0x1  }
0xba: {  	v13 =	vand.u32 v7, v13;
	v14 =	vand.u32 $0x7FFFFFF0, v14  }
0xbb: {  	v15 =	vor.u32 v4, v14  }
0xbc: {  	v14 =	vor.u32 v5, v14;
	_ =	sdelay $0x1  }
0xbd: {  	v62 =	vpop (erf)  }
0xbe: {  	[tilespmem:v13+s30+$0x0] =	vst.idx.msk $0xffff, v62  }
0xbf: {  	v13 =	vld.idx.msk [tilespmem:v15+s3+$0x0], $0xffff  }
0xc0: {  	v14 =	vld.idx.msk [tilespmem:v14+s6+$0x0], $0xffff;
	_ =	sdelay $0x4  }
0xc1: {  	v13 =	vadd.f32 v14, v13;
	_ =	sdelay $0x1  }
0xc2: {  	v14 =	vmul.f32 $2.000000030e-01, v13  }
0xc3: {  	vm14 =	vgt.f32 v13, $0.0e+00  }
0xc4: {  	v13 =	vsel vm14, v13, v14  }
0xc5: {  	v13 =	vmul.f32 $1.442695020e+00, v13;
	_ =	sdelay $0x1  }
0xc6: {  	(erf) = vpow2.f32 v13;
	_ =	sdelay $0x1  }
0xc7: {  	s22 =	simm.s32 $0x30  }
0xc8: {  	v13 =	vor.u32 s22, v0  }
0xc9: {  	v14 =	vshll.u32 v13, $0x1  }
0xca: {  	v12 =	vand.u32 v9, v12;
	v14 =	vand.u32 $0x7FFFFFF0, v14  }
0xcb: {  	v15 =	vor.u32 v4, v14  }
0xcc: {  	v14 =	vor.u32 v5, v14;
	_ =	sdelay $0x1  }
0xcd: {  	v63 =	vpop (erf)  }
0xce: {  	[tilespmem:v12+s30+$0x0] =	vst.idx.msk $0xffff, v63  }
0xcf: {  	v12 =	vld.idx.msk [tilespmem:v15+s3+$0x0], $0xffff  }
0xd0: {  	v14 =	vld.idx.msk [tilespmem:v14+s6+$0x0], $0xffff;
	_ =	sdelay $0x4  }
0xd1: {  	v12 =	vadd.f32 v14, v12;
	_ =	sdelay $0x1  }
0xd2: {  	v14 =	vmul.f32 $2.000000030e-01, v12  }
0xd3: {  	vm15 =	vgt.f32 v12, $0.0e+00  }
0xd4: {  	v12 =	vsel vm15, v12, v14  }
0xd5: {  	v14 =	vmul.f32 $1.442695020e+00, v12;
	_ =	sdelay $0x1  }
0xd6: {  	(erf) = vpow2.f32 v14;
	_ =	sdelay $0x1  }
0xd7: {  	s31 =	simm.s32 $0x40  }
0xd8: {  	v12 =	vor.u32 s31, v0  }
0xd9: {  	v15 =	vshll.u32 v12, $0x1  }
0xda: {  	s29 =	simm.s32 $0x70;
	s14 =	simm.s32 $0x4;
	v13 =	vand.u32 v10, v13;
	v14 =	vand.u32 $0x790, v15  }
.LBB2_7:
0xdb: {  	s14 =	sadd.s32 $0x4, s14;
	v15 =	vor.u32 v4, v14;
	v14 =	vor.u32 v5, v14;
	s22 =	simm.s32 $0x6A40  }
0xdc: {  	p0 =	slt.u32 s14, $0x3C;
	_ =	sdelay $0x1  }
0xdd: {  	v16 =	vpop (erf)  }
0xde: {  	[tilespmem:v13+s30+$0x0] =	vst.idx.msk $0xffff, v16  }
0xdf: {  	v13 =	vld.idx.msk [tilespmem:v15+s3+$0x0], $0xffff  }
0xe0: {  	v14 =	vld.idx.msk [tilespmem:v14+s6+$0x0], $0xffff;
	_ =	sdelay $0x5  }
0xe1: {  	v13 =	vadd.f32 v14, v13;
	_ =	sdelay $0x1  }
0xe2: {  	vm0 =	vgt.f32 v13, $0.0e+00;
	v14 =	vmul.f32 $2.000000030e-01, v13;
	_ =	sdelay $0x1  }
0xe3: {  	v13 =	vsel vm0, v13, v14  }
0xe4: {  	v13 =	vmul.f32 $1.442695020e+00, v13;
	_ =	sdelay $0x1  }
0xe5: {  	(erf) = vpow2.f32 v13;
	_ =	sdelay $0x1  }
0xe6: {  	s12 =	sadd.s32 $0xFFFFFFE0, s29  }
0xe7: {  	v13 =	vor.u32 s12, v0  }
0xe8: {  	v12 =	vand.u32 v6, v12;
	v14 =	vshll.u32 v13, $0x1  }
0xe9: {  	v14 =	vand.u32 $0x7FFFFFF0, v14  }
0xea: {  	v15 =	vor.u32 v4, v14;
	v14 =	vor.u32 v5, v14;
	_ =	sdelay $0x2  }
0xeb: {  	v16 =	vpop (erf)  }
0xec: {  	[tilespmem:v12+s30+$0x0] =	vst.idx.msk $0xffff, v16  }
0xed: {  	v12 =	vld.idx.msk [tilespmem:v15+s3+$0x0], $0xffff  }
0xee: {  	v14 =	vld.idx.msk [tilespmem:v14+s6+$0x0], $0xffff;
	_ =	sdelay $0x5  }
0xef: {  	v12 =	vadd.f32 v14, v12;
	_ =	sdelay $0x1  }
0xf0: {  	vm0 =	vgt.f32 v12, $0.0e+00;
	v14 =	vmul.f32 $2.000000030e-01, v12;
	_ =	sdelay $0x1  }
0xf1: {  	v12 =	vsel vm0, v12, v14  }
0xf2: {  	v12 =	vmul.f32 $1.442695020e+00, v12;
	_ =	sdelay $0x1  }
0xf3: {  	(erf) = vpow2.f32 v12;
	_ =	sdelay $0x1  }
0xf4: {  	s12 =	sadd.s32 $0xFFFFFFF0, s29  }
0xf5: {  	v12 =	vand.u32 v7, v13;
	v13 =	vor.u32 s12, v0  }
0xf6: {  	v14 =	vshll.u32 v13, $0x1  }
0xf7: {  	v14 =	vand.u32 $0x7FFFFFF0, v14  }
0xf8: {  	v15 =	vor.u32 v4, v14;
	v14 =	vor.u32 v5, v14;
	_ =	sdelay $0x2  }
0xf9: {  	v16 =	vpop (erf)  }
0xfa: {  	[tilespmem:v12+s30+$0x0] =	vst.idx.msk $0xffff, v16  }
0xfb: {  	v12 =	vld.idx.msk [tilespmem:v15+s3+$0x0], $0xffff  }
0xfc: {  	v14 =	vld.idx.msk [tilespmem:v14+s6+$0x0], $0xffff;
	_ =	sdelay $0x5  }
0xfd: {  	v12 =	vadd.f32 v14, v12;
	_ =	sdelay $0x1  }
0xfe: {  	vm0 =	vgt.f32 v12, $0.0e+00;
	v14 =	vmul.f32 $2.000000030e-01, v12;
	_ =	sdelay $0x1  }
0xff: {  	v12 =	vsel vm0, v12, v14  }
0x100: {  	v12 =	vmul.f32 $1.442695020e+00, v12;
	_ =	sdelay $0x1  }
0x101: {  	(erf) = vpow2.f32 v12;
	_ =	sdelay $0x1  }
0x102: {  	v12 =	vand.u32 v9, v13  }
0x103: {  	v13 =	vor.u32 s29, v0  }
0x104: {  	v14 =	vshll.u32 v13, $0x1  }
0x105: {  	v14 =	vand.u32 $0x7FFFFFF0, v14  }
0x106: {  	v15 =	vor.u32 v4, v14;
	v14 =	vor.u32 v5, v14;
	_ =	sdelay $0x2  }
0x107: {  	v16 =	vpop (erf)  }
0x108: {  	[tilespmem:v12+s30+$0x0] =	vst.idx.msk $0xffff, v16  }
0x109: {  	v12 =	vld.idx.msk [tilespmem:v15+s3+$0x0], $0xffff  }
0x10a: {  	v14 =	vld.idx.msk [tilespmem:v14+s6+$0x0], $0xffff;
	_ =	sdelay $0x5  }
0x10b: {  	v12 =	vadd.f32 v14, v12;
	_ =	sdelay $0x1  }
0x10c: {  	vm0 =	vgt.f32 v12, $0.0e+00;
	v14 =	vmul.f32 $2.000000030e-01, v12;
	_ =	sdelay $0x1  }
0x10d: {  	v12 =	vsel vm0, v12, v14  }
0x10e: {  	v12 =	vmul.f32 $1.442695020e+00, v12;
	_ =	sdelay $0x1  }
0x10f: {  	(erf) = vpow2.f32 v12  }
.Ltmp2:
0x110: {  	s29 =	sadd.s32 $0x40, s29;
	v13 =	vand.u32 v10, v13;
	(pc) =	sbr.rel @p0 .LBB2_7-.Ltmp2, $4  }
0x111: {  	s12 =	sadd.s32 $0xFFFFFFD0, s29  }
0x112: {  	v12 =	vor.u32 s12, v0  }
0x113: {  	v14 =	vshll.u32 v12, $0x1  }
0x114: {  	v14 =	vand.u32 $0x790, v14  }
0x115: {  	v15 =	vor.u32 v4, v14  }
0x116: {  	v14 =	vor.u32 v5, v14;
	_ =	sdelay $0x1  }
0x117: {  	v16 =	vpop (erf)  }
0x118: {  	[tilespmem:v13+s30+$0x0] =	vst.idx.msk $0xffff, v16  }
0x119: {  	v13 =	vld.idx.msk [tilespmem:v15+s3+$0x0], $0xffff  }
0x11a: {  	v14 =	vld.idx.msk [tilespmem:v14+s6+$0x0], $0xffff;
	_ =	sdelay $0x4  }
0x11b: {  	v13 =	vadd.f32 v14, v13;
	_ =	sdelay $0x1  }
0x11c: {  	v14 =	vmul.f32 $2.000000030e-01, v13  }
0x11d: {  	vm0 =	vgt.f32 v13, $0.0e+00  }
0x11e: {  	v13 =	vsel vm0, v13, v14  }
0x11f: {  	v13 =	vmul.f32 $1.442695020e+00, v13;
	_ =	sdelay $0x1  }
0x120: {  	(erf) = vpow2.f32 v13;
	_ =	sdelay $0x1  }
0x121: {  	s12 =	sadd.s32 $0xFFFFFFE0, s29  }
0x122: {  	v13 =	vor.u32 s12, v0  }
0x123: {  	v14 =	vshll.u32 v13, $0x1  }
0x124: {  	v12 =	vand.u32 v6, v12;
	v14 =	vand.u32 $0x7FFFFFF0, v14  }
0x125: {  	v15 =	vor.u32 v4, v14  }
0x126: {  	v14 =	vor.u32 v5, v14;
	_ =	sdelay $0x1  }
0x127: {  	v61 =	vpop (erf)  }
0x128: {  	[tilespmem:v12+s30+$0x0] =	vst.idx.msk $0xffff, v61  }
0x129: {  	v12 =	vld.idx.msk [tilespmem:v15+s3+$0x0], $0xffff  }
0x12a: {  	v14 =	vld.idx.msk [tilespmem:v14+s6+$0x0], $0xffff;
	_ =	sdelay $0x4  }
0x12b: {  	v12 =	vadd.f32 v14, v12;
	_ =	sdelay $0x1  }
0x12c: {  	v14 =	vmul.f32 $2.000000030e-01, v12  }
0x12d: {  	vm13 =	vgt.f32 v12, $0.0e+00  }
0x12e: {  	v12 =	vsel vm13, v12, v14  }
0x12f: {  	v12 =	vmul.f32 $1.442695020e+00, v12;
	_ =	sdelay $0x1  }
0x130: {  	(erf) = vpow2.f32 v12;
	_ =	sdelay $0x1  }
0x131: {  	s7 =	sadd.s32 $0xFFFFFFF0, s29  }
0x132: {  	v12 =	vor.u32 s7, v0  }
0x133: {  	v14 =	vshll.u32 v12, $0x1  }
0x134: {  	v13 =	vand.u32 v7, v13;
	v14 =	vand.u32 $0x7FFFFFF0, v14  }
0x135: {  	v15 =	vor.u32 v4, v14  }
0x136: {  	v14 =	vor.u32 v5, v14;
	_ =	sdelay $0x1  }
0x137: {  	v62 =	vpop (erf)  }
0x138: {  	[tilespmem:v13+s30+$0x0] =	vst.idx.msk $0xffff, v62  }
0x139: {  	v13 =	vld.idx.msk [tilespmem:v15+s3+$0x0], $0xffff  }
0x13a: {  	v14 =	vld.idx.msk [tilespmem:v14+s6+$0x0], $0xffff;
	_ =	sdelay $0x4  }
0x13b: {  	v13 =	vadd.f32 v14, v13;
	_ =	sdelay $0x1  }
0x13c: {  	v14 =	vmul.f32 $2.000000030e-01, v13  }
0x13d: {  	vm14 =	vgt.f32 v13, $0.0e+00  }
0x13e: {  	v13 =	vsel vm14, v13, v14  }
0x13f: {  	v13 =	vmul.f32 $1.442695020e+00, v13;
	_ =	sdelay $0x1  }
0x140: {  	(erf) = vpow2.f32 v13;
	_ =	sdelay $0x2  }
0x141: {  	v13 =	vor.u32 s29, v0  }
0x142: {  	v14 =	vshll.u32 v13, $0x1  }
0x143: {  	v12 =	vand.u32 v9, v12;
	v14 =	vand.u32 $0x7FFFFFF0, v14  }
0x144: {  	v15 =	vor.u32 v4, v14  }
0x145: {  	v14 =	vor.u32 v5, v14;
	_ =	sdelay $0x1  }
0x146: {  	v63 =	vpop (erf)  }
0x147: {  	[tilespmem:v12+s30+$0x0] =	vst.idx.msk $0xffff, v63  }
0x148: {  	v12 =	vld.idx.msk [tilespmem:v15+s3+$0x0], $0xffff  }
0x149: {  	v14 =	vld.idx.msk [tilespmem:v14+s6+$0x0], $0xffff;
	_ =	sdelay $0x4  }
0x14a: {  	v12 =	vadd.f32 v14, v12;
	_ =	sdelay $0x1  }
0x14b: {  	v14 =	vmul.f32 $2.000000030e-01, v12  }
0x14c: {  	vm15 =	vgt.f32 v12, $0.0e+00  }
0x14d: {  	v12 =	vsel vm15, v12, v14  }
0x14e: {  	v12 =	vmul.f32 $1.442695020e+00, v12;
	_ =	sdelay $0x1  }
0x14f: {  	(erf) = vpow2.f32 v12;
	_ =	sdelay $0x4  }
0x150: {  	v12 =	vand.u32 v10, v13  }
0x151: {  	s13 =	simm.s32 $0x0  }
0x152: {  	v13 =	vor.u32 s13, v8;
	_ =	sdelay $0x1  }
0x153: {  	v14 =	vpop (erf)  }
0x154: {  	s29 =	simm.s32 $0x2280;
	[tilespmem:v12+s30+$0x0] =	vst.idx.msk $0xffff, v14  }
0x155: {  	v12 =	vld [tilespmem:s29+$0xFFFFFFA0]  }
0x156: {  	v13 =	vld.idx.msk [tilespmem:v13+s30+$0x0], $0xffff  }
0x157: {  	v14 =	vld [tilespmem:s29+$0xFFFFFF80];
	_ =	sdelay $0x4  }
0x158: {  	v14 =	vmul.f32 v14, v13;
	v12 =	vmul.f32 v12, v13;
	_ =	sdelay $0x1  }
0x159: {  	v13 =	vor.u32 s13, v11;
	v14 =	vadd.s32 $0x8000, v14;
	v12 =	vadd.s32 $0x8000, v12  }
0x15a: {  	v14 =	vshrl.u32 v14, $0x10;
	v12 =	vand.u32 $0xFFFF0000, v12  }
0x15b: {  	v12 =	vor.u32 v14, v12  }
0x15c: {  	[tilespmem:s22+$0xFFFFFFC0] =	vst v12  }
0x15d: {  	v12 =	vld [tilespmem:s29+$0xFFFFFF90]  }
0x15e: {  	v13 =	vld.idx.msk [tilespmem:v13+s30+$0x0], $0xffff  }
0x15f: {  	v14 =	vld [tilespmem:s29+$0xFFFFFFB0];
	_ =	sdelay $0x4  }
0x160: {  	s14 =	simm.s32 $0x8;
	v12 =	vmul.f32 v12, v13;
	v13 =	vmul.f32 v14, v13  }
0x161: {  	v14 =	vor.u32 s14, v8  }
0x162: {  	v12 =	vadd.s32 $0x8000, v12;
	v13 =	vadd.s32 $0x8000, v13  }
0x163: {  	v12 =	vshrl.u32 v12, $0x10;
	v13 =	vand.u32 $0xFFFF0000, v13  }
0x164: {  	v12 =	vor.u32 v12, v13  }
0x165: {  	[tilespmem:s22+$0xFFFFFFD0] =	vst v12  }
0x166: {  	v12 =	vld.idx.msk [tilespmem:v14+s30+$0x0], $0xffff  }
0x167: {  	v13 =	vld [tilespmem:s29+$0xFFFFFFC0]  }
0x168: {  	v14 =	vld [tilespmem:s29+$0xFFFFFFE0];
	_ =	sdelay $0x4  }
0x169: {  	v13 =	vmul.f32 v13, v12;
	v12 =	vmul.f32 v14, v12  }
0x16a: {  	v14 =	vor.u32 s14, v11  }
0x16b: {  	v13 =	vadd.s32 $0x8000, v13;
	v12 =	vadd.s32 $0x8000, v12  }
0x16c: {  	v13 =	vshrl.u32 v13, $0x10;
	v12 =	vand.u32 $0xFFFF0000, v12  }
0x16d: {  	v12 =	vor.u32 v13, v12  }
0x16e: {  	[tilespmem:s22+$0xFFFFFFE0] =	vst v12  }
0x16f: {  	v12 =	vld.idx.msk [tilespmem:v14+s30+$0x0], $0xffff  }
0x170: {  	v13 =	vld [tilespmem:s29+$0xFFFFFFD0]  }
0x171: {  	v14 =	vld [tilespmem:s29+$0xFFFFFFF0];
	_ =	sdelay $0x4  }
0x172: {  	s21 =	simm.s32 $0x10;
	v13 =	vmul.f32 v13, v12;
	v12 =	vmul.f32 v14, v12  }
0x173: {  	v14 =	vor.u32 s21, v8  }
0x174: {  	v13 =	vadd.s32 $0x8000, v13;
	v12 =	vadd.s32 $0x8000, v12  }
0x175: {  	v13 =	vshrl.u32 v13, $0x10;
	v12 =	vand.u32 $0xFFFF0000, v12  }
0x176: {  	v12 =	vor.u32 v13, v12  }
0x177: {  	[tilespmem:s22+$0xFFFFFFF0] =	vst v12  }
0x178: {  	v12 =	vld.idx.msk [tilespmem:v14+s30+$0x0], $0xffff  }
0x179: {  	v13 =	vld [tilespmem:s29+$0x0]  }
0x17a: {  	v14 =	vld [tilespmem:s29+$0x20];
	_ =	sdelay $0x4  }
0x17b: {  	v13 =	vmul.f32 v13, v12;
	v12 =	vmul.f32 v14, v12  }
0x17c: {  	v14 =	vor.u32 s21, v11  }
0x17d: {  	v13 =	vadd.s32 $0x8000, v13;
	v12 =	vadd.s32 $0x8000, v12  }
0x17e: {  	v13 =	vshrl.u32 v13, $0x10;
	v12 =	vand.u32 $0xFFFF0000, v12  }
0x17f: {  	v12 =	vor.u32 v13, v12  }
0x180: {  	[tilespmem:s22+$0x0] =	vst v12  }
0x181: {  	v12 =	vld.idx.msk [tilespmem:v14+s30+$0x0], $0xffff  }
0x182: {  	v13 =	vld [tilespmem:s29+$0x10]  }
0x183: {  	v14 =	vld [tilespmem:s29+$0x30];
	_ =	sdelay $0x4  }
0x184: {  	s31 =	simm.s32 $0x18;
	v13 =	vmul.f32 v13, v12;
	v12 =	vmul.f32 v14, v12  }
0x185: {  	v14 =	vor.u32 s31, v8  }
0x186: {  	v13 =	vadd.s32 $0x8000, v13;
	v12 =	vadd.s32 $0x8000, v12  }
0x187: {  	v13 =	vshrl.u32 v13, $0x10;
	v12 =	vand.u32 $0xFFFF0000, v12  }
0x188: {  	v12 =	vor.u32 v13, v12  }
0x189: {  	[tilespmem:s22+$0x10] =	vst v12  }
0x18a: {  	v12 =	vld.idx.msk [tilespmem:v14+s30+$0x0], $0xffff  }
0x18b: {  	v13 =	vld [tilespmem:s29+$0x40]  }
0x18c: {  	v14 =	vld [tilespmem:s29+$0x60];
	_ =	sdelay $0x4  }
0x18d: {  	v13 =	vmul.f32 v13, v12;
	v12 =	vmul.f32 v14, v12  }
0x18e: {  	v14 =	vor.u32 s31, v11  }
0x18f: {  	v13 =	vadd.s32 $0x8000, v13;
	v12 =	vadd.s32 $0x8000, v12  }
0x190: {  	v13 =	vshrl.u32 v13, $0x10;
	v12 =	vand.u32 $0xFFFF0000, v12  }
0x191: {  	v12 =	vor.u32 v13, v12  }
0x192: {  	[tilespmem:s22+$0x20] =	vst v12  }
0x193: {  	v12 =	vld.idx.msk [tilespmem:v14+s30+$0x0], $0xffff  }
0x194: {  	v14 =	vld [tilespmem:s29+$0x50]  }
0x195: {  	s14 =	simm.s32 $0x6A40;
	s21 =	simm.s32 $0x4;
	v13 =	vld [tilespmem:s29+$0x70]  }
.LBB2_9:
0x196: {  	_ =	sdelay $0x1  }
0x197: {  	p0 =	slt.u32 s21, $0x7C;
	s22 =	sadd.s32 $0x80, s22;
	s29 =	sadd.s32 $0x100, s29  }
0x198: {  	s12 =	smov.u32 s21;
	s21 =	sadd.s32 $0x4, s21;
	v14 =	vmul.f32 v14, v12  }
0x199: {  	v12 =	vmul.f32 v13, v12  }
0x19a: {  	s4 =	sshll.u32 s12, $0x3;
	v13 =	vadd.s32 $0x8000, v14  }
0x19b: {  	s13 =	sadd.s32 $0x8, s4;
	s12 =	sadd.s32 $0x10, s4;
	s31 =	sadd.s32 $0x18, s4;
	v14 =	vor.u32 s4, v8;
	v12 =	vadd.s32 $0x8000, v12  }
0x19c: {  	v13 =	vshrl.u32 v13, $0x10;
	v12 =	vand.u32 $0xFFFF0000, v12  }
0x19d: {  	v12 =	vor.u32 v13, v12  }
0x19e: {  	[tilespmem:s14+$0x30] =	vst v12;
	s14 =	smov.u32 s22  }
0x19f: {  	v12 =	vld [tilespmem:s29+$0xFFFFFFA0]  }
0x1a0: {  	v13 =	vld.idx.msk [tilespmem:v14+s30+$0x0], $0xffff  }
0x1a1: {  	v14 =	vld [tilespmem:s29+$0xFFFFFF80];
	_ =	sdelay $0x4  }
0x1a2: {  	v12 =	vmul.f32 v12, v13;
	v14 =	vmul.f32 v14, v13  }
0x1a3: {  	v13 =	vor.u32 s4, v11  }
0x1a4: {  	v12 =	vadd.s32 $0x8000, v12;
	v14 =	vadd.s32 $0x8000, v14  }
0x1a5: {  	v12 =	vand.u32 $0xFFFF0000, v12;
	v14 =	vshrl.u32 v14, $0x10  }
0x1a6: {  	v12 =	vor.u32 v14, v12  }
0x1a7: {  	[tilespmem:s22+$0xFFFFFFC0] =	vst v12  }
0x1a8: {  	v12 =	vld [tilespmem:s29+$0xFFFFFF90]  }
0x1a9: {  	v13 =	vld.idx.msk [tilespmem:v13+s30+$0x0], $0xffff  }
0x1aa: {  	v14 =	vld [tilespmem:s29+$0xFFFFFFB0];
	_ =	sdelay $0x4  }
0x1ab: {  	v12 =	vmul.f32 v12, v13;
	v13 =	vmul.f32 v14, v13  }
0x1ac: {  	v14 =	vor.u32 s13, v8  }
0x1ad: {  	v12 =	vadd.s32 $0x8000, v12;
	v13 =	vadd.s32 $0x8000, v13  }
0x1ae: {  	v12 =	vshrl.u32 v12, $0x10;
	v13 =	vand.u32 $0xFFFF0000, v13  }
0x1af: {  	v12 =	vor.u32 v12, v13  }
0x1b0: {  	[tilespmem:s22+$0xFFFFFFD0] =	vst v12  }
0x1b1: {  	v12 =	vld.idx.msk [tilespmem:v14+s30+$0x0], $0xffff  }
0x1b2: {  	v13 =	vld [tilespmem:s29+$0xFFFFFFC0]  }
0x1b3: {  	v14 =	vld [tilespmem:s29+$0xFFFFFFE0];
	_ =	sdelay $0x3  }
0x1b4: {  	v13 =	vmul.f32 v13, v12  }
0x1b5: {  	v12 =	vmul.f32 v14, v12  }
0x1b6: {  	v14 =	vor.u32 s13, v11;
	v13 =	vadd.s32 $0x8000, v13  }
0x1b7: {  	v12 =	vadd.s32 $0x8000, v12  }
0x1b8: {  	v13 =	vshrl.u32 v13, $0x10;
	v12 =	vand.u32 $0xFFFF0000, v12  }
0x1b9: {  	v12 =	vor.u32 v13, v12  }
0x1ba: {  	[tilespmem:s22+$0xFFFFFFE0] =	vst v12  }
0x1bb: {  	v12 =	vld.idx.msk [tilespmem:v14+s30+$0x0], $0xffff  }
0x1bc: {  	v13 =	vld [tilespmem:s29+$0xFFFFFFD0]  }
0x1bd: {  	v14 =	vld [tilespmem:s29+$0xFFFFFFF0];
	_ =	sdelay $0x3  }
0x1be: {  	v13 =	vmul.f32 v13, v12  }
0x1bf: {  	v12 =	vmul.f32 v14, v12  }
0x1c0: {  	v14 =	vor.u32 s12, v8;
	v13 =	vadd.s32 $0x8000, v13  }
0x1c1: {  	v12 =	vadd.s32 $0x8000, v12  }
0x1c2: {  	v13 =	vshrl.u32 v13, $0x10;
	v12 =	vand.u32 $0xFFFF0000, v12  }
0x1c3: {  	v12 =	vor.u32 v13, v12  }
0x1c4: {  	[tilespmem:s22+$0xFFFFFFF0] =	vst v12  }
0x1c5: {  	v12 =	vld.idx.msk [tilespmem:v14+s30+$0x0], $0xffff  }
0x1c6: {  	v13 =	vld [tilespmem:s29+$0x0]  }
0x1c7: {  	v14 =	vld [tilespmem:s29+$0x20];
	_ =	sdelay $0x3  }
0x1c8: {  	v13 =	vmul.f32 v13, v12  }
0x1c9: {  	v12 =	vmul.f32 v14, v12  }
0x1ca: {  	v14 =	vor.u32 s12, v11;
	v13 =	vadd.s32 $0x8000, v13  }
0x1cb: {  	v12 =	vadd.s32 $0x8000, v12  }
0x1cc: {  	v13 =	vshrl.u32 v13, $0x10;
	v12 =	vand.u32 $0xFFFF0000, v12  }
0x1cd: {  	v12 =	vor.u32 v13, v12  }
0x1ce: {  	[tilespmem:s22+$0x0] =	vst v12  }
0x1cf: {  	v12 =	vld.idx.msk [tilespmem:v14+s30+$0x0], $0xffff  }
0x1d0: {  	v13 =	vld [tilespmem:s29+$0x10]  }
0x1d1: {  	v14 =	vld [tilespmem:s29+$0x30];
	_ =	sdelay $0x3  }
0x1d2: {  	v13 =	vmul.f32 v13, v12  }
0x1d3: {  	v12 =	vmul.f32 v14, v12  }
0x1d4: {  	v14 =	vor.u32 s31, v8;
	v13 =	vadd.s32 $0x8000, v13  }
0x1d5: {  	v12 =	vadd.s32 $0x8000, v12  }
0x1d6: {  	v13 =	vshrl.u32 v13, $0x10;
	v12 =	vand.u32 $0xFFFF0000, v12  }
0x1d7: {  	v12 =	vor.u32 v13, v12  }
0x1d8: {  	[tilespmem:s22+$0x10] =	vst v12  }
0x1d9: {  	v12 =	vld.idx.msk [tilespmem:v14+s30+$0x0], $0xffff  }
0x1da: {  	v13 =	vld [tilespmem:s29+$0x40]  }
0x1db: {  	v14 =	vld [tilespmem:s29+$0x60];
	_ =	sdelay $0x3  }
0x1dc: {  	v13 =	vmul.f32 v13, v12  }
0x1dd: {  	v12 =	vmul.f32 v14, v12  }
0x1de: {  	v14 =	vor.u32 s31, v11;
	v13 =	vadd.s32 $0x8000, v13  }
0x1df: {  	v12 =	vadd.s32 $0x8000, v12  }
0x1e0: {  	v13 =	vshrl.u32 v13, $0x10;
	v12 =	vand.u32 $0xFFFF0000, v12  }
.Ltmp3:
0x1e1: {  	v12 =	vor.u32 v13, v12;
	(pc) =	sbr.rel @p0 .LBB2_9-.Ltmp3, $4  }
0x1e2: {  	[tilespmem:s22+$0x20] =	vst v12  }
0x1e3: {  	v12 =	vld.idx.msk [tilespmem:v14+s30+$0x0], $0xffff  }
0x1e4: {  	v14 =	vld [tilespmem:s29+$0x50]  }
0x1e5: {  	v13 =	vld [tilespmem:s29+$0x70]  }
0x1e6: {  	_ =	sdelay $0x3  }
0x1e7: {  	v14 =	vmul.f32 v14, v12;
	v12 =	vmul.f32 v13, v12;
	_ =	sdelay $0x1  }
0x1e8: {  	v13 =	vadd.s32 $0x8000, v14;
	v12 =	vadd.s32 $0x8000, v12  }
0x1e9: {  	v13 =	vshrl.u32 v13, $0x10;
	v12 =	vand.u32 $0xFFFF0000, v12  }
0x1ea: {  	v12 =	vor.u32 v13, v12  }
0x1eb: {  	s4 =	rddreg [dreg:$0x2];
	[tilespmem:s14+$0x30] =	vst v12  }
0x1ec: {  	[spmem:s4] =	stream.indirect.scatter.add.f32 [tilespmem:s30], [sflag:$0x5], $0x8, s15, s9, $0xb8;
	[tilespmem:$0xEE00] =	vst v63  }
0x1ed: {  	s21 =	rddreg [dreg:$0x3];
	s12 =	simm.s32 $0x6A00  }
0x1ee: {  	[spmem:s21] =	stream.indirect.scatter.add.bf16 [tilespmem:s12], [sflag:$0x5], $0x20, s15, s9, $0xb8;
	[tilespmem:$0xEE00] =	vst v63  }
0x1ef: {  	_ =	swait.ge [sflag:s11], $0x400  }
0x1f0: {  	[sflag:s11] =	ssyncset.done $0x0  }
0x1f1: {  	s22 =	sshll.u32 s20, $0x1;
	[sflag:s11] =	ssyncadd.s32 $0xFFFFFC00  }
0x1f2: {  	s4 =	smin.u32 s22, $0x4F;
	_ =	swait.ge [sflag:s11], $0x1000  }
0x1f3: {  	s4 =	sshll.u32 s4, $0x7;
	s31 =	rddreg [dreg:$0x1c]  }
0x1f4: {  	s4 =	sadd.s32 s4, s31  }
0x1f5: {  	[sflag:s11] =	ssyncset.done $0x0;
	s4 =	sshrl.u32 s4, $0x3  }
0x1f6: {  	[sflag:s11] =	ssyncadd.s32 $0xFFFFF000;
	s7 =	sadd.s32 s16, s4  }
0x1f7: {  	[tilespmem:s2], [sflag:$0x1] =	stream.linear.gather [hbm4b:s7+s2], $0x80, $0x38;
	[tilespmem:$0xEE00] =	vst v63  }
0x1f8: {  	s4 =	sadd.s32 s17, s4  }
0x1f9: {  	[tilespmem:s15], [sflag:$0x1] =	stream.linear.gather [hbm4b:s4+s2], $0x80, $0x38;
	[tilespmem:$0xEE00] =	vst v63  }
0x1fa: {  	_ =	swait.ge [sflag:s1], $0x800  }
0x1fb: {  	[sflag:s1] =	ssyncset.done $0x0  }
0x1fc: {  	[sflag:s1] =	ssyncadd.s32 $0xFFFFF800  }
0x1fd: {  	_ =	swait.ge [sflag:s1], $0x800  }
0x1fe: {  	[sflag:s1] =	ssyncset.done $0x0  }
0x1ff: {  	[sflag:s1] =	ssyncadd.s32 $0xFFFFF800  }
0x200: {  	_ =	swait.ge [sflag:s1], $0x2000  }
0x201: {  	[sflag:s1] =	ssyncset.done $0x0  }
0x202: {  	[sflag:s1] =	ssyncadd.s32 $0xFFFFE000  }
0x203: {  	_ =	swait.ge [sflag:s0], $0x80  }
0x204: {  	[sflag:s0] =	ssyncset.done $0x0  }
0x205: {  	s12 =	simm.s32 $0x0;
	[sflag:s0] =	ssyncadd.s32 $0xFFFFFF80  }
0x206: {  	v12 =	vor.u32 s12, v0;
	_ =	swait.ge [sflag:s0], $0x80  }
0x207: {  	v13 =	vshll.u32 v12, $0x1;
	[sflag:s0] =	ssyncset.done $0x0  }
0x208: {  	v13 =	vand.u32 $0x790, v13;
	[sflag:s0] =	ssyncadd.s32 $0xFFFFFF80  }
0x209: {  	v14 =	vor.u32 v4, v13;
	[tilespmem:s3], [sflag:$0x3] =	stream.indirect.gather [hbm4b:s18+s9], $0x10, s2, s9, $0xb8;
	[tilespmem:$0xEE00] =	vst v63  }
0x20a: {  	v13 =	vor.u32 v5, v13  }
0x20b: {  	[tilespmem:s6], [sflag:$0x3] =	stream.indirect.gather [hbm4b:s18+s9], $0x10, s15, s9, $0xb8;
	[tilespmem:$0xEE00] =	vst v63  }
0x20c: {  	s13 =	simm.s32 $0x2200  }
0x20d: {  	[tilespmem:s13], [sflag:$0x3] =	stream.indirect.gather [hbm4b:s19+s9], $0x40, s2, s9, $0xb8;
	[tilespmem:$0xEE00] =	vst v63  }
0x20e: {  	v14 =	vld.idx.msk [tilespmem:v14+s26+$0x0], $0xffff  }
0x20f: {  	v13 =	vld.idx.msk [tilespmem:v13+s28+$0x0], $0xffff;
	_ =	sdelay $0x4  }
0x210: {  	v13 =	vadd.f32 v13, v14;
	_ =	sdelay $0x1  }
0x211: {  	v14 =	vmul.f32 $2.000000030e-01, v13  }
0x212: {  	vm0 =	vgt.f32 v13, $0.0e+00  }
0x213: {  	v13 =	vsel vm0, v13, v14  }
0x214: {  	v13 =	vmul.f32 $1.442695020e+00, v13;
	_ =	sdelay $0x1  }
0x215: {  	(erf) = vpow2.f32 v13;
	_ =	sdelay $0x1  }
0x216: {  	s14 =	simm.s32 $0x10  }
0x217: {  	v13 =	vor.u32 s14, v0  }
0x218: {  	v14 =	vshll.u32 v13, $0x1  }
0x219: {  	v12 =	vand.u32 v6, v12;
	v14 =	vand.u32 $0x7FFFFFF0, v14  }
0x21a: {  	v15 =	vor.u32 v4, v14  }
0x21b: {  	v14 =	vor.u32 v5, v14;
	_ =	sdelay $0x1  }
0x21c: {  	v16 =	vpop (erf)  }
0x21d: {  	[tilespmem:v12+s8+$0x0] =	vst.idx.msk $0xffff, v16  }
0x21e: {  	v12 =	vld.idx.msk [tilespmem:v15+s26+$0x0], $0xffff  }
0x21f: {  	v14 =	vld.idx.msk [tilespmem:v14+s28+$0x0], $0xffff;
	_ =	sdelay $0x4  }
0x220: {  	v12 =	vadd.f32 v14, v12;
	_ =	sdelay $0x1  }
0x221: {  	v14 =	vmul.f32 $2.000000030e-01, v12  }
0x222: {  	vm13 =	vgt.f32 v12, $0.0e+00  }
0x223: {  	v12 =	vsel vm13, v12, v14  }
0x224: {  	v12 =	vmul.f32 $1.442695020e+00, v12;
	_ =	sdelay $0x1  }
0x225: {  	(erf) = vpow2.f32 v12;
	_ =	sdelay $0x1  }
0x226: {  	s21 =	simm.s32 $0x20  }
0x227: {  	v12 =	vor.u32 s21, v0  }
0x228: {  	v14 =	vshll.u32 v12, $0x1  }
0x229: {  	v13 =	vand.u32 v7, v13;
	v14 =	vand.u32 $0x7FFFFFF0, v14  }
0x22a: {  	v15 =	vor.u32 v4, v14  }
0x22b: {  	v14 =	vor.u32 v5, v14;
	_ =	sdelay $0x1  }
0x22c: {  	v62 =	vpop (erf)  }
0x22d: {  	[tilespmem:v13+s8+$0x0] =	vst.idx.msk $0xffff, v62  }
0x22e: {  	v13 =	vld.idx.msk [tilespmem:v15+s26+$0x0], $0xffff  }
0x22f: {  	v14 =	vld.idx.msk [tilespmem:v14+s28+$0x0], $0xffff;
	_ =	sdelay $0x4  }
0x230: {  	v13 =	vadd.f32 v14, v13;
	_ =	sdelay $0x1  }
0x231: {  	v14 =	vmul.f32 $2.000000030e-01, v13  }
0x232: {  	vm14 =	vgt.f32 v13, $0.0e+00  }
0x233: {  	v13 =	vsel vm14, v13, v14  }
0x234: {  	v13 =	vmul.f32 $1.442695020e+00, v13;
	_ =	sdelay $0x1  }
0x235: {  	(erf) = vpow2.f32 v13;
	_ =	sdelay $0x1  }
0x236: {  	s22 =	simm.s32 $0x30  }
0x237: {  	v13 =	vor.u32 s22, v0  }
0x238: {  	v14 =	vshll.u32 v13, $0x1  }
0x239: {  	v12 =	vand.u32 v9, v12;
	v14 =	vand.u32 $0x7FFFFFF0, v14  }
0x23a: {  	v15 =	vor.u32 v4, v14  }
0x23b: {  	v14 =	vor.u32 v5, v14;
	_ =	sdelay $0x1  }
0x23c: {  	v63 =	vpop (erf)  }
0x23d: {  	[tilespmem:v12+s8+$0x0] =	vst.idx.msk $0xffff, v63  }
0x23e: {  	v12 =	vld.idx.msk [tilespmem:v15+s26+$0x0], $0xffff  }
0x23f: {  	v14 =	vld.idx.msk [tilespmem:v14+s28+$0x0], $0xffff;
	_ =	sdelay $0x4  }
0x240: {  	v12 =	vadd.f32 v14, v12;
	_ =	sdelay $0x1  }
0x241: {  	v14 =	vmul.f32 $2.000000030e-01, v12  }
0x242: {  	vm15 =	vgt.f32 v12, $0.0e+00  }
0x243: {  	v12 =	vsel vm15, v12, v14  }
0x244: {  	v14 =	vmul.f32 $1.442695020e+00, v12;
	_ =	sdelay $0x1  }
0x245: {  	(erf) = vpow2.f32 v14;
	_ =	sdelay $0x1  }
0x246: {  	s31 =	simm.s32 $0x40  }
0x247: {  	v12 =	vor.u32 s31, v0  }
0x248: {  	v15 =	vshll.u32 v12, $0x1  }
0x249: {  	s29 =	simm.s32 $0x70;
	s14 =	simm.s32 $0x4;
	v13 =	vand.u32 v10, v13;
	v14 =	vand.u32 $0x790, v15  }
.LBB2_11:
0x24a: {  	s14 =	sadd.s32 $0x4, s14;
	v15 =	vor.u32 v4, v14;
	v14 =	vor.u32 v5, v14;
	s22 =	simm.s32 $0x7A40  }
0x24b: {  	p0 =	slt.u32 s14, $0x3C;
	_ =	sdelay $0x1  }
0x24c: {  	v16 =	vpop (erf)  }
0x24d: {  	[tilespmem:v13+s8+$0x0] =	vst.idx.msk $0xffff, v16  }
0x24e: {  	v13 =	vld.idx.msk [tilespmem:v15+s26+$0x0], $0xffff  }
0x24f: {  	v14 =	vld.idx.msk [tilespmem:v14+s28+$0x0], $0xffff;
	_ =	sdelay $0x5  }
0x250: {  	v13 =	vadd.f32 v14, v13;
	_ =	sdelay $0x1  }
0x251: {  	vm0 =	vgt.f32 v13, $0.0e+00;
	v14 =	vmul.f32 $2.000000030e-01, v13;
	_ =	sdelay $0x1  }
0x252: {  	v13 =	vsel vm0, v13, v14  }
0x253: {  	v13 =	vmul.f32 $1.442695020e+00, v13;
	_ =	sdelay $0x1  }
0x254: {  	(erf) = vpow2.f32 v13;
	_ =	sdelay $0x1  }
0x255: {  	s4 =	sadd.s32 $0xFFFFFFE0, s29  }
0x256: {  	v13 =	vor.u32 s4, v0  }
0x257: {  	v12 =	vand.u32 v6, v12;
	v14 =	vshll.u32 v13, $0x1  }
0x258: {  	v14 =	vand.u32 $0x7FFFFFF0, v14  }
0x259: {  	v15 =	vor.u32 v4, v14;
	v14 =	vor.u32 v5, v14;
	_ =	sdelay $0x2  }
0x25a: {  	v16 =	vpop (erf)  }
0x25b: {  	[tilespmem:v12+s8+$0x0] =	vst.idx.msk $0xffff, v16  }
0x25c: {  	v12 =	vld.idx.msk [tilespmem:v15+s26+$0x0], $0xffff  }
0x25d: {  	v14 =	vld.idx.msk [tilespmem:v14+s28+$0x0], $0xffff;
	_ =	sdelay $0x5  }
0x25e: {  	v12 =	vadd.f32 v14, v12;
	_ =	sdelay $0x1  }
0x25f: {  	vm0 =	vgt.f32 v12, $0.0e+00;
	v14 =	vmul.f32 $2.000000030e-01, v12;
	_ =	sdelay $0x1  }
0x260: {  	v12 =	vsel vm0, v12, v14  }
0x261: {  	v12 =	vmul.f32 $1.442695020e+00, v12;
	_ =	sdelay $0x1  }
0x262: {  	(erf) = vpow2.f32 v12;
	_ =	sdelay $0x1  }
0x263: {  	s4 =	sadd.s32 $0xFFFFFFF0, s29  }
0x264: {  	v12 =	vand.u32 v7, v13;
	v13 =	vor.u32 s4, v0  }
0x265: {  	v14 =	vshll.u32 v13, $0x1  }
0x266: {  	v14 =	vand.u32 $0x7FFFFFF0, v14  }
0x267: {  	v15 =	vor.u32 v4, v14;
	v14 =	vor.u32 v5, v14;
	_ =	sdelay $0x2  }
0x268: {  	v16 =	vpop (erf)  }
0x269: {  	[tilespmem:v12+s8+$0x0] =	vst.idx.msk $0xffff, v16  }
0x26a: {  	v12 =	vld.idx.msk [tilespmem:v15+s26+$0x0], $0xffff  }
0x26b: {  	v14 =	vld.idx.msk [tilespmem:v14+s28+$0x0], $0xffff;
	_ =	sdelay $0x5  }
0x26c: {  	v12 =	vadd.f32 v14, v12;
	_ =	sdelay $0x1  }
0x26d: {  	vm0 =	vgt.f32 v12, $0.0e+00;
	v14 =	vmul.f32 $2.000000030e-01, v12;
	_ =	sdelay $0x1  }
0x26e: {  	v12 =	vsel vm0, v12, v14  }
0x26f: {  	v12 =	vmul.f32 $1.442695020e+00, v12;
	_ =	sdelay $0x1  }
0x270: {  	(erf) = vpow2.f32 v12;
	_ =	sdelay $0x1  }
0x271: {  	v12 =	vand.u32 v9, v13  }
0x272: {  	v13 =	vor.u32 s29, v0  }
0x273: {  	v14 =	vshll.u32 v13, $0x1  }
0x274: {  	v14 =	vand.u32 $0x7FFFFFF0, v14  }
0x275: {  	v15 =	vor.u32 v4, v14;
	v14 =	vor.u32 v5, v14;
	_ =	sdelay $0x2  }
0x276: {  	v16 =	vpop (erf)  }
0x277: {  	[tilespmem:v12+s8+$0x0] =	vst.idx.msk $0xffff, v16  }
0x278: {  	v12 =	vld.idx.msk [tilespmem:v15+s26+$0x0], $0xffff  }
0x279: {  	v14 =	vld.idx.msk [tilespmem:v14+s28+$0x0], $0xffff;
	_ =	sdelay $0x5  }
0x27a: {  	v12 =	vadd.f32 v14, v12;
	_ =	sdelay $0x1  }
0x27b: {  	vm0 =	vgt.f32 v12, $0.0e+00;
	v14 =	vmul.f32 $2.000000030e-01, v12;
	_ =	sdelay $0x1  }
0x27c: {  	v12 =	vsel vm0, v12, v14  }
0x27d: {  	v12 =	vmul.f32 $1.442695020e+00, v12;
	_ =	sdelay $0x1  }
0x27e: {  	(erf) = vpow2.f32 v12  }
.Ltmp4:
0x27f: {  	s29 =	sadd.s32 $0x40, s29;
	v13 =	vand.u32 v10, v13;
	(pc) =	sbr.rel @p0 .LBB2_11-.Ltmp4, $4  }
0x280: {  	s4 =	sadd.s32 $0xFFFFFFD0, s29  }
0x281: {  	v12 =	vor.u32 s4, v0  }
0x282: {  	v14 =	vshll.u32 v12, $0x1  }
0x283: {  	v14 =	vand.u32 $0x790, v14  }
0x284: {  	v15 =	vor.u32 v4, v14  }
0x285: {  	v14 =	vor.u32 v5, v14;
	_ =	sdelay $0x1  }
0x286: {  	v16 =	vpop (erf)  }
0x287: {  	[tilespmem:v13+s8+$0x0] =	vst.idx.msk $0xffff, v16  }
0x288: {  	v13 =	vld.idx.msk [tilespmem:v15+s26+$0x0], $0xffff  }
0x289: {  	v14 =	vld.idx.msk [tilespmem:v14+s28+$0x0], $0xffff;
	_ =	sdelay $0x4  }
0x28a: {  	v13 =	vadd.f32 v14, v13;
	_ =	sdelay $0x1  }
0x28b: {  	v14 =	vmul.f32 $2.000000030e-01, v13  }
0x28c: {  	vm0 =	vgt.f32 v13, $0.0e+00  }
0x28d: {  	v13 =	vsel vm0, v13, v14  }
0x28e: {  	v13 =	vmul.f32 $1.442695020e+00, v13;
	_ =	sdelay $0x1  }
0x28f: {  	(erf) = vpow2.f32 v13;
	_ =	sdelay $0x1  }
0x290: {  	s4 =	sadd.s32 $0xFFFFFFE0, s29  }
0x291: {  	v13 =	vor.u32 s4, v0  }
0x292: {  	v14 =	vshll.u32 v13, $0x1  }
0x293: {  	v12 =	vand.u32 v6, v12;
	v14 =	vand.u32 $0x7FFFFFF0, v14  }
0x294: {  	v15 =	vor.u32 v4, v14  }
0x295: {  	v14 =	vor.u32 v5, v14;
	_ =	sdelay $0x1  }
0x296: {  	v61 =	vpop (erf)  }
0x297: {  	[tilespmem:v12+s8+$0x0] =	vst.idx.msk $0xffff, v61  }
0x298: {  	v12 =	vld.idx.msk [tilespmem:v15+s26+$0x0], $0xffff  }
0x299: {  	v14 =	vld.idx.msk [tilespmem:v14+s28+$0x0], $0xffff;
	_ =	sdelay $0x4  }
0x29a: {  	v12 =	vadd.f32 v14, v12;
	_ =	sdelay $0x1  }
0x29b: {  	v14 =	vmul.f32 $2.000000030e-01, v12  }
0x29c: {  	vm13 =	vgt.f32 v12, $0.0e+00  }
0x29d: {  	v12 =	vsel vm13, v12, v14  }
0x29e: {  	v12 =	vmul.f32 $1.442695020e+00, v12;
	_ =	sdelay $0x1  }
0x29f: {  	(erf) = vpow2.f32 v12;
	_ =	sdelay $0x1  }
0x2a0: {  	s12 =	sadd.s32 $0xFFFFFFF0, s29  }
0x2a1: {  	v12 =	vor.u32 s12, v0  }
0x2a2: {  	v14 =	vshll.u32 v12, $0x1  }
0x2a3: {  	v13 =	vand.u32 v7, v13;
	v14 =	vand.u32 $0x7FFFFFF0, v14  }
0x2a4: {  	v15 =	vor.u32 v4, v14  }
0x2a5: {  	v14 =	vor.u32 v5, v14;
	_ =	sdelay $0x1  }
0x2a6: {  	v62 =	vpop (erf)  }
0x2a7: {  	[tilespmem:v13+s8+$0x0] =	vst.idx.msk $0xffff, v62  }
0x2a8: {  	v13 =	vld.idx.msk [tilespmem:v15+s26+$0x0], $0xffff  }
0x2a9: {  	v14 =	vld.idx.msk [tilespmem:v14+s28+$0x0], $0xffff;
	_ =	sdelay $0x4  }
0x2aa: {  	v13 =	vadd.f32 v14, v13;
	_ =	sdelay $0x1  }
0x2ab: {  	v14 =	vmul.f32 $2.000000030e-01, v13  }
0x2ac: {  	vm14 =	vgt.f32 v13, $0.0e+00  }
0x2ad: {  	v13 =	vsel vm14, v13, v14  }
0x2ae: {  	v13 =	vmul.f32 $1.442695020e+00, v13;
	_ =	sdelay $0x1  }
0x2af: {  	(erf) = vpow2.f32 v13;
	_ =	sdelay $0x2  }
0x2b0: {  	v13 =	vor.u32 s29, v0  }
0x2b1: {  	v14 =	vshll.u32 v13, $0x1  }
0x2b2: {  	v12 =	vand.u32 v9, v12;
	v14 =	vand.u32 $0x7FFFFFF0, v14  }
0x2b3: {  	v15 =	vor.u32 v4, v14  }
0x2b4: {  	v14 =	vor.u32 v5, v14;
	_ =	sdelay $0x1  }
0x2b5: {  	v63 =	vpop (erf)  }
0x2b6: {  	[tilespmem:v12+s8+$0x0] =	vst.idx.msk $0xffff, v63  }
0x2b7: {  	v12 =	vld.idx.msk [tilespmem:v15+s26+$0x0], $0xffff  }
0x2b8: {  	v14 =	vld.idx.msk [tilespmem:v14+s28+$0x0], $0xffff;
	_ =	sdelay $0x4  }
0x2b9: {  	v12 =	vadd.f32 v14, v12;
	_ =	sdelay $0x1  }
0x2ba: {  	v14 =	vmul.f32 $2.000000030e-01, v12  }
0x2bb: {  	vm15 =	vgt.f32 v12, $0.0e+00  }
0x2bc: {  	v12 =	vsel vm15, v12, v14  }
0x2bd: {  	v12 =	vmul.f32 $1.442695020e+00, v12;
	_ =	sdelay $0x1  }
0x2be: {  	(erf) = vpow2.f32 v12;
	_ =	sdelay $0x4  }
0x2bf: {  	v12 =	vand.u32 v10, v13  }
0x2c0: {  	s13 =	simm.s32 $0x0  }
0x2c1: {  	v13 =	vor.u32 s13, v8;
	_ =	sdelay $0x1  }
0x2c2: {  	v14 =	vpop (erf)  }
0x2c3: {  	s29 =	simm.s32 $0x4280;
	[tilespmem:v12+s8+$0x0] =	vst.idx.msk $0xffff, v14  }
0x2c4: {  	v12 =	vld [tilespmem:s29+$0xFFFFFFA0]  }
0x2c5: {  	v13 =	vld.idx.msk [tilespmem:v13+s8+$0x0], $0xffff  }
0x2c6: {  	v14 =	vld [tilespmem:s29+$0xFFFFFF80];
	_ =	sdelay $0x4  }
0x2c7: {  	v14 =	vmul.f32 v14, v13;
	v12 =	vmul.f32 v12, v13;
	_ =	sdelay $0x1  }
0x2c8: {  	v13 =	vor.u32 s13, v11;
	v14 =	vadd.s32 $0x8000, v14;
	v12 =	vadd.s32 $0x8000, v12  }
0x2c9: {  	v14 =	vshrl.u32 v14, $0x10;
	v12 =	vand.u32 $0xFFFF0000, v12  }
0x2ca: {  	v12 =	vor.u32 v14, v12  }
0x2cb: {  	[tilespmem:s22+$0xFFFFFFC0] =	vst v12  }
0x2cc: {  	v12 =	vld [tilespmem:s29+$0xFFFFFF90]  }
0x2cd: {  	v13 =	vld.idx.msk [tilespmem:v13+s8+$0x0], $0xffff  }
0x2ce: {  	v14 =	vld [tilespmem:s29+$0xFFFFFFB0];
	_ =	sdelay $0x4  }
0x2cf: {  	s14 =	simm.s32 $0x8;
	v12 =	vmul.f32 v12, v13;
	v13 =	vmul.f32 v14, v13  }
0x2d0: {  	v14 =	vor.u32 s14, v8  }
0x2d1: {  	v12 =	vadd.s32 $0x8000, v12;
	v13 =	vadd.s32 $0x8000, v13  }
0x2d2: {  	v12 =	vshrl.u32 v12, $0x10;
	v13 =	vand.u32 $0xFFFF0000, v13  }
0x2d3: {  	v12 =	vor.u32 v12, v13  }
0x2d4: {  	[tilespmem:s22+$0xFFFFFFD0] =	vst v12  }
0x2d5: {  	v12 =	vld.idx.msk [tilespmem:v14+s8+$0x0], $0xffff  }
0x2d6: {  	v13 =	vld [tilespmem:s29+$0xFFFFFFC0]  }
0x2d7: {  	v14 =	vld [tilespmem:s29+$0xFFFFFFE0];
	_ =	sdelay $0x4  }
0x2d8: {  	v13 =	vmul.f32 v13, v12;
	v12 =	vmul.f32 v14, v12  }
0x2d9: {  	v14 =	vor.u32 s14, v11  }
0x2da: {  	v13 =	vadd.s32 $0x8000, v13;
	v12 =	vadd.s32 $0x8000, v12  }
0x2db: {  	v13 =	vshrl.u32 v13, $0x10;
	v12 =	vand.u32 $0xFFFF0000, v12  }
0x2dc: {  	v12 =	vor.u32 v13, v12  }
0x2dd: {  	[tilespmem:s22+$0xFFFFFFE0] =	vst v12  }
0x2de: {  	v12 =	vld.idx.msk [tilespmem:v14+s8+$0x0], $0xffff  }
0x2df: {  	v13 =	vld [tilespmem:s29+$0xFFFFFFD0]  }
0x2e0: {  	v14 =	vld [tilespmem:s29+$0xFFFFFFF0];
	_ =	sdelay $0x4  }
0x2e1: {  	s21 =	simm.s32 $0x10;
	v13 =	vmul.f32 v13, v12;
	v12 =	vmul.f32 v14, v12  }
0x2e2: {  	v14 =	vor.u32 s21, v8  }
0x2e3: {  	v13 =	vadd.s32 $0x8000, v13;
	v12 =	vadd.s32 $0x8000, v12  }
0x2e4: {  	v13 =	vshrl.u32 v13, $0x10;
	v12 =	vand.u32 $0xFFFF0000, v12  }
0x2e5: {  	v12 =	vor.u32 v13, v12  }
0x2e6: {  	[tilespmem:s22+$0xFFFFFFF0] =	vst v12  }
0x2e7: {  	v12 =	vld.idx.msk [tilespmem:v14+s8+$0x0], $0xffff  }
0x2e8: {  	v13 =	vld [tilespmem:s29+$0x0]  }
0x2e9: {  	v14 =	vld [tilespmem:s29+$0x20];
	_ =	sdelay $0x4  }
0x2ea: {  	v13 =	vmul.f32 v13, v12;
	v12 =	vmul.f32 v14, v12  }
0x2eb: {  	v14 =	vor.u32 s21, v11  }
0x2ec: {  	v13 =	vadd.s32 $0x8000, v13;
	v12 =	vadd.s32 $0x8000, v12  }
0x2ed: {  	v13 =	vshrl.u32 v13, $0x10;
	v12 =	vand.u32 $0xFFFF0000, v12  }
0x2ee: {  	v12 =	vor.u32 v13, v12  }
0x2ef: {  	[tilespmem:s22+$0x0] =	vst v12  }
0x2f0: {  	v12 =	vld.idx.msk [tilespmem:v14+s8+$0x0], $0xffff  }
0x2f1: {  	v13 =	vld [tilespmem:s29+$0x10]  }
0x2f2: {  	v14 =	vld [tilespmem:s29+$0x30];
	_ =	sdelay $0x4  }
0x2f3: {  	s31 =	simm.s32 $0x18;
	v13 =	vmul.f32 v13, v12;
	v12 =	vmul.f32 v14, v12  }
0x2f4: {  	v14 =	vor.u32 s31, v8  }
0x2f5: {  	v13 =	vadd.s32 $0x8000, v13;
	v12 =	vadd.s32 $0x8000, v12  }
0x2f6: {  	v13 =	vshrl.u32 v13, $0x10;
	v12 =	vand.u32 $0xFFFF0000, v12  }
0x2f7: {  	v12 =	vor.u32 v13, v12  }
0x2f8: {  	[tilespmem:s22+$0x10] =	vst v12  }
0x2f9: {  	v12 =	vld.idx.msk [tilespmem:v14+s8+$0x0], $0xffff  }
0x2fa: {  	v13 =	vld [tilespmem:s29+$0x40]  }
0x2fb: {  	v14 =	vld [tilespmem:s29+$0x60];
	_ =	sdelay $0x4  }
0x2fc: {  	v13 =	vmul.f32 v13, v12;
	v12 =	vmul.f32 v14, v12  }
0x2fd: {  	v14 =	vor.u32 s31, v11  }
0x2fe: {  	v13 =	vadd.s32 $0x8000, v13;
	v12 =	vadd.s32 $0x8000, v12  }
0x2ff: {  	v13 =	vshrl.u32 v13, $0x10;
	v12 =	vand.u32 $0xFFFF0000, v12  }
0x300: {  	v12 =	vor.u32 v13, v12  }
0x301: {  	[tilespmem:s22+$0x20] =	vst v12  }
0x302: {  	v12 =	vld.idx.msk [tilespmem:v14+s8+$0x0], $0xffff  }
0x303: {  	v14 =	vld [tilespmem:s29+$0x50]  }
0x304: {  	s14 =	simm.s32 $0x7A40;
	s21 =	simm.s32 $0x4;
	v13 =	vld [tilespmem:s29+$0x70]  }
.LBB2_13:
0x305: {  	_ =	sdelay $0x1  }
0x306: {  	p0 =	slt.u32 s21, $0x7C;
	s22 =	sadd.s32 $0x80, s22;
	s29 =	sadd.s32 $0x100, s29  }
0x307: {  	s4 =	smov.u32 s21;
	s21 =	sadd.s32 $0x4, s21;
	v14 =	vmul.f32 v14, v12  }
0x308: {  	v12 =	vmul.f32 v13, v12  }
0x309: {  	s4 =	sshll.u32 s4, $0x3;
	v13 =	vadd.s32 $0x8000, v14  }
0x30a: {  	s13 =	sadd.s32 $0x8, s4;
	s12 =	sadd.s32 $0x10, s4;
	s31 =	sadd.s32 $0x18, s4;
	v14 =	vor.u32 s4, v8;
	v12 =	vadd.s32 $0x8000, v12  }
0x30b: {  	v13 =	vshrl.u32 v13, $0x10;
	v12 =	vand.u32 $0xFFFF0000, v12  }
0x30c: {  	v12 =	vor.u32 v13, v12  }
0x30d: {  	[tilespmem:s14+$0x30] =	vst v12;
	s14 =	smov.u32 s22  }
0x30e: {  	v12 =	vld [tilespmem:s29+$0xFFFFFFA0]  }
0x30f: {  	v13 =	vld.idx.msk [tilespmem:v14+s8+$0x0], $0xffff  }
0x310: {  	v14 =	vld [tilespmem:s29+$0xFFFFFF80];
	_ =	sdelay $0x4  }
0x311: {  	v12 =	vmul.f32 v12, v13;
	v14 =	vmul.f32 v14, v13  }
0x312: {  	v13 =	vor.u32 s4, v11  }
0x313: {  	v12 =	vadd.s32 $0x8000, v12;
	v14 =	vadd.s32 $0x8000, v14  }
0x314: {  	v12 =	vand.u32 $0xFFFF0000, v12;
	v14 =	vshrl.u32 v14, $0x10  }
0x315: {  	v12 =	vor.u32 v14, v12  }
0x316: {  	[tilespmem:s22+$0xFFFFFFC0] =	vst v12  }
0x317: {  	v12 =	vld [tilespmem:s29+$0xFFFFFF90]  }
0x318: {  	v13 =	vld.idx.msk [tilespmem:v13+s8+$0x0], $0xffff  }
0x319: {  	v14 =	vld [tilespmem:s29+$0xFFFFFFB0];
	_ =	sdelay $0x4  }
0x31a: {  	v12 =	vmul.f32 v12, v13;
	v13 =	vmul.f32 v14, v13  }
0x31b: {  	v14 =	vor.u32 s13, v8  }
0x31c: {  	v12 =	vadd.s32 $0x8000, v12;
	v13 =	vadd.s32 $0x8000, v13  }
0x31d: {  	v12 =	vshrl.u32 v12, $0x10;
	v13 =	vand.u32 $0xFFFF0000, v13  }
0x31e: {  	v12 =	vor.u32 v12, v13  }
0x31f: {  	[tilespmem:s22+$0xFFFFFFD0] =	vst v12  }
0x320: {  	v12 =	vld.idx.msk [tilespmem:v14+s8+$0x0], $0xffff  }
0x321: {  	v13 =	vld [tilespmem:s29+$0xFFFFFFC0]  }
0x322: {  	v14 =	vld [tilespmem:s29+$0xFFFFFFE0];
	_ =	sdelay $0x3  }
0x323: {  	v13 =	vmul.f32 v13, v12  }
0x324: {  	v12 =	vmul.f32 v14, v12  }
0x325: {  	v14 =	vor.u32 s13, v11;
	v13 =	vadd.s32 $0x8000, v13  }
0x326: {  	v12 =	vadd.s32 $0x8000, v12  }
0x327: {  	v13 =	vshrl.u32 v13, $0x10;
	v12 =	vand.u32 $0xFFFF0000, v12  }
0x328: {  	v12 =	vor.u32 v13, v12  }
0x329: {  	[tilespmem:s22+$0xFFFFFFE0] =	vst v12  }
0x32a: {  	v12 =	vld.idx.msk [tilespmem:v14+s8+$0x0], $0xffff  }
0x32b: {  	v13 =	vld [tilespmem:s29+$0xFFFFFFD0]  }
0x32c: {  	v14 =	vld [tilespmem:s29+$0xFFFFFFF0];
	_ =	sdelay $0x3  }
0x32d: {  	v13 =	vmul.f32 v13, v12  }
0x32e: {  	v12 =	vmul.f32 v14, v12  }
0x32f: {  	v14 =	vor.u32 s12, v8;
	v13 =	vadd.s32 $0x8000, v13  }
0x330: {  	v12 =	vadd.s32 $0x8000, v12  }
0x331: {  	v13 =	vshrl.u32 v13, $0x10;
	v12 =	vand.u32 $0xFFFF0000, v12  }
0x332: {  	v12 =	vor.u32 v13, v12  }
0x333: {  	[tilespmem:s22+$0xFFFFFFF0] =	vst v12  }
0x334: {  	v12 =	vld.idx.msk [tilespmem:v14+s8+$0x0], $0xffff  }
0x335: {  	v13 =	vld [tilespmem:s29+$0x0]  }
0x336: {  	v14 =	vld [tilespmem:s29+$0x20];
	_ =	sdelay $0x3  }
0x337: {  	v13 =	vmul.f32 v13, v12  }
0x338: {  	v12 =	vmul.f32 v14, v12  }
0x339: {  	v14 =	vor.u32 s12, v11;
	v13 =	vadd.s32 $0x8000, v13  }
0x33a: {  	v12 =	vadd.s32 $0x8000, v12  }
0x33b: {  	v13 =	vshrl.u32 v13, $0x10;
	v12 =	vand.u32 $0xFFFF0000, v12  }
0x33c: {  	v12 =	vor.u32 v13, v12  }
0x33d: {  	[tilespmem:s22+$0x0] =	vst v12  }
0x33e: {  	v12 =	vld.idx.msk [tilespmem:v14+s8+$0x0], $0xffff  }
0x33f: {  	v13 =	vld [tilespmem:s29+$0x10]  }
0x340: {  	v14 =	vld [tilespmem:s29+$0x30];
	_ =	sdelay $0x3  }
0x341: {  	v13 =	vmul.f32 v13, v12  }
0x342: {  	v12 =	vmul.f32 v14, v12  }
0x343: {  	v14 =	vor.u32 s31, v8;
	v13 =	vadd.s32 $0x8000, v13  }
0x344: {  	v12 =	vadd.s32 $0x8000, v12  }
0x345: {  	v13 =	vshrl.u32 v13, $0x10;
	v12 =	vand.u32 $0xFFFF0000, v12  }
0x346: {  	v12 =	vor.u32 v13, v12  }
0x347: {  	[tilespmem:s22+$0x10] =	vst v12  }
0x348: {  	v12 =	vld.idx.msk [tilespmem:v14+s8+$0x0], $0xffff  }
0x349: {  	v13 =	vld [tilespmem:s29+$0x40]  }
0x34a: {  	v14 =	vld [tilespmem:s29+$0x60];
	_ =	sdelay $0x3  }
0x34b: {  	v13 =	vmul.f32 v13, v12  }
0x34c: {  	v12 =	vmul.f32 v14, v12  }
0x34d: {  	v14 =	vor.u32 s31, v11;
	v13 =	vadd.s32 $0x8000, v13  }
0x34e: {  	v12 =	vadd.s32 $0x8000, v12  }
0x34f: {  	v13 =	vshrl.u32 v13, $0x10;
	v12 =	vand.u32 $0xFFFF0000, v12  }
.Ltmp5:
0x350: {  	v12 =	vor.u32 v13, v12;
	(pc) =	sbr.rel @p0 .LBB2_13-.Ltmp5, $4  }
0x351: {  	[tilespmem:s22+$0x20] =	vst v12  }
0x352: {  	v12 =	vld.idx.msk [tilespmem:v14+s8+$0x0], $0xffff  }
0x353: {  	v14 =	vld [tilespmem:s29+$0x50]  }
0x354: {  	v13 =	vld [tilespmem:s29+$0x70]  }
0x355: {  	_ =	sdelay $0x3  }
0x356: {  	v14 =	vmul.f32 v14, v12;
	v62 =	vmul.f32 v13, v12;
	_ =	sdelay $0x1  }
0x357: {  	s20 =	sadd.s32 $0x1, s20;
	v63 =	vadd.s32 $0x8000, v14;
	v12 =	vadd.s32 $0x8000, v62  }
0x358: {  	p0 =	sne.s32 s20, $0x29;
	v13 =	vshrl.u32 v63, $0x10;
	v12 =	vand.u32 $0xFFFF0000, v12  }
.Ltmp6:
0x359: {  	v12 =	vor.u32 v13, v12;
	(pc) =	sbr.rel @p0 .LBB2_6-.Ltmp6, $4  }
0x35a: {  	s4 =	rddreg [dreg:$0x2];
	[tilespmem:s14+$0x30] =	vst v12  }
0x35b: {  	[spmem:s4] =	stream.indirect.scatter.add.f32 [tilespmem:s8], [sflag:$0x6], $0x8, s10, s9, $0xb8;
	[tilespmem:$0xEE00] =	vst v63  }
0x35c: {  	s31 =	rddreg [dreg:$0x3];
	s12 =	simm.s32 $0x7A00  }
0x35d: {  	[spmem:s31] =	stream.indirect.scatter.add.bf16 [tilespmem:s12], [sflag:$0x6], $0x20, s10, s9, $0xb8;
	[tilespmem:$0xEE00] =	vst v63  }
0x35e: {  	_ =	swait.ge [sflag:s23], $0x400  }
0x35f: {  	[sflag:s23] =	ssyncset.done $0x0  }
0x360: {  	[sflag:s23] =	ssyncadd.s32 $0xFFFFFC00  }
0x361: {  	_ =	swait.ge [sflag:s23], $0x1000  }
0x362: {  	[sflag:s23] =	ssyncset.done $0x0  }
0x363: {  	[sflag:s23] =	ssyncadd.s32 $0xFFFFF000  }
0x364: {  	_ =	swait.ge [sflag:s24], $0x800  }
0x365: {  	[sflag:s24] =	ssyncset.done $0x0  }
0x366: {  	[sflag:s24] =	ssyncadd.s32 $0xFFFFF800  }
0x367: {  	_ =	swait.ge [sflag:s24], $0x800  }
0x368: {  	[sflag:s24] =	ssyncset.done $0x0  }
0x369: {  	[sflag:s24] =	ssyncadd.s32 $0xFFFFF800  }
0x36a: {  	_ =	swait.ge [sflag:s24], $0x2000  }
0x36b: {  	[sflag:s24] =	ssyncset.done $0x0  }
0x36c: {  	[sflag:s24] =	ssyncadd.s32 $0xFFFFE000  }
0x36d: {  	[bflag:$0x0] =	sbarrier.arrive $0xFFFF  }
0x36e: {  	s22 =	simm.s32 $0x7;
	s7 =	rddreg [dreg:$0x10]  }
0x36f: {  	[tilespmem:s30], [sflag:$0x7] =	stream.linear.gather [spmem:s7], $0x400, $0x38;
	[tilespmem:$0xEE00] =	vst v63  }
0x370: {  	_ =	swait.ge [sflag:s22], $0x400  }
0x371: {  	[sflag:s22] =	ssyncset.done $0x0  }
0x372: {  	s4 =	rddreg [dreg:$0x5];
	[sflag:s22] =	ssyncadd.s32 $0xFFFFFC00  }
0x373: {  	[hbm4b:s4+s2] =	stream.linear.scatter [tilespmem:s30], [sflag:$0x7], $0x400, $0x38;
	[tilespmem:$0xEE00] =	vst v63  }
0x374: {  	_ =	swait.ge [sflag:s22], $0x400  }
0x375: {  	[sflag:s22] =	ssyncset.done $0x0  }
0x376: {  	s20 =	simm.s32 $0x6A00;
	s21 =	rddreg [dreg:$0x12];
	[sflag:s22] =	ssyncadd.s32 $0xFFFFFC00  }
0x377: {  	[tilespmem:s20], [sflag:$0x7] =	stream.linear.gather [spmem:s21], $0x1000, $0x38;
	[tilespmem:$0xEE00] =	vst v63  }
0x378: {  	_ =	swait.ge [sflag:s22], $0x1000  }
0x379: {  	[sflag:s22] =	ssyncset.done $0x0  }
0x37a: {  	s14 =	rddreg [dreg:$0xa];
	[sflag:s22] =	ssyncadd.s32 $0xFFFFF000  }
0x37b: {  	[hbm4b:s14+s2] =	stream.linear.scatter [tilespmem:s20], [sflag:$0x7], $0x1000, $0x38;
	[tilespmem:$0xEE00] =	vst v63  }
0x37c: {  	_ =	swait.ge [sflag:s22], $0x1000  }
0x37d: {  	[sflag:s22] =	ssyncset.done $0x0  }
0x37e: {  	s12 =	rddreg [dreg:$0x13];
	[sflag:s22] =	ssyncadd.s32 $0xFFFFF000  }
0x37f: {  	[tilespmem:s30], [sflag:$0x7] =	stream.linear.gather [spmem:s12], $0x400, $0x38;
	[tilespmem:$0xEE00] =	vst v63  }
0x380: {  	_ =	swait.ge [sflag:s22], $0x400  }
0x381: {  	[sflag:s22] =	ssyncset.done $0x0  }
0x382: {  	s13 =	rddreg [dreg:$0x6];
	[sflag:s22] =	ssyncadd.s32 $0xFFFFFC00  }
0x383: {  	[hbm4b:s13+s2] =	stream.linear.scatter [tilespmem:s30], [sflag:$0x7], $0x400, $0x38;
	[tilespmem:$0xEE00] =	vst v63  }
0x384: {  	_ =	swait.ge [sflag:s22], $0x400  }
0x385: {  	[sflag:s22] =	ssyncset.done $0x0  }
0x386: {  	s31 =	rddreg [dreg:$0x14];
	[sflag:s22] =	ssyncadd.s32 $0xFFFFFC00  }
0x387: {  	[tilespmem:s20], [sflag:$0x7] =	stream.linear.gather [spmem:s31], $0x1000, $0x38;
	[tilespmem:$0xEE00] =	vst v63  }
0x388: {  	_ =	swait.ge [sflag:s22], $0x1000  }
0x389: {  	[sflag:s22] =	ssyncset.done $0x0  }
0x38a: {  	s14 =	rddreg [dreg:$0xb];
	[sflag:s22] =	ssyncadd.s32 $0xFFFFF000  }
0x38b: {  	[hbm4b:s14+s2] =	stream.linear.scatter [tilespmem:s20], [sflag:$0x7], $0x1000, $0x38;
	[tilespmem:$0xEE00] =	vst v63  }
0x38c: {  	_ =	swait.ge [sflag:s22], $0x1000  }
0x38d: {  	[sflag:s22] =	ssyncset.done $0x0  }
0x38e: {  	s12 =	rddreg [dreg:$0x15];
	[sflag:s22] =	ssyncadd.s32 $0xFFFFF000  }
0x38f: {  	[tilespmem:s30], [sflag:$0x7] =	stream.linear.gather [spmem:s12], $0x400, $0x38;
	[tilespmem:$0xEE00] =	vst v63  }
0x390: {  	_ =	swait.ge [sflag:s22], $0x400  }
0x391: {  	[sflag:s22] =	ssyncset.done $0x0  }
0x392: {  	s13 =	rddreg [dreg:$0x7];
	[sflag:s22] =	ssyncadd.s32 $0xFFFFFC00  }
0x393: {  	[hbm4b:s13+s2] =	stream.linear.scatter [tilespmem:s30], [sflag:$0x7], $0x400, $0x38;
	[tilespmem:$0xEE00] =	vst v63  }
0x394: {  	_ =	swait.ge [sflag:s22], $0x400  }
0x395: {  	[sflag:s22] =	ssyncset.done $0x0  }
0x396: {  	s12 =	rddreg [dreg:$0x16];
	[sflag:s22] =	ssyncadd.s32 $0xFFFFFC00  }
0x397: {  	[tilespmem:s20], [sflag:$0x7] =	stream.linear.gather [spmem:s12], $0x1000, $0x38;
	[tilespmem:$0xEE00] =	vst v63  }
0x398: {  	_ =	swait.ge [sflag:s22], $0x1000  }
0x399: {  	[sflag:s22] =	ssyncset.done $0x0  }
0x39a: {  	s14 =	rddreg [dreg:$0xc];
	[sflag:s22] =	ssyncadd.s32 $0xFFFFF000  }
0x39b: {  	[hbm4b:s14+s2] =	stream.linear.scatter [tilespmem:s20], [sflag:$0x7], $0x1000, $0x38;
	[tilespmem:$0xEE00] =	vst v63  }
0x39c: {  	_ =	swait.ge [sflag:s22], $0x1000  }
0x39d: {  	[sflag:s22] =	ssyncset.done $0x0  }
0x39e: {  	[sflag:s22] =	ssyncadd.s32 $0xFFFFF000  }
0x39f: {  	[tilespmem:s30], [sflag:$0x7] =	stream.linear.gather [spmem:s5], $0x400, $0x38;
	[tilespmem:$0xEE00] =	vst v63  }
0x3a0: {  	_ =	swait.ge [sflag:s22], $0x400  }
0x3a1: {  	[sflag:s22] =	ssyncset.done $0x0  }
0x3a2: {  	s13 =	rddreg [dreg:$0x8];
	[sflag:s22] =	ssyncadd.s32 $0xFFFFFC00  }
0x3a3: {  	[hbm4b:s13+s2] =	stream.linear.scatter [tilespmem:s30], [sflag:$0x7], $0x400, $0x38;
	[tilespmem:$0xEE00] =	vst v63  }
0x3a4: {  	_ =	swait.ge [sflag:s22], $0x400  }
0x3a5: {  	[sflag:s22] =	ssyncset.done $0x0  }
0x3a6: {  	s13 =	rddreg [dreg:$0x17];
	[sflag:s22] =	ssyncadd.s32 $0xFFFFFC00  }
0x3a7: {  	[tilespmem:s20], [sflag:$0x7] =	stream.linear.gather [spmem:s13], $0x1000, $0x38;
	[tilespmem:$0xEE00] =	vst v63  }
0x3a8: {  	_ =	swait.ge [sflag:s22], $0x1000  }
0x3a9: {  	[sflag:s22] =	ssyncset.done $0x0  }
0x3aa: {  	s14 =	rddreg [dreg:$0xd];
	[sflag:s22] =	ssyncadd.s32 $0xFFFFF000  }
0x3ab: {  	[hbm4b:s14+s2] =	stream.linear.scatter [tilespmem:s20], [sflag:$0x7], $0x1000, $0x38;
	[tilespmem:$0xEE00] =	vst v63  }
0x3ac: {  	_ =	swait.ge [sflag:s22], $0x1000  }
0x3ad: {  	[sflag:s22] =	ssyncset.done $0x0  }
0x3ae: {  	s14 =	rddreg [dreg:$0x18];
	[sflag:s22] =	ssyncadd.s32 $0xFFFFF000  }
0x3af: {  	[tilespmem:s30], [sflag:$0x7] =	stream.linear.gather [spmem:s14], $0x400, $0x38;
	[tilespmem:$0xEE00] =	vst v63  }
0x3b0: {  	_ =	swait.ge [sflag:s22], $0x400  }
0x3b1: {  	[sflag:s22] =	ssyncset.done $0x0  }
0x3b2: {  	s4 =	rddreg [dreg:$0x9];
	[sflag:s22] =	ssyncadd.s32 $0xFFFFFC00  }
0x3b3: {  	[hbm4b:s4+s2] =	stream.linear.scatter [tilespmem:s30], [sflag:$0x7], $0x400, $0x38;
	[tilespmem:$0xEE00] =	vst v63  }
0x3b4: {  	_ =	swait.ge [sflag:s22], $0x400  }
0x3b5: {  	[sflag:s22] =	ssyncset.done $0x0  }
0x3b6: {  	s4 =	rddreg [dreg:$0x1e];
	[sflag:s22] =	ssyncadd.s32 $0xFFFFFC00  }
0x3b7: {  	[tilespmem:s20], [sflag:$0x7] =	stream.linear.gather [spmem:s4], $0x1000, $0x38;
	[tilespmem:$0xEE00] =	vst v63  }
0x3b8: {  	_ =	swait.ge [sflag:s22], $0x1000  }
0x3b9: {  	[sflag:s22] =	ssyncset.done $0x0  }
0x3ba: {  	s4 =	rddreg [dreg:$0xe];
	[sflag:s22] =	ssyncadd.s32 $0xFFFFF000  }
0x3bb: {  	[hbm4b:s4+s2] =	stream.linear.scatter [tilespmem:s20], [sflag:$0x7], $0x1000, $0x38;
	[tilespmem:$0xEE00] =	vst v63  }
0x3bc: {  	_ =	swait.ge [sflag:s22], $0x1000  }
0x3bd: {  	s4 =	rddreg [dreg:$0x1f]  }
0x3be: {  	s20 =	sadd.s32 $0x1, s4;
	s4 =	rddreg [dreg:$0x1d]  }
0x3bf: {  	p0 =	sne.s32 s20, s4  }
.Ltmp7:
0x3c0: {  	_ = 	snop;
	(pc) =	sbr.rel @p0 .LBB2_1-.Ltmp7, $3  }
0x3c1: {  	_ =	sdelay $0x1  }
0x3c2: {  	[sflag:s22] =	ssyncset.done $0x0  }
0x3c3: {  	s29 =	smov.u32 s5;
	[sflag:s22] =	ssyncadd.s32 $0xFFFFF000  }
0x3c4: {  	_ =	sfence.sel $0x180000  }
0x3c5: {  	[bflag:$0x0] =	sbarrier.arrive $0xFFFF  }
0x3c6: {  	_ =	strace $0x90000047  }
0x3c7: {  	s0 =	stileid.u32;
	[bflag:$0x2] =	sbarrier.arrive $0xFFFF  }
0x3c8: {  	p0 =	sne.s32 s0, $0x0;
	s0 =	rddreg [dreg:$0x4]  }
0x3c9: {  	s0 =	sadd.s32 @!p0 $0x100000, s0  }
0x3ca: {  	[sflag:s0] =	ssyncadd.tile.s32 @!p0 $0x1;
	_ =	shalt  }
.Lfunc_end2:
_tile_overlayer_lowered:
.L_overlay_start_2:
0x3cb: {  	(tag) =	ssettag $0x2  }
0x3cc: {  	s0 =	rddreg [dreg:$0x0];
	s2 =	stileid.u32  }
0x3cd: {  	s1 =	rddreg [dreg:$0x1];
	p0 =	sne.s32 s2, $0x0  }
0x3ce: {  	s3 =	rddreg [dreg:$0x2];
	[bflag:$0x3] =	sbarrier.arrive $0xFFFF;
	s2 =	simm.s32 @!p0 $0x1C07  }
0x3cf: {  	[timem:s3], [sflag:s2] =	dma.local @!p0 [hbm:s0], s1  }
0x3d0: {  	s0 =	simm.s32 @!p0 $0x7  }
0x3d1: {  	_ =	swait.ge @!p0 [sflag:s0], s1  }
0x3d2: {  	s1 =	ssub.s32 @!p0 $0x0, s1;
	[sflag:s0] =	ssyncset.done @!p0 $0x0  }
0x3d3: {  	[sflag:s0] =	ssyncadd.s32 @!p0 s1  }
0x3d4: {  	[bflag:$0x3] =	sbarrier.arrive $0xFFFF  }
0x3d5: {  	_ =	shalt  }

</sc_bundles>
